<compile_context>
chip_gen: v7x
topology: tpu7x:2x2x1
jax: 0.10.2.dev20260603
libtpu: 0.0.44.dev20260713+nightly
codegen_flags: <defaults>
</compile_context>

<pallas_src>
import functools

import jax
import jax.numpy as jnp
from jax import lax
from jax.experimental import pallas as pl
from jax.experimental.pallas import tpu as pltpu
from jax.experimental.pallas import tpu_sc as plsc

N = 10000
E = 320000
F_IN = 128
DIM = 16
OUT = 10
G = 64

NC = 2
NS = 16
NW = NC * NS
CHUNK = 128
NCH = 80
EPW = NCH * CHUNK
EP = NW * EPW
NPAD = 10240
RPS = NPAD // NS



def _proj1_body(x_ref, w_ref, yl_ref, yr_ref):
    y = lax.dot_general(x_ref[...], w_ref[...], (((1,), (1,)), ((), ())),
                        preferred_element_type=jnp.float32)
    yl_ref[...] = y[:, :DIM]
    yr_ref[...] = y[:, DIM:]


def _final_body(acc_ref, cntp_ref, h_ref, b_ref, w2t_ref, wfc_ref, out_ref):
    cnt = cntp_ref[0] + cntp_ref[1]
    invc = (1.0 / jnp.maximum(cnt, 1.0))[:N, None]
    agg2 = (acc_ref[0] + acc_ref[1])[:N] * invc
    hh = jnp.concatenate([agg2, h_ref[:N]], axis=1)
    h2 = lax.dot_general(hh, w2t_ref[...], (((1,), (0,)), ((), ())),
                         preferred_element_type=jnp.float32)
    onehot = (lax.broadcasted_iota(jnp.int32, (G, N), 0) == b_ref[...]
              ).astype(jnp.float32)
    sums = lax.dot_general(onehot, h2, (((1,), (0,)), ((), ())),
                           preferred_element_type=jnp.float32)
    cnt_g = jnp.sum(onehot, axis=1)
    pooled = sums * (1.0 / jnp.maximum(cnt_g, 1.0))[:, None]
    logits = lax.dot_general(pooled, wfc_ref[...], (((1,), (1,)), ((), ())),
                             preferred_element_type=jnp.float32)
    out_ref[...] = jax.nn.sigmoid(logits)



_SC_MESH = plsc.VectorSubcoreMesh(core_axis_name="c", subcore_axis_name="s")
_SC_PARAMS = pltpu.CompilerParams(use_tc_tiling_on_sc=False)


NBUF = 8


def _edge_loop(y_tbl, dummy_hbm, idx_src, idx_dst, rows, acc,
               gsems, ssems, ones_buf=None, cnt_acc=None, csems=None):
    for b in range(NBUF):
        pltpu.async_copy(y_tbl.at[idx_src.at[b]], rows.at[b], gsems[b])

    gd = dummy_hbm.at[pl.ds(0, CHUNK)]

    def step(g, carry):
        for b in range(NBUF):
            j = g * NBUF + b
            pltpu.make_async_copy(gd, rows.at[b], gsems[b]).wait()
            pltpu.async_copy(rows.at[b], acc.at[idx_dst.at[j]], ssems[b],
                             add=True)
            if cnt_acc is not None:
                pltpu.async_copy(ones_buf, cnt_acc.at[idx_dst.at[j]],
                                 csems[b], add=True)
        for b in range(NBUF):
            j = g * NBUF + b
            pltpu.make_async_copy(rows.at[b], acc.at[idx_dst.at[j]],
                                  ssems[b]).wait()
            if cnt_acc is not None:
                pltpu.make_async_copy(ones_buf, cnt_acc.at[idx_dst.at[j]],
                                      csems[b]).wait()
            jn = jnp.minimum(j + NBUF, NCH - 1)
            pltpu.async_copy(y_tbl.at[idx_src.at[jn]], rows.at[b], gsems[b])
        return carry

    lax.fori_loop(0, NCH // NBUF, step, 0)
    for b in range(NBUF):
        pltpu.make_async_copy(gd, rows.at[b], gsems[b]).wait()


def _agg_a_body(y_hbm, src3, dst3, zeros_hbm, rows_out, cnt_out,
                idx_src, idx_dst, ones_buf, zbuf, rows, y_sh, acc, cnt_acc,
                *sems):
    c = lax.axis_index("c")
    s = lax.axis_index("s")
    wid = c * NS + s
    pltpu.sync_copy(src3.at[wid], idx_src)
    pltpu.sync_copy(dst3.at[wid], idx_dst)
    pltpu.sync_copy(y_hbm.at[pl.ds(s * (N // NS), N // NS)],
                    y_sh.at[pl.ds(s * (N // NS), N // NS)])
    pltpu.sync_copy(zeros_hbm.at[pl.ds(s * RPS, RPS)],
                    acc.at[pl.ds(s * RPS, RPS)])
    z16 = jnp.zeros((16,), jnp.float32)
    ones16 = jnp.ones((16,), jnp.float32)

    def fill(i, carry):
        zbuf[pl.ds(i * 16, 16)] = z16
        return carry
    lax.fori_loop(0, RPS // 16, fill, 0)

    def fill1(i, carry):
        ones_buf[pl.ds(i * 16, 16)] = ones16
        return carry
    lax.fori_loop(0, CHUNK // 16, fill1, 0)
    pltpu.sync_copy(zbuf, cnt_acc.at[pl.ds(s * RPS, RPS)])
    plsc.subcore_barrier()

    _edge_loop(y_sh, y_hbm, idx_src, idx_dst, rows, acc,
               sems[:NBUF], sems[NBUF:2 * NBUF],
               ones_buf=ones_buf, cnt_acc=cnt_acc, csems=sems[2 * NBUF:])
    plsc.subcore_barrier()

    r0 = s * RPS
    pltpu.sync_copy(acc.at[pl.ds(r0, RPS)],
                    rows_out.at[pl.ds(c * NPAD + r0, RPS)])
    pltpu.sync_copy(cnt_acc.at[pl.ds(r0, RPS)],
                    cnt_out.at[pl.ds(c * NPAD + r0, RPS)])


def _agg_b_body(acc1p, cntp, yr_hbm, src3, dst3, zeros_hbm, rows_out, h_out,
                idx_src, idx_dst, rows, a0, a1, yr2d, c0, c1, y_sh, acc,
                *sems):
    c = lax.axis_index("c")
    s = lax.axis_index("s")
    wid = c * NS + s
    pltpu.sync_copy(src3.at[wid], idx_src)
    pltpu.sync_copy(dst3.at[wid], idx_dst)
    r0 = s * RPS
    pltpu.sync_copy(acc1p.at[pl.ds(r0, RPS)], a0)
    pltpu.sync_copy(acc1p.at[pl.ds(NPAD + r0, RPS)], a1)
    pltpu.sync_copy(cntp.at[pl.ds(r0, RPS)], c0)
    pltpu.sync_copy(cntp.at[pl.ds(NPAD + r0, RPS)], c1)
    pltpu.sync_copy(yr_hbm.at[pl.ds(r0, RPS)], yr2d)
    pltpu.sync_copy(zeros_hbm.at[pl.ds(r0, RPS)], acc.at[pl.ds(r0, RPS)])

    def hgrp(g, carry):
        cv = c0[pl.ds(g * 16, 16)] + c1[pl.ds(g * 16, 16)]
        inv16 = 1.0 / jnp.maximum(cv, 1.0)
        for k in range(16):
            r = g * 16 + k
            hv = jnp.maximum((a0[r] + a1[r]) * inv16[k] + yr2d[r], 0.0)
            a0[r] = hv
        return carry
    lax.fori_loop(0, RPS // 16, hgrp, 0)
    pltpu.sync_copy(a0, y_sh.at[pl.ds(r0, RPS)])

    @pl.when(c == 0)
    def _():
        pltpu.sync_copy(a0, h_out.at[pl.ds(r0, RPS)])
    plsc.subcore_barrier()

    _edge_loop(y_sh, yr_hbm, idx_src, idx_dst, rows, acc,
               sems[:NBUF], sems[NBUF:])
    plsc.subcore_barrier()

    pltpu.sync_copy(acc.at[pl.ds(r0, RPS)],
                    rows_out.at[pl.ds(c * NPAD + r0, RPS)])


_agg_a = pl.kernel(
    _agg_a_body,
    out_type=[
        jax.ShapeDtypeStruct((NC * NPAD, DIM), jnp.float32),
        jax.ShapeDtypeStruct((NC * NPAD,), jnp.float32),
    ],
    mesh=_SC_MESH,
    scratch_types=[
        pltpu.VMEM((NCH, CHUNK), jnp.int32),
        pltpu.VMEM((NCH, CHUNK), jnp.int32),
        pltpu.VMEM((CHUNK,), jnp.float32),
        pltpu.VMEM((RPS,), jnp.float32),
        pltpu.VMEM((NBUF, CHUNK, DIM), jnp.float32),
        pltpu.VMEM_SHARED((N, DIM), jnp.float32),
        pltpu.VMEM_SHARED((NPAD, DIM), jnp.float32),
        pltpu.VMEM_SHARED((NPAD,), jnp.float32),
    ] + [pltpu.SemaphoreType.DMA] * (3 * NBUF),
    compiler_params=_SC_PARAMS,
)

_agg_b = pl.kernel(
    _agg_b_body,
    out_type=[
        jax.ShapeDtypeStruct((NC * NPAD, DIM), jnp.float32),
        jax.ShapeDtypeStruct((NPAD, DIM), jnp.float32),
    ],
    mesh=_SC_MESH,
    scratch_types=[
        pltpu.VMEM((NCH, CHUNK), jnp.int32),
        pltpu.VMEM((NCH, CHUNK), jnp.int32),
        pltpu.VMEM((NBUF, CHUNK, DIM), jnp.float32),
        pltpu.VMEM((RPS, DIM), jnp.float32),
        pltpu.VMEM((RPS, DIM), jnp.float32),
        pltpu.VMEM((RPS, DIM), jnp.float32),
        pltpu.VMEM((RPS,), jnp.float32),
        pltpu.VMEM((RPS,), jnp.float32),
        pltpu.VMEM_SHARED((NPAD, DIM), jnp.float32),
        pltpu.VMEM_SHARED((NPAD, DIM), jnp.float32),
    ] + [pltpu.SemaphoreType.DMA] * (2 * NBUF),
    compiler_params=_SC_PARAMS,
)

_PROJ_BLK = 1000

_proj1 = pl.pallas_call(
    _proj1_body,
    grid=(N // _PROJ_BLK,),
    in_specs=[
        pl.BlockSpec((_PROJ_BLK, F_IN), lambda i: (i, 0)),
        pl.BlockSpec((2 * DIM, F_IN), lambda i: (0, 0)),
    ],
    out_specs=[
        pl.BlockSpec((_PROJ_BLK, DIM), lambda i: (i, 0)),
        pl.BlockSpec((_PROJ_BLK, DIM), lambda i: (i, 0)),
    ],
    out_shape=[
        jax.ShapeDtypeStruct((N, DIM), jnp.float32),
        jax.ShapeDtypeStruct((N, DIM), jnp.float32),
    ],
)

_final = pl.pallas_call(
    _final_body,
    out_shape=jax.ShapeDtypeStruct((G, OUT), jnp.float32),
)


@jax.jit
def kernel(x, edge_index, batch, W1_l, W1_r, W2_l, W2_r, Wfc):
    src = edge_index[0]
    dst = edge_index[1]
    pad = EP - E
    src_p = jnp.concatenate([src, jnp.zeros((pad,), jnp.int32)])
    dst_p = jnp.concatenate([dst, jnp.full((pad,), N, jnp.int32)])
    src3 = src_p.reshape(NW, NCH, CHUNK)
    dst3 = dst_p.reshape(NW, NCH, CHUNK)
    zeros_pad = jnp.zeros((NPAD, DIM), jnp.float32)
    w1 = jnp.concatenate([W1_l, W1_r], axis=0)
    w2t = jnp.concatenate([W2_l.T, W2_r.T], axis=0)

    y_l, y_r = _proj1(x, w1)
    yr_pad = jnp.pad(y_r, ((0, NPAD - N), (0, 0)))
    rows1, cntp = _agg_a(y_l, src3, dst3, zeros_pad)
    rows2, h = _agg_b(rows1, cntp, yr_pad, src3, dst3, zeros_pad)
    return _final(rows2.reshape(NC, NPAD, DIM), cntp.reshape(NC, NPAD), h,
                  batch.reshape(1, N), w2t, Wfc)

# --- scband reference (transcript-rebuilt; emitter-appended) ---
"""Pipeline reference for scband-net-graph-sage-17188459118903 (READ-ONLY COPY).

The authoritative reference and input builder live on the scoring server;
editing this copy changes nothing except your own understanding.
"""

import jax, jax.numpy as jnp
import numpy as np

N = 10000
E = 320000
F_IN = 128
DIM = 16
OUT = 10
G = 64


def setup_inputs(seed: int = 0) -> dict:
    key = jax.random.key(seed)
    ks = jax.random.split(key, 8)
    x = jax.random.normal(ks[0], (N, F_IN), dtype=jnp.float32)
    edge_index = jax.random.randint(ks[1], (2, E), 0, N, dtype=jnp.int32)
    batch = jnp.sort(jax.random.randint(ks[2], (N,), 0, G, dtype=jnp.int32))
    # SAGEConv weights: lin_l acts on aggregated neighbors, lin_r on root (bias=False)
    W1_l = jax.random.normal(ks[3], (DIM, F_IN), dtype=jnp.float32) * (1.0 / np.sqrt(F_IN))
    W1_r = jax.random.normal(ks[4], (DIM, F_IN), dtype=jnp.float32) * (1.0 / np.sqrt(F_IN))
    W2_l = jax.random.normal(ks[5], (DIM, DIM), dtype=jnp.float32) * (1.0 / np.sqrt(DIM))
    W2_r = jax.random.normal(ks[6], (DIM, DIM), dtype=jnp.float32) * (1.0 / np.sqrt(DIM))
    Wfc = jax.random.normal(ks[7], (OUT, DIM), dtype=jnp.float32) * (1.0 / np.sqrt(DIM))
    return {"x": x, "edge_index": edge_index, "batch": batch,
            "W1_l": W1_l, "W1_r": W1_r, "W2_l": W2_l, "W2_r": W2_r, "Wfc": Wfc}


def _sage_conv(x, edge_index, W_l, W_r):
    # PyG SAGEConv, aggr='mean', normalize=False, bias=False:
    # out = mean_{j in N(i)} x_j @ W_l^T + x_i @ W_r^T
    src = edge_index[0]
    dst = edge_index[1]
    n = x.shape[0]
    msg = jnp.take(x, src, axis=0)
    summed = jax.ops.segment_sum(msg, dst, num_segments=n)
    cnt = jax.ops.segment_sum(jnp.ones((edge_index.shape[1], 1), x.dtype), dst, num_segments=n)
    mean = summed / jnp.clip(cnt, 1.0, None)
    return mean @ W_l.T + x @ W_r.T


def _global_mean_pool(x, batch, num_graphs):
    summed = jax.ops.segment_sum(x, batch, num_segments=num_graphs)
    cnt = jax.ops.segment_sum(jnp.ones((x.shape[0], 1), x.dtype), batch, num_segments=num_graphs)
    return summed / jnp.clip(cnt, 1.0, None)


def reference(x, edge_index, batch, W1_l, W1_r, W2_l, W2_r, Wfc):
    h = jax.nn.relu(_sage_conv(x, edge_index, W1_l, W1_r))
    h = _sage_conv(h, edge_index, W2_l, W2_r)
    pooled = _global_mean_pool(h, batch, G)
    out = pooled @ Wfc.T
    return jax.nn.sigmoid(out)

if __name__ == "__main__":
    import jax
    _d = setup_inputs()
    print(jax.jit(kernel)(*tuple(_d.values())))

</pallas_src>

<mosaic_0001>
#map = affine_map<(d0, d1) -> (0, 0)>
#map1 = affine_map<(d0, d1) -> (0)>
#map2 = affine_map<(d0, d1) -> (0, 0, 0)>
module attributes {stable_mosaic.version = 14 : i64} {
  func.func @_agg_b_body(%arg0: i32, %arg1: i32, %arg2: memref<20480x16xf32, #tpu.memory_space<hbm>>, %arg3: memref<20480xf32, #tpu.memory_space<hbm>>, %arg4: memref<10240x16xf32, #tpu.memory_space<hbm>>, %arg5: memref<32x80x128xi32, #tpu.memory_space<hbm>>, %arg6: memref<32x80x128xi32, #tpu.memory_space<hbm>>, %arg7: memref<10240x16xf32, #tpu.memory_space<hbm>>, %arg8: memref<20480x16xf32, #tpu.memory_space<hbm>>, %arg9: memref<10240x16xf32, #tpu.memory_space<hbm>>, %arg10: memref<80x128xi32, #tpu.memory_space<vmem>>, %arg11: memref<80x128xi32, #tpu.memory_space<vmem>>, %arg12: memref<8x128x16xf32, #tpu.memory_space<vmem>>, %arg13: memref<640x16xf32, #tpu.memory_space<vmem>>, %arg14: memref<640x16xf32, #tpu.memory_space<vmem>>, %arg15: memref<640x16xf32, #tpu.memory_space<vmem>>, %arg16: memref<640xf32, #tpu.memory_space<vmem>>, %arg17: memref<640xf32, #tpu.memory_space<vmem>>, %arg18: memref<10240x16xf32, #tpu.memory_space<vmem_shared>>, %arg19: memref<10240x16xf32, #tpu.memory_space<vmem_shared>>, %arg20: memref<!tpu.dma_semaphore, #tpu.memory_space<semaphore_mem>>, %arg21: memref<!tpu.dma_semaphore, #tpu.memory_space<semaphore_mem>>, %arg22: memref<!tpu.dma_semaphore, #tpu.memory_space<semaphore_mem>>, %arg23: memref<!tpu.dma_semaphore, #tpu.memory_space<semaphore_mem>>, %arg24: memref<!tpu.dma_semaphore, #tpu.memory_space<semaphore_mem>>, %arg25: memref<!tpu.dma_semaphore, #tpu.memory_space<semaphore_mem>>, %arg26: memref<!tpu.dma_semaphore, #tpu.memory_space<semaphore_mem>>, %arg27: memref<!tpu.dma_semaphore, #tpu.memory_space<semaphore_mem>>, %arg28: memref<!tpu.dma_semaphore, #tpu.memory_space<semaphore_mem>>, %arg29: memref<!tpu.dma_semaphore, #tpu.memory_space<semaphore_mem>>, %arg30: memref<!tpu.dma_semaphore, #tpu.memory_space<semaphore_mem>>, %arg31: memref<!tpu.dma_semaphore, #tpu.memory_space<semaphore_mem>>, %arg32: memref<!tpu.dma_semaphore, #tpu.memory_space<semaphore_mem>>, %arg33: memref<!tpu.dma_semaphore, #tpu.memory_space<semaphore_mem>>, %arg34: memref<!tpu.dma_semaphore, #tpu.memory_space<semaphore_mem>>, %arg35: memref<!tpu.dma_semaphore, #tpu.memory_space<semaphore_mem>>) attributes {dimension_semantics = [#tpu.dimension_semantics<core_parallel>, #tpu.dimension_semantics<subcore_parallel>], iteration_bounds = array<i64: 2, 16>, scalar_prefetch = 0 : i64, scratch_operands = 26 : i64, tpu.core_type = #tpu.core_type<sc_vector_subcore>, window_params = [{transform_indices = #map}, {transform_indices = #map1}, {transform_indices = #map}, {transform_indices = #map2}, {transform_indices = #map2}, {transform_indices = #map}, {transform_indices = #map}, {transform_indices = #map}]} {
    %mul3A = arith.constant 16 : i32
    %mul3A_0 = arith.muli %arg0, %mul3A : i32
    %add3A = arith.addi %mul3A_0, %arg1 : i32
    "tpu.region"() ({
      %run_scoped3A = tpu.sem_alloc : memref<!tpu.dma_semaphore, #tpu.memory_space<semaphore_mem>>
      %dma_start3A_238 = arith.constant 0 : i32
      %dma_start3A_239 = arith.constant 0 : i32
      %dma_start3A_240 = tpu.memref_slice %arg5[%add3A, %dma_start3A_238, %dma_start3A_239] : memref<32x80x128xi32, #tpu.memory_space<hbm>> -> memref<1x80x128xi32, #tpu.memory_space<hbm>>
      %dma_start3A_241 = tpu.memref_squeeze %dma_start3A_240 : memref<1x80x128xi32, #tpu.memory_space<hbm>> -> memref<80x128xi32, #tpu.memory_space<hbm>>
      %dma_start3A_242 = arith.constant 0 : i32
      %dma_start3A_243 = arith.constant 0 : i32
      %dma_start3A_244 = tpu.memref_slice %arg5[%add3A, %dma_start3A_242, %dma_start3A_243] : memref<32x80x128xi32, #tpu.memory_space<hbm>> -> memref<1x80x128xi32, #tpu.memory_space<hbm>>
      %dma_start3A_245 = tpu.memref_squeeze %dma_start3A_244 : memref<1x80x128xi32, #tpu.memory_space<hbm>> -> memref<80x128xi32, #tpu.memory_space<hbm>>
      tpu.enqueue_dma source(%dma_start3A_245 : memref<80x128xi32, #tpu.memory_space<hbm>>) target(%arg10 : memref<80x128xi32, #tpu.memory_space<vmem>>) target_semaphore(%run_scoped3A : memref<!tpu.dma_semaphore, #tpu.memory_space<semaphore_mem>>)
      %dma_wait3A_246 = arith.constant 0 : i32
      %dma_wait3A_247 = arith.constant 0 : i32
      %dma_wait3A_248 = tpu.memref_slice %arg5[%add3A, %dma_wait3A_246, %dma_wait3A_247] : memref<32x80x128xi32, #tpu.memory_space<hbm>> -> memref<1x80x128xi32, #tpu.memory_space<hbm>>
      %dma_wait3A_249 = tpu.memref_squeeze %dma_wait3A_248 : memref<1x80x128xi32, #tpu.memory_space<hbm>> -> memref<80x128xi32, #tpu.memory_space<hbm>>
      %dma_wait3A_250 = arith.constant 0 : i32
      %dma_wait3A_251 = arith.constant 0 : i32
      %dma_wait3A_252 = tpu.memref_slice %arg5[%add3A, %dma_wait3A_250, %dma_wait3A_251] : memref<32x80x128xi32, #tpu.memory_space<hbm>> -> memref<1x80x128xi32, #tpu.memory_space<hbm>>
      %dma_wait3A_253 = tpu.memref_squeeze %dma_wait3A_252 : memref<1x80x128xi32, #tpu.memory_space<hbm>> -> memref<80x128xi32, #tpu.memory_space<hbm>>
      tpu.wait_dma2 semaphore(%run_scoped3A : memref<!tpu.dma_semaphore, #tpu.memory_space<semaphore_mem>>) src(%dma_wait3A_253 : memref<80x128xi32, #tpu.memory_space<hbm>>) dst(%arg10 : memref<80x128xi32, #tpu.memory_space<vmem>>)
      tpu.yield
    }) : () -> ()
    "tpu.region"() ({
      %run_scoped3A = tpu.sem_alloc : memref<!tpu.dma_semaphore, #tpu.memory_space<semaphore_mem>>
      %dma_start3A_238 = arith.constant 0 : i32
      %dma_start3A_239 = arith.constant 0 : i32
      %dma_start3A_240 = tpu.memref_slice %arg6[%add3A, %dma_start3A_238, %dma_start3A_239] : memref<32x80x128xi32, #tpu.memory_space<hbm>> -> memref<1x80x128xi32, #tpu.memory_space<hbm>>
      %dma_start3A_241 = tpu.memref_squeeze %dma_start3A_240 : memref<1x80x128xi32, #tpu.memory_space<hbm>> -> memref<80x128xi32, #tpu.memory_space<hbm>>
      %dma_start3A_242 = arith.constant 0 : i32
      %dma_start3A_243 = arith.constant 0 : i32
      %dma_start3A_244 = tpu.memref_slice %arg6[%add3A, %dma_start3A_242, %dma_start3A_243] : memref<32x80x128xi32, #tpu.memory_space<hbm>> -> memref<1x80x128xi32, #tpu.memory_space<hbm>>
      %dma_start3A_245 = tpu.memref_squeeze %dma_start3A_244 : memref<1x80x128xi32, #tpu.memory_space<hbm>> -> memref<80x128xi32, #tpu.memory_space<hbm>>
      tpu.enqueue_dma source(%dma_start3A_245 : memref<80x128xi32, #tpu.memory_space<hbm>>) target(%arg11 : memref<80x128xi32, #tpu.memory_space<vmem>>) target_semaphore(%run_scoped3A : memref<!tpu.dma_semaphore, #tpu.memory_space<semaphore_mem>>)
      %dma_wait3A_246 = arith.constant 0 : i32
      %dma_wait3A_247 = arith.constant 0 : i32
      %dma_wait3A_248 = tpu.memref_slice %arg6[%add3A, %dma_wait3A_246, %dma_wait3A_247] : memref<32x80x128xi32, #tpu.memory_space<hbm>> -> memref<1x80x128xi32, #tpu.memory_space<hbm>>
      %dma_wait3A_249 = tpu.memref_squeeze %dma_wait3A_248 : memref<1x80x128xi32, #tpu.memory_space<hbm>> -> memref<80x128xi32, #tpu.memory_space<hbm>>
      %dma_wait3A_250 = arith.constant 0 : i32
      %dma_wait3A_251 = arith.constant 0 : i32
      %dma_wait3A_252 = tpu.memref_slice %arg6[%add3A, %dma_wait3A_250, %dma_wait3A_251] : memref<32x80x128xi32, #tpu.memory_space<hbm>> -> memref<1x80x128xi32, #tpu.memory_space<hbm>>
      %dma_wait3A_253 = tpu.memref_squeeze %dma_wait3A_252 : memref<1x80x128xi32, #tpu.memory_space<hbm>> -> memref<80x128xi32, #tpu.memory_space<hbm>>
      tpu.wait_dma2 semaphore(%run_scoped3A : memref<!tpu.dma_semaphore, #tpu.memory_space<semaphore_mem>>) src(%dma_wait3A_253 : memref<80x128xi32, #tpu.memory_space<hbm>>) dst(%arg11 : memref<80x128xi32, #tpu.memory_space<vmem>>)
      tpu.yield
    }) : () -> ()
    %mul3A_1 = arith.constant 640 : i32
    %mul3A_2 = arith.muli %arg1, %mul3A_1 : i32
    "tpu.region"() ({
      %run_scoped3A = tpu.sem_alloc : memref<!tpu.dma_semaphore, #tpu.memory_space<semaphore_mem>>
      %dma_start3A_238 = arith.constant 0 : i32
      %dma_start3A_239 = tpu.memref_slice %arg2[%mul3A_2, %dma_start3A_238] : memref<20480x16xf32, #tpu.memory_space<hbm>> -> memref<640x16xf32, #tpu.memory_space<hbm>>
      %dma_start3A_240 = arith.constant 0 : i32
      %dma_start3A_241 = tpu.memref_slice %arg2[%mul3A_2, %dma_start3A_240] : memref<20480x16xf32, #tpu.memory_space<hbm>> -> memref<640x16xf32, #tpu.memory_space<hbm>>
      tpu.enqueue_dma source(%dma_start3A_241 : memref<640x16xf32, #tpu.memory_space<hbm>>) target(%arg13 : memref<640x16xf32, #tpu.memory_space<vmem>>) target_semaphore(%run_scoped3A : memref<!tpu.dma_semaphore, #tpu.memory_space<semaphore_mem>>)
      %dma_wait3A_242 = arith.constant 0 : i32
      %dma_wait3A_243 = tpu.memref_slice %arg2[%mul3A_2, %dma_wait3A_242] : memref<20480x16xf32, #tpu.memory_space<hbm>> -> memref<640x16xf32, #tpu.memory_space<hbm>>
      %dma_wait3A_244 = arith.constant 0 : i32
      %dma_wait3A_245 = tpu.memref_slice %arg2[%mul3A_2, %dma_wait3A_244] : memref<20480x16xf32, #tpu.memory_space<hbm>> -> memref<640x16xf32, #tpu.memory_space<hbm>>
      tpu.wait_dma2 semaphore(%run_scoped3A : memref<!tpu.dma_semaphore, #tpu.memory_space<semaphore_mem>>) src(%dma_wait3A_245 : memref<640x16xf32, #tpu.memory_space<hbm>>) dst(%arg13 : memref<640x16xf32, #tpu.memory_space<vmem>>)
      tpu.yield
    }) : () -> ()
    %add3A_3 = arith.constant 10240 : i32
    %add3A_4 = arith.addi %add3A_3, %mul3A_2 : i32
    "tpu.region"() ({
      %run_scoped3A = tpu.sem_alloc : memref<!tpu.dma_semaphore, #tpu.memory_space<semaphore_mem>>
      %dma_start3A_238 = arith.constant 0 : i32
      %dma_start3A_239 = tpu.memref_slice %arg2[%add3A_4, %dma_start3A_238] : memref<20480x16xf32, #tpu.memory_space<hbm>> -> memref<640x16xf32, #tpu.memory_space<hbm>>
      %dma_start3A_240 = arith.constant 0 : i32
      %dma_start3A_241 = tpu.memref_slice %arg2[%add3A_4, %dma_start3A_240] : memref<20480x16xf32, #tpu.memory_space<hbm>> -> memref<640x16xf32, #tpu.memory_space<hbm>>
      tpu.enqueue_dma source(%dma_start3A_241 : memref<640x16xf32, #tpu.memory_space<hbm>>) target(%arg14 : memref<640x16xf32, #tpu.memory_space<vmem>>) target_semaphore(%run_scoped3A : memref<!tpu.dma_semaphore, #tpu.memory_space<semaphore_mem>>)
      %dma_wait3A_242 = arith.constant 0 : i32
      %dma_wait3A_243 = tpu.memref_slice %arg2[%add3A_4, %dma_wait3A_242] : memref<20480x16xf32, #tpu.memory_space<hbm>> -> memref<640x16xf32, #tpu.memory_space<hbm>>
      %dma_wait3A_244 = arith.constant 0 : i32
      %dma_wait3A_245 = tpu.memref_slice %arg2[%add3A_4, %dma_wait3A_244] : memref<20480x16xf32, #tpu.memory_space<hbm>> -> memref<640x16xf32, #tpu.memory_space<hbm>>
      tpu.wait_dma2 semaphore(%run_scoped3A : memref<!tpu.dma_semaphore, #tpu.memory_space<semaphore_mem>>) src(%dma_wait3A_245 : memref<640x16xf32, #tpu.memory_space<hbm>>) dst(%arg14 : memref<640x16xf32, #tpu.memory_space<vmem>>)
      tpu.yield
    }) : () -> ()
    "tpu.region"() ({
      %run_scoped3A = tpu.sem_alloc : memref<!tpu.dma_semaphore, #tpu.memory_space<semaphore_mem>>
      %dma_start3A_238 = tpu.memref_slice %arg3[%mul3A_2] : memref<20480xf32, #tpu.memory_space<hbm>> -> memref<640xf32, #tpu.memory_space<hbm>>
      %dma_start3A_239 = tpu.memref_slice %arg3[%mul3A_2] : memref<20480xf32, #tpu.memory_space<hbm>> -> memref<640xf32, #tpu.memory_space<hbm>>
      tpu.enqueue_dma source(%dma_start3A_239 : memref<640xf32, #tpu.memory_space<hbm>>) target(%arg16 : memref<640xf32, #tpu.memory_space<vmem>>) target_semaphore(%run_scoped3A : memref<!tpu.dma_semaphore, #tpu.memory_space<semaphore_mem>>)
      %dma_wait3A_240 = tpu.memref_slice %arg3[%mul3A_2] : memref<20480xf32, #tpu.memory_space<hbm>> -> memref<640xf32, #tpu.memory_space<hbm>>
      %dma_wait3A_241 = tpu.memref_slice %arg3[%mul3A_2] : memref<20480xf32, #tpu.memory_space<hbm>> -> memref<640xf32, #tpu.memory_space<hbm>>
      tpu.wait_dma2 semaphore(%run_scoped3A : memref<!tpu.dma_semaphore, #tpu.memory_space<semaphore_mem>>) src(%dma_wait3A_241 : memref<640xf32, #tpu.memory_space<hbm>>) dst(%arg16 : memref<640xf32, #tpu.memory_space<vmem>>)
      tpu.yield
    }) : () -> ()
    %add3A_5 = arith.constant 10240 : i32
    %add3A_6 = arith.addi %add3A_5, %mul3A_2 : i32
    "tpu.region"() ({
      %run_scoped3A = tpu.sem_alloc : memref<!tpu.dma_semaphore, #tpu.memory_space<semaphore_mem>>
      %dma_start3A_238 = tpu.memref_slice %arg3[%add3A_6] : memref<20480xf32, #tpu.memory_space<hbm>> -> memref<640xf32, #tpu.memory_space<hbm>>
      %dma_start3A_239 = tpu.memref_slice %arg3[%add3A_6] : memref<20480xf32, #tpu.memory_space<hbm>> -> memref<640xf32, #tpu.memory_space<hbm>>
      tpu.enqueue_dma source(%dma_start3A_239 : memref<640xf32, #tpu.memory_space<hbm>>) target(%arg17 : memref<640xf32, #tpu.memory_space<vmem>>) target_semaphore(%run_scoped3A : memref<!tpu.dma_semaphore, #tpu.memory_space<semaphore_mem>>)
      %dma_wait3A_240 = tpu.memref_slice %arg3[%add3A_6] : memref<20480xf32, #tpu.memory_space<hbm>> -> memref<640xf32, #tpu.memory_space<hbm>>
      %dma_wait3A_241 = tpu.memref_slice %arg3[%add3A_6] : memref<20480xf32, #tpu.memory_space<hbm>> -> memref<640xf32, #tpu.memory_space<hbm>>
      tpu.wait_dma2 semaphore(%run_scoped3A : memref<!tpu.dma_semaphore, #tpu.memory_space<semaphore_mem>>) src(%dma_wait3A_241 : memref<640xf32, #tpu.memory_space<hbm>>) dst(%arg17 : memref<640xf32, #tpu.memory_space<vmem>>)
      tpu.yield
    }) : () -> ()
    "tpu.region"() ({
      %run_scoped3A = tpu.sem_alloc : memref<!tpu.dma_semaphore, #tpu.memory_space<semaphore_mem>>
      %dma_start3A_238 = arith.constant 0 : i32
      %dma_start3A_239 = tpu.memref_slice %arg4[%mul3A_2, %dma_start3A_238] : memref<10240x16xf32, #tpu.memory_space<hbm>> -> memref<640x16xf32, #tpu.memory_space<hbm>>
      %dma_start3A_240 = arith.constant 0 : i32
      %dma_start3A_241 = tpu.memref_slice %arg4[%mul3A_2, %dma_start3A_240] : memref<10240x16xf32, #tpu.memory_space<hbm>> -> memref<640x16xf32, #tpu.memory_space<hbm>>
      tpu.enqueue_dma source(%dma_start3A_241 : memref<640x16xf32, #tpu.memory_space<hbm>>) target(%arg15 : memref<640x16xf32, #tpu.memory_space<vmem>>) target_semaphore(%run_scoped3A : memref<!tpu.dma_semaphore, #tpu.memory_space<semaphore_mem>>)
      %dma_wait3A_242 = arith.constant 0 : i32
      %dma_wait3A_243 = tpu.memref_slice %arg4[%mul3A_2, %dma_wait3A_242] : memref<10240x16xf32, #tpu.memory_space<hbm>> -> memref<640x16xf32, #tpu.memory_space<hbm>>
      %dma_wait3A_244 = arith.constant 0 : i32
      %dma_wait3A_245 = tpu.memref_slice %arg4[%mul3A_2, %dma_wait3A_244] : memref<10240x16xf32, #tpu.memory_space<hbm>> -> memref<640x16xf32, #tpu.memory_space<hbm>>
      tpu.wait_dma2 semaphore(%run_scoped3A : memref<!tpu.dma_semaphore, #tpu.memory_space<semaphore_mem>>) src(%dma_wait3A_245 : memref<640x16xf32, #tpu.memory_space<hbm>>) dst(%arg15 : memref<640x16xf32, #tpu.memory_space<vmem>>)
      tpu.yield
    }) : () -> ()
    "tpu.region"() ({
      %run_scoped3A = tpu.sem_alloc : memref<!tpu.dma_semaphore, #tpu.memory_space<semaphore_mem>>
      %dma_start3A_238 = arith.constant 0 : i32
      %dma_start3A_239 = tpu.memref_slice %arg19[%mul3A_2, %dma_start3A_238] : memref<10240x16xf32, #tpu.memory_space<vmem_shared>> -> memref<640x16xf32, #tpu.memory_space<vmem_shared>>
      %dma_start3A_240 = arith.constant 0 : i32
      %dma_start3A_241 = tpu.memref_slice %arg7[%mul3A_2, %dma_start3A_240] : memref<10240x16xf32, #tpu.memory_space<hbm>> -> memref<640x16xf32, #tpu.memory_space<hbm>>
      tpu.enqueue_dma source(%dma_start3A_241 : memref<640x16xf32, #tpu.memory_space<hbm>>) target(%dma_start3A_239 : memref<640x16xf32, #tpu.memory_space<vmem_shared>>) target_semaphore(%run_scoped3A : memref<!tpu.dma_semaphore, #tpu.memory_space<semaphore_mem>>)
      %dma_wait3A_242 = arith.constant 0 : i32
      %dma_wait3A_243 = tpu.memref_slice %arg19[%mul3A_2, %dma_wait3A_242] : memref<10240x16xf32, #tpu.memory_space<vmem_shared>> -> memref<640x16xf32, #tpu.memory_space<vmem_shared>>
      %dma_wait3A_244 = arith.constant 0 : i32
      %dma_wait3A_245 = tpu.memref_slice %arg7[%mul3A_2, %dma_wait3A_244] : memref<10240x16xf32, #tpu.memory_space<hbm>> -> memref<640x16xf32, #tpu.memory_space<hbm>>
      tpu.wait_dma2 semaphore(%run_scoped3A : memref<!tpu.dma_semaphore, #tpu.memory_space<semaphore_mem>>) src(%dma_wait3A_245 : memref<640x16xf32, #tpu.memory_space<hbm>>) dst(%dma_wait3A_243 : memref<640x16xf32, #tpu.memory_space<vmem_shared>>)
      tpu.yield
    }) : () -> ()
    %scan3A = arith.constant 0 : i32
    %scan3A_7 = arith.constant 0 : i32
    %scan3A_8 = arith.constant 40 : i32
    %scan3A_9 = arith.addi %scan3A_7, %scan3A_8 : i32
    %scan3A_10 = arith.constant 1 : i32
    scf.for %scan3A_238 = %scan3A_7 to %scan3A_9 step %scan3A_10  : i32 {
      %mul3A_239 = arith.constant 16 : i32
      %mul3A_240 = arith.muli %scan3A_238, %mul3A_239 : i32
      %get3A = arith.index_cast %mul3A_240 : i32 to index
      %get3A_241 = tpu.vector_load %arg16[%get3A] {strides = array<i32>} : memref<640xf32, #tpu.memory_space<vmem>>, vector<16xf32>,
      %get3A_242 = vector.shape_cast %get3A_241 : vector<16xf32> to vector<16xf32>
      %mul3A_243 = arith.constant 16 : i32
      %mul3A_244 = arith.muli %scan3A_238, %mul3A_243 : i32
      %get3A_245 = arith.index_cast %mul3A_244 : i32 to index
      %get3A_246 = tpu.vector_load %arg17[%get3A_245] {strides = array<i32>} : memref<640xf32, #tpu.memory_space<vmem>>, vector<16xf32>,
      %get3A_247 = vector.shape_cast %get3A_246 : vector<16xf32> to vector<16xf32>
      %add3A_248 = arith.addf %get3A_242, %get3A_247 : vector<16xf32>
      %max3A = arith.constant 1.000000e+00 : f32
      %max3A_249 = vector.broadcast %max3A : f32 to vector<16xf32>
      %max3A_250 = arith.maximumf %add3A_248, %max3A_249 : vector<16xf32>
      %div3A = arith.constant 1.000000e+00 : f32
      %div3A_251 = vector.broadcast %div3A : f32 to vector<16xf32>
      %div3A_252 = arith.divf %div3A_251, %max3A_250 : vector<16xf32>
      %mul3A_253 = arith.constant 16 : i32
      %mul3A_254 = arith.muli %scan3A_238, %mul3A_253 : i32
      %add3A_255 = arith.constant 0 : i32
      %add3A_256 = arith.addi %mul3A_254, %add3A_255 : i32
      %get3A_257 = arith.index_cast %add3A_256 : i32 to index
      %get3A_258 = arith.constant 0 : index
      %get3A_259 = tpu.vector_load %arg13[%get3A_257, %get3A_258] {strides = array<i32>} : memref<640x16xf32, #tpu.memory_space<vmem>>, vector<1x16xf32>,
      %get3A_260 = vector.shape_cast %get3A_259 : vector<1x16xf32> to vector<16xf32>
      %get3A_261 = arith.index_cast %add3A_256 : i32 to index
      %get3A_262 = arith.constant 0 : index
      %get3A_263 = tpu.vector_load %arg14[%get3A_261, %get3A_262] {strides = array<i32>} : memref<640x16xf32, #tpu.memory_space<vmem>>, vector<1x16xf32>,
      %get3A_264 = vector.shape_cast %get3A_263 : vector<1x16xf32> to vector<16xf32>
      %add3A_265 = arith.addf %get3A_260, %get3A_264 : vector<16xf32>
      %slice3A = vector.extract_strided_slice %div3A_252 {offsets = [0], sizes = [1], strides = [1]} : vector<16xf32> to vector<1xf32>
      %squeeze3A = vector.extract %slice3A[0] : f32 from vector<1xf32>
      %mul3A_266 = vector.broadcast %squeeze3A : f32 to vector<16xf32>
      %mul3A_267 = arith.mulf %add3A_265, %mul3A_266 : vector<16xf32>
      %get3A_268 = arith.index_cast %add3A_256 : i32 to index
      %get3A_269 = arith.constant 0 : index
      %get3A_270 = tpu.vector_load %arg15[%get3A_268, %get3A_269] {strides = array<i32>} : memref<640x16xf32, #tpu.memory_space<vmem>>, vector<1x16xf32>,
      %get3A_271 = vector.shape_cast %get3A_270 : vector<1x16xf32> to vector<16xf32>
      %add3A_272 = arith.addf %mul3A_267, %get3A_271 : vector<16xf32>
      %max3A_273 = arith.constant 0.000000e+00 : f32
      %max3A_274 = vector.broadcast %max3A_273 : f32 to vector<16xf32>
      %max3A_275 = arith.maximumf %add3A_272, %max3A_274 : vector<16xf32>
      %swap3A = arith.index_cast %add3A_256 : i32 to index
      %swap3A_276 = arith.constant 0 : index
      %swap3A_277 = tpu.vector_load %arg13[%swap3A, %swap3A_276] {strides = array<i32>} : memref<640x16xf32, #tpu.memory_space<vmem>>, vector<1x16xf32>,
      %swap3A_278 = vector.shape_cast %swap3A_277 : vector<1x16xf32> to vector<16xf32>
      %swap3A_279 = vector.shape_cast %max3A_275 : vector<16xf32> to vector<1x16xf32>
      tpu.vector_store %arg13[%swap3A, %swap3A_276], %swap3A_279 {strides = array<i32>} : memref<640x16xf32, #tpu.memory_space<vmem>>, vector<1x16xf32>,
      %mul3A_280 = arith.constant 16 : i32
      %mul3A_281 = arith.muli %scan3A_238, %mul3A_280 : i32
      %add3A_282 = arith.constant 1 : i32
      %add3A_283 = arith.addi %mul3A_281, %add3A_282 : i32
      %get3A_284 = arith.index_cast %add3A_283 : i32 to index
      %get3A_285 = arith.constant 0 : index
      %get3A_286 = tpu.vector_load %arg13[%get3A_284, %get3A_285] {strides = array<i32>} : memref<640x16xf32, #tpu.memory_space<vmem>>, vector<1x16xf32>,
      %get3A_287 = vector.shape_cast %get3A_286 : vector<1x16xf32> to vector<16xf32>
      %get3A_288 = arith.index_cast %add3A_283 : i32 to index
      %get3A_289 = arith.constant 0 : index
      %get3A_290 = tpu.vector_load %arg14[%get3A_288, %get3A_289] {strides = array<i32>} : memref<640x16xf32, #tpu.memory_space<vmem>>, vector<1x16xf32>,
      %get3A_291 = vector.shape_cast %get3A_290 : vector<1x16xf32> to vector<16xf32>
      %add3A_292 = arith.addf %get3A_287, %get3A_291 : vector<16xf32>
      %slice3A_293 = vector.extract_strided_slice %div3A_252 {offsets = [1], sizes = [1], strides = [1]} : vector<16xf32> to vector<1xf32>
      %squeeze3A_294 = vector.extract %slice3A_293[0] : f32 from vector<1xf32>
      %mul3A_295 = vector.broadcast %squeeze3A_294 : f32 to vector<16xf32>
      %mul3A_296 = arith.mulf %add3A_292, %mul3A_295 : vector<16xf32>
      %get3A_297 = arith.index_cast %add3A_283 : i32 to index
      %get3A_298 = arith.constant 0 : index
      %get3A_299 = tpu.vector_load %arg15[%get3A_297, %get3A_298] {strides = array<i32>} : memref<640x16xf32, #tpu.memory_space<vmem>>, vector<1x16xf32>,
      %get3A_300 = vector.shape_cast %get3A_299 : vector<1x16xf32> to vector<16xf32>
      %add3A_301 = arith.addf %mul3A_296, %get3A_300 : vector<16xf32>
      %max3A_302 = arith.constant 0.000000e+00 : f32
      %max3A_303 = vector.broadcast %max3A_302 : f32 to vector<16xf32>
      %max3A_304 = arith.maximumf %add3A_301, %max3A_303 : vector<16xf32>
      %swap3A_305 = arith.index_cast %add3A_283 : i32 to index
      %swap3A_306 = arith.constant 0 : index
      %swap3A_307 = tpu.vector_load %arg13[%swap3A_305, %swap3A_306] {strides = array<i32>} : memref<640x16xf32, #tpu.memory_space<vmem>>, vector<1x16xf32>,
      %swap3A_308 = vector.shape_cast %swap3A_307 : vector<1x16xf32> to vector<16xf32>
      %swap3A_309 = vector.shape_cast %max3A_304 : vector<16xf32> to vector<1x16xf32>
      tpu.vector_store %arg13[%swap3A_305, %swap3A_306], %swap3A_309 {strides = array<i32>} : memref<640x16xf32, #tpu.memory_space<vmem>>, vector<1x16xf32>,
      %mul3A_310 = arith.constant 16 : i32
      %mul3A_311 = arith.muli %scan3A_238, %mul3A_310 : i32
      %add3A_312 = arith.constant 2 : i32
      %add3A_313 = arith.addi %mul3A_311, %add3A_312 : i32
      %get3A_314 = arith.index_cast %add3A_313 : i32 to index
      %get3A_315 = arith.constant 0 : index
      %get3A_316 = tpu.vector_load %arg13[%get3A_314, %get3A_315] {strides = array<i32>} : memref<640x16xf32, #tpu.memory_space<vmem>>, vector<1x16xf32>,
      %get3A_317 = vector.shape_cast %get3A_316 : vector<1x16xf32> to vector<16xf32>
      %get3A_318 = arith.index_cast %add3A_313 : i32 to index
      %get3A_319 = arith.constant 0 : index
      %get3A_320 = tpu.vector_load %arg14[%get3A_318, %get3A_319] {strides = array<i32>} : memref<640x16xf32, #tpu.memory_space<vmem>>, vector<1x16xf32>,
      %get3A_321 = vector.shape_cast %get3A_320 : vector<1x16xf32> to vector<16xf32>
      %add3A_322 = arith.addf %get3A_317, %get3A_321 : vector<16xf32>
      %slice3A_323 = vector.extract_strided_slice %div3A_252 {offsets = [2], sizes = [1], strides = [1]} : vector<16xf32> to vector<1xf32>
      %squeeze3A_324 = vector.extract %slice3A_323[0] : f32 from vector<1xf32>
      %mul3A_325 = vector.broadcast %squeeze3A_324 : f32 to vector<16xf32>
      %mul3A_326 = arith.mulf %add3A_322, %mul3A_325 : vector<16xf32>
      %get3A_327 = arith.index_cast %add3A_313 : i32 to index
      %get3A_328 = arith.constant 0 : index
      %get3A_329 = tpu.vector_load %arg15[%get3A_327, %get3A_328] {strides = array<i32>} : memref<640x16xf32, #tpu.memory_space<vmem>>, vector<1x16xf32>,
      %get3A_330 = vector.shape_cast %get3A_329 : vector<1x16xf32> to vector<16xf32>
      %add3A_331 = arith.addf %mul3A_326, %get3A_330 : vector<16xf32>
      %max3A_332 = arith.constant 0.000000e+00 : f32
      %max3A_333 = vector.broadcast %max3A_332 : f32 to vector<16xf32>
      %max3A_334 = arith.maximumf %add3A_331, %max3A_333 : vector<16xf32>
      %swap3A_335 = arith.index_cast %add3A_313 : i32 to index
      %swap3A_336 = arith.constant 0 : index
      %swap3A_337 = tpu.vector_load %arg13[%swap3A_335, %swap3A_336] {strides = array<i32>} : memref<640x16xf32, #tpu.memory_space<vmem>>, vector<1x16xf32>,
      %swap3A_338 = vector.shape_cast %swap3A_337 : vector<1x16xf32> to vector<16xf32>
      %swap3A_339 = vector.shape_cast %max3A_334 : vector<16xf32> to vector<1x16xf32>
      tpu.vector_store %arg13[%swap3A_335, %swap3A_336], %swap3A_339 {strides = array<i32>} : memref<640x16xf32, #tpu.memory_space<vmem>>, vector<1x16xf32>,
      %mul3A_340 = arith.constant 16 : i32
      %mul3A_341 = arith.muli %scan3A_238, %mul3A_340 : i32
      %add3A_342 = arith.constant 3 : i32
      %add3A_343 = arith.addi %mul3A_341, %add3A_342 : i32
      %get3A_344 = arith.index_cast %add3A_343 : i32 to index
      %get3A_345 = arith.constant 0 : index
      %get3A_346 = tpu.vector_load %arg13[%get3A_344, %get3A_345] {strides = array<i32>} : memref<640x16xf32, #tpu.memory_space<vmem>>, vector<1x16xf32>,
      %get3A_347 = vector.shape_cast %get3A_346 : vector<1x16xf32> to vector<16xf32>
      %get3A_348 = arith.index_cast %add3A_343 : i32 to index
      %get3A_349 = arith.constant 0 : index
      %get3A_350 = tpu.vector_load %arg14[%get3A_348, %get3A_349] {strides = array<i32>} : memref<640x16xf32, #tpu.memory_space<vmem>>, vector<1x16xf32>,
      %get3A_351 = vector.shape_cast %get3A_350 : vector<1x16xf32> to vector<16xf32>
      %add3A_352 = arith.addf %get3A_347, %get3A_351 : vector<16xf32>
      %slice3A_353 = vector.extract_strided_slice %div3A_252 {offsets = [3], sizes = [1], strides = [1]} : vector<16xf32> to vector<1xf32>
      %squeeze3A_354 = vector.extract %slice3A_353[0] : f32 from vector<1xf32>
      %mul3A_355 = vector.broadcast %squeeze3A_354 : f32 to vector<16xf32>
      %mul3A_356 = arith.mulf %add3A_352, %mul3A_355 : vector<16xf32>
      %get3A_357 = arith.index_cast %add3A_343 : i32 to index
      %get3A_358 = arith.constant 0 : index
      %get3A_359 = tpu.vector_load %arg15[%get3A_357, %get3A_358] {strides = array<i32>} : memref<640x16xf32, #tpu.memory_space<vmem>>, vector<1x16xf32>,
      %get3A_360 = vector.shape_cast %get3A_359 : vector<1x16xf32> to vector<16xf32>
      %add3A_361 = arith.addf %mul3A_356, %get3A_360 : vector<16xf32>
      %max3A_362 = arith.constant 0.000000e+00 : f32
      %max3A_363 = vector.broadcast %max3A_362 : f32 to vector<16xf32>
      %max3A_364 = arith.maximumf %add3A_361, %max3A_363 : vector<16xf32>
      %swap3A_365 = arith.index_cast %add3A_343 : i32 to index
      %swap3A_366 = arith.constant 0 : index
      %swap3A_367 = tpu.vector_load %arg13[%swap3A_365, %swap3A_366] {strides = array<i32>} : memref<640x16xf32, #tpu.memory_space<vmem>>, vector<1x16xf32>,
      %swap3A_368 = vector.shape_cast %swap3A_367 : vector<1x16xf32> to vector<16xf32>
      %swap3A_369 = vector.shape_cast %max3A_364 : vector<16xf32> to vector<1x16xf32>
      tpu.vector_store %arg13[%swap3A_365, %swap3A_366], %swap3A_369 {strides = array<i32>} : memref<640x16xf32, #tpu.memory_space<vmem>>, vector<1x16xf32>,
      %mul3A_370 = arith.constant 16 : i32
      %mul3A_371 = arith.muli %scan3A_238, %mul3A_370 : i32
      %add3A_372 = arith.constant 4 : i32
      %add3A_373 = arith.addi %mul3A_371, %add3A_372 : i32
      %get3A_374 = arith.index_cast %add3A_373 : i32 to index
      %get3A_375 = arith.constant 0 : index
      %get3A_376 = tpu.vector_load %arg13[%get3A_374, %get3A_375] {strides = array<i32>} : memref<640x16xf32, #tpu.memory_space<vmem>>, vector<1x16xf32>,
      %get3A_377 = vector.shape_cast %get3A_376 : vector<1x16xf32> to vector<16xf32>
      %get3A_378 = arith.index_cast %add3A_373 : i32 to index
      %get3A_379 = arith.constant 0 : index
      %get3A_380 = tpu.vector_load %arg14[%get3A_378, %get3A_379] {strides = array<i32>} : memref<640x16xf32, #tpu.memory_space<vmem>>, vector<1x16xf32>,
      %get3A_381 = vector.shape_cast %get3A_380 : vector<1x16xf32> to vector<16xf32>
      %add3A_382 = arith.addf %get3A_377, %get3A_381 : vector<16xf32>
      %slice3A_383 = vector.extract_strided_slice %div3A_252 {offsets = [4], sizes = [1], strides = [1]} : vector<16xf32> to vector<1xf32>
      %squeeze3A_384 = vector.extract %slice3A_383[0] : f32 from vector<1xf32>
      %mul3A_385 = vector.broadcast %squeeze3A_384 : f32 to vector<16xf32>
      %mul3A_386 = arith.mulf %add3A_382, %mul3A_385 : vector<16xf32>
      %get3A_387 = arith.index_cast %add3A_373 : i32 to index
      %get3A_388 = arith.constant 0 : index
      %get3A_389 = tpu.vector_load %arg15[%get3A_387, %get3A_388] {strides = array<i32>} : memref<640x16xf32, #tpu.memory_space<vmem>>, vector<1x16xf32>,
      %get3A_390 = vector.shape_cast %get3A_389 : vector<1x16xf32> to vector<16xf32>
      %add3A_391 = arith.addf %mul3A_386, %get3A_390 : vector<16xf32>
      %max3A_392 = arith.constant 0.000000e+00 : f32
      %max3A_393 = vector.broadcast %max3A_392 : f32 to vector<16xf32>
      %max3A_394 = arith.maximumf %add3A_391, %max3A_393 : vector<16xf32>
      %swap3A_395 = arith.index_cast %add3A_373 : i32 to index
      %swap3A_396 = arith.constant 0 : index
      %swap3A_397 = tpu.vector_load %arg13[%swap3A_395, %swap3A_396] {strides = array<i32>} : memref<640x16xf32, #tpu.memory_space<vmem>>, vector<1x16xf32>,
      %swap3A_398 = vector.shape_cast %swap3A_397 : vector<1x16xf32> to vector<16xf32>
      %swap3A_399 = vector.shape_cast %max3A_394 : vector<16xf32> to vector<1x16xf32>
      tpu.vector_store %arg13[%swap3A_395, %swap3A_396], %swap3A_399 {strides = array<i32>} : memref<640x16xf32, #tpu.memory_space<vmem>>, vector<1x16xf32>,
      %mul3A_400 = arith.constant 16 : i32
      %mul3A_401 = arith.muli %scan3A_238, %mul3A_400 : i32
      %add3A_402 = arith.constant 5 : i32
      %add3A_403 = arith.addi %mul3A_401, %add3A_402 : i32
      %get3A_404 = arith.index_cast %add3A_403 : i32 to index
      %get3A_405 = arith.constant 0 : index
      %get3A_406 = tpu.vector_load %arg13[%get3A_404, %get3A_405] {strides = array<i32>} : memref<640x16xf32, #tpu.memory_space<vmem>>, vector<1x16xf32>,
      %get3A_407 = vector.shape_cast %get3A_406 : vector<1x16xf32> to vector<16xf32>
      %get3A_408 = arith.index_cast %add3A_403 : i32 to index
      %get3A_409 = arith.constant 0 : index
      %get3A_410 = tpu.vector_load %arg14[%get3A_408, %get3A_409] {strides = array<i32>} : memref<640x16xf32, #tpu.memory_space<vmem>>, vector<1x16xf32>,
      %get3A_411 = vector.shape_cast %get3A_410 : vector<1x16xf32> to vector<16xf32>
      %add3A_412 = arith.addf %get3A_407, %get3A_411 : vector<16xf32>
      %slice3A_413 = vector.extract_strided_slice %div3A_252 {offsets = [5], sizes = [1], strides = [1]} : vector<16xf32> to vector<1xf32>
      %squeeze3A_414 = vector.extract %slice3A_413[0] : f32 from vector<1xf32>
      %mul3A_415 = vector.broadcast %squeeze3A_414 : f32 to vector<16xf32>
      %mul3A_416 = arith.mulf %add3A_412, %mul3A_415 : vector<16xf32>
      %get3A_417 = arith.index_cast %add3A_403 : i32 to index
      %get3A_418 = arith.constant 0 : index
      %get3A_419 = tpu.vector_load %arg15[%get3A_417, %get3A_418] {strides = array<i32>} : memref<640x16xf32, #tpu.memory_space<vmem>>, vector<1x16xf32>,
      %get3A_420 = vector.shape_cast %get3A_419 : vector<1x16xf32> to vector<16xf32>
      %add3A_421 = arith.addf %mul3A_416, %get3A_420 : vector<16xf32>
      %max3A_422 = arith.constant 0.000000e+00 : f32
      %max3A_423 = vector.broadcast %max3A_422 : f32 to vector<16xf32>
      %max3A_424 = arith.maximumf %add3A_421, %max3A_423 : vector<16xf32>
      %swap3A_425 = arith.index_cast %add3A_403 : i32 to index
      %swap3A_426 = arith.constant 0 : index
      %swap3A_427 = tpu.vector_load %arg13[%swap3A_425, %swap3A_426] {strides = array<i32>} : memref<640x16xf32, #tpu.memory_space<vmem>>, vector<1x16xf32>,
      %swap3A_428 = vector.shape_cast %swap3A_427 : vector<1x16xf32> to vector<16xf32>
      %swap3A_429 = vector.shape_cast %max3A_424 : vector<16xf32> to vector<1x16xf32>
      tpu.vector_store %arg13[%swap3A_425, %swap3A_426], %swap3A_429 {strides = array<i32>} : memref<640x16xf32, #tpu.memory_space<vmem>>, vector<1x16xf32>,
      %mul3A_430 = arith.constant 16 : i32
      %mul3A_431 = arith.muli %scan3A_238, %mul3A_430 : i32
      %add3A_432 = arith.constant 6 : i32
      %add3A_433 = arith.addi %mul3A_431, %add3A_432 : i32
      %get3A_434 = arith.index_cast %add3A_433 : i32 to index
      %get3A_435 = arith.constant 0 : index
      %get3A_436 = tpu.vector_load %arg13[%get3A_434, %get3A_435] {strides = array<i32>} : memref<640x16xf32, #tpu.memory_space<vmem>>, vector<1x16xf32>,
      %get3A_437 = vector.shape_cast %get3A_436 : vector<1x16xf32> to vector<16xf32>
      %get3A_438 = arith.index_cast %add3A_433 : i32 to index
      %get3A_439 = arith.constant 0 : index
      %get3A_440 = tpu.vector_load %arg14[%get3A_438, %get3A_439] {strides = array<i32>} : memref<640x16xf32, #tpu.memory_space<vmem>>, vector<1x16xf32>,
      %get3A_441 = vector.shape_cast %get3A_440 : vector<1x16xf32> to vector<16xf32>
      %add3A_442 = arith.addf %get3A_437, %get3A_441 : vector<16xf32>
      %slice3A_443 = vector.extract_strided_slice %div3A_252 {offsets = [6], sizes = [1], strides = [1]} : vector<16xf32> to vector<1xf32>
      %squeeze3A_444 = vector.extract %slice3A_443[0] : f32 from vector<1xf32>
      %mul3A_445 = vector.broadcast %squeeze3A_444 : f32 to vector<16xf32>
      %mul3A_446 = arith.mulf %add3A_442, %mul3A_445 : vector<16xf32>
      %get3A_447 = arith.index_cast %add3A_433 : i32 to index
      %get3A_448 = arith.constant 0 : index
      %get3A_449 = tpu.vector_load %arg15[%get3A_447, %get3A_448] {strides = array<i32>} : memref<640x16xf32, #tpu.memory_space<vmem>>, vector<1x16xf32>,
      %get3A_450 = vector.shape_cast %get3A_449 : vector<1x16xf32> to vector<16xf32>
      %add3A_451 = arith.addf %mul3A_446, %get3A_450 : vector<16xf32>
      %max3A_452 = arith.constant 0.000000e+00 : f32
      %max3A_453 = vector.broadcast %max3A_452 : f32 to vector<16xf32>
      %max3A_454 = arith.maximumf %add3A_451, %max3A_453 : vector<16xf32>
      %swap3A_455 = arith.index_cast %add3A_433 : i32 to index
      %swap3A_456 = arith.constant 0 : index
      %swap3A_457 = tpu.vector_load %arg13[%swap3A_455, %swap3A_456] {strides = array<i32>} : memref<640x16xf32, #tpu.memory_space<vmem>>, vector<1x16xf32>,
      %swap3A_458 = vector.shape_cast %swap3A_457 : vector<1x16xf32> to vector<16xf32>
      %swap3A_459 = vector.shape_cast %max3A_454 : vector<16xf32> to vector<1x16xf32>
      tpu.vector_store %arg13[%swap3A_455, %swap3A_456], %swap3A_459 {strides = array<i32>} : memref<640x16xf32, #tpu.memory_space<vmem>>, vector<1x16xf32>,
      %mul3A_460 = arith.constant 16 : i32
      %mul3A_461 = arith.muli %scan3A_238, %mul3A_460 : i32
      %add3A_462 = arith.constant 7 : i32
      %add3A_463 = arith.addi %mul3A_461, %add3A_462 : i32
      %get3A_464 = arith.index_cast %add3A_463 : i32 to index
      %get3A_465 = arith.constant 0 : index
      %get3A_466 = tpu.vector_load %arg13[%get3A_464, %get3A_465] {strides = array<i32>} : memref<640x16xf32, #tpu.memory_space<vmem>>, vector<1x16xf32>,
      %get3A_467 = vector.shape_cast %get3A_466 : vector<1x16xf32> to vector<16xf32>
      %get3A_468 = arith.index_cast %add3A_463 : i32 to index
      %get3A_469 = arith.constant 0 : index
      %get3A_470 = tpu.vector_load %arg14[%get3A_468, %get3A_469] {strides = array<i32>} : memref<640x16xf32, #tpu.memory_space<vmem>>, vector<1x16xf32>,
      %get3A_471 = vector.shape_cast %get3A_470 : vector<1x16xf32> to vector<16xf32>
      %add3A_472 = arith.addf %get3A_467, %get3A_471 : vector<16xf32>
      %slice3A_473 = vector.extract_strided_slice %div3A_252 {offsets = [7], sizes = [1], strides = [1]} : vector<16xf32> to vector<1xf32>
      %squeeze3A_474 = vector.extract %slice3A_473[0] : f32 from vector<1xf32>
      %mul3A_475 = vector.broadcast %squeeze3A_474 : f32 to vector<16xf32>
      %mul3A_476 = arith.mulf %add3A_472, %mul3A_475 : vector<16xf32>
      %get3A_477 = arith.index_cast %add3A_463 : i32 to index
      %get3A_478 = arith.constant 0 : index
      %get3A_479 = tpu.vector_load %arg15[%get3A_477, %get3A_478] {strides = array<i32>} : memref<640x16xf32, #tpu.memory_space<vmem>>, vector<1x16xf32>,
      %get3A_480 = vector.shape_cast %get3A_479 : vector<1x16xf32> to vector<16xf32>
      %add3A_481 = arith.addf %mul3A_476, %get3A_480 : vector<16xf32>
      %max3A_482 = arith.constant 0.000000e+00 : f32
      %max3A_483 = vector.broadcast %max3A_482 : f32 to vector<16xf32>
      %max3A_484 = arith.maximumf %add3A_481, %max3A_483 : vector<16xf32>
      %swap3A_485 = arith.index_cast %add3A_463 : i32 to index
      %swap3A_486 = arith.constant 0 : index
      %swap3A_487 = tpu.vector_load %arg13[%swap3A_485, %swap3A_486] {strides = array<i32>} : memref<640x16xf32, #tpu.memory_space<vmem>>, vector<1x16xf32>,
      %swap3A_488 = vector.shape_cast %swap3A_487 : vector<1x16xf32> to vector<16xf32>
      %swap3A_489 = vector.shape_cast %max3A_484 : vector<16xf32> to vector<1x16xf32>
      tpu.vector_store %arg13[%swap3A_485, %swap3A_486], %swap3A_489 {strides = array<i32>} : memref<640x16xf32, #tpu.memory_space<vmem>>, vector<1x16xf32>,
      %mul3A_490 = arith.constant 16 : i32
      %mul3A_491 = arith.muli %scan3A_238, %mul3A_490 : i32
      %add3A_492 = arith.constant 8 : i32
      %add3A_493 = arith.addi %mul3A_491, %add3A_492 : i32
      %get3A_494 = arith.index_cast %add3A_493 : i32 to index
      %get3A_495 = arith.constant 0 : index
      %get3A_496 = tpu.vector_load %arg13[%get3A_494, %get3A_495] {strides = array<i32>} : memref<640x16xf32, #tpu.memory_space<vmem>>, vector<1x16xf32>,
      %get3A_497 = vector.shape_cast %get3A_496 : vector<1x16xf32> to vector<16xf32>
      %get3A_498 = arith.index_cast %add3A_493 : i32 to index
      %get3A_499 = arith.constant 0 : index
      %get3A_500 = tpu.vector_load %arg14[%get3A_498, %get3A_499] {strides = array<i32>} : memref<640x16xf32, #tpu.memory_space<vmem>>, vector<1x16xf32>,
      %get3A_501 = vector.shape_cast %get3A_500 : vector<1x16xf32> to vector<16xf32>
      %add3A_502 = arith.addf %get3A_497, %get3A_501 : vector<16xf32>
      %slice3A_503 = vector.extract_strided_slice %div3A_252 {offsets = [8], sizes = [1], strides = [1]} : vector<16xf32> to vector<1xf32>
      %squeeze3A_504 = vector.extract %slice3A_503[0] : f32 from vector<1xf32>
      %mul3A_505 = vector.broadcast %squeeze3A_504 : f32 to vector<16xf32>
      %mul3A_506 = arith.mulf %add3A_502, %mul3A_505 : vector<16xf32>
      %get3A_507 = arith.index_cast %add3A_493 : i32 to index
      %get3A_508 = arith.constant 0 : index
      %get3A_509 = tpu.vector_load %arg15[%get3A_507, %get3A_508] {strides = array<i32>} : memref<640x16xf32, #tpu.memory_space<vmem>>, vector<1x16xf32>,
      %get3A_510 = vector.shape_cast %get3A_509 : vector<1x16xf32> to vector<16xf32>
      %add3A_511 = arith.addf %mul3A_506, %get3A_510 : vector<16xf32>
      %max3A_512 = arith.constant 0.000000e+00 : f32
      %max3A_513 = vector.broadcast %max3A_512 : f32 to vector<16xf32>
      %max3A_514 = arith.maximumf %add3A_511, %max3A_513 : vector<16xf32>
      %swap3A_515 = arith.index_cast %add3A_493 : i32 to index
      %swap3A_516 = arith.constant 0 : index
      %swap3A_517 = tpu.vector_load %arg13[%swap3A_515, %swap3A_516] {strides = array<i32>} : memref<640x16xf32, #tpu.memory_space<vmem>>, vector<1x16xf32>,
      %swap3A_518 = vector.shape_cast %swap3A_517 : vector<1x16xf32> to vector<16xf32>
      %swap3A_519 = vector.shape_cast %max3A_514 : vector<16xf32> to vector<1x16xf32>
      tpu.vector_store %arg13[%swap3A_515, %swap3A_516], %swap3A_519 {strides = array<i32>} : memref<640x16xf32, #tpu.memory_space<vmem>>, vector<1x16xf32>,
      %mul3A_520 = arith.constant 16 : i32
      %mul3A_521 = arith.muli %scan3A_238, %mul3A_520 : i32
      %add3A_522 = arith.constant 9 : i32
      %add3A_523 = arith.addi %mul3A_521, %add3A_522 : i32
      %get3A_524 = arith.index_cast %add3A_523 : i32 to index
      %get3A_525 = arith.constant 0 : index
      %get3A_526 = tpu.vector_load %arg13[%get3A_524, %get3A_525] {strides = array<i32>} : memref<640x16xf32, #tpu.memory_space<vmem>>, vector<1x16xf32>,
      %get3A_527 = vector.shape_cast %get3A_526 : vector<1x16xf32> to vector<16xf32>
      %get3A_528 = arith.index_cast %add3A_523 : i32 to index
      %get3A_529 = arith.constant 0 : index
      %get3A_530 = tpu.vector_load %arg14[%get3A_528, %get3A_529] {strides = array<i32>} : memref<640x16xf32, #tpu.memory_space<vmem>>, vector<1x16xf32>,
      %get3A_531 = vector.shape_cast %get3A_530 : vector<1x16xf32> to vector<16xf32>
      %add3A_532 = arith.addf %get3A_527, %get3A_531 : vector<16xf32>
      %slice3A_533 = vector.extract_strided_slice %div3A_252 {offsets = [9], sizes = [1], strides = [1]} : vector<16xf32> to vector<1xf32>
      %squeeze3A_534 = vector.extract %slice3A_533[0] : f32 from vector<1xf32>
      %mul3A_535 = vector.broadcast %squeeze3A_534 : f32 to vector<16xf32>
      %mul3A_536 = arith.mulf %add3A_532, %mul3A_535 : vector<16xf32>
      %get3A_537 = arith.index_cast %add3A_523 : i32 to index
      %get3A_538 = arith.constant 0 : index
      %get3A_539 = tpu.vector_load %arg15[%get3A_537, %get3A_538] {strides = array<i32>} : memref<640x16xf32, #tpu.memory_space<vmem>>, vector<1x16xf32>,
      %get3A_540 = vector.shape_cast %get3A_539 : vector<1x16xf32> to vector<16xf32>
      %add3A_541 = arith.addf %mul3A_536, %get3A_540 : vector<16xf32>
      %max3A_542 = arith.constant 0.000000e+00 : f32
      %max3A_543 = vector.broadcast %max3A_542 : f32 to vector<16xf32>
      %max3A_544 = arith.maximumf %add3A_541, %max3A_543 : vector<16xf32>
      %swap3A_545 = arith.index_cast %add3A_523 : i32 to index
      %swap3A_546 = arith.constant 0 : index
      %swap3A_547 = tpu.vector_load %arg13[%swap3A_545, %swap3A_546] {strides = array<i32>} : memref<640x16xf32, #tpu.memory_space<vmem>>, vector<1x16xf32>,
      %swap3A_548 = vector.shape_cast %swap3A_547 : vector<1x16xf32> to vector<16xf32>
      %swap3A_549 = vector.shape_cast %max3A_544 : vector<16xf32> to vector<1x16xf32>
      tpu.vector_store %arg13[%swap3A_545, %swap3A_546], %swap3A_549 {strides = array<i32>} : memref<640x16xf32, #tpu.memory_space<vmem>>, vector<1x16xf32>,
      %mul3A_550 = arith.constant 16 : i32
      %mul3A_551 = arith.muli %scan3A_238, %mul3A_550 : i32
      %add3A_552 = arith.constant 10 : i32
      %add3A_553 = arith.addi %mul3A_551, %add3A_552 : i32
      %get3A_554 = arith.index_cast %add3A_553 : i32 to index
      %get3A_555 = arith.constant 0 : index
      %get3A_556 = tpu.vector_load %arg13[%get3A_554, %get3A_555] {strides = array<i32>} : memref<640x16xf32, #tpu.memory_space<vmem>>, vector<1x16xf32>,
      %get3A_557 = vector.shape_cast %get3A_556 : vector<1x16xf32> to vector<16xf32>
      %get3A_558 = arith.index_cast %add3A_553 : i32 to index
      %get3A_559 = arith.constant 0 : index
      %get3A_560 = tpu.vector_load %arg14[%get3A_558, %get3A_559] {strides = array<i32>} : memref<640x16xf32, #tpu.memory_space<vmem>>, vector<1x16xf32>,
      %get3A_561 = vector.shape_cast %get3A_560 : vector<1x16xf32> to vector<16xf32>
      %add3A_562 = arith.addf %get3A_557, %get3A_561 : vector<16xf32>
      %slice3A_563 = vector.extract_strided_slice %div3A_252 {offsets = [10], sizes = [1], strides = [1]} : vector<16xf32> to vector<1xf32>
      %squeeze3A_564 = vector.extract %slice3A_563[0] : f32 from vector<1xf32>
      %mul3A_565 = vector.broadcast %squeeze3A_564 : f32 to vector<16xf32>
      %mul3A_566 = arith.mulf %add3A_562, %mul3A_565 : vector<16xf32>
      %get3A_567 = arith.index_cast %add3A_553 : i32 to index
      %get3A_568 = arith.constant 0 : index
      %get3A_569 = tpu.vector_load %arg15[%get3A_567, %get3A_568] {strides = array<i32>} : memref<640x16xf32, #tpu.memory_space<vmem>>, vector<1x16xf32>,
      %get3A_570 = vector.shape_cast %get3A_569 : vector<1x16xf32> to vector<16xf32>
      %add3A_571 = arith.addf %mul3A_566, %get3A_570 : vector<16xf32>
      %max3A_572 = arith.constant 0.000000e+00 : f32
      %max3A_573 = vector.broadcast %max3A_572 : f32 to vector<16xf32>
      %max3A_574 = arith.maximumf %add3A_571, %max3A_573 : vector<16xf32>
      %swap3A_575 = arith.index_cast %add3A_553 : i32 to index
      %swap3A_576 = arith.constant 0 : index
      %swap3A_577 = tpu.vector_load %arg13[%swap3A_575, %swap3A_576] {strides = array<i32>} : memref<640x16xf32, #tpu.memory_space<vmem>>, vector<1x16xf32>,
      %swap3A_578 = vector.shape_cast %swap3A_577 : vector<1x16xf32> to vector<16xf32>
      %swap3A_579 = vector.shape_cast %max3A_574 : vector<16xf32> to vector<1x16xf32>
      tpu.vector_store %arg13[%swap3A_575, %swap3A_576], %swap3A_579 {strides = array<i32>} : memref<640x16xf32, #tpu.memory_space<vmem>>, vector<1x16xf32>,
      %mul3A_580 = arith.constant 16 : i32
      %mul3A_581 = arith.muli %scan3A_238, %mul3A_580 : i32
      %add3A_582 = arith.constant 11 : i32
      %add3A_583 = arith.addi %mul3A_581, %add3A_582 : i32
      %get3A_584 = arith.index_cast %add3A_583 : i32 to index
      %get3A_585 = arith.constant 0 : index
      %get3A_586 = tpu.vector_load %arg13[%get3A_584, %get3A_585] {strides = array<i32>} : memref<640x16xf32, #tpu.memory_space<vmem>>, vector<1x16xf32>,
      %get3A_587 = vector.shape_cast %get3A_586 : vector<1x16xf32> to vector<16xf32>
      %get3A_588 = arith.index_cast %add3A_583 : i32 to index
      %get3A_589 = arith.constant 0 : index
      %get3A_590 = tpu.vector_load %arg14[%get3A_588, %get3A_589] {strides = array<i32>} : memref<640x16xf32, #tpu.memory_space<vmem>>, vector<1x16xf32>,
      %get3A_591 = vector.shape_cast %get3A_590 : vector<1x16xf32> to vector<16xf32>
      %add3A_592 = arith.addf %get3A_587, %get3A_591 : vector<16xf32>
      %slice3A_593 = vector.extract_strided_slice %div3A_252 {offsets = [11], sizes = [1], strides = [1]} : vector<16xf32> to vector<1xf32>
      %squeeze3A_594 = vector.extract %slice3A_593[0] : f32 from vector<1xf32>
      %mul3A_595 = vector.broadcast %squeeze3A_594 : f32 to vector<16xf32>
      %mul3A_596 = arith.mulf %add3A_592, %mul3A_595 : vector<16xf32>
      %get3A_597 = arith.index_cast %add3A_583 : i32 to index
      %get3A_598 = arith.constant 0 : index
      %get3A_599 = tpu.vector_load %arg15[%get3A_597, %get3A_598] {strides = array<i32>} : memref<640x16xf32, #tpu.memory_space<vmem>>, vector<1x16xf32>,
      %get3A_600 = vector.shape_cast %get3A_599 : vector<1x16xf32> to vector<16xf32>
      %add3A_601 = arith.addf %mul3A_596, %get3A_600 : vector<16xf32>
      %max3A_602 = arith.constant 0.000000e+00 : f32
      %max3A_603 = vector.broadcast %max3A_602 : f32 to vector<16xf32>
      %max3A_604 = arith.maximumf %add3A_601, %max3A_603 : vector<16xf32>
      %swap3A_605 = arith.index_cast %add3A_583 : i32 to index
      %swap3A_606 = arith.constant 0 : index
      %swap3A_607 = tpu.vector_load %arg13[%swap3A_605, %swap3A_606] {strides = array<i32>} : memref<640x16xf32, #tpu.memory_space<vmem>>, vector<1x16xf32>,
      %swap3A_608 = vector.shape_cast %swap3A_607 : vector<1x16xf32> to vector<16xf32>
      %swap3A_609 = vector.shape_cast %max3A_604 : vector<16xf32> to vector<1x16xf32>
      tpu.vector_store %arg13[%swap3A_605, %swap3A_606], %swap3A_609 {strides = array<i32>} : memref<640x16xf32, #tpu.memory_space<vmem>>, vector<1x16xf32>,
      %mul3A_610 = arith.constant 16 : i32
      %mul3A_611 = arith.muli %scan3A_238, %mul3A_610 : i32
      %add3A_612 = arith.constant 12 : i32
      %add3A_613 = arith.addi %mul3A_611, %add3A_612 : i32
      %get3A_614 = arith.index_cast %add3A_613 : i32 to index
      %get3A_615 = arith.constant 0 : index
      %get3A_616 = tpu.vector_load %arg13[%get3A_614, %get3A_615] {strides = array<i32>} : memref<640x16xf32, #tpu.memory_space<vmem>>, vector<1x16xf32>,
      %get3A_617 = vector.shape_cast %get3A_616 : vector<1x16xf32> to vector<16xf32>
      %get3A_618 = arith.index_cast %add3A_613 : i32 to index
      %get3A_619 = arith.constant 0 : index
      %get3A_620 = tpu.vector_load %arg14[%get3A_618, %get3A_619] {strides = array<i32>} : memref<640x16xf32, #tpu.memory_space<vmem>>, vector<1x16xf32>,
      %get3A_621 = vector.shape_cast %get3A_620 : vector<1x16xf32> to vector<16xf32>
      %add3A_622 = arith.addf %get3A_617, %get3A_621 : vector<16xf32>
      %slice3A_623 = vector.extract_strided_slice %div3A_252 {offsets = [12], sizes = [1], strides = [1]} : vector<16xf32> to vector<1xf32>
      %squeeze3A_624 = vector.extract %slice3A_623[0] : f32 from vector<1xf32>
      %mul3A_625 = vector.broadcast %squeeze3A_624 : f32 to vector<16xf32>
      %mul3A_626 = arith.mulf %add3A_622, %mul3A_625 : vector<16xf32>
      %get3A_627 = arith.index_cast %add3A_613 : i32 to index
      %get3A_628 = arith.constant 0 : index
      %get3A_629 = tpu.vector_load %arg15[%get3A_627, %get3A_628] {strides = array<i32>} : memref<640x16xf32, #tpu.memory_space<vmem>>, vector<1x16xf32>,
      %get3A_630 = vector.shape_cast %get3A_629 : vector<1x16xf32> to vector<16xf32>
      %add3A_631 = arith.addf %mul3A_626, %get3A_630 : vector<16xf32>
      %max3A_632 = arith.constant 0.000000e+00 : f32
      %max3A_633 = vector.broadcast %max3A_632 : f32 to vector<16xf32>
      %max3A_634 = arith.maximumf %add3A_631, %max3A_633 : vector<16xf32>
      %swap3A_635 = arith.index_cast %add3A_613 : i32 to index
      %swap3A_636 = arith.constant 0 : index
      %swap3A_637 = tpu.vector_load %arg13[%swap3A_635, %swap3A_636] {strides = array<i32>} : memref<640x16xf32, #tpu.memory_space<vmem>>, vector<1x16xf32>,
      %swap3A_638 = vector.shape_cast %swap3A_637 : vector<1x16xf32> to vector<16xf32>
      %swap3A_639 = vector.shape_cast %max3A_634 : vector<16xf32> to vector<1x16xf32>
      tpu.vector_store %arg13[%swap3A_635, %swap3A_636], %swap3A_639 {strides = array<i32>} : memref<640x16xf32, #tpu.memory_space<vmem>>, vector<1x16xf32>,
      %mul3A_640 = arith.constant 16 : i32
      %mul3A_641 = arith.muli %scan3A_238, %mul3A_640 : i32
      %add3A_642 = arith.constant 13 : i32
      %add3A_643 = arith.addi %mul3A_641, %add3A_642 : i32
      %get3A_644 = arith.index_cast %add3A_643 : i32 to index
      %get3A_645 = arith.constant 0 : index
      %get3A_646 = tpu.vector_load %arg13[%get3A_644, %get3A_645] {strides = array<i32>} : memref<640x16xf32, #tpu.memory_space<vmem>>, vector<1x16xf32>,
      %get3A_647 = vector.shape_cast %get3A_646 : vector<1x16xf32> to vector<16xf32>
      %get3A_648 = arith.index_cast %add3A_643 : i32 to index
      %get3A_649 = arith.constant 0 : index
      %get3A_650 = tpu.vector_load %arg14[%get3A_648, %get3A_649] {strides = array<i32>} : memref<640x16xf32, #tpu.memory_space<vmem>>, vector<1x16xf32>,
      %get3A_651 = vector.shape_cast %get3A_650 : vector<1x16xf32> to vector<16xf32>
      %add3A_652 = arith.addf %get3A_647, %get3A_651 : vector<16xf32>
      %slice3A_653 = vector.extract_strided_slice %div3A_252 {offsets = [13], sizes = [1], strides = [1]} : vector<16xf32> to vector<1xf32>
      %squeeze3A_654 = vector.extract %slice3A_653[0] : f32 from vector<1xf32>
      %mul3A_655 = vector.broadcast %squeeze3A_654 : f32 to vector<16xf32>
      %mul3A_656 = arith.mulf %add3A_652, %mul3A_655 : vector<16xf32>
      %get3A_657 = arith.index_cast %add3A_643 : i32 to index
      %get3A_658 = arith.constant 0 : index
      %get3A_659 = tpu.vector_load %arg15[%get3A_657, %get3A_658] {strides = array<i32>} : memref<640x16xf32, #tpu.memory_space<vmem>>, vector<1x16xf32>,
      %get3A_660 = vector.shape_cast %get3A_659 : vector<1x16xf32> to vector<16xf32>
      %add3A_661 = arith.addf %mul3A_656, %get3A_660 : vector<16xf32>
      %max3A_662 = arith.constant 0.000000e+00 : f32
      %max3A_663 = vector.broadcast %max3A_662 : f32 to vector<16xf32>
      %max3A_664 = arith.maximumf %add3A_661, %max3A_663 : vector<16xf32>
      %swap3A_665 = arith.index_cast %add3A_643 : i32 to index
      %swap3A_666 = arith.constant 0 : index
      %swap3A_667 = tpu.vector_load %arg13[%swap3A_665, %swap3A_666] {strides = array<i32>} : memref<640x16xf32, #tpu.memory_space<vmem>>, vector<1x16xf32>,
      %swap3A_668 = vector.shape_cast %swap3A_667 : vector<1x16xf32> to vector<16xf32>
      %swap3A_669 = vector.shape_cast %max3A_664 : vector<16xf32> to vector<1x16xf32>
      tpu.vector_store %arg13[%swap3A_665, %swap3A_666], %swap3A_669 {strides = array<i32>} : memref<640x16xf32, #tpu.memory_space<vmem>>, vector<1x16xf32>,
      %mul3A_670 = arith.constant 16 : i32
      %mul3A_671 = arith.muli %scan3A_238, %mul3A_670 : i32
      %add3A_672 = arith.constant 14 : i32
      %add3A_673 = arith.addi %mul3A_671, %add3A_672 : i32
      %get3A_674 = arith.index_cast %add3A_673 : i32 to index
      %get3A_675 = arith.constant 0 : index
      %get3A_676 = tpu.vector_load %arg13[%get3A_674, %get3A_675] {strides = array<i32>} : memref<640x16xf32, #tpu.memory_space<vmem>>, vector<1x16xf32>,
      %get3A_677 = vector.shape_cast %get3A_676 : vector<1x16xf32> to vector<16xf32>
      %get3A_678 = arith.index_cast %add3A_673 : i32 to index
      %get3A_679 = arith.constant 0 : index
      %get3A_680 = tpu.vector_load %arg14[%get3A_678, %get3A_679] {strides = array<i32>} : memref<640x16xf32, #tpu.memory_space<vmem>>, vector<1x16xf32>,
      %get3A_681 = vector.shape_cast %get3A_680 : vector<1x16xf32> to vector<16xf32>
      %add3A_682 = arith.addf %get3A_677, %get3A_681 : vector<16xf32>
      %slice3A_683 = vector.extract_strided_slice %div3A_252 {offsets = [14], sizes = [1], strides = [1]} : vector<16xf32> to vector<1xf32>
      %squeeze3A_684 = vector.extract %slice3A_683[0] : f32 from vector<1xf32>
      %mul3A_685 = vector.broadcast %squeeze3A_684 : f32 to vector<16xf32>
      %mul3A_686 = arith.mulf %add3A_682, %mul3A_685 : vector<16xf32>
      %get3A_687 = arith.index_cast %add3A_673 : i32 to index
      %get3A_688 = arith.constant 0 : index
      %get3A_689 = tpu.vector_load %arg15[%get3A_687, %get3A_688] {strides = array<i32>} : memref<640x16xf32, #tpu.memory_space<vmem>>, vector<1x16xf32>,
      %get3A_690 = vector.shape_cast %get3A_689 : vector<1x16xf32> to vector<16xf32>
      %add3A_691 = arith.addf %mul3A_686, %get3A_690 : vector<16xf32>
      %max3A_692 = arith.constant 0.000000e+00 : f32
      %max3A_693 = vector.broadcast %max3A_692 : f32 to vector<16xf32>
      %max3A_694 = arith.maximumf %add3A_691, %max3A_693 : vector<16xf32>
      %swap3A_695 = arith.index_cast %add3A_673 : i32 to index
      %swap3A_696 = arith.constant 0 : index
      %swap3A_697 = tpu.vector_load %arg13[%swap3A_695, %swap3A_696] {strides = array<i32>} : memref<640x16xf32, #tpu.memory_space<vmem>>, vector<1x16xf32>,
      %swap3A_698 = vector.shape_cast %swap3A_697 : vector<1x16xf32> to vector<16xf32>
      %swap3A_699 = vector.shape_cast %max3A_694 : vector<16xf32> to vector<1x16xf32>
      tpu.vector_store %arg13[%swap3A_695, %swap3A_696], %swap3A_699 {strides = array<i32>} : memref<640x16xf32, #tpu.memory_space<vmem>>, vector<1x16xf32>,
      %mul3A_700 = arith.constant 16 : i32
      %mul3A_701 = arith.muli %scan3A_238, %mul3A_700 : i32
      %add3A_702 = arith.constant 15 : i32
      %add3A_703 = arith.addi %mul3A_701, %add3A_702 : i32
      %get3A_704 = arith.index_cast %add3A_703 : i32 to index
      %get3A_705 = arith.constant 0 : index
      %get3A_706 = tpu.vector_load %arg13[%get3A_704, %get3A_705] {strides = array<i32>} : memref<640x16xf32, #tpu.memory_space<vmem>>, vector<1x16xf32>,
      %get3A_707 = vector.shape_cast %get3A_706 : vector<1x16xf32> to vector<16xf32>
      %get3A_708 = arith.index_cast %add3A_703 : i32 to index
      %get3A_709 = arith.constant 0 : index
      %get3A_710 = tpu.vector_load %arg14[%get3A_708, %get3A_709] {strides = array<i32>} : memref<640x16xf32, #tpu.memory_space<vmem>>, vector<1x16xf32>,
      %get3A_711 = vector.shape_cast %get3A_710 : vector<1x16xf32> to vector<16xf32>
      %add3A_712 = arith.addf %get3A_707, %get3A_711 : vector<16xf32>
      %slice3A_713 = vector.extract_strided_slice %div3A_252 {offsets = [15], sizes = [1], strides = [1]} : vector<16xf32> to vector<1xf32>
      %squeeze3A_714 = vector.extract %slice3A_713[0] : f32 from vector<1xf32>
      %mul3A_715 = vector.broadcast %squeeze3A_714 : f32 to vector<16xf32>
      %mul3A_716 = arith.mulf %add3A_712, %mul3A_715 : vector<16xf32>
      %get3A_717 = arith.index_cast %add3A_703 : i32 to index
      %get3A_718 = arith.constant 0 : index
      %get3A_719 = tpu.vector_load %arg15[%get3A_717, %get3A_718] {strides = array<i32>} : memref<640x16xf32, #tpu.memory_space<vmem>>, vector<1x16xf32>,
      %get3A_720 = vector.shape_cast %get3A_719 : vector<1x16xf32> to vector<16xf32>
      %add3A_721 = arith.addf %mul3A_716, %get3A_720 : vector<16xf32>
      %max3A_722 = arith.constant 0.000000e+00 : f32
      %max3A_723 = vector.broadcast %max3A_722 : f32 to vector<16xf32>
      %max3A_724 = arith.maximumf %add3A_721, %max3A_723 : vector<16xf32>
      %swap3A_725 = arith.index_cast %add3A_703 : i32 to index
      %swap3A_726 = arith.constant 0 : index
      %swap3A_727 = tpu.vector_load %arg13[%swap3A_725, %swap3A_726] {strides = array<i32>} : memref<640x16xf32, #tpu.memory_space<vmem>>, vector<1x16xf32>,
      %swap3A_728 = vector.shape_cast %swap3A_727 : vector<1x16xf32> to vector<16xf32>
      %swap3A_729 = vector.shape_cast %max3A_724 : vector<16xf32> to vector<1x16xf32>
      tpu.vector_store %arg13[%swap3A_725, %swap3A_726], %swap3A_729 {strides = array<i32>} : memref<640x16xf32, #tpu.memory_space<vmem>>, vector<1x16xf32>,
    }
    %scan3A_11 = arith.constant 40 : i32
    "tpu.region"() ({
      %run_scoped3A = tpu.sem_alloc : memref<!tpu.dma_semaphore, #tpu.memory_space<semaphore_mem>>
      %dma_start3A_238 = arith.constant 0 : i32
      %dma_start3A_239 = tpu.memref_slice %arg18[%mul3A_2, %dma_start3A_238] : memref<10240x16xf32, #tpu.memory_space<vmem_shared>> -> memref<640x16xf32, #tpu.memory_space<vmem_shared>>
      %dma_start3A_240 = arith.constant 0 : i32
      %dma_start3A_241 = tpu.memref_slice %arg18[%mul3A_2, %dma_start3A_240] : memref<10240x16xf32, #tpu.memory_space<vmem_shared>> -> memref<640x16xf32, #tpu.memory_space<vmem_shared>>
      tpu.enqueue_dma source(%arg13 : memref<640x16xf32, #tpu.memory_space<vmem>>) target(%dma_start3A_241 : memref<640x16xf32, #tpu.memory_space<vmem_shared>>) target_semaphore(%run_scoped3A : memref<!tpu.dma_semaphore, #tpu.memory_space<semaphore_mem>>)
      %dma_wait3A_242 = arith.constant 0 : i32
      %dma_wait3A_243 = tpu.memref_slice %arg18[%mul3A_2, %dma_wait3A_242] : memref<10240x16xf32, #tpu.memory_space<vmem_shared>> -> memref<640x16xf32, #tpu.memory_space<vmem_shared>>
      %dma_wait3A_244 = arith.constant 0 : i32
      %dma_wait3A_245 = tpu.memref_slice %arg18[%mul3A_2, %dma_wait3A_244] : memref<10240x16xf32, #tpu.memory_space<vmem_shared>> -> memref<640x16xf32, #tpu.memory_space<vmem_shared>>
      tpu.wait_dma2 semaphore(%run_scoped3A : memref<!tpu.dma_semaphore, #tpu.memory_space<semaphore_mem>>) src(%arg13 : memref<640x16xf32, #tpu.memory_space<vmem>>) dst(%dma_wait3A_245 : memref<640x16xf32, #tpu.memory_space<vmem_shared>>)
      tpu.yield
    }) : () -> ()
    %eq3A = arith.constant 0 : i32
    %eq3A_12 = arith.cmpi eq, %arg0, %eq3A : i32
    %convert_element_type3A = arith.extui %eq3A_12 : i1 to i32
    %cond3A = arith.constant 0 : i32
    %cond3A_13 = arith.cmpi ne, %convert_element_type3A, %cond3A : i32
    scf.if %cond3A_13 {
      "tpu.region"() ({
        %run_scoped3A = tpu.sem_alloc : memref<!tpu.dma_semaphore, #tpu.memory_space<semaphore_mem>>
        %dma_start3A_238 = arith.constant 0 : i32
        %dma_start3A_239 = tpu.memref_slice %arg9[%mul3A_2, %dma_start3A_238] : memref<10240x16xf32, #tpu.memory_space<hbm>> -> memref<640x16xf32, #tpu.memory_space<hbm>>
        %dma_start3A_240 = arith.constant 0 : i32
        %dma_start3A_241 = tpu.memref_slice %arg9[%mul3A_2, %dma_start3A_240] : memref<10240x16xf32, #tpu.memory_space<hbm>> -> memref<640x16xf32, #tpu.memory_space<hbm>>
        tpu.enqueue_dma source(%arg13 : memref<640x16xf32, #tpu.memory_space<vmem>>) target(%dma_start3A_241 : memref<640x16xf32, #tpu.memory_space<hbm>>) target_semaphore(%run_scoped3A : memref<!tpu.dma_semaphore, #tpu.memory_space<semaphore_mem>>)
        %dma_wait3A_242 = arith.constant 0 : i32
        %dma_wait3A_243 = tpu.memref_slice %arg9[%mul3A_2, %dma_wait3A_242] : memref<10240x16xf32, #tpu.memory_space<hbm>> -> memref<640x16xf32, #tpu.memory_space<hbm>>
        %dma_wait3A_244 = arith.constant 0 : i32
        %dma_wait3A_245 = tpu.memref_slice %arg9[%mul3A_2, %dma_wait3A_244] : memref<10240x16xf32, #tpu.memory_space<hbm>> -> memref<640x16xf32, #tpu.memory_space<hbm>>
        tpu.wait_dma2 semaphore(%run_scoped3A : memref<!tpu.dma_semaphore, #tpu.memory_space<semaphore_mem>>) src(%arg13 : memref<640x16xf32, #tpu.memory_space<vmem>>) dst(%dma_wait3A_245 : memref<640x16xf32, #tpu.memory_space<hbm>>)
        tpu.yield
      }) : () -> ()
    } else {
    }
    %barrier3A = arith.constant 0 : index
    tpu.barrier barrier_id(%barrier3A)
    %dma_start3A = arith.constant 0 : i32
    %dma_start3A_14 = arith.constant 0 : i32
    %dma_start3A_15 = arith.constant 0 : i32
    %dma_start3A_16 = arith.constant 0 : i32
    %dma_start3A_17 = tpu.memref_slice %arg12[%dma_start3A_14, %dma_start3A_15, %dma_start3A_16] : memref<8x128x16xf32, #tpu.memory_space<vmem>> -> memref<1x128x16xf32, #tpu.memory_space<vmem>>
    %dma_start3A_18 = tpu.memref_squeeze %dma_start3A_17 : memref<1x128x16xf32, #tpu.memory_space<vmem>> -> memref<128x16xf32, #tpu.memory_space<vmem>>
    %dma_start3A_19 = arith.constant 0 : i32
    %dma_start3A_20 = tpu.memref_slice %arg10[%dma_start3A, %dma_start3A_19] : memref<80x128xi32, #tpu.memory_space<vmem>> -> memref<1x128xi32, #tpu.memory_space<vmem>>
    %dma_start3A_21 = tpu.memref_squeeze %dma_start3A_20 : memref<1x128xi32, #tpu.memory_space<vmem>> -> memref<128xi32, #tpu.memory_space<vmem>>
    %dma_start3A_22 = arith.constant 0 : i32
    %dma_start3A_23 = arith.constant 0 : i32
    %dma_start3A_24 = tpu.memref_slice %arg18[%dma_start3A_22, %dma_start3A_23] : memref<10240x16xf32, #tpu.memory_space<vmem_shared>> -> memref<10240x16xf32, #tpu.memory_space<vmem_shared>>
    tpu.enqueue_indirect_dma source(%dma_start3A_24 : memref<10240x16xf32, #tpu.memory_space<vmem_shared>>) target(%dma_start3A_18 : memref<128x16xf32, #tpu.memory_space<vmem>>) offsets(%dma_start3A_21 : memref<128xi32, #tpu.memory_space<vmem>>) semaphore(%arg20 : memref<!tpu.dma_semaphore, #tpu.memory_space<semaphore_mem>>)
    %dma_start3A_25 = arith.constant 1 : i32
    %dma_start3A_26 = arith.constant 1 : i32
    %dma_start3A_27 = arith.constant 0 : i32
    %dma_start3A_28 = arith.constant 0 : i32
    %dma_start3A_29 = tpu.memref_slice %arg12[%dma_start3A_26, %dma_start3A_27, %dma_start3A_28] : memref<8x128x16xf32, #tpu.memory_space<vmem>> -> memref<1x128x16xf32, #tpu.memory_space<vmem>>
    %dma_start3A_30 = tpu.memref_squeeze %dma_start3A_29 : memref<1x128x16xf32, #tpu.memory_space<vmem>> -> memref<128x16xf32, #tpu.memory_space<vmem>>
    %dma_start3A_31 = arith.constant 0 : i32
    %dma_start3A_32 = tpu.memref_slice %arg10[%dma_start3A_25, %dma_start3A_31] : memref<80x128xi32, #tpu.memory_space<vmem>> -> memref<1x128xi32, #tpu.memory_space<vmem>>
    %dma_start3A_33 = tpu.memref_squeeze %dma_start3A_32 : memref<1x128xi32, #tpu.memory_space<vmem>> -> memref<128xi32, #tpu.memory_space<vmem>>
    %dma_start3A_34 = arith.constant 0 : i32
    %dma_start3A_35 = arith.constant 0 : i32
    %dma_start3A_36 = tpu.memref_slice %arg18[%dma_start3A_34, %dma_start3A_35] : memref<10240x16xf32, #tpu.memory_space<vmem_shared>> -> memref<10240x16xf32, #tpu.memory_space<vmem_shared>>
    tpu.enqueue_indirect_dma source(%dma_start3A_36 : memref<10240x16xf32, #tpu.memory_space<vmem_shared>>) target(%dma_start3A_30 : memref<128x16xf32, #tpu.memory_space<vmem>>) offsets(%dma_start3A_33 : memref<128xi32, #tpu.memory_space<vmem>>) semaphore(%arg21 : memref<!tpu.dma_semaphore, #tpu.memory_space<semaphore_mem>>)
    %dma_start3A_37 = arith.constant 2 : i32
    %dma_start3A_38 = arith.constant 2 : i32
    %dma_start3A_39 = arith.constant 0 : i32
    %dma_start3A_40 = arith.constant 0 : i32
    %dma_start3A_41 = tpu.memref_slice %arg12[%dma_start3A_38, %dma_start3A_39, %dma_start3A_40] : memref<8x128x16xf32, #tpu.memory_space<vmem>> -> memref<1x128x16xf32, #tpu.memory_space<vmem>>
    %dma_start3A_42 = tpu.memref_squeeze %dma_start3A_41 : memref<1x128x16xf32, #tpu.memory_space<vmem>> -> memref<128x16xf32, #tpu.memory_space<vmem>>
    %dma_start3A_43 = arith.constant 0 : i32
    %dma_start3A_44 = tpu.memref_slice %arg10[%dma_start3A_37, %dma_start3A_43] : memref<80x128xi32, #tpu.memory_space<vmem>> -> memref<1x128xi32, #tpu.memory_space<vmem>>
    %dma_start3A_45 = tpu.memref_squeeze %dma_start3A_44 : memref<1x128xi32, #tpu.memory_space<vmem>> -> memref<128xi32, #tpu.memory_space<vmem>>
    %dma_start3A_46 = arith.constant 0 : i32
    %dma_start3A_47 = arith.constant 0 : i32
    %dma_start3A_48 = tpu.memref_slice %arg18[%dma_start3A_46, %dma_start3A_47] : memref<10240x16xf32, #tpu.memory_space<vmem_shared>> -> memref<10240x16xf32, #tpu.memory_space<vmem_shared>>
    tpu.enqueue_indirect_dma source(%dma_start3A_48 : memref<10240x16xf32, #tpu.memory_space<vmem_shared>>) target(%dma_start3A_42 : memref<128x16xf32, #tpu.memory_space<vmem>>) offsets(%dma_start3A_45 : memref<128xi32, #tpu.memory_space<vmem>>) semaphore(%arg22 : memref<!tpu.dma_semaphore, #tpu.memory_space<semaphore_mem>>)
    %dma_start3A_49 = arith.constant 3 : i32
    %dma_start3A_50 = arith.constant 3 : i32
    %dma_start3A_51 = arith.constant 0 : i32
    %dma_start3A_52 = arith.constant 0 : i32
    %dma_start3A_53 = tpu.memref_slice %arg12[%dma_start3A_50, %dma_start3A_51, %dma_start3A_52] : memref<8x128x16xf32, #tpu.memory_space<vmem>> -> memref<1x128x16xf32, #tpu.memory_space<vmem>>
    %dma_start3A_54 = tpu.memref_squeeze %dma_start3A_53 : memref<1x128x16xf32, #tpu.memory_space<vmem>> -> memref<128x16xf32, #tpu.memory_space<vmem>>
    %dma_start3A_55 = arith.constant 0 : i32
    %dma_start3A_56 = tpu.memref_slice %arg10[%dma_start3A_49, %dma_start3A_55] : memref<80x128xi32, #tpu.memory_space<vmem>> -> memref<1x128xi32, #tpu.memory_space<vmem>>
    %dma_start3A_57 = tpu.memref_squeeze %dma_start3A_56 : memref<1x128xi32, #tpu.memory_space<vmem>> -> memref<128xi32, #tpu.memory_space<vmem>>
    %dma_start3A_58 = arith.constant 0 : i32
    %dma_start3A_59 = arith.constant 0 : i32
    %dma_start3A_60 = tpu.memref_slice %arg18[%dma_start3A_58, %dma_start3A_59] : memref<10240x16xf32, #tpu.memory_space<vmem_shared>> -> memref<10240x16xf32, #tpu.memory_space<vmem_shared>>
    tpu.enqueue_indirect_dma source(%dma_start3A_60 : memref<10240x16xf32, #tpu.memory_space<vmem_shared>>) target(%dma_start3A_54 : memref<128x16xf32, #tpu.memory_space<vmem>>) offsets(%dma_start3A_57 : memref<128xi32, #tpu.memory_space<vmem>>) semaphore(%arg23 : memref<!tpu.dma_semaphore, #tpu.memory_space<semaphore_mem>>)
    %dma_start3A_61 = arith.constant 4 : i32
    %dma_start3A_62 = arith.constant 4 : i32
    %dma_start3A_63 = arith.constant 0 : i32
    %dma_start3A_64 = arith.constant 0 : i32
    %dma_start3A_65 = tpu.memref_slice %arg12[%dma_start3A_62, %dma_start3A_63, %dma_start3A_64] : memref<8x128x16xf32, #tpu.memory_space<vmem>> -> memref<1x128x16xf32, #tpu.memory_space<vmem>>
    %dma_start3A_66 = tpu.memref_squeeze %dma_start3A_65 : memref<1x128x16xf32, #tpu.memory_space<vmem>> -> memref<128x16xf32, #tpu.memory_space<vmem>>
    %dma_start3A_67 = arith.constant 0 : i32
    %dma_start3A_68 = tpu.memref_slice %arg10[%dma_start3A_61, %dma_start3A_67] : memref<80x128xi32, #tpu.memory_space<vmem>> -> memref<1x128xi32, #tpu.memory_space<vmem>>
    %dma_start3A_69 = tpu.memref_squeeze %dma_start3A_68 : memref<1x128xi32, #tpu.memory_space<vmem>> -> memref<128xi32, #tpu.memory_space<vmem>>
    %dma_start3A_70 = arith.constant 0 : i32
    %dma_start3A_71 = arith.constant 0 : i32
    %dma_start3A_72 = tpu.memref_slice %arg18[%dma_start3A_70, %dma_start3A_71] : memref<10240x16xf32, #tpu.memory_space<vmem_shared>> -> memref<10240x16xf32, #tpu.memory_space<vmem_shared>>
    tpu.enqueue_indirect_dma source(%dma_start3A_72 : memref<10240x16xf32, #tpu.memory_space<vmem_shared>>) target(%dma_start3A_66 : memref<128x16xf32, #tpu.memory_space<vmem>>) offsets(%dma_start3A_69 : memref<128xi32, #tpu.memory_space<vmem>>) semaphore(%arg24 : memref<!tpu.dma_semaphore, #tpu.memory_space<semaphore_mem>>)
    %dma_start3A_73 = arith.constant 5 : i32
    %dma_start3A_74 = arith.constant 5 : i32
    %dma_start3A_75 = arith.constant 0 : i32
    %dma_start3A_76 = arith.constant 0 : i32
    %dma_start3A_77 = tpu.memref_slice %arg12[%dma_start3A_74, %dma_start3A_75, %dma_start3A_76] : memref<8x128x16xf32, #tpu.memory_space<vmem>> -> memref<1x128x16xf32, #tpu.memory_space<vmem>>
    %dma_start3A_78 = tpu.memref_squeeze %dma_start3A_77 : memref<1x128x16xf32, #tpu.memory_space<vmem>> -> memref<128x16xf32, #tpu.memory_space<vmem>>
    %dma_start3A_79 = arith.constant 0 : i32
    %dma_start3A_80 = tpu.memref_slice %arg10[%dma_start3A_73, %dma_start3A_79] : memref<80x128xi32, #tpu.memory_space<vmem>> -> memref<1x128xi32, #tpu.memory_space<vmem>>
    %dma_start3A_81 = tpu.memref_squeeze %dma_start3A_80 : memref<1x128xi32, #tpu.memory_space<vmem>> -> memref<128xi32, #tpu.memory_space<vmem>>
    %dma_start3A_82 = arith.constant 0 : i32
    %dma_start3A_83 = arith.constant 0 : i32
    %dma_start3A_84 = tpu.memref_slice %arg18[%dma_start3A_82, %dma_start3A_83] : memref<10240x16xf32, #tpu.memory_space<vmem_shared>> -> memref<10240x16xf32, #tpu.memory_space<vmem_shared>>
    tpu.enqueue_indirect_dma source(%dma_start3A_84 : memref<10240x16xf32, #tpu.memory_space<vmem_shared>>) target(%dma_start3A_78 : memref<128x16xf32, #tpu.memory_space<vmem>>) offsets(%dma_start3A_81 : memref<128xi32, #tpu.memory_space<vmem>>) semaphore(%arg25 : memref<!tpu.dma_semaphore, #tpu.memory_space<semaphore_mem>>)
    %dma_start3A_85 = arith.constant 6 : i32
    %dma_start3A_86 = arith.constant 6 : i32
    %dma_start3A_87 = arith.constant 0 : i32
    %dma_start3A_88 = arith.constant 0 : i32
    %dma_start3A_89 = tpu.memref_slice %arg12[%dma_start3A_86, %dma_start3A_87, %dma_start3A_88] : memref<8x128x16xf32, #tpu.memory_space<vmem>> -> memref<1x128x16xf32, #tpu.memory_space<vmem>>
    %dma_start3A_90 = tpu.memref_squeeze %dma_start3A_89 : memref<1x128x16xf32, #tpu.memory_space<vmem>> -> memref<128x16xf32, #tpu.memory_space<vmem>>
    %dma_start3A_91 = arith.constant 0 : i32
    %dma_start3A_92 = tpu.memref_slice %arg10[%dma_start3A_85, %dma_start3A_91] : memref<80x128xi32, #tpu.memory_space<vmem>> -> memref<1x128xi32, #tpu.memory_space<vmem>>
    %dma_start3A_93 = tpu.memref_squeeze %dma_start3A_92 : memref<1x128xi32, #tpu.memory_space<vmem>> -> memref<128xi32, #tpu.memory_space<vmem>>
    %dma_start3A_94 = arith.constant 0 : i32
    %dma_start3A_95 = arith.constant 0 : i32
    %dma_start3A_96 = tpu.memref_slice %arg18[%dma_start3A_94, %dma_start3A_95] : memref<10240x16xf32, #tpu.memory_space<vmem_shared>> -> memref<10240x16xf32, #tpu.memory_space<vmem_shared>>
    tpu.enqueue_indirect_dma source(%dma_start3A_96 : memref<10240x16xf32, #tpu.memory_space<vmem_shared>>) target(%dma_start3A_90 : memref<128x16xf32, #tpu.memory_space<vmem>>) offsets(%dma_start3A_93 : memref<128xi32, #tpu.memory_space<vmem>>) semaphore(%arg26 : memref<!tpu.dma_semaphore, #tpu.memory_space<semaphore_mem>>)
    %dma_start3A_97 = arith.constant 7 : i32
    %dma_start3A_98 = arith.constant 7 : i32
    %dma_start3A_99 = arith.constant 0 : i32
    %dma_start3A_100 = arith.constant 0 : i32
    %dma_start3A_101 = tpu.memref_slice %arg12[%dma_start3A_98, %dma_start3A_99, %dma_start3A_100] : memref<8x128x16xf32, #tpu.memory_space<vmem>> -> memref<1x128x16xf32, #tpu.memory_space<vmem>>
    %dma_start3A_102 = tpu.memref_squeeze %dma_start3A_101 : memref<1x128x16xf32, #tpu.memory_space<vmem>> -> memref<128x16xf32, #tpu.memory_space<vmem>>
    %dma_start3A_103 = arith.constant 0 : i32
    %dma_start3A_104 = tpu.memref_slice %arg10[%dma_start3A_97, %dma_start3A_103] : memref<80x128xi32, #tpu.memory_space<vmem>> -> memref<1x128xi32, #tpu.memory_space<vmem>>
    %dma_start3A_105 = tpu.memref_squeeze %dma_start3A_104 : memref<1x128xi32, #tpu.memory_space<vmem>> -> memref<128xi32, #tpu.memory_space<vmem>>
    %dma_start3A_106 = arith.constant 0 : i32
    %dma_start3A_107 = arith.constant 0 : i32
    %dma_start3A_108 = tpu.memref_slice %arg18[%dma_start3A_106, %dma_start3A_107] : memref<10240x16xf32, #tpu.memory_space<vmem_shared>> -> memref<10240x16xf32, #tpu.memory_space<vmem_shared>>
    tpu.enqueue_indirect_dma source(%dma_start3A_108 : memref<10240x16xf32, #tpu.memory_space<vmem_shared>>) target(%dma_start3A_102 : memref<128x16xf32, #tpu.memory_space<vmem>>) offsets(%dma_start3A_105 : memref<128xi32, #tpu.memory_space<vmem>>) semaphore(%arg27 : memref<!tpu.dma_semaphore, #tpu.memory_space<semaphore_mem>>)
    %scan3A_109 = arith.constant 0 : i32
    %scan3A_110 = arith.constant 0 : i32
    %scan3A_111 = arith.constant 10 : i32
    %scan3A_112 = arith.addi %scan3A_110, %scan3A_111 : i32
    %scan3A_113 = arith.constant 1 : i32
    scf.for %scan3A_238 = %scan3A_110 to %scan3A_112 step %scan3A_113  : i32 {
      %mul3A_239 = arith.constant 8 : i32
      %mul3A_240 = arith.muli %scan3A_238, %mul3A_239 : i32
      %add3A_241 = arith.constant 0 : i32
      %add3A_242 = arith.addi %mul3A_240, %add3A_241 : i32
      %dma_wait3A_243 = arith.constant 0 : i32
      %dma_wait3A_244 = arith.constant 0 : i32
      %dma_wait3A_245 = arith.constant 0 : i32
      %dma_wait3A_246 = tpu.memref_slice %arg12[%dma_wait3A_243, %dma_wait3A_244, %dma_wait3A_245] : memref<8x128x16xf32, #tpu.memory_space<vmem>> -> memref<1x128x16xf32, #tpu.memory_space<vmem>>
      %dma_wait3A_247 = tpu.memref_squeeze %dma_wait3A_246 : memref<1x128x16xf32, #tpu.memory_space<vmem>> -> memref<128x16xf32, #tpu.memory_space<vmem>>
      %dma_wait3A_248 = arith.constant 0 : i32
      %dma_wait3A_249 = arith.constant 0 : i32
      %dma_wait3A_250 = tpu.memref_slice %arg4[%dma_wait3A_248, %dma_wait3A_249] : memref<10240x16xf32, #tpu.memory_space<hbm>> -> memref<128x16xf32, #tpu.memory_space<hbm>>
      %dma_wait3A_251 = arith.constant 0 : i32
      %dma_wait3A_252 = arith.constant 0 : i32
      %dma_wait3A_253 = tpu.memref_slice %arg12[%dma_wait3A_243, %dma_wait3A_251, %dma_wait3A_252] : memref<8x128x16xf32, #tpu.memory_space<vmem>> -> memref<1x128x16xf32, #tpu.memory_space<vmem>>
      %dma_wait3A_254 = tpu.memref_squeeze %dma_wait3A_253 : memref<1x128x16xf32, #tpu.memory_space<vmem>> -> memref<128x16xf32, #tpu.memory_space<vmem>>
      %dma_wait3A_255 = arith.constant 0 : i32
      %dma_wait3A_256 = arith.constant 0 : i32
      %dma_wait3A_257 = tpu.memref_slice %arg4[%dma_wait3A_255, %dma_wait3A_256] : memref<10240x16xf32, #tpu.memory_space<hbm>> -> memref<128x16xf32, #tpu.memory_space<hbm>>
      tpu.wait_dma2 semaphore(%arg20 : memref<!tpu.dma_semaphore, #tpu.memory_space<semaphore_mem>>) src(%dma_wait3A_257 : memref<128x16xf32, #tpu.memory_space<hbm>>) dst(%dma_wait3A_254 : memref<128x16xf32, #tpu.memory_space<vmem>>)
      %dma_start3A_258 = arith.constant 0 : i32
      %dma_start3A_259 = arith.constant 0 : i32
      %dma_start3A_260 = arith.constant 0 : i32
      %dma_start3A_261 = tpu.memref_slice %arg12[%dma_start3A_258, %dma_start3A_259, %dma_start3A_260] : memref<8x128x16xf32, #tpu.memory_space<vmem>> -> memref<1x128x16xf32, #tpu.memory_space<vmem>>
      %dma_start3A_262 = tpu.memref_squeeze %dma_start3A_261 : memref<1x128x16xf32, #tpu.memory_space<vmem>> -> memref<128x16xf32, #tpu.memory_space<vmem>>
      %dma_start3A_263 = arith.constant 0 : i32
      %dma_start3A_264 = tpu.memref_slice %arg11[%add3A_242, %dma_start3A_263] : memref<80x128xi32, #tpu.memory_space<vmem>> -> memref<1x128xi32, #tpu.memory_space<vmem>>
      %dma_start3A_265 = tpu.memref_squeeze %dma_start3A_264 : memref<1x128xi32, #tpu.memory_space<vmem>> -> memref<128xi32, #tpu.memory_space<vmem>>
      %dma_start3A_266 = arith.constant 0 : i32
      %dma_start3A_267 = arith.constant 0 : i32
      %dma_start3A_268 = tpu.memref_slice %arg19[%dma_start3A_266, %dma_start3A_267] : memref<10240x16xf32, #tpu.memory_space<vmem_shared>> -> memref<10240x16xf32, #tpu.memory_space<vmem_shared>>
      tpu.enqueue_indirect_dma source(%dma_start3A_262 : memref<128x16xf32, #tpu.memory_space<vmem>>) target(%dma_start3A_268 : memref<10240x16xf32, #tpu.memory_space<vmem_shared>>) offsets(%dma_start3A_265 : memref<128xi32, #tpu.memory_space<vmem>>) semaphore(%arg28 : memref<!tpu.dma_semaphore, #tpu.memory_space<semaphore_mem>>) {add = true}
      %mul3A_269 = arith.constant 8 : i32
      %mul3A_270 = arith.muli %scan3A_238, %mul3A_269 : i32
      %add3A_271 = arith.constant 1 : i32
      %add3A_272 = arith.addi %mul3A_270, %add3A_271 : i32
      %dma_wait3A_273 = arith.constant 1 : i32
      %dma_wait3A_274 = arith.constant 0 : i32
      %dma_wait3A_275 = arith.constant 0 : i32
      %dma_wait3A_276 = tpu.memref_slice %arg12[%dma_wait3A_273, %dma_wait3A_274, %dma_wait3A_275] : memref<8x128x16xf32, #tpu.memory_space<vmem>> -> memref<1x128x16xf32, #tpu.memory_space<vmem>>
      %dma_wait3A_277 = tpu.memref_squeeze %dma_wait3A_276 : memref<1x128x16xf32, #tpu.memory_space<vmem>> -> memref<128x16xf32, #tpu.memory_space<vmem>>
      %dma_wait3A_278 = arith.constant 0 : i32
      %dma_wait3A_279 = arith.constant 0 : i32
      %dma_wait3A_280 = tpu.memref_slice %arg4[%dma_wait3A_278, %dma_wait3A_279] : memref<10240x16xf32, #tpu.memory_space<hbm>> -> memref<128x16xf32, #tpu.memory_space<hbm>>
      %dma_wait3A_281 = arith.constant 0 : i32
      %dma_wait3A_282 = arith.constant 0 : i32
      %dma_wait3A_283 = tpu.memref_slice %arg12[%dma_wait3A_273, %dma_wait3A_281, %dma_wait3A_282] : memref<8x128x16xf32, #tpu.memory_space<vmem>> -> memref<1x128x16xf32, #tpu.memory_space<vmem>>
      %dma_wait3A_284 = tpu.memref_squeeze %dma_wait3A_283 : memref<1x128x16xf32, #tpu.memory_space<vmem>> -> memref<128x16xf32, #tpu.memory_space<vmem>>
      %dma_wait3A_285 = arith.constant 0 : i32
      %dma_wait3A_286 = arith.constant 0 : i32
      %dma_wait3A_287 = tpu.memref_slice %arg4[%dma_wait3A_285, %dma_wait3A_286] : memref<10240x16xf32, #tpu.memory_space<hbm>> -> memref<128x16xf32, #tpu.memory_space<hbm>>
      tpu.wait_dma2 semaphore(%arg21 : memref<!tpu.dma_semaphore, #tpu.memory_space<semaphore_mem>>) src(%dma_wait3A_287 : memref<128x16xf32, #tpu.memory_space<hbm>>) dst(%dma_wait3A_284 : memref<128x16xf32, #tpu.memory_space<vmem>>)
      %dma_start3A_288 = arith.constant 1 : i32
      %dma_start3A_289 = arith.constant 0 : i32
      %dma_start3A_290 = arith.constant 0 : i32
      %dma_start3A_291 = tpu.memref_slice %arg12[%dma_start3A_288, %dma_start3A_289, %dma_start3A_290] : memref<8x128x16xf32, #tpu.memory_space<vmem>> -> memref<1x128x16xf32, #tpu.memory_space<vmem>>
      %dma_start3A_292 = tpu.memref_squeeze %dma_start3A_291 : memref<1x128x16xf32, #tpu.memory_space<vmem>> -> memref<128x16xf32, #tpu.memory_space<vmem>>
      %dma_start3A_293 = arith.constant 0 : i32
      %dma_start3A_294 = tpu.memref_slice %arg11[%add3A_272, %dma_start3A_293] : memref<80x128xi32, #tpu.memory_space<vmem>> -> memref<1x128xi32, #tpu.memory_space<vmem>>
      %dma_start3A_295 = tpu.memref_squeeze %dma_start3A_294 : memref<1x128xi32, #tpu.memory_space<vmem>> -> memref<128xi32, #tpu.memory_space<vmem>>
      %dma_start3A_296 = arith.constant 0 : i32
      %dma_start3A_297 = arith.constant 0 : i32
      %dma_start3A_298 = tpu.memref_slice %arg19[%dma_start3A_296, %dma_start3A_297] : memref<10240x16xf32, #tpu.memory_space<vmem_shared>> -> memref<10240x16xf32, #tpu.memory_space<vmem_shared>>
      tpu.enqueue_indirect_dma source(%dma_start3A_292 : memref<128x16xf32, #tpu.memory_space<vmem>>) target(%dma_start3A_298 : memref<10240x16xf32, #tpu.memory_space<vmem_shared>>) offsets(%dma_start3A_295 : memref<128xi32, #tpu.memory_space<vmem>>) semaphore(%arg29 : memref<!tpu.dma_semaphore, #tpu.memory_space<semaphore_mem>>) {add = true}
      %mul3A_299 = arith.constant 8 : i32
      %mul3A_300 = arith.muli %scan3A_238, %mul3A_299 : i32
      %add3A_301 = arith.constant 2 : i32
      %add3A_302 = arith.addi %mul3A_300, %add3A_301 : i32
      %dma_wait3A_303 = arith.constant 2 : i32
      %dma_wait3A_304 = arith.constant 0 : i32
      %dma_wait3A_305 = arith.constant 0 : i32
      %dma_wait3A_306 = tpu.memref_slice %arg12[%dma_wait3A_303, %dma_wait3A_304, %dma_wait3A_305] : memref<8x128x16xf32, #tpu.memory_space<vmem>> -> memref<1x128x16xf32, #tpu.memory_space<vmem>>
      %dma_wait3A_307 = tpu.memref_squeeze %dma_wait3A_306 : memref<1x128x16xf32, #tpu.memory_space<vmem>> -> memref<128x16xf32, #tpu.memory_space<vmem>>
      %dma_wait3A_308 = arith.constant 0 : i32
      %dma_wait3A_309 = arith.constant 0 : i32
      %dma_wait3A_310 = tpu.memref_slice %arg4[%dma_wait3A_308, %dma_wait3A_309] : memref<10240x16xf32, #tpu.memory_space<hbm>> -> memref<128x16xf32, #tpu.memory_space<hbm>>
      %dma_wait3A_311 = arith.constant 0 : i32
      %dma_wait3A_312 = arith.constant 0 : i32
      %dma_wait3A_313 = tpu.memref_slice %arg12[%dma_wait3A_303, %dma_wait3A_311, %dma_wait3A_312] : memref<8x128x16xf32, #tpu.memory_space<vmem>> -> memref<1x128x16xf32, #tpu.memory_space<vmem>>
      %dma_wait3A_314 = tpu.memref_squeeze %dma_wait3A_313 : memref<1x128x16xf32, #tpu.memory_space<vmem>> -> memref<128x16xf32, #tpu.memory_space<vmem>>
      %dma_wait3A_315 = arith.constant 0 : i32
      %dma_wait3A_316 = arith.constant 0 : i32
      %dma_wait3A_317 = tpu.memref_slice %arg4[%dma_wait3A_315, %dma_wait3A_316] : memref<10240x16xf32, #tpu.memory_space<hbm>> -> memref<128x16xf32, #tpu.memory_space<hbm>>
      tpu.wait_dma2 semaphore(%arg22 : memref<!tpu.dma_semaphore, #tpu.memory_space<semaphore_mem>>) src(%dma_wait3A_317 : memref<128x16xf32, #tpu.memory_space<hbm>>) dst(%dma_wait3A_314 : memref<128x16xf32, #tpu.memory_space<vmem>>)
      %dma_start3A_318 = arith.constant 2 : i32
      %dma_start3A_319 = arith.constant 0 : i32
      %dma_start3A_320 = arith.constant 0 : i32
      %dma_start3A_321 = tpu.memref_slice %arg12[%dma_start3A_318, %dma_start3A_319, %dma_start3A_320] : memref<8x128x16xf32, #tpu.memory_space<vmem>> -> memref<1x128x16xf32, #tpu.memory_space<vmem>>
      %dma_start3A_322 = tpu.memref_squeeze %dma_start3A_321 : memref<1x128x16xf32, #tpu.memory_space<vmem>> -> memref<128x16xf32, #tpu.memory_space<vmem>>
      %dma_start3A_323 = arith.constant 0 : i32
      %dma_start3A_324 = tpu.memref_slice %arg11[%add3A_302, %dma_start3A_323] : memref<80x128xi32, #tpu.memory_space<vmem>> -> memref<1x128xi32, #tpu.memory_space<vmem>>
      %dma_start3A_325 = tpu.memref_squeeze %dma_start3A_324 : memref<1x128xi32, #tpu.memory_space<vmem>> -> memref<128xi32, #tpu.memory_space<vmem>>
      %dma_start3A_326 = arith.constant 0 : i32
      %dma_start3A_327 = arith.constant 0 : i32
      %dma_start3A_328 = tpu.memref_slice %arg19[%dma_start3A_326, %dma_start3A_327] : memref<10240x16xf32, #tpu.memory_space<vmem_shared>> -> memref<10240x16xf32, #tpu.memory_space<vmem_shared>>
      tpu.enqueue_indirect_dma source(%dma_start3A_322 : memref<128x16xf32, #tpu.memory_space<vmem>>) target(%dma_start3A_328 : memref<10240x16xf32, #tpu.memory_space<vmem_shared>>) offsets(%dma_start3A_325 : memref<128xi32, #tpu.memory_space<vmem>>) semaphore(%arg30 : memref<!tpu.dma_semaphore, #tpu.memory_space<semaphore_mem>>) {add = true}
      %mul3A_329 = arith.constant 8 : i32
      %mul3A_330 = arith.muli %scan3A_238, %mul3A_329 : i32
      %add3A_331 = arith.constant 3 : i32
      %add3A_332 = arith.addi %mul3A_330, %add3A_331 : i32
      %dma_wait3A_333 = arith.constant 3 : i32
      %dma_wait3A_334 = arith.constant 0 : i32
      %dma_wait3A_335 = arith.constant 0 : i32
      %dma_wait3A_336 = tpu.memref_slice %arg12[%dma_wait3A_333, %dma_wait3A_334, %dma_wait3A_335] : memref<8x128x16xf32, #tpu.memory_space<vmem>> -> memref<1x128x16xf32, #tpu.memory_space<vmem>>
      %dma_wait3A_337 = tpu.memref_squeeze %dma_wait3A_336 : memref<1x128x16xf32, #tpu.memory_space<vmem>> -> memref<128x16xf32, #tpu.memory_space<vmem>>
      %dma_wait3A_338 = arith.constant 0 : i32
      %dma_wait3A_339 = arith.constant 0 : i32
      %dma_wait3A_340 = tpu.memref_slice %arg4[%dma_wait3A_338, %dma_wait3A_339] : memref<10240x16xf32, #tpu.memory_space<hbm>> -> memref<128x16xf32, #tpu.memory_space<hbm>>
      %dma_wait3A_341 = arith.constant 0 : i32
      %dma_wait3A_342 = arith.constant 0 : i32
      %dma_wait3A_343 = tpu.memref_slice %arg12[%dma_wait3A_333, %dma_wait3A_341, %dma_wait3A_342] : memref<8x128x16xf32, #tpu.memory_space<vmem>> -> memref<1x128x16xf32, #tpu.memory_space<vmem>>
      %dma_wait3A_344 = tpu.memref_squeeze %dma_wait3A_343 : memref<1x128x16xf32, #tpu.memory_space<vmem>> -> memref<128x16xf32, #tpu.memory_space<vmem>>
      %dma_wait3A_345 = arith.constant 0 : i32
      %dma_wait3A_346 = arith.constant 0 : i32
      %dma_wait3A_347 = tpu.memref_slice %arg4[%dma_wait3A_345, %dma_wait3A_346] : memref<10240x16xf32, #tpu.memory_space<hbm>> -> memref<128x16xf32, #tpu.memory_space<hbm>>
      tpu.wait_dma2 semaphore(%arg23 : memref<!tpu.dma_semaphore, #tpu.memory_space<semaphore_mem>>) src(%dma_wait3A_347 : memref<128x16xf32, #tpu.memory_space<hbm>>) dst(%dma_wait3A_344 : memref<128x16xf32, #tpu.memory_space<vmem>>)
      %dma_start3A_348 = arith.constant 3 : i32
      %dma_start3A_349 = arith.constant 0 : i32
      %dma_start3A_350 = arith.constant 0 : i32
      %dma_start3A_351 = tpu.memref_slice %arg12[%dma_start3A_348, %dma_start3A_349, %dma_start3A_350] : memref<8x128x16xf32, #tpu.memory_space<vmem>> -> memref<1x128x16xf32, #tpu.memory_space<vmem>>
      %dma_start3A_352 = tpu.memref_squeeze %dma_start3A_351 : memref<1x128x16xf32, #tpu.memory_space<vmem>> -> memref<128x16xf32, #tpu.memory_space<vmem>>
      %dma_start3A_353 = arith.constant 0 : i32
      %dma_start3A_354 = tpu.memref_slice %arg11[%add3A_332, %dma_start3A_353] : memref<80x128xi32, #tpu.memory_space<vmem>> -> memref<1x128xi32, #tpu.memory_space<vmem>>
      %dma_start3A_355 = tpu.memref_squeeze %dma_start3A_354 : memref<1x128xi32, #tpu.memory_space<vmem>> -> memref<128xi32, #tpu.memory_space<vmem>>
      %dma_start3A_356 = arith.constant 0 : i32
      %dma_start3A_357 = arith.constant 0 : i32
      %dma_start3A_358 = tpu.memref_slice %arg19[%dma_start3A_356, %dma_start3A_357] : memref<10240x16xf32, #tpu.memory_space<vmem_shared>> -> memref<10240x16xf32, #tpu.memory_space<vmem_shared>>
      tpu.enqueue_indirect_dma source(%dma_start3A_352 : memref<128x16xf32, #tpu.memory_space<vmem>>) target(%dma_start3A_358 : memref<10240x16xf32, #tpu.memory_space<vmem_shared>>) offsets(%dma_start3A_355 : memref<128xi32, #tpu.memory_space<vmem>>) semaphore(%arg31 : memref<!tpu.dma_semaphore, #tpu.memory_space<semaphore_mem>>) {add = true}
      %mul3A_359 = arith.constant 8 : i32
      %mul3A_360 = arith.muli %scan3A_238, %mul3A_359 : i32
      %add3A_361 = arith.constant 4 : i32
      %add3A_362 = arith.addi %mul3A_360, %add3A_361 : i32
      %dma_wait3A_363 = arith.constant 4 : i32
      %dma_wait3A_364 = arith.constant 0 : i32
      %dma_wait3A_365 = arith.constant 0 : i32
      %dma_wait3A_366 = tpu.memref_slice %arg12[%dma_wait3A_363, %dma_wait3A_364, %dma_wait3A_365] : memref<8x128x16xf32, #tpu.memory_space<vmem>> -> memref<1x128x16xf32, #tpu.memory_space<vmem>>
      %dma_wait3A_367 = tpu.memref_squeeze %dma_wait3A_366 : memref<1x128x16xf32, #tpu.memory_space<vmem>> -> memref<128x16xf32, #tpu.memory_space<vmem>>
      %dma_wait3A_368 = arith.constant 0 : i32
      %dma_wait3A_369 = arith.constant 0 : i32
      %dma_wait3A_370 = tpu.memref_slice %arg4[%dma_wait3A_368, %dma_wait3A_369] : memref<10240x16xf32, #tpu.memory_space<hbm>> -> memref<128x16xf32, #tpu.memory_space<hbm>>
      %dma_wait3A_371 = arith.constant 0 : i32
      %dma_wait3A_372 = arith.constant 0 : i32
      %dma_wait3A_373 = tpu.memref_slice %arg12[%dma_wait3A_363, %dma_wait3A_371, %dma_wait3A_372] : memref<8x128x16xf32, #tpu.memory_space<vmem>> -> memref<1x128x16xf32, #tpu.memory_space<vmem>>
      %dma_wait3A_374 = tpu.memref_squeeze %dma_wait3A_373 : memref<1x128x16xf32, #tpu.memory_space<vmem>> -> memref<128x16xf32, #tpu.memory_space<vmem>>
      %dma_wait3A_375 = arith.constant 0 : i32
      %dma_wait3A_376 = arith.constant 0 : i32
      %dma_wait3A_377 = tpu.memref_slice %arg4[%dma_wait3A_375, %dma_wait3A_376] : memref<10240x16xf32, #tpu.memory_space<hbm>> -> memref<128x16xf32, #tpu.memory_space<hbm>>
      tpu.wait_dma2 semaphore(%arg24 : memref<!tpu.dma_semaphore, #tpu.memory_space<semaphore_mem>>) src(%dma_wait3A_377 : memref<128x16xf32, #tpu.memory_space<hbm>>) dst(%dma_wait3A_374 : memref<128x16xf32, #tpu.memory_space<vmem>>)
      %dma_start3A_378 = arith.constant 4 : i32
      %dma_start3A_379 = arith.constant 0 : i32
      %dma_start3A_380 = arith.constant 0 : i32
      %dma_start3A_381 = tpu.memref_slice %arg12[%dma_start3A_378, %dma_start3A_379, %dma_start3A_380] : memref<8x128x16xf32, #tpu.memory_space<vmem>> -> memref<1x128x16xf32, #tpu.memory_space<vmem>>
      %dma_start3A_382 = tpu.memref_squeeze %dma_start3A_381 : memref<1x128x16xf32, #tpu.memory_space<vmem>> -> memref<128x16xf32, #tpu.memory_space<vmem>>
      %dma_start3A_383 = arith.constant 0 : i32
      %dma_start3A_384 = tpu.memref_slice %arg11[%add3A_362, %dma_start3A_383] : memref<80x128xi32, #tpu.memory_space<vmem>> -> memref<1x128xi32, #tpu.memory_space<vmem>>
      %dma_start3A_385 = tpu.memref_squeeze %dma_start3A_384 : memref<1x128xi32, #tpu.memory_space<vmem>> -> memref<128xi32, #tpu.memory_space<vmem>>
      %dma_start3A_386 = arith.constant 0 : i32
      %dma_start3A_387 = arith.constant 0 : i32
      %dma_start3A_388 = tpu.memref_slice %arg19[%dma_start3A_386, %dma_start3A_387] : memref<10240x16xf32, #tpu.memory_space<vmem_shared>> -> memref<10240x16xf32, #tpu.memory_space<vmem_shared>>
      tpu.enqueue_indirect_dma source(%dma_start3A_382 : memref<128x16xf32, #tpu.memory_space<vmem>>) target(%dma_start3A_388 : memref<10240x16xf32, #tpu.memory_space<vmem_shared>>) offsets(%dma_start3A_385 : memref<128xi32, #tpu.memory_space<vmem>>) semaphore(%arg32 : memref<!tpu.dma_semaphore, #tpu.memory_space<semaphore_mem>>) {add = true}
      %mul3A_389 = arith.constant 8 : i32
      %mul3A_390 = arith.muli %scan3A_238, %mul3A_389 : i32
      %add3A_391 = arith.constant 5 : i32
      %add3A_392 = arith.addi %mul3A_390, %add3A_391 : i32
      %dma_wait3A_393 = arith.constant 5 : i32
      %dma_wait3A_394 = arith.constant 0 : i32
      %dma_wait3A_395 = arith.constant 0 : i32
      %dma_wait3A_396 = tpu.memref_slice %arg12[%dma_wait3A_393, %dma_wait3A_394, %dma_wait3A_395] : memref<8x128x16xf32, #tpu.memory_space<vmem>> -> memref<1x128x16xf32, #tpu.memory_space<vmem>>
      %dma_wait3A_397 = tpu.memref_squeeze %dma_wait3A_396 : memref<1x128x16xf32, #tpu.memory_space<vmem>> -> memref<128x16xf32, #tpu.memory_space<vmem>>
      %dma_wait3A_398 = arith.constant 0 : i32
      %dma_wait3A_399 = arith.constant 0 : i32
      %dma_wait3A_400 = tpu.memref_slice %arg4[%dma_wait3A_398, %dma_wait3A_399] : memref<10240x16xf32, #tpu.memory_space<hbm>> -> memref<128x16xf32, #tpu.memory_space<hbm>>
      %dma_wait3A_401 = arith.constant 0 : i32
      %dma_wait3A_402 = arith.constant 0 : i32
      %dma_wait3A_403 = tpu.memref_slice %arg12[%dma_wait3A_393, %dma_wait3A_401, %dma_wait3A_402] : memref<8x128x16xf32, #tpu.memory_space<vmem>> -> memref<1x128x16xf32, #tpu.memory_space<vmem>>
      %dma_wait3A_404 = tpu.memref_squeeze %dma_wait3A_403 : memref<1x128x16xf32, #tpu.memory_space<vmem>> -> memref<128x16xf32, #tpu.memory_space<vmem>>
      %dma_wait3A_405 = arith.constant 0 : i32
      %dma_wait3A_406 = arith.constant 0 : i32
      %dma_wait3A_407 = tpu.memref_slice %arg4[%dma_wait3A_405, %dma_wait3A_406] : memref<10240x16xf32, #tpu.memory_space<hbm>> -> memref<128x16xf32, #tpu.memory_space<hbm>>
      tpu.wait_dma2 semaphore(%arg25 : memref<!tpu.dma_semaphore, #tpu.memory_space<semaphore_mem>>) src(%dma_wait3A_407 : memref<128x16xf32, #tpu.memory_space<hbm>>) dst(%dma_wait3A_404 : memref<128x16xf32, #tpu.memory_space<vmem>>)
      %dma_start3A_408 = arith.constant 5 : i32
      %dma_start3A_409 = arith.constant 0 : i32
      %dma_start3A_410 = arith.constant 0 : i32
      %dma_start3A_411 = tpu.memref_slice %arg12[%dma_start3A_408, %dma_start3A_409, %dma_start3A_410] : memref<8x128x16xf32, #tpu.memory_space<vmem>> -> memref<1x128x16xf32, #tpu.memory_space<vmem>>
      %dma_start3A_412 = tpu.memref_squeeze %dma_start3A_411 : memref<1x128x16xf32, #tpu.memory_space<vmem>> -> memref<128x16xf32, #tpu.memory_space<vmem>>
      %dma_start3A_413 = arith.constant 0 : i32
      %dma_start3A_414 = tpu.memref_slice %arg11[%add3A_392, %dma_start3A_413] : memref<80x128xi32, #tpu.memory_space<vmem>> -> memref<1x128xi32, #tpu.memory_space<vmem>>
      %dma_start3A_415 = tpu.memref_squeeze %dma_start3A_414 : memref<1x128xi32, #tpu.memory_space<vmem>> -> memref<128xi32, #tpu.memory_space<vmem>>
      %dma_start3A_416 = arith.constant 0 : i32
      %dma_start3A_417 = arith.constant 0 : i32
      %dma_start3A_418 = tpu.memref_slice %arg19[%dma_start3A_416, %dma_start3A_417] : memref<10240x16xf32, #tpu.memory_space<vmem_shared>> -> memref<10240x16xf32, #tpu.memory_space<vmem_shared>>
      tpu.enqueue_indirect_dma source(%dma_start3A_412 : memref<128x16xf32, #tpu.memory_space<vmem>>) target(%dma_start3A_418 : memref<10240x16xf32, #tpu.memory_space<vmem_shared>>) offsets(%dma_start3A_415 : memref<128xi32, #tpu.memory_space<vmem>>) semaphore(%arg33 : memref<!tpu.dma_semaphore, #tpu.memory_space<semaphore_mem>>) {add = true}
      %mul3A_419 = arith.constant 8 : i32
      %mul3A_420 = arith.muli %scan3A_238, %mul3A_419 : i32
      %add3A_421 = arith.constant 6 : i32
      %add3A_422 = arith.addi %mul3A_420, %add3A_421 : i32
      %dma_wait3A_423 = arith.constant 6 : i32
      %dma_wait3A_424 = arith.constant 0 : i32
      %dma_wait3A_425 = arith.constant 0 : i32
      %dma_wait3A_426 = tpu.memref_slice %arg12[%dma_wait3A_423, %dma_wait3A_424, %dma_wait3A_425] : memref<8x128x16xf32, #tpu.memory_space<vmem>> -> memref<1x128x16xf32, #tpu.memory_space<vmem>>
      %dma_wait3A_427 = tpu.memref_squeeze %dma_wait3A_426 : memref<1x128x16xf32, #tpu.memory_space<vmem>> -> memref<128x16xf32, #tpu.memory_space<vmem>>
      %dma_wait3A_428 = arith.constant 0 : i32
      %dma_wait3A_429 = arith.constant 0 : i32
      %dma_wait3A_430 = tpu.memref_slice %arg4[%dma_wait3A_428, %dma_wait3A_429] : memref<10240x16xf32, #tpu.memory_space<hbm>> -> memref<128x16xf32, #tpu.memory_space<hbm>>
      %dma_wait3A_431 = arith.constant 0 : i32
      %dma_wait3A_432 = arith.constant 0 : i32
      %dma_wait3A_433 = tpu.memref_slice %arg12[%dma_wait3A_423, %dma_wait3A_431, %dma_wait3A_432] : memref<8x128x16xf32, #tpu.memory_space<vmem>> -> memref<1x128x16xf32, #tpu.memory_space<vmem>>
      %dma_wait3A_434 = tpu.memref_squeeze %dma_wait3A_433 : memref<1x128x16xf32, #tpu.memory_space<vmem>> -> memref<128x16xf32, #tpu.memory_space<vmem>>
      %dma_wait3A_435 = arith.constant 0 : i32
      %dma_wait3A_436 = arith.constant 0 : i32
      %dma_wait3A_437 = tpu.memref_slice %arg4[%dma_wait3A_435, %dma_wait3A_436] : memref<10240x16xf32, #tpu.memory_space<hbm>> -> memref<128x16xf32, #tpu.memory_space<hbm>>
      tpu.wait_dma2 semaphore(%arg26 : memref<!tpu.dma_semaphore, #tpu.memory_space<semaphore_mem>>) src(%dma_wait3A_437 : memref<128x16xf32, #tpu.memory_space<hbm>>) dst(%dma_wait3A_434 : memref<128x16xf32, #tpu.memory_space<vmem>>)
      %dma_start3A_438 = arith.constant 6 : i32
      %dma_start3A_439 = arith.constant 0 : i32
      %dma_start3A_440 = arith.constant 0 : i32
      %dma_start3A_441 = tpu.memref_slice %arg12[%dma_start3A_438, %dma_start3A_439, %dma_start3A_440] : memref<8x128x16xf32, #tpu.memory_space<vmem>> -> memref<1x128x16xf32, #tpu.memory_space<vmem>>
      %dma_start3A_442 = tpu.memref_squeeze %dma_start3A_441 : memref<1x128x16xf32, #tpu.memory_space<vmem>> -> memref<128x16xf32, #tpu.memory_space<vmem>>
      %dma_start3A_443 = arith.constant 0 : i32
      %dma_start3A_444 = tpu.memref_slice %arg11[%add3A_422, %dma_start3A_443] : memref<80x128xi32, #tpu.memory_space<vmem>> -> memref<1x128xi32, #tpu.memory_space<vmem>>
      %dma_start3A_445 = tpu.memref_squeeze %dma_start3A_444 : memref<1x128xi32, #tpu.memory_space<vmem>> -> memref<128xi32, #tpu.memory_space<vmem>>
      %dma_start3A_446 = arith.constant 0 : i32
      %dma_start3A_447 = arith.constant 0 : i32
      %dma_start3A_448 = tpu.memref_slice %arg19[%dma_start3A_446, %dma_start3A_447] : memref<10240x16xf32, #tpu.memory_space<vmem_shared>> -> memref<10240x16xf32, #tpu.memory_space<vmem_shared>>
      tpu.enqueue_indirect_dma source(%dma_start3A_442 : memref<128x16xf32, #tpu.memory_space<vmem>>) target(%dma_start3A_448 : memref<10240x16xf32, #tpu.memory_space<vmem_shared>>) offsets(%dma_start3A_445 : memref<128xi32, #tpu.memory_space<vmem>>) semaphore(%arg34 : memref<!tpu.dma_semaphore, #tpu.memory_space<semaphore_mem>>) {add = true}
      %mul3A_449 = arith.constant 8 : i32
      %mul3A_450 = arith.muli %scan3A_238, %mul3A_449 : i32
      %add3A_451 = arith.constant 7 : i32
      %add3A_452 = arith.addi %mul3A_450, %add3A_451 : i32
      %dma_wait3A_453 = arith.constant 7 : i32
      %dma_wait3A_454 = arith.constant 0 : i32
      %dma_wait3A_455 = arith.constant 0 : i32
      %dma_wait3A_456 = tpu.memref_slice %arg12[%dma_wait3A_453, %dma_wait3A_454, %dma_wait3A_455] : memref<8x128x16xf32, #tpu.memory_space<vmem>> -> memref<1x128x16xf32, #tpu.memory_space<vmem>>
      %dma_wait3A_457 = tpu.memref_squeeze %dma_wait3A_456 : memref<1x128x16xf32, #tpu.memory_space<vmem>> -> memref<128x16xf32, #tpu.memory_space<vmem>>
      %dma_wait3A_458 = arith.constant 0 : i32
      %dma_wait3A_459 = arith.constant 0 : i32
      %dma_wait3A_460 = tpu.memref_slice %arg4[%dma_wait3A_458, %dma_wait3A_459] : memref<10240x16xf32, #tpu.memory_space<hbm>> -> memref<128x16xf32, #tpu.memory_space<hbm>>
      %dma_wait3A_461 = arith.constant 0 : i32
      %dma_wait3A_462 = arith.constant 0 : i32
      %dma_wait3A_463 = tpu.memref_slice %arg12[%dma_wait3A_453, %dma_wait3A_461, %dma_wait3A_462] : memref<8x128x16xf32, #tpu.memory_space<vmem>> -> memref<1x128x16xf32, #tpu.memory_space<vmem>>
      %dma_wait3A_464 = tpu.memref_squeeze %dma_wait3A_463 : memref<1x128x16xf32, #tpu.memory_space<vmem>> -> memref<128x16xf32, #tpu.memory_space<vmem>>
      %dma_wait3A_465 = arith.constant 0 : i32
      %dma_wait3A_466 = arith.constant 0 : i32
      %dma_wait3A_467 = tpu.memref_slice %arg4[%dma_wait3A_465, %dma_wait3A_466] : memref<10240x16xf32, #tpu.memory_space<hbm>> -> memref<128x16xf32, #tpu.memory_space<hbm>>
      tpu.wait_dma2 semaphore(%arg27 : memref<!tpu.dma_semaphore, #tpu.memory_space<semaphore_mem>>) src(%dma_wait3A_467 : memref<128x16xf32, #tpu.memory_space<hbm>>) dst(%dma_wait3A_464 : memref<128x16xf32, #tpu.memory_space<vmem>>)
      %dma_start3A_468 = arith.constant 7 : i32
      %dma_start3A_469 = arith.constant 0 : i32
      %dma_start3A_470 = arith.constant 0 : i32
      %dma_start3A_471 = tpu.memref_slice %arg12[%dma_start3A_468, %dma_start3A_469, %dma_start3A_470] : memref<8x128x16xf32, #tpu.memory_space<vmem>> -> memref<1x128x16xf32, #tpu.memory_space<vmem>>
      %dma_start3A_472 = tpu.memref_squeeze %dma_start3A_471 : memref<1x128x16xf32, #tpu.memory_space<vmem>> -> memref<128x16xf32, #tpu.memory_space<vmem>>
      %dma_start3A_473 = arith.constant 0 : i32
      %dma_start3A_474 = tpu.memref_slice %arg11[%add3A_452, %dma_start3A_473] : memref<80x128xi32, #tpu.memory_space<vmem>> -> memref<1x128xi32, #tpu.memory_space<vmem>>
      %dma_start3A_475 = tpu.memref_squeeze %dma_start3A_474 : memref<1x128xi32, #tpu.memory_space<vmem>> -> memref<128xi32, #tpu.memory_space<vmem>>
      %dma_start3A_476 = arith.constant 0 : i32
      %dma_start3A_477 = arith.constant 0 : i32
      %dma_start3A_478 = tpu.memref_slice %arg19[%dma_start3A_476, %dma_start3A_477] : memref<10240x16xf32, #tpu.memory_space<vmem_shared>> -> memref<10240x16xf32, #tpu.memory_space<vmem_shared>>
      tpu.enqueue_indirect_dma source(%dma_start3A_472 : memref<128x16xf32, #tpu.memory_space<vmem>>) target(%dma_start3A_478 : memref<10240x16xf32, #tpu.memory_space<vmem_shared>>) offsets(%dma_start3A_475 : memref<128xi32, #tpu.memory_space<vmem>>) semaphore(%arg35 : memref<!tpu.dma_semaphore, #tpu.memory_space<semaphore_mem>>) {add = true}
      %mul3A_479 = arith.constant 8 : i32
      %mul3A_480 = arith.muli %scan3A_238, %mul3A_479 : i32
      %add3A_481 = arith.constant 0 : i32
      %add3A_482 = arith.addi %mul3A_480, %add3A_481 : i32
      %dma_wait3A_483 = arith.constant 0 : i32
      %dma_wait3A_484 = arith.constant 0 : i32
      %dma_wait3A_485 = arith.constant 0 : i32
      %dma_wait3A_486 = tpu.memref_slice %arg12[%dma_wait3A_483, %dma_wait3A_484, %dma_wait3A_485] : memref<8x128x16xf32, #tpu.memory_space<vmem>> -> memref<1x128x16xf32, #tpu.memory_space<vmem>>
      %dma_wait3A_487 = tpu.memref_squeeze %dma_wait3A_486 : memref<1x128x16xf32, #tpu.memory_space<vmem>> -> memref<128x16xf32, #tpu.memory_space<vmem>>
      %dma_wait3A_488 = arith.constant 0 : i32
      %dma_wait3A_489 = tpu.memref_slice %arg11[%add3A_482, %dma_wait3A_488] : memref<80x128xi32, #tpu.memory_space<vmem>> -> memref<1x128xi32, #tpu.memory_space<vmem>>
      %dma_wait3A_490 = tpu.memref_squeeze %dma_wait3A_489 : memref<1x128xi32, #tpu.memory_space<vmem>> -> memref<128xi32, #tpu.memory_space<vmem>>
      %dma_wait3A_491 = arith.constant 0 : i32
      %dma_wait3A_492 = arith.constant 0 : i32
      %dma_wait3A_493 = tpu.memref_slice %arg19[%dma_wait3A_491, %dma_wait3A_492] : memref<10240x16xf32, #tpu.memory_space<vmem_shared>> -> memref<10240x16xf32, #tpu.memory_space<vmem_shared>>
      tpu.wait_indirect_dma semaphore(%arg28 : memref<!tpu.dma_semaphore, #tpu.memory_space<semaphore_mem>>) src(%dma_wait3A_487 : memref<128x16xf32, #tpu.memory_space<vmem>>) dst(%dma_wait3A_493 : memref<10240x16xf32, #tpu.memory_space<vmem_shared>>)
      %add3A_494 = arith.constant 8 : i32
      %add3A_495 = arith.addi %add3A_482, %add3A_494 : i32
      %min3A = arith.constant 79 : i32
      %min3A_496 = arith.minsi %add3A_495, %min3A : i32
      %dma_start3A_497 = arith.constant 0 : i32
      %dma_start3A_498 = arith.constant 0 : i32
      %dma_start3A_499 = arith.constant 0 : i32
      %dma_start3A_500 = tpu.memref_slice %arg12[%dma_start3A_497, %dma_start3A_498, %dma_start3A_499] : memref<8x128x16xf32, #tpu.memory_space<vmem>> -> memref<1x128x16xf32, #tpu.memory_space<vmem>>
      %dma_start3A_501 = tpu.memref_squeeze %dma_start3A_500 : memref<1x128x16xf32, #tpu.memory_space<vmem>> -> memref<128x16xf32, #tpu.memory_space<vmem>>
      %dma_start3A_502 = arith.constant 0 : i32
      %dma_start3A_503 = tpu.memref_slice %arg10[%min3A_496, %dma_start3A_502] : memref<80x128xi32, #tpu.memory_space<vmem>> -> memref<1x128xi32, #tpu.memory_space<vmem>>
      %dma_start3A_504 = tpu.memref_squeeze %dma_start3A_503 : memref<1x128xi32, #tpu.memory_space<vmem>> -> memref<128xi32, #tpu.memory_space<vmem>>
      %dma_start3A_505 = arith.constant 0 : i32
      %dma_start3A_506 = arith.constant 0 : i32
      %dma_start3A_507 = tpu.memref_slice %arg18[%dma_start3A_505, %dma_start3A_506] : memref<10240x16xf32, #tpu.memory_space<vmem_shared>> -> memref<10240x16xf32, #tpu.memory_space<vmem_shared>>
      tpu.enqueue_indirect_dma source(%dma_start3A_507 : memref<10240x16xf32, #tpu.memory_space<vmem_shared>>) target(%dma_start3A_501 : memref<128x16xf32, #tpu.memory_space<vmem>>) offsets(%dma_start3A_504 : memref<128xi32, #tpu.memory_space<vmem>>) semaphore(%arg20 : memref<!tpu.dma_semaphore, #tpu.memory_space<semaphore_mem>>)
      %mul3A_508 = arith.constant 8 : i32
      %mul3A_509 = arith.muli %scan3A_238, %mul3A_508 : i32
      %add3A_510 = arith.constant 1 : i32
      %add3A_511 = arith.addi %mul3A_509, %add3A_510 : i32
      %dma_wait3A_512 = arith.constant 1 : i32
      %dma_wait3A_513 = arith.constant 0 : i32
      %dma_wait3A_514 = arith.constant 0 : i32
      %dma_wait3A_515 = tpu.memref_slice %arg12[%dma_wait3A_512, %dma_wait3A_513, %dma_wait3A_514] : memref<8x128x16xf32, #tpu.memory_space<vmem>> -> memref<1x128x16xf32, #tpu.memory_space<vmem>>
      %dma_wait3A_516 = tpu.memref_squeeze %dma_wait3A_515 : memref<1x128x16xf32, #tpu.memory_space<vmem>> -> memref<128x16xf32, #tpu.memory_space<vmem>>
      %dma_wait3A_517 = arith.constant 0 : i32
      %dma_wait3A_518 = tpu.memref_slice %arg11[%add3A_511, %dma_wait3A_517] : memref<80x128xi32, #tpu.memory_space<vmem>> -> memref<1x128xi32, #tpu.memory_space<vmem>>
      %dma_wait3A_519 = tpu.memref_squeeze %dma_wait3A_518 : memref<1x128xi32, #tpu.memory_space<vmem>> -> memref<128xi32, #tpu.memory_space<vmem>>
      %dma_wait3A_520 = arith.constant 0 : i32
      %dma_wait3A_521 = arith.constant 0 : i32
      %dma_wait3A_522 = tpu.memref_slice %arg19[%dma_wait3A_520, %dma_wait3A_521] : memref<10240x16xf32, #tpu.memory_space<vmem_shared>> -> memref<10240x16xf32, #tpu.memory_space<vmem_shared>>
      tpu.wait_indirect_dma semaphore(%arg29 : memref<!tpu.dma_semaphore, #tpu.memory_space<semaphore_mem>>) src(%dma_wait3A_516 : memref<128x16xf32, #tpu.memory_space<vmem>>) dst(%dma_wait3A_522 : memref<10240x16xf32, #tpu.memory_space<vmem_shared>>)
      %add3A_523 = arith.constant 8 : i32
      %add3A_524 = arith.addi %add3A_511, %add3A_523 : i32
      %min3A_525 = arith.constant 79 : i32
      %min3A_526 = arith.minsi %add3A_524, %min3A_525 : i32
      %dma_start3A_527 = arith.constant 1 : i32
      %dma_start3A_528 = arith.constant 0 : i32
      %dma_start3A_529 = arith.constant 0 : i32
      %dma_start3A_530 = tpu.memref_slice %arg12[%dma_start3A_527, %dma_start3A_528, %dma_start3A_529] : memref<8x128x16xf32, #tpu.memory_space<vmem>> -> memref<1x128x16xf32, #tpu.memory_space<vmem>>
      %dma_start3A_531 = tpu.memref_squeeze %dma_start3A_530 : memref<1x128x16xf32, #tpu.memory_space<vmem>> -> memref<128x16xf32, #tpu.memory_space<vmem>>
      %dma_start3A_532 = arith.constant 0 : i32
      %dma_start3A_533 = tpu.memref_slice %arg10[%min3A_526, %dma_start3A_532] : memref<80x128xi32, #tpu.memory_space<vmem>> -> memref<1x128xi32, #tpu.memory_space<vmem>>
      %dma_start3A_534 = tpu.memref_squeeze %dma_start3A_533 : memref<1x128xi32, #tpu.memory_space<vmem>> -> memref<128xi32, #tpu.memory_space<vmem>>
      %dma_start3A_535 = arith.constant 0 : i32
      %dma_start3A_536 = arith.constant 0 : i32
      %dma_start3A_537 = tpu.memref_slice %arg18[%dma_start3A_535, %dma_start3A_536] : memref<10240x16xf32, #tpu.memory_space<vmem_shared>> -> memref<10240x16xf32, #tpu.memory_space<vmem_shared>>
      tpu.enqueue_indirect_dma source(%dma_start3A_537 : memref<10240x16xf32, #tpu.memory_space<vmem_shared>>) target(%dma_start3A_531 : memref<128x16xf32, #tpu.memory_space<vmem>>) offsets(%dma_start3A_534 : memref<128xi32, #tpu.memory_space<vmem>>) semaphore(%arg21 : memref<!tpu.dma_semaphore, #tpu.memory_space<semaphore_mem>>)
      %mul3A_538 = arith.constant 8 : i32
      %mul3A_539 = arith.muli %scan3A_238, %mul3A_538 : i32
      %add3A_540 = arith.constant 2 : i32
      %add3A_541 = arith.addi %mul3A_539, %add3A_540 : i32
      %dma_wait3A_542 = arith.constant 2 : i32
      %dma_wait3A_543 = arith.constant 0 : i32
      %dma_wait3A_544 = arith.constant 0 : i32
      %dma_wait3A_545 = tpu.memref_slice %arg12[%dma_wait3A_542, %dma_wait3A_543, %dma_wait3A_544] : memref<8x128x16xf32, #tpu.memory_space<vmem>> -> memref<1x128x16xf32, #tpu.memory_space<vmem>>
      %dma_wait3A_546 = tpu.memref_squeeze %dma_wait3A_545 : memref<1x128x16xf32, #tpu.memory_space<vmem>> -> memref<128x16xf32, #tpu.memory_space<vmem>>
      %dma_wait3A_547 = arith.constant 0 : i32
      %dma_wait3A_548 = tpu.memref_slice %arg11[%add3A_541, %dma_wait3A_547] : memref<80x128xi32, #tpu.memory_space<vmem>> -> memref<1x128xi32, #tpu.memory_space<vmem>>
      %dma_wait3A_549 = tpu.memref_squeeze %dma_wait3A_548 : memref<1x128xi32, #tpu.memory_space<vmem>> -> memref<128xi32, #tpu.memory_space<vmem>>
      %dma_wait3A_550 = arith.constant 0 : i32
      %dma_wait3A_551 = arith.constant 0 : i32
      %dma_wait3A_552 = tpu.memref_slice %arg19[%dma_wait3A_550, %dma_wait3A_551] : memref<10240x16xf32, #tpu.memory_space<vmem_shared>> -> memref<10240x16xf32, #tpu.memory_space<vmem_shared>>
      tpu.wait_indirect_dma semaphore(%arg30 : memref<!tpu.dma_semaphore, #tpu.memory_space<semaphore_mem>>) src(%dma_wait3A_546 : memref<128x16xf32, #tpu.memory_space<vmem>>) dst(%dma_wait3A_552 : memref<10240x16xf32, #tpu.memory_space<vmem_shared>>)
      %add3A_553 = arith.constant 8 : i32
      %add3A_554 = arith.addi %add3A_541, %add3A_553 : i32
      %min3A_555 = arith.constant 79 : i32
      %min3A_556 = arith.minsi %add3A_554, %min3A_555 : i32
      %dma_start3A_557 = arith.constant 2 : i32
      %dma_start3A_558 = arith.constant 0 : i32
      %dma_start3A_559 = arith.constant 0 : i32
      %dma_start3A_560 = tpu.memref_slice %arg12[%dma_start3A_557, %dma_start3A_558, %dma_start3A_559] : memref<8x128x16xf32, #tpu.memory_space<vmem>> -> memref<1x128x16xf32, #tpu.memory_space<vmem>>
      %dma_start3A_561 = tpu.memref_squeeze %dma_start3A_560 : memref<1x128x16xf32, #tpu.memory_space<vmem>> -> memref<128x16xf32, #tpu.memory_space<vmem>>
      %dma_start3A_562 = arith.constant 0 : i32
      %dma_start3A_563 = tpu.memref_slice %arg10[%min3A_556, %dma_start3A_562] : memref<80x128xi32, #tpu.memory_space<vmem>> -> memref<1x128xi32, #tpu.memory_space<vmem>>
      %dma_start3A_564 = tpu.memref_squeeze %dma_start3A_563 : memref<1x128xi32, #tpu.memory_space<vmem>> -> memref<128xi32, #tpu.memory_space<vmem>>
      %dma_start3A_565 = arith.constant 0 : i32
      %dma_start3A_566 = arith.constant 0 : i32
      %dma_start3A_567 = tpu.memref_slice %arg18[%dma_start3A_565, %dma_start3A_566] : memref<10240x16xf32, #tpu.memory_space<vmem_shared>> -> memref<10240x16xf32, #tpu.memory_space<vmem_shared>>
      tpu.enqueue_indirect_dma source(%dma_start3A_567 : memref<10240x16xf32, #tpu.memory_space<vmem_shared>>) target(%dma_start3A_561 : memref<128x16xf32, #tpu.memory_space<vmem>>) offsets(%dma_start3A_564 : memref<128xi32, #tpu.memory_space<vmem>>) semaphore(%arg22 : memref<!tpu.dma_semaphore, #tpu.memory_space<semaphore_mem>>)
      %mul3A_568 = arith.constant 8 : i32
      %mul3A_569 = arith.muli %scan3A_238, %mul3A_568 : i32
      %add3A_570 = arith.constant 3 : i32
      %add3A_571 = arith.addi %mul3A_569, %add3A_570 : i32
      %dma_wait3A_572 = arith.constant 3 : i32
      %dma_wait3A_573 = arith.constant 0 : i32
      %dma_wait3A_574 = arith.constant 0 : i32
      %dma_wait3A_575 = tpu.memref_slice %arg12[%dma_wait3A_572, %dma_wait3A_573, %dma_wait3A_574] : memref<8x128x16xf32, #tpu.memory_space<vmem>> -> memref<1x128x16xf32, #tpu.memory_space<vmem>>
      %dma_wait3A_576 = tpu.memref_squeeze %dma_wait3A_575 : memref<1x128x16xf32, #tpu.memory_space<vmem>> -> memref<128x16xf32, #tpu.memory_space<vmem>>
      %dma_wait3A_577 = arith.constant 0 : i32
      %dma_wait3A_578 = tpu.memref_slice %arg11[%add3A_571, %dma_wait3A_577] : memref<80x128xi32, #tpu.memory_space<vmem>> -> memref<1x128xi32, #tpu.memory_space<vmem>>
      %dma_wait3A_579 = tpu.memref_squeeze %dma_wait3A_578 : memref<1x128xi32, #tpu.memory_space<vmem>> -> memref<128xi32, #tpu.memory_space<vmem>>
      %dma_wait3A_580 = arith.constant 0 : i32
      %dma_wait3A_581 = arith.constant 0 : i32
      %dma_wait3A_582 = tpu.memref_slice %arg19[%dma_wait3A_580, %dma_wait3A_581] : memref<10240x16xf32, #tpu.memory_space<vmem_shared>> -> memref<10240x16xf32, #tpu.memory_space<vmem_shared>>
      tpu.wait_indirect_dma semaphore(%arg31 : memref<!tpu.dma_semaphore, #tpu.memory_space<semaphore_mem>>) src(%dma_wait3A_576 : memref<128x16xf32, #tpu.memory_space<vmem>>) dst(%dma_wait3A_582 : memref<10240x16xf32, #tpu.memory_space<vmem_shared>>)
      %add3A_583 = arith.constant 8 : i32
      %add3A_584 = arith.addi %add3A_571, %add3A_583 : i32
      %min3A_585 = arith.constant 79 : i32
      %min3A_586 = arith.minsi %add3A_584, %min3A_585 : i32
      %dma_start3A_587 = arith.constant 3 : i32
      %dma_start3A_588 = arith.constant 0 : i32
      %dma_start3A_589 = arith.constant 0 : i32
      %dma_start3A_590 = tpu.memref_slice %arg12[%dma_start3A_587, %dma_start3A_588, %dma_start3A_589] : memref<8x128x16xf32, #tpu.memory_space<vmem>> -> memref<1x128x16xf32, #tpu.memory_space<vmem>>
      %dma_start3A_591 = tpu.memref_squeeze %dma_start3A_590 : memref<1x128x16xf32, #tpu.memory_space<vmem>> -> memref<128x16xf32, #tpu.memory_space<vmem>>
      %dma_start3A_592 = arith.constant 0 : i32
      %dma_start3A_593 = tpu.memref_slice %arg10[%min3A_586, %dma_start3A_592] : memref<80x128xi32, #tpu.memory_space<vmem>> -> memref<1x128xi32, #tpu.memory_space<vmem>>
      %dma_start3A_594 = tpu.memref_squeeze %dma_start3A_593 : memref<1x128xi32, #tpu.memory_space<vmem>> -> memref<128xi32, #tpu.memory_space<vmem>>
      %dma_start3A_595 = arith.constant 0 : i32
      %dma_start3A_596 = arith.constant 0 : i32
      %dma_start3A_597 = tpu.memref_slice %arg18[%dma_start3A_595, %dma_start3A_596] : memref<10240x16xf32, #tpu.memory_space<vmem_shared>> -> memref<10240x16xf32, #tpu.memory_space<vmem_shared>>
      tpu.enqueue_indirect_dma source(%dma_start3A_597 : memref<10240x16xf32, #tpu.memory_space<vmem_shared>>) target(%dma_start3A_591 : memref<128x16xf32, #tpu.memory_space<vmem>>) offsets(%dma_start3A_594 : memref<128xi32, #tpu.memory_space<vmem>>) semaphore(%arg23 : memref<!tpu.dma_semaphore, #tpu.memory_space<semaphore_mem>>)
      %mul3A_598 = arith.constant 8 : i32
      %mul3A_599 = arith.muli %scan3A_238, %mul3A_598 : i32
      %add3A_600 = arith.constant 4 : i32
      %add3A_601 = arith.addi %mul3A_599, %add3A_600 : i32
      %dma_wait3A_602 = arith.constant 4 : i32
      %dma_wait3A_603 = arith.constant 0 : i32
      %dma_wait3A_604 = arith.constant 0 : i32
      %dma_wait3A_605 = tpu.memref_slice %arg12[%dma_wait3A_602, %dma_wait3A_603, %dma_wait3A_604] : memref<8x128x16xf32, #tpu.memory_space<vmem>> -> memref<1x128x16xf32, #tpu.memory_space<vmem>>
      %dma_wait3A_606 = tpu.memref_squeeze %dma_wait3A_605 : memref<1x128x16xf32, #tpu.memory_space<vmem>> -> memref<128x16xf32, #tpu.memory_space<vmem>>
      %dma_wait3A_607 = arith.constant 0 : i32
      %dma_wait3A_608 = tpu.memref_slice %arg11[%add3A_601, %dma_wait3A_607] : memref<80x128xi32, #tpu.memory_space<vmem>> -> memref<1x128xi32, #tpu.memory_space<vmem>>
      %dma_wait3A_609 = tpu.memref_squeeze %dma_wait3A_608 : memref<1x128xi32, #tpu.memory_space<vmem>> -> memref<128xi32, #tpu.memory_space<vmem>>
      %dma_wait3A_610 = arith.constant 0 : i32
      %dma_wait3A_611 = arith.constant 0 : i32
      %dma_wait3A_612 = tpu.memref_slice %arg19[%dma_wait3A_610, %dma_wait3A_611] : memref<10240x16xf32, #tpu.memory_space<vmem_shared>> -> memref<10240x16xf32, #tpu.memory_space<vmem_shared>>
      tpu.wait_indirect_dma semaphore(%arg32 : memref<!tpu.dma_semaphore, #tpu.memory_space<semaphore_mem>>) src(%dma_wait3A_606 : memref<128x16xf32, #tpu.memory_space<vmem>>) dst(%dma_wait3A_612 : memref<10240x16xf32, #tpu.memory_space<vmem_shared>>)
      %add3A_613 = arith.constant 8 : i32
      %add3A_614 = arith.addi %add3A_601, %add3A_613 : i32
      %min3A_615 = arith.constant 79 : i32
      %min3A_616 = arith.minsi %add3A_614, %min3A_615 : i32
      %dma_start3A_617 = arith.constant 4 : i32
      %dma_start3A_618 = arith.constant 0 : i32
      %dma_start3A_619 = arith.constant 0 : i32
      %dma_start3A_620 = tpu.memref_slice %arg12[%dma_start3A_617, %dma_start3A_618, %dma_start3A_619] : memref<8x128x16xf32, #tpu.memory_space<vmem>> -> memref<1x128x16xf32, #tpu.memory_space<vmem>>
      %dma_start3A_621 = tpu.memref_squeeze %dma_start3A_620 : memref<1x128x16xf32, #tpu.memory_space<vmem>> -> memref<128x16xf32, #tpu.memory_space<vmem>>
      %dma_start3A_622 = arith.constant 0 : i32
      %dma_start3A_623 = tpu.memref_slice %arg10[%min3A_616, %dma_start3A_622] : memref<80x128xi32, #tpu.memory_space<vmem>> -> memref<1x128xi32, #tpu.memory_space<vmem>>
      %dma_start3A_624 = tpu.memref_squeeze %dma_start3A_623 : memref<1x128xi32, #tpu.memory_space<vmem>> -> memref<128xi32, #tpu.memory_space<vmem>>
      %dma_start3A_625 = arith.constant 0 : i32
      %dma_start3A_626 = arith.constant 0 : i32
      %dma_start3A_627 = tpu.memref_slice %arg18[%dma_start3A_625, %dma_start3A_626] : memref<10240x16xf32, #tpu.memory_space<vmem_shared>> -> memref<10240x16xf32, #tpu.memory_space<vmem_shared>>
      tpu.enqueue_indirect_dma source(%dma_start3A_627 : memref<10240x16xf32, #tpu.memory_space<vmem_shared>>) target(%dma_start3A_621 : memref<128x16xf32, #tpu.memory_space<vmem>>) offsets(%dma_start3A_624 : memref<128xi32, #tpu.memory_space<vmem>>) semaphore(%arg24 : memref<!tpu.dma_semaphore, #tpu.memory_space<semaphore_mem>>)
      %mul3A_628 = arith.constant 8 : i32
      %mul3A_629 = arith.muli %scan3A_238, %mul3A_628 : i32
      %add3A_630 = arith.constant 5 : i32
      %add3A_631 = arith.addi %mul3A_629, %add3A_630 : i32
      %dma_wait3A_632 = arith.constant 5 : i32
      %dma_wait3A_633 = arith.constant 0 : i32
      %dma_wait3A_634 = arith.constant 0 : i32
      %dma_wait3A_635 = tpu.memref_slice %arg12[%dma_wait3A_632, %dma_wait3A_633, %dma_wait3A_634] : memref<8x128x16xf32, #tpu.memory_space<vmem>> -> memref<1x128x16xf32, #tpu.memory_space<vmem>>
      %dma_wait3A_636 = tpu.memref_squeeze %dma_wait3A_635 : memref<1x128x16xf32, #tpu.memory_space<vmem>> -> memref<128x16xf32, #tpu.memory_space<vmem>>
      %dma_wait3A_637 = arith.constant 0 : i32
      %dma_wait3A_638 = tpu.memref_slice %arg11[%add3A_631, %dma_wait3A_637] : memref<80x128xi32, #tpu.memory_space<vmem>> -> memref<1x128xi32, #tpu.memory_space<vmem>>
      %dma_wait3A_639 = tpu.memref_squeeze %dma_wait3A_638 : memref<1x128xi32, #tpu.memory_space<vmem>> -> memref<128xi32, #tpu.memory_space<vmem>>
      %dma_wait3A_640 = arith.constant 0 : i32
      %dma_wait3A_641 = arith.constant 0 : i32
      %dma_wait3A_642 = tpu.memref_slice %arg19[%dma_wait3A_640, %dma_wait3A_641] : memref<10240x16xf32, #tpu.memory_space<vmem_shared>> -> memref<10240x16xf32, #tpu.memory_space<vmem_shared>>
      tpu.wait_indirect_dma semaphore(%arg33 : memref<!tpu.dma_semaphore, #tpu.memory_space<semaphore_mem>>) src(%dma_wait3A_636 : memref<128x16xf32, #tpu.memory_space<vmem>>) dst(%dma_wait3A_642 : memref<10240x16xf32, #tpu.memory_space<vmem_shared>>)
      %add3A_643 = arith.constant 8 : i32
      %add3A_644 = arith.addi %add3A_631, %add3A_643 : i32
      %min3A_645 = arith.constant 79 : i32
      %min3A_646 = arith.minsi %add3A_644, %min3A_645 : i32
      %dma_start3A_647 = arith.constant 5 : i32
      %dma_start3A_648 = arith.constant 0 : i32
      %dma_start3A_649 = arith.constant 0 : i32
      %dma_start3A_650 = tpu.memref_slice %arg12[%dma_start3A_647, %dma_start3A_648, %dma_start3A_649] : memref<8x128x16xf32, #tpu.memory_space<vmem>> -> memref<1x128x16xf32, #tpu.memory_space<vmem>>
      %dma_start3A_651 = tpu.memref_squeeze %dma_start3A_650 : memref<1x128x16xf32, #tpu.memory_space<vmem>> -> memref<128x16xf32, #tpu.memory_space<vmem>>
      %dma_start3A_652 = arith.constant 0 : i32
      %dma_start3A_653 = tpu.memref_slice %arg10[%min3A_646, %dma_start3A_652] : memref<80x128xi32, #tpu.memory_space<vmem>> -> memref<1x128xi32, #tpu.memory_space<vmem>>
      %dma_start3A_654 = tpu.memref_squeeze %dma_start3A_653 : memref<1x128xi32, #tpu.memory_space<vmem>> -> memref<128xi32, #tpu.memory_space<vmem>>
      %dma_start3A_655 = arith.constant 0 : i32
      %dma_start3A_656 = arith.constant 0 : i32
      %dma_start3A_657 = tpu.memref_slice %arg18[%dma_start3A_655, %dma_start3A_656] : memref<10240x16xf32, #tpu.memory_space<vmem_shared>> -> memref<10240x16xf32, #tpu.memory_space<vmem_shared>>
      tpu.enqueue_indirect_dma source(%dma_start3A_657 : memref<10240x16xf32, #tpu.memory_space<vmem_shared>>) target(%dma_start3A_651 : memref<128x16xf32, #tpu.memory_space<vmem>>) offsets(%dma_start3A_654 : memref<128xi32, #tpu.memory_space<vmem>>) semaphore(%arg25 : memref<!tpu.dma_semaphore, #tpu.memory_space<semaphore_mem>>)
      %mul3A_658 = arith.constant 8 : i32
      %mul3A_659 = arith.muli %scan3A_238, %mul3A_658 : i32
      %add3A_660 = arith.constant 6 : i32
      %add3A_661 = arith.addi %mul3A_659, %add3A_660 : i32
      %dma_wait3A_662 = arith.constant 6 : i32
      %dma_wait3A_663 = arith.constant 0 : i32
      %dma_wait3A_664 = arith.constant 0 : i32
      %dma_wait3A_665 = tpu.memref_slice %arg12[%dma_wait3A_662, %dma_wait3A_663, %dma_wait3A_664] : memref<8x128x16xf32, #tpu.memory_space<vmem>> -> memref<1x128x16xf32, #tpu.memory_space<vmem>>
      %dma_wait3A_666 = tpu.memref_squeeze %dma_wait3A_665 : memref<1x128x16xf32, #tpu.memory_space<vmem>> -> memref<128x16xf32, #tpu.memory_space<vmem>>
      %dma_wait3A_667 = arith.constant 0 : i32
      %dma_wait3A_668 = tpu.memref_slice %arg11[%add3A_661, %dma_wait3A_667] : memref<80x128xi32, #tpu.memory_space<vmem>> -> memref<1x128xi32, #tpu.memory_space<vmem>>
      %dma_wait3A_669 = tpu.memref_squeeze %dma_wait3A_668 : memref<1x128xi32, #tpu.memory_space<vmem>> -> memref<128xi32, #tpu.memory_space<vmem>>
      %dma_wait3A_670 = arith.constant 0 : i32
      %dma_wait3A_671 = arith.constant 0 : i32
      %dma_wait3A_672 = tpu.memref_slice %arg19[%dma_wait3A_670, %dma_wait3A_671] : memref<10240x16xf32, #tpu.memory_space<vmem_shared>> -> memref<10240x16xf32, #tpu.memory_space<vmem_shared>>
      tpu.wait_indirect_dma semaphore(%arg34 : memref<!tpu.dma_semaphore, #tpu.memory_space<semaphore_mem>>) src(%dma_wait3A_666 : memref<128x16xf32, #tpu.memory_space<vmem>>) dst(%dma_wait3A_672 : memref<10240x16xf32, #tpu.memory_space<vmem_shared>>)
      %add3A_673 = arith.constant 8 : i32
      %add3A_674 = arith.addi %add3A_661, %add3A_673 : i32
      %min3A_675 = arith.constant 79 : i32
      %min3A_676 = arith.minsi %add3A_674, %min3A_675 : i32
      %dma_start3A_677 = arith.constant 6 : i32
      %dma_start3A_678 = arith.constant 0 : i32
      %dma_start3A_679 = arith.constant 0 : i32
      %dma_start3A_680 = tpu.memref_slice %arg12[%dma_start3A_677, %dma_start3A_678, %dma_start3A_679] : memref<8x128x16xf32, #tpu.memory_space<vmem>> -> memref<1x128x16xf32, #tpu.memory_space<vmem>>
      %dma_start3A_681 = tpu.memref_squeeze %dma_start3A_680 : memref<1x128x16xf32, #tpu.memory_space<vmem>> -> memref<128x16xf32, #tpu.memory_space<vmem>>
      %dma_start3A_682 = arith.constant 0 : i32
      %dma_start3A_683 = tpu.memref_slice %arg10[%min3A_676, %dma_start3A_682] : memref<80x128xi32, #tpu.memory_space<vmem>> -> memref<1x128xi32, #tpu.memory_space<vmem>>
      %dma_start3A_684 = tpu.memref_squeeze %dma_start3A_683 : memref<1x128xi32, #tpu.memory_space<vmem>> -> memref<128xi32, #tpu.memory_space<vmem>>
      %dma_start3A_685 = arith.constant 0 : i32
      %dma_start3A_686 = arith.constant 0 : i32
      %dma_start3A_687 = tpu.memref_slice %arg18[%dma_start3A_685, %dma_start3A_686] : memref<10240x16xf32, #tpu.memory_space<vmem_shared>> -> memref<10240x16xf32, #tpu.memory_space<vmem_shared>>
      tpu.enqueue_indirect_dma source(%dma_start3A_687 : memref<10240x16xf32, #tpu.memory_space<vmem_shared>>) target(%dma_start3A_681 : memref<128x16xf32, #tpu.memory_space<vmem>>) offsets(%dma_start3A_684 : memref<128xi32, #tpu.memory_space<vmem>>) semaphore(%arg26 : memref<!tpu.dma_semaphore, #tpu.memory_space<semaphore_mem>>)
      %mul3A_688 = arith.constant 8 : i32
      %mul3A_689 = arith.muli %scan3A_238, %mul3A_688 : i32
      %add3A_690 = arith.constant 7 : i32
      %add3A_691 = arith.addi %mul3A_689, %add3A_690 : i32
      %dma_wait3A_692 = arith.constant 7 : i32
      %dma_wait3A_693 = arith.constant 0 : i32
      %dma_wait3A_694 = arith.constant 0 : i32
      %dma_wait3A_695 = tpu.memref_slice %arg12[%dma_wait3A_692, %dma_wait3A_693, %dma_wait3A_694] : memref<8x128x16xf32, #tpu.memory_space<vmem>> -> memref<1x128x16xf32, #tpu.memory_space<vmem>>
      %dma_wait3A_696 = tpu.memref_squeeze %dma_wait3A_695 : memref<1x128x16xf32, #tpu.memory_space<vmem>> -> memref<128x16xf32, #tpu.memory_space<vmem>>
      %dma_wait3A_697 = arith.constant 0 : i32
      %dma_wait3A_698 = tpu.memref_slice %arg11[%add3A_691, %dma_wait3A_697] : memref<80x128xi32, #tpu.memory_space<vmem>> -> memref<1x128xi32, #tpu.memory_space<vmem>>
      %dma_wait3A_699 = tpu.memref_squeeze %dma_wait3A_698 : memref<1x128xi32, #tpu.memory_space<vmem>> -> memref<128xi32, #tpu.memory_space<vmem>>
      %dma_wait3A_700 = arith.constant 0 : i32
      %dma_wait3A_701 = arith.constant 0 : i32
      %dma_wait3A_702 = tpu.memref_slice %arg19[%dma_wait3A_700, %dma_wait3A_701] : memref<10240x16xf32, #tpu.memory_space<vmem_shared>> -> memref<10240x16xf32, #tpu.memory_space<vmem_shared>>
      tpu.wait_indirect_dma semaphore(%arg35 : memref<!tpu.dma_semaphore, #tpu.memory_space<semaphore_mem>>) src(%dma_wait3A_696 : memref<128x16xf32, #tpu.memory_space<vmem>>) dst(%dma_wait3A_702 : memref<10240x16xf32, #tpu.memory_space<vmem_shared>>)
      %add3A_703 = arith.constant 8 : i32
      %add3A_704 = arith.addi %add3A_691, %add3A_703 : i32
      %min3A_705 = arith.constant 79 : i32
      %min3A_706 = arith.minsi %add3A_704, %min3A_705 : i32
      %dma_start3A_707 = arith.constant 7 : i32
      %dma_start3A_708 = arith.constant 0 : i32
      %dma_start3A_709 = arith.constant 0 : i32
      %dma_start3A_710 = tpu.memref_slice %arg12[%dma_start3A_707, %dma_start3A_708, %dma_start3A_709] : memref<8x128x16xf32, #tpu.memory_space<vmem>> -> memref<1x128x16xf32, #tpu.memory_space<vmem>>
      %dma_start3A_711 = tpu.memref_squeeze %dma_start3A_710 : memref<1x128x16xf32, #tpu.memory_space<vmem>> -> memref<128x16xf32, #tpu.memory_space<vmem>>
      %dma_start3A_712 = arith.constant 0 : i32
      %dma_start3A_713 = tpu.memref_slice %arg10[%min3A_706, %dma_start3A_712] : memref<80x128xi32, #tpu.memory_space<vmem>> -> memref<1x128xi32, #tpu.memory_space<vmem>>
      %dma_start3A_714 = tpu.memref_squeeze %dma_start3A_713 : memref<1x128xi32, #tpu.memory_space<vmem>> -> memref<128xi32, #tpu.memory_space<vmem>>
      %dma_start3A_715 = arith.constant 0 : i32
      %dma_start3A_716 = arith.constant 0 : i32
      %dma_start3A_717 = tpu.memref_slice %arg18[%dma_start3A_715, %dma_start3A_716] : memref<10240x16xf32, #tpu.memory_space<vmem_shared>> -> memref<10240x16xf32, #tpu.memory_space<vmem_shared>>
      tpu.enqueue_indirect_dma source(%dma_start3A_717 : memref<10240x16xf32, #tpu.memory_space<vmem_shared>>) target(%dma_start3A_711 : memref<128x16xf32, #tpu.memory_space<vmem>>) offsets(%dma_start3A_714 : memref<128xi32, #tpu.memory_space<vmem>>) semaphore(%arg27 : memref<!tpu.dma_semaphore, #tpu.memory_space<semaphore_mem>>)
    }
    %scan3A_114 = arith.constant 10 : i32
    %dma_wait3A = arith.constant 0 : i32
    %dma_wait3A_115 = arith.constant 0 : i32
    %dma_wait3A_116 = arith.constant 0 : i32
    %dma_wait3A_117 = tpu.memref_slice %arg12[%dma_wait3A, %dma_wait3A_115, %dma_wait3A_116] : memref<8x128x16xf32, #tpu.memory_space<vmem>> -> memref<1x128x16xf32, #tpu.memory_space<vmem>>
    %dma_wait3A_118 = tpu.memref_squeeze %dma_wait3A_117 : memref<1x128x16xf32, #tpu.memory_space<vmem>> -> memref<128x16xf32, #tpu.memory_space<vmem>>
    %dma_wait3A_119 = arith.constant 0 : i32
    %dma_wait3A_120 = arith.constant 0 : i32
    %dma_wait3A_121 = tpu.memref_slice %arg4[%dma_wait3A_119, %dma_wait3A_120] : memref<10240x16xf32, #tpu.memory_space<hbm>> -> memref<128x16xf32, #tpu.memory_space<hbm>>
    %dma_wait3A_122 = arith.constant 0 : i32
    %dma_wait3A_123 = arith.constant 0 : i32
    %dma_wait3A_124 = tpu.memref_slice %arg12[%dma_wait3A, %dma_wait3A_122, %dma_wait3A_123] : memref<8x128x16xf32, #tpu.memory_space<vmem>> -> memref<1x128x16xf32, #tpu.memory_space<vmem>>
    %dma_wait3A_125 = tpu.memref_squeeze %dma_wait3A_124 : memref<1x128x16xf32, #tpu.memory_space<vmem>> -> memref<128x16xf32, #tpu.memory_space<vmem>>
    %dma_wait3A_126 = arith.constant 0 : i32
    %dma_wait3A_127 = arith.constant 0 : i32
    %dma_wait3A_128 = tpu.memref_slice %arg4[%dma_wait3A_126, %dma_wait3A_127] : memref<10240x16xf32, #tpu.memory_space<hbm>> -> memref<128x16xf32, #tpu.memory_space<hbm>>
    tpu.wait_dma2 semaphore(%arg20 : memref<!tpu.dma_semaphore, #tpu.memory_space<semaphore_mem>>) src(%dma_wait3A_128 : memref<128x16xf32, #tpu.memory_space<hbm>>) dst(%dma_wait3A_125 : memref<128x16xf32, #tpu.memory_space<vmem>>)
    %dma_wait3A_129 = arith.constant 1 : i32
    %dma_wait3A_130 = arith.constant 0 : i32
    %dma_wait3A_131 = arith.constant 0 : i32
    %dma_wait3A_132 = tpu.memref_slice %arg12[%dma_wait3A_129, %dma_wait3A_130, %dma_wait3A_131] : memref<8x128x16xf32, #tpu.memory_space<vmem>> -> memref<1x128x16xf32, #tpu.memory_space<vmem>>
    %dma_wait3A_133 = tpu.memref_squeeze %dma_wait3A_132 : memref<1x128x16xf32, #tpu.memory_space<vmem>> -> memref<128x16xf32, #tpu.memory_space<vmem>>
    %dma_wait3A_134 = arith.constant 0 : i32
    %dma_wait3A_135 = arith.constant 0 : i32
    %dma_wait3A_136 = tpu.memref_slice %arg4[%dma_wait3A_134, %dma_wait3A_135] : memref<10240x16xf32, #tpu.memory_space<hbm>> -> memref<128x16xf32, #tpu.memory_space<hbm>>
    %dma_wait3A_137 = arith.constant 0 : i32
    %dma_wait3A_138 = arith.constant 0 : i32
    %dma_wait3A_139 = tpu.memref_slice %arg12[%dma_wait3A_129, %dma_wait3A_137, %dma_wait3A_138] : memref<8x128x16xf32, #tpu.memory_space<vmem>> -> memref<1x128x16xf32, #tpu.memory_space<vmem>>
    %dma_wait3A_140 = tpu.memref_squeeze %dma_wait3A_139 : memref<1x128x16xf32, #tpu.memory_space<vmem>> -> memref<128x16xf32, #tpu.memory_space<vmem>>
    %dma_wait3A_141 = arith.constant 0 : i32
    %dma_wait3A_142 = arith.constant 0 : i32
    %dma_wait3A_143 = tpu.memref_slice %arg4[%dma_wait3A_141, %dma_wait3A_142] : memref<10240x16xf32, #tpu.memory_space<hbm>> -> memref<128x16xf32, #tpu.memory_space<hbm>>
    tpu.wait_dma2 semaphore(%arg21 : memref<!tpu.dma_semaphore, #tpu.memory_space<semaphore_mem>>) src(%dma_wait3A_143 : memref<128x16xf32, #tpu.memory_space<hbm>>) dst(%dma_wait3A_140 : memref<128x16xf32, #tpu.memory_space<vmem>>)
    %dma_wait3A_144 = arith.constant 2 : i32
    %dma_wait3A_145 = arith.constant 0 : i32
    %dma_wait3A_146 = arith.constant 0 : i32
    %dma_wait3A_147 = tpu.memref_slice %arg12[%dma_wait3A_144, %dma_wait3A_145, %dma_wait3A_146] : memref<8x128x16xf32, #tpu.memory_space<vmem>> -> memref<1x128x16xf32, #tpu.memory_space<vmem>>
    %dma_wait3A_148 = tpu.memref_squeeze %dma_wait3A_147 : memref<1x128x16xf32, #tpu.memory_space<vmem>> -> memref<128x16xf32, #tpu.memory_space<vmem>>
    %dma_wait3A_149 = arith.constant 0 : i32
    %dma_wait3A_150 = arith.constant 0 : i32
    %dma_wait3A_151 = tpu.memref_slice %arg4[%dma_wait3A_149, %dma_wait3A_150] : memref<10240x16xf32, #tpu.memory_space<hbm>> -> memref<128x16xf32, #tpu.memory_space<hbm>>
    %dma_wait3A_152 = arith.constant 0 : i32
    %dma_wait3A_153 = arith.constant 0 : i32
    %dma_wait3A_154 = tpu.memref_slice %arg12[%dma_wait3A_144, %dma_wait3A_152, %dma_wait3A_153] : memref<8x128x16xf32, #tpu.memory_space<vmem>> -> memref<1x128x16xf32, #tpu.memory_space<vmem>>
    %dma_wait3A_155 = tpu.memref_squeeze %dma_wait3A_154 : memref<1x128x16xf32, #tpu.memory_space<vmem>> -> memref<128x16xf32, #tpu.memory_space<vmem>>
    %dma_wait3A_156 = arith.constant 0 : i32
    %dma_wait3A_157 = arith.constant 0 : i32
    %dma_wait3A_158 = tpu.memref_slice %arg4[%dma_wait3A_156, %dma_wait3A_157] : memref<10240x16xf32, #tpu.memory_space<hbm>> -> memref<128x16xf32, #tpu.memory_space<hbm>>
    tpu.wait_dma2 semaphore(%arg22 : memref<!tpu.dma_semaphore, #tpu.memory_space<semaphore_mem>>) src(%dma_wait3A_158 : memref<128x16xf32, #tpu.memory_space<hbm>>) dst(%dma_wait3A_155 : memref<128x16xf32, #tpu.memory_space<vmem>>)
    %dma_wait3A_159 = arith.constant 3 : i32
    %dma_wait3A_160 = arith.constant 0 : i32
    %dma_wait3A_161 = arith.constant 0 : i32
    %dma_wait3A_162 = tpu.memref_slice %arg12[%dma_wait3A_159, %dma_wait3A_160, %dma_wait3A_161] : memref<8x128x16xf32, #tpu.memory_space<vmem>> -> memref<1x128x16xf32, #tpu.memory_space<vmem>>
    %dma_wait3A_163 = tpu.memref_squeeze %dma_wait3A_162 : memref<1x128x16xf32, #tpu.memory_space<vmem>> -> memref<128x16xf32, #tpu.memory_space<vmem>>
    %dma_wait3A_164 = arith.constant 0 : i32
    %dma_wait3A_165 = arith.constant 0 : i32
    %dma_wait3A_166 = tpu.memref_slice %arg4[%dma_wait3A_164, %dma_wait3A_165] : memref<10240x16xf32, #tpu.memory_space<hbm>> -> memref<128x16xf32, #tpu.memory_space<hbm>>
    %dma_wait3A_167 = arith.constant 0 : i32
    %dma_wait3A_168 = arith.constant 0 : i32
    %dma_wait3A_169 = tpu.memref_slice %arg12[%dma_wait3A_159, %dma_wait3A_167, %dma_wait3A_168] : memref<8x128x16xf32, #tpu.memory_space<vmem>> -> memref<1x128x16xf32, #tpu.memory_space<vmem>>
    %dma_wait3A_170 = tpu.memref_squeeze %dma_wait3A_169 : memref<1x128x16xf32, #tpu.memory_space<vmem>> -> memref<128x16xf32, #tpu.memory_space<vmem>>
    %dma_wait3A_171 = arith.constant 0 : i32
    %dma_wait3A_172 = arith.constant 0 : i32
    %dma_wait3A_173 = tpu.memref_slice %arg4[%dma_wait3A_171, %dma_wait3A_172] : memref<10240x16xf32, #tpu.memory_space<hbm>> -> memref<128x16xf32, #tpu.memory_space<hbm>>
    tpu.wait_dma2 semaphore(%arg23 : memref<!tpu.dma_semaphore, #tpu.memory_space<semaphore_mem>>) src(%dma_wait3A_173 : memref<128x16xf32, #tpu.memory_space<hbm>>) dst(%dma_wait3A_170 : memref<128x16xf32, #tpu.memory_space<vmem>>)
    %dma_wait3A_174 = arith.constant 4 : i32
    %dma_wait3A_175 = arith.constant 0 : i32
    %dma_wait3A_176 = arith.constant 0 : i32
    %dma_wait3A_177 = tpu.memref_slice %arg12[%dma_wait3A_174, %dma_wait3A_175, %dma_wait3A_176] : memref<8x128x16xf32, #tpu.memory_space<vmem>> -> memref<1x128x16xf32, #tpu.memory_space<vmem>>
    %dma_wait3A_178 = tpu.memref_squeeze %dma_wait3A_177 : memref<1x128x16xf32, #tpu.memory_space<vmem>> -> memref<128x16xf32, #tpu.memory_space<vmem>>
    %dma_wait3A_179 = arith.constant 0 : i32
    %dma_wait3A_180 = arith.constant 0 : i32
    %dma_wait3A_181 = tpu.memref_slice %arg4[%dma_wait3A_179, %dma_wait3A_180] : memref<10240x16xf32, #tpu.memory_space<hbm>> -> memref<128x16xf32, #tpu.memory_space<hbm>>
    %dma_wait3A_182 = arith.constant 0 : i32
    %dma_wait3A_183 = arith.constant 0 : i32
    %dma_wait3A_184 = tpu.memref_slice %arg12[%dma_wait3A_174, %dma_wait3A_182, %dma_wait3A_183] : memref<8x128x16xf32, #tpu.memory_space<vmem>> -> memref<1x128x16xf32, #tpu.memory_space<vmem>>
    %dma_wait3A_185 = tpu.memref_squeeze %dma_wait3A_184 : memref<1x128x16xf32, #tpu.memory_space<vmem>> -> memref<128x16xf32, #tpu.memory_space<vmem>>
    %dma_wait3A_186 = arith.constant 0 : i32
    %dma_wait3A_187 = arith.constant 0 : i32
    %dma_wait3A_188 = tpu.memref_slice %arg4[%dma_wait3A_186, %dma_wait3A_187] : memref<10240x16xf32, #tpu.memory_space<hbm>> -> memref<128x16xf32, #tpu.memory_space<hbm>>
    tpu.wait_dma2 semaphore(%arg24 : memref<!tpu.dma_semaphore, #tpu.memory_space<semaphore_mem>>) src(%dma_wait3A_188 : memref<128x16xf32, #tpu.memory_space<hbm>>) dst(%dma_wait3A_185 : memref<128x16xf32, #tpu.memory_space<vmem>>)
    %dma_wait3A_189 = arith.constant 5 : i32
    %dma_wait3A_190 = arith.constant 0 : i32
    %dma_wait3A_191 = arith.constant 0 : i32
    %dma_wait3A_192 = tpu.memref_slice %arg12[%dma_wait3A_189, %dma_wait3A_190, %dma_wait3A_191] : memref<8x128x16xf32, #tpu.memory_space<vmem>> -> memref<1x128x16xf32, #tpu.memory_space<vmem>>
    %dma_wait3A_193 = tpu.memref_squeeze %dma_wait3A_192 : memref<1x128x16xf32, #tpu.memory_space<vmem>> -> memref<128x16xf32, #tpu.memory_space<vmem>>
    %dma_wait3A_194 = arith.constant 0 : i32
    %dma_wait3A_195 = arith.constant 0 : i32
    %dma_wait3A_196 = tpu.memref_slice %arg4[%dma_wait3A_194, %dma_wait3A_195] : memref<10240x16xf32, #tpu.memory_space<hbm>> -> memref<128x16xf32, #tpu.memory_space<hbm>>
    %dma_wait3A_197 = arith.constant 0 : i32
    %dma_wait3A_198 = arith.constant 0 : i32
    %dma_wait3A_199 = tpu.memref_slice %arg12[%dma_wait3A_189, %dma_wait3A_197, %dma_wait3A_198] : memref<8x128x16xf32, #tpu.memory_space<vmem>> -> memref<1x128x16xf32, #tpu.memory_space<vmem>>
    %dma_wait3A_200 = tpu.memref_squeeze %dma_wait3A_199 : memref<1x128x16xf32, #tpu.memory_space<vmem>> -> memref<128x16xf32, #tpu.memory_space<vmem>>
    %dma_wait3A_201 = arith.constant 0 : i32
    %dma_wait3A_202 = arith.constant 0 : i32
    %dma_wait3A_203 = tpu.memref_slice %arg4[%dma_wait3A_201, %dma_wait3A_202] : memref<10240x16xf32, #tpu.memory_space<hbm>> -> memref<128x16xf32, #tpu.memory_space<hbm>>
    tpu.wait_dma2 semaphore(%arg25 : memref<!tpu.dma_semaphore, #tpu.memory_space<semaphore_mem>>) src(%dma_wait3A_203 : memref<128x16xf32, #tpu.memory_space<hbm>>) dst(%dma_wait3A_200 : memref<128x16xf32, #tpu.memory_space<vmem>>)
    %dma_wait3A_204 = arith.constant 6 : i32
    %dma_wait3A_205 = arith.constant 0 : i32
    %dma_wait3A_206 = arith.constant 0 : i32
    %dma_wait3A_207 = tpu.memref_slice %arg12[%dma_wait3A_204, %dma_wait3A_205, %dma_wait3A_206] : memref<8x128x16xf32, #tpu.memory_space<vmem>> -> memref<1x128x16xf32, #tpu.memory_space<vmem>>
    %dma_wait3A_208 = tpu.memref_squeeze %dma_wait3A_207 : memref<1x128x16xf32, #tpu.memory_space<vmem>> -> memref<128x16xf32, #tpu.memory_space<vmem>>
    %dma_wait3A_209 = arith.constant 0 : i32
    %dma_wait3A_210 = arith.constant 0 : i32
    %dma_wait3A_211 = tpu.memref_slice %arg4[%dma_wait3A_209, %dma_wait3A_210] : memref<10240x16xf32, #tpu.memory_space<hbm>> -> memref<128x16xf32, #tpu.memory_space<hbm>>
    %dma_wait3A_212 = arith.constant 0 : i32
    %dma_wait3A_213 = arith.constant 0 : i32
    %dma_wait3A_214 = tpu.memref_slice %arg12[%dma_wait3A_204, %dma_wait3A_212, %dma_wait3A_213] : memref<8x128x16xf32, #tpu.memory_space<vmem>> -> memref<1x128x16xf32, #tpu.memory_space<vmem>>
    %dma_wait3A_215 = tpu.memref_squeeze %dma_wait3A_214 : memref<1x128x16xf32, #tpu.memory_space<vmem>> -> memref<128x16xf32, #tpu.memory_space<vmem>>
    %dma_wait3A_216 = arith.constant 0 : i32
    %dma_wait3A_217 = arith.constant 0 : i32
    %dma_wait3A_218 = tpu.memref_slice %arg4[%dma_wait3A_216, %dma_wait3A_217] : memref<10240x16xf32, #tpu.memory_space<hbm>> -> memref<128x16xf32, #tpu.memory_space<hbm>>
    tpu.wait_dma2 semaphore(%arg26 : memref<!tpu.dma_semaphore, #tpu.memory_space<semaphore_mem>>) src(%dma_wait3A_218 : memref<128x16xf32, #tpu.memory_space<hbm>>) dst(%dma_wait3A_215 : memref<128x16xf32, #tpu.memory_space<vmem>>)
    %dma_wait3A_219 = arith.constant 7 : i32
    %dma_wait3A_220 = arith.constant 0 : i32
    %dma_wait3A_221 = arith.constant 0 : i32
    %dma_wait3A_222 = tpu.memref_slice %arg12[%dma_wait3A_219, %dma_wait3A_220, %dma_wait3A_221] : memref<8x128x16xf32, #tpu.memory_space<vmem>> -> memref<1x128x16xf32, #tpu.memory_space<vmem>>
    %dma_wait3A_223 = tpu.memref_squeeze %dma_wait3A_222 : memref<1x128x16xf32, #tpu.memory_space<vmem>> -> memref<128x16xf32, #tpu.memory_space<vmem>>
    %dma_wait3A_224 = arith.constant 0 : i32
    %dma_wait3A_225 = arith.constant 0 : i32
    %dma_wait3A_226 = tpu.memref_slice %arg4[%dma_wait3A_224, %dma_wait3A_225] : memref<10240x16xf32, #tpu.memory_space<hbm>> -> memref<128x16xf32, #tpu.memory_space<hbm>>
    %dma_wait3A_227 = arith.constant 0 : i32
    %dma_wait3A_228 = arith.constant 0 : i32
    %dma_wait3A_229 = tpu.memref_slice %arg12[%dma_wait3A_219, %dma_wait3A_227, %dma_wait3A_228] : memref<8x128x16xf32, #tpu.memory_space<vmem>> -> memref<1x128x16xf32, #tpu.memory_space<vmem>>
    %dma_wait3A_230 = tpu.memref_squeeze %dma_wait3A_229 : memref<1x128x16xf32, #tpu.memory_space<vmem>> -> memref<128x16xf32, #tpu.memory_space<vmem>>
    %dma_wait3A_231 = arith.constant 0 : i32
    %dma_wait3A_232 = arith.constant 0 : i32
    %dma_wait3A_233 = tpu.memref_slice %arg4[%dma_wait3A_231, %dma_wait3A_232] : memref<10240x16xf32, #tpu.memory_space<hbm>> -> memref<128x16xf32, #tpu.memory_space<hbm>>
    tpu.wait_dma2 semaphore(%arg27 : memref<!tpu.dma_semaphore, #tpu.memory_space<semaphore_mem>>) src(%dma_wait3A_233 : memref<128x16xf32, #tpu.memory_space<hbm>>) dst(%dma_wait3A_230 : memref<128x16xf32, #tpu.memory_space<vmem>>)
    %barrier3A_234 = arith.constant 0 : index
    tpu.barrier barrier_id(%barrier3A_234)
    %mul3A_235 = arith.constant 10240 : i32
    %mul3A_236 = arith.muli %arg0, %mul3A_235 : i32
    %add3A_237 = arith.addi %mul3A_236, %mul3A_2 : i32
    "tpu.region"() ({
      %run_scoped3A = tpu.sem_alloc : memref<!tpu.dma_semaphore, #tpu.memory_space<semaphore_mem>>
      %dma_start3A_238 = arith.constant 0 : i32
      %dma_start3A_239 = tpu.memref_slice %arg8[%add3A_237, %dma_start3A_238] : memref<20480x16xf32, #tpu.memory_space<hbm>> -> memref<640x16xf32, #tpu.memory_space<hbm>>
      %dma_start3A_240 = arith.constant 0 : i32
      %dma_start3A_241 = tpu.memref_slice %arg19[%mul3A_2, %dma_start3A_240] : memref<10240x16xf32, #tpu.memory_space<vmem_shared>> -> memref<640x16xf32, #tpu.memory_space<vmem_shared>>
      tpu.enqueue_dma source(%dma_start3A_241 : memref<640x16xf32, #tpu.memory_space<vmem_shared>>) target(%dma_start3A_239 : memref<640x16xf32, #tpu.memory_space<hbm>>) target_semaphore(%run_scoped3A : memref<!tpu.dma_semaphore, #tpu.memory_space<semaphore_mem>>)
      %dma_wait3A_242 = arith.constant 0 : i32
      %dma_wait3A_243 = tpu.memref_slice %arg8[%add3A_237, %dma_wait3A_242] : memref<20480x16xf32, #tpu.memory_space<hbm>> -> memref<640x16xf32, #tpu.memory_space<hbm>>
      %dma_wait3A_244 = arith.constant 0 : i32
      %dma_wait3A_245 = tpu.memref_slice %arg19[%mul3A_2, %dma_wait3A_244] : memref<10240x16xf32, #tpu.memory_space<vmem_shared>> -> memref<640x16xf32, #tpu.memory_space<vmem_shared>>
      tpu.wait_dma2 semaphore(%run_scoped3A : memref<!tpu.dma_semaphore, #tpu.memory_space<semaphore_mem>>) src(%dma_wait3A_245 : memref<640x16xf32, #tpu.memory_space<vmem_shared>>) dst(%dma_wait3A_243 : memref<640x16xf32, #tpu.memory_space<hbm>>)
      tpu.yield
    }) : () -> ()
    return
  }
}

#map = affine_map<(d0, d1) -> (0, 0)>
#map1 = affine_map<(d0, d1) -> (0, 0, 0)>
#map2 = affine_map<(d0, d1) -> (0)>
module attributes {stable_mosaic.version = 14 : i64} {
  func.func @_agg_a_body(%arg0: i32, %arg1: i32, %arg2: memref<10000x16xf32, #tpu.memory_space<hbm>>, %arg3: memref<32x80x128xi32, #tpu.memory_space<hbm>>, %arg4: memref<32x80x128xi32, #tpu.memory_space<hbm>>, %arg5: memref<10240x16xf32, #tpu.memory_space<hbm>>, %arg6: memref<20480x16xf32, #tpu.memory_space<hbm>>, %arg7: memref<20480xf32, #tpu.memory_space<hbm>>, %arg8: memref<80x128xi32, #tpu.memory_space<vmem>>, %arg9: memref<80x128xi32, #tpu.memory_space<vmem>>, %arg10: memref<128xf32, #tpu.memory_space<vmem>>, %arg11: memref<640xf32, #tpu.memory_space<vmem>>, %arg12: memref<8x128x16xf32, #tpu.memory_space<vmem>>, %arg13: memref<10000x16xf32, #tpu.memory_space<vmem_shared>>, %arg14: memref<10240x16xf32, #tpu.memory_space<vmem_shared>>, %arg15: memref<10240xf32, #tpu.memory_space<vmem_shared>>, %arg16: memref<!tpu.dma_semaphore, #tpu.memory_space<semaphore_mem>>, %arg17: memref<!tpu.dma_semaphore, #tpu.memory_space<semaphore_mem>>, %arg18: memref<!tpu.dma_semaphore, #tpu.memory_space<semaphore_mem>>, %arg19: memref<!tpu.dma_semaphore, #tpu.memory_space<semaphore_mem>>, %arg20: memref<!tpu.dma_semaphore, #tpu.memory_space<semaphore_mem>>, %arg21: memref<!tpu.dma_semaphore, #tpu.memory_space<semaphore_mem>>, %arg22: memref<!tpu.dma_semaphore, #tpu.memory_space<semaphore_mem>>, %arg23: memref<!tpu.dma_semaphore, #tpu.memory_space<semaphore_mem>>, %arg24: memref<!tpu.dma_semaphore, #tpu.memory_space<semaphore_mem>>, %arg25: memref<!tpu.dma_semaphore, #tpu.memory_space<semaphore_mem>>, %arg26: memref<!tpu.dma_semaphore, #tpu.memory_space<semaphore_mem>>, %arg27: memref<!tpu.dma_semaphore, #tpu.memory_space<semaphore_mem>>, %arg28: memref<!tpu.dma_semaphore, #tpu.memory_space<semaphore_mem>>, %arg29: memref<!tpu.dma_semaphore, #tpu.memory_space<semaphore_mem>>, %arg30: memref<!tpu.dma_semaphore, #tpu.memory_space<semaphore_mem>>, %arg31: memref<!tpu.dma_semaphore, #tpu.memory_space<semaphore_mem>>, %arg32: memref<!tpu.dma_semaphore, #tpu.memory_space<semaphore_mem>>, %arg33: memref<!tpu.dma_semaphore, #tpu.memory_space<semaphore_mem>>, %arg34: memref<!tpu.dma_semaphore, #tpu.memory_space<semaphore_mem>>, %arg35: memref<!tpu.dma_semaphore, #tpu.memory_space<semaphore_mem>>, %arg36: memref<!tpu.dma_semaphore, #tpu.memory_space<semaphore_mem>>, %arg37: memref<!tpu.dma_semaphore, #tpu.memory_space<semaphore_mem>>, %arg38: memref<!tpu.dma_semaphore, #tpu.memory_space<semaphore_mem>>, %arg39: memref<!tpu.dma_semaphore, #tpu.memory_space<semaphore_mem>>) attributes {dimension_semantics = [#tpu.dimension_semantics<core_parallel>, #tpu.dimension_semantics<subcore_parallel>], iteration_bounds = array<i64: 2, 16>, scalar_prefetch = 0 : i64, scratch_operands = 32 : i64, tpu.core_type = #tpu.core_type<sc_vector_subcore>, window_params = [{transform_indices = #map}, {transform_indices = #map1}, {transform_indices = #map1}, {transform_indices = #map}, {transform_indices = #map}, {transform_indices = #map2}]} {
    %mul3A = arith.constant 16 : i32
    %mul3A_0 = arith.muli %arg0, %mul3A : i32
    %add3A = arith.addi %mul3A_0, %arg1 : i32
    "tpu.region"() ({
      %run_scoped3A = tpu.sem_alloc : memref<!tpu.dma_semaphore, #tpu.memory_space<semaphore_mem>>
      %dma_start3A_254 = arith.constant 0 : i32
      %dma_start3A_255 = arith.constant 0 : i32
      %dma_start3A_256 = tpu.memref_slice %arg3[%add3A, %dma_start3A_254, %dma_start3A_255] : memref<32x80x128xi32, #tpu.memory_space<hbm>> -> memref<1x80x128xi32, #tpu.memory_space<hbm>>
      %dma_start3A_257 = tpu.memref_squeeze %dma_start3A_256 : memref<1x80x128xi32, #tpu.memory_space<hbm>> -> memref<80x128xi32, #tpu.memory_space<hbm>>
      %dma_start3A_258 = arith.constant 0 : i32
      %dma_start3A_259 = arith.constant 0 : i32
      %dma_start3A_260 = tpu.memref_slice %arg3[%add3A, %dma_start3A_258, %dma_start3A_259] : memref<32x80x128xi32, #tpu.memory_space<hbm>> -> memref<1x80x128xi32, #tpu.memory_space<hbm>>
      %dma_start3A_261 = tpu.memref_squeeze %dma_start3A_260 : memref<1x80x128xi32, #tpu.memory_space<hbm>> -> memref<80x128xi32, #tpu.memory_space<hbm>>
      tpu.enqueue_dma source(%dma_start3A_261 : memref<80x128xi32, #tpu.memory_space<hbm>>) target(%arg8 : memref<80x128xi32, #tpu.memory_space<vmem>>) target_semaphore(%run_scoped3A : memref<!tpu.dma_semaphore, #tpu.memory_space<semaphore_mem>>)
      %dma_wait3A_262 = arith.constant 0 : i32
      %dma_wait3A_263 = arith.constant 0 : i32
      %dma_wait3A_264 = tpu.memref_slice %arg3[%add3A, %dma_wait3A_262, %dma_wait3A_263] : memref<32x80x128xi32, #tpu.memory_space<hbm>> -> memref<1x80x128xi32, #tpu.memory_space<hbm>>
      %dma_wait3A_265 = tpu.memref_squeeze %dma_wait3A_264 : memref<1x80x128xi32, #tpu.memory_space<hbm>> -> memref<80x128xi32, #tpu.memory_space<hbm>>
      %dma_wait3A_266 = arith.constant 0 : i32
      %dma_wait3A_267 = arith.constant 0 : i32
      %dma_wait3A_268 = tpu.memref_slice %arg3[%add3A, %dma_wait3A_266, %dma_wait3A_267] : memref<32x80x128xi32, #tpu.memory_space<hbm>> -> memref<1x80x128xi32, #tpu.memory_space<hbm>>
      %dma_wait3A_269 = tpu.memref_squeeze %dma_wait3A_268 : memref<1x80x128xi32, #tpu.memory_space<hbm>> -> memref<80x128xi32, #tpu.memory_space<hbm>>
      tpu.wait_dma2 semaphore(%run_scoped3A : memref<!tpu.dma_semaphore, #tpu.memory_space<semaphore_mem>>) src(%dma_wait3A_269 : memref<80x128xi32, #tpu.memory_space<hbm>>) dst(%arg8 : memref<80x128xi32, #tpu.memory_space<vmem>>)
      tpu.yield
    }) : () -> ()
    "tpu.region"() ({
      %run_scoped3A = tpu.sem_alloc : memref<!tpu.dma_semaphore, #tpu.memory_space<semaphore_mem>>
      %dma_start3A_254 = arith.constant 0 : i32
      %dma_start3A_255 = arith.constant 0 : i32
      %dma_start3A_256 = tpu.memref_slice %arg4[%add3A, %dma_start3A_254, %dma_start3A_255] : memref<32x80x128xi32, #tpu.memory_space<hbm>> -> memref<1x80x128xi32, #tpu.memory_space<hbm>>
      %dma_start3A_257 = tpu.memref_squeeze %dma_start3A_256 : memref<1x80x128xi32, #tpu.memory_space<hbm>> -> memref<80x128xi32, #tpu.memory_space<hbm>>
      %dma_start3A_258 = arith.constant 0 : i32
      %dma_start3A_259 = arith.constant 0 : i32
      %dma_start3A_260 = tpu.memref_slice %arg4[%add3A, %dma_start3A_258, %dma_start3A_259] : memref<32x80x128xi32, #tpu.memory_space<hbm>> -> memref<1x80x128xi32, #tpu.memory_space<hbm>>
      %dma_start3A_261 = tpu.memref_squeeze %dma_start3A_260 : memref<1x80x128xi32, #tpu.memory_space<hbm>> -> memref<80x128xi32, #tpu.memory_space<hbm>>
      tpu.enqueue_dma source(%dma_start3A_261 : memref<80x128xi32, #tpu.memory_space<hbm>>) target(%arg9 : memref<80x128xi32, #tpu.memory_space<vmem>>) target_semaphore(%run_scoped3A : memref<!tpu.dma_semaphore, #tpu.memory_space<semaphore_mem>>)
      %dma_wait3A_262 = arith.constant 0 : i32
      %dma_wait3A_263 = arith.constant 0 : i32
      %dma_wait3A_264 = tpu.memref_slice %arg4[%add3A, %dma_wait3A_262, %dma_wait3A_263] : memref<32x80x128xi32, #tpu.memory_space<hbm>> -> memref<1x80x128xi32, #tpu.memory_space<hbm>>
      %dma_wait3A_265 = tpu.memref_squeeze %dma_wait3A_264 : memref<1x80x128xi32, #tpu.memory_space<hbm>> -> memref<80x128xi32, #tpu.memory_space<hbm>>
      %dma_wait3A_266 = arith.constant 0 : i32
      %dma_wait3A_267 = arith.constant 0 : i32
      %dma_wait3A_268 = tpu.memref_slice %arg4[%add3A, %dma_wait3A_266, %dma_wait3A_267] : memref<32x80x128xi32, #tpu.memory_space<hbm>> -> memref<1x80x128xi32, #tpu.memory_space<hbm>>
      %dma_wait3A_269 = tpu.memref_squeeze %dma_wait3A_268 : memref<1x80x128xi32, #tpu.memory_space<hbm>> -> memref<80x128xi32, #tpu.memory_space<hbm>>
      tpu.wait_dma2 semaphore(%run_scoped3A : memref<!tpu.dma_semaphore, #tpu.memory_space<semaphore_mem>>) src(%dma_wait3A_269 : memref<80x128xi32, #tpu.memory_space<hbm>>) dst(%arg9 : memref<80x128xi32, #tpu.memory_space<vmem>>)
      tpu.yield
    }) : () -> ()
    %mul3A_1 = arith.constant 625 : i32
    %mul3A_2 = arith.muli %arg1, %mul3A_1 : i32
    %mul3A_3 = arith.constant 625 : i32
    %mul3A_4 = arith.muli %arg1, %mul3A_3 : i32
    "tpu.region"() ({
      %run_scoped3A = tpu.sem_alloc : memref<!tpu.dma_semaphore, #tpu.memory_space<semaphore_mem>>
      %dma_start3A_254 = arith.constant 0 : i32
      %dma_start3A_255 = tpu.memref_slice %arg13[%mul3A_4, %dma_start3A_254] : memref<10000x16xf32, #tpu.memory_space<vmem_shared>> -> memref<625x16xf32, #tpu.memory_space<vmem_shared>>
      %dma_start3A_256 = arith.constant 0 : i32
      %dma_start3A_257 = tpu.memref_slice %arg2[%mul3A_2, %dma_start3A_256] : memref<10000x16xf32, #tpu.memory_space<hbm>> -> memref<625x16xf32, #tpu.memory_space<hbm>>
      tpu.enqueue_dma source(%dma_start3A_257 : memref<625x16xf32, #tpu.memory_space<hbm>>) target(%dma_start3A_255 : memref<625x16xf32, #tpu.memory_space<vmem_shared>>) target_semaphore(%run_scoped3A : memref<!tpu.dma_semaphore, #tpu.memory_space<semaphore_mem>>)
      %dma_wait3A_258 = arith.constant 0 : i32
      %dma_wait3A_259 = tpu.memref_slice %arg13[%mul3A_4, %dma_wait3A_258] : memref<10000x16xf32, #tpu.memory_space<vmem_shared>> -> memref<625x16xf32, #tpu.memory_space<vmem_shared>>
      %dma_wait3A_260 = arith.constant 0 : i32
      %dma_wait3A_261 = tpu.memref_slice %arg2[%mul3A_2, %dma_wait3A_260] : memref<10000x16xf32, #tpu.memory_space<hbm>> -> memref<625x16xf32, #tpu.memory_space<hbm>>
      tpu.wait_dma2 semaphore(%run_scoped3A : memref<!tpu.dma_semaphore, #tpu.memory_space<semaphore_mem>>) src(%dma_wait3A_261 : memref<625x16xf32, #tpu.memory_space<hbm>>) dst(%dma_wait3A_259 : memref<625x16xf32, #tpu.memory_space<vmem_shared>>)
      tpu.yield
    }) : () -> ()
    %mul3A_5 = arith.constant 640 : i32
    %mul3A_6 = arith.muli %arg1, %mul3A_5 : i32
    %mul3A_7 = arith.constant 640 : i32
    %mul3A_8 = arith.muli %arg1, %mul3A_7 : i32
    "tpu.region"() ({
      %run_scoped3A = tpu.sem_alloc : memref<!tpu.dma_semaphore, #tpu.memory_space<semaphore_mem>>
      %dma_start3A_254 = arith.constant 0 : i32
      %dma_start3A_255 = tpu.memref_slice %arg14[%mul3A_8, %dma_start3A_254] : memref<10240x16xf32, #tpu.memory_space<vmem_shared>> -> memref<640x16xf32, #tpu.memory_space<vmem_shared>>
      %dma_start3A_256 = arith.constant 0 : i32
      %dma_start3A_257 = tpu.memref_slice %arg5[%mul3A_6, %dma_start3A_256] : memref<10240x16xf32, #tpu.memory_space<hbm>> -> memref<640x16xf32, #tpu.memory_space<hbm>>
      tpu.enqueue_dma source(%dma_start3A_257 : memref<640x16xf32, #tpu.memory_space<hbm>>) target(%dma_start3A_255 : memref<640x16xf32, #tpu.memory_space<vmem_shared>>) target_semaphore(%run_scoped3A : memref<!tpu.dma_semaphore, #tpu.memory_space<semaphore_mem>>)
      %dma_wait3A_258 = arith.constant 0 : i32
      %dma_wait3A_259 = tpu.memref_slice %arg14[%mul3A_8, %dma_wait3A_258] : memref<10240x16xf32, #tpu.memory_space<vmem_shared>> -> memref<640x16xf32, #tpu.memory_space<vmem_shared>>
      %dma_wait3A_260 = arith.constant 0 : i32
      %dma_wait3A_261 = tpu.memref_slice %arg5[%mul3A_6, %dma_wait3A_260] : memref<10240x16xf32, #tpu.memory_space<hbm>> -> memref<640x16xf32, #tpu.memory_space<hbm>>
      tpu.wait_dma2 semaphore(%run_scoped3A : memref<!tpu.dma_semaphore, #tpu.memory_space<semaphore_mem>>) src(%dma_wait3A_261 : memref<640x16xf32, #tpu.memory_space<hbm>>) dst(%dma_wait3A_259 : memref<640x16xf32, #tpu.memory_space<vmem_shared>>)
      tpu.yield
    }) : () -> ()
    %broadcast_in_dim3A = arith.constant 0.000000e+00 : f32
    %broadcast_in_dim3A_9 = vector.broadcast %broadcast_in_dim3A : f32 to vector<16xf32>
    %broadcast_in_dim3A_10 = arith.constant 1.000000e+00 : f32
    %broadcast_in_dim3A_11 = vector.broadcast %broadcast_in_dim3A_10 : f32 to vector<16xf32>
    %scan3A = arith.constant 0 : i32
    %scan3A_12 = arith.constant 0 : i32
    %scan3A_13 = arith.constant 40 : i32
    %scan3A_14 = arith.addi %scan3A_12, %scan3A_13 : i32
    %scan3A_15 = arith.constant 1 : i32
    scf.for %scan3A_254 = %scan3A_12 to %scan3A_14 step %scan3A_15  : i32 {
      %mul3A_255 = arith.constant 16 : i32
      %mul3A_256 = arith.muli %scan3A_254, %mul3A_255 : i32
      %swap3A = arith.index_cast %mul3A_256 : i32 to index
      %swap3A_257 = tpu.vector_load %arg11[%swap3A] {strides = array<i32>} : memref<640xf32, #tpu.memory_space<vmem>>, vector<16xf32>,
      %swap3A_258 = vector.shape_cast %swap3A_257 : vector<16xf32> to vector<16xf32>
      %swap3A_259 = vector.shape_cast %broadcast_in_dim3A_9 : vector<16xf32> to vector<16xf32>
      tpu.vector_store %arg11[%swap3A], %swap3A_259 {strides = array<i32>} : memref<640xf32, #tpu.memory_space<vmem>>, vector<16xf32>,
    }
    %scan3A_16 = arith.constant 40 : i32
    %scan3A_17 = arith.constant 0 : i32
    %scan3A_18 = arith.constant 0 : i32
    %scan3A_19 = arith.constant 8 : i32
    %scan3A_20 = arith.addi %scan3A_18, %scan3A_19 : i32
    %scan3A_21 = arith.constant 1 : i32
    scf.for %scan3A_254 = %scan3A_18 to %scan3A_20 step %scan3A_21  : i32 {
      %mul3A_255 = arith.constant 16 : i32
      %mul3A_256 = arith.muli %scan3A_254, %mul3A_255 : i32
      %swap3A = arith.index_cast %mul3A_256 : i32 to index
      %swap3A_257 = tpu.vector_load %arg10[%swap3A] {strides = array<i32>} : memref<128xf32, #tpu.memory_space<vmem>>, vector<16xf32>,
      %swap3A_258 = vector.shape_cast %swap3A_257 : vector<16xf32> to vector<16xf32>
      %swap3A_259 = vector.shape_cast %broadcast_in_dim3A_11 : vector<16xf32> to vector<16xf32>
      tpu.vector_store %arg10[%swap3A], %swap3A_259 {strides = array<i32>} : memref<128xf32, #tpu.memory_space<vmem>>, vector<16xf32>,
    }
    %scan3A_22 = arith.constant 8 : i32
    %mul3A_23 = arith.constant 640 : i32
    %mul3A_24 = arith.muli %arg1, %mul3A_23 : i32
    "tpu.region"() ({
      %run_scoped3A = tpu.sem_alloc : memref<!tpu.dma_semaphore, #tpu.memory_space<semaphore_mem>>
      %dma_start3A_254 = tpu.memref_slice %arg15[%mul3A_24] : memref<10240xf32, #tpu.memory_space<vmem_shared>> -> memref<640xf32, #tpu.memory_space<vmem_shared>>
      %dma_start3A_255 = tpu.memref_slice %arg15[%mul3A_24] : memref<10240xf32, #tpu.memory_space<vmem_shared>> -> memref<640xf32, #tpu.memory_space<vmem_shared>>
      tpu.enqueue_dma source(%arg11 : memref<640xf32, #tpu.memory_space<vmem>>) target(%dma_start3A_255 : memref<640xf32, #tpu.memory_space<vmem_shared>>) target_semaphore(%run_scoped3A : memref<!tpu.dma_semaphore, #tpu.memory_space<semaphore_mem>>)
      %dma_wait3A_256 = tpu.memref_slice %arg15[%mul3A_24] : memref<10240xf32, #tpu.memory_space<vmem_shared>> -> memref<640xf32, #tpu.memory_space<vmem_shared>>
      %dma_wait3A_257 = tpu.memref_slice %arg15[%mul3A_24] : memref<10240xf32, #tpu.memory_space<vmem_shared>> -> memref<640xf32, #tpu.memory_space<vmem_shared>>
      tpu.wait_dma2 semaphore(%run_scoped3A : memref<!tpu.dma_semaphore, #tpu.memory_space<semaphore_mem>>) src(%arg11 : memref<640xf32, #tpu.memory_space<vmem>>) dst(%dma_wait3A_257 : memref<640xf32, #tpu.memory_space<vmem_shared>>)
      tpu.yield
    }) : () -> ()
    %barrier3A = arith.constant 0 : index
    tpu.barrier barrier_id(%barrier3A)
    %dma_start3A = arith.constant 0 : i32
    %dma_start3A_25 = arith.constant 0 : i32
    %dma_start3A_26 = arith.constant 0 : i32
    %dma_start3A_27 = arith.constant 0 : i32
    %dma_start3A_28 = tpu.memref_slice %arg12[%dma_start3A_25, %dma_start3A_26, %dma_start3A_27] : memref<8x128x16xf32, #tpu.memory_space<vmem>> -> memref<1x128x16xf32, #tpu.memory_space<vmem>>
    %dma_start3A_29 = tpu.memref_squeeze %dma_start3A_28 : memref<1x128x16xf32, #tpu.memory_space<vmem>> -> memref<128x16xf32, #tpu.memory_space<vmem>>
    %dma_start3A_30 = arith.constant 0 : i32
    %dma_start3A_31 = tpu.memref_slice %arg8[%dma_start3A, %dma_start3A_30] : memref<80x128xi32, #tpu.memory_space<vmem>> -> memref<1x128xi32, #tpu.memory_space<vmem>>
    %dma_start3A_32 = tpu.memref_squeeze %dma_start3A_31 : memref<1x128xi32, #tpu.memory_space<vmem>> -> memref<128xi32, #tpu.memory_space<vmem>>
    %dma_start3A_33 = arith.constant 0 : i32
    %dma_start3A_34 = arith.constant 0 : i32
    %dma_start3A_35 = tpu.memref_slice %arg13[%dma_start3A_33, %dma_start3A_34] : memref<10000x16xf32, #tpu.memory_space<vmem_shared>> -> memref<10000x16xf32, #tpu.memory_space<vmem_shared>>
    tpu.enqueue_indirect_dma source(%dma_start3A_35 : memref<10000x16xf32, #tpu.memory_space<vmem_shared>>) target(%dma_start3A_29 : memref<128x16xf32, #tpu.memory_space<vmem>>) offsets(%dma_start3A_32 : memref<128xi32, #tpu.memory_space<vmem>>) semaphore(%arg16 : memref<!tpu.dma_semaphore, #tpu.memory_space<semaphore_mem>>)
    %dma_start3A_36 = arith.constant 1 : i32
    %dma_start3A_37 = arith.constant 1 : i32
    %dma_start3A_38 = arith.constant 0 : i32
    %dma_start3A_39 = arith.constant 0 : i32
    %dma_start3A_40 = tpu.memref_slice %arg12[%dma_start3A_37, %dma_start3A_38, %dma_start3A_39] : memref<8x128x16xf32, #tpu.memory_space<vmem>> -> memref<1x128x16xf32, #tpu.memory_space<vmem>>
    %dma_start3A_41 = tpu.memref_squeeze %dma_start3A_40 : memref<1x128x16xf32, #tpu.memory_space<vmem>> -> memref<128x16xf32, #tpu.memory_space<vmem>>
    %dma_start3A_42 = arith.constant 0 : i32
    %dma_start3A_43 = tpu.memref_slice %arg8[%dma_start3A_36, %dma_start3A_42] : memref<80x128xi32, #tpu.memory_space<vmem>> -> memref<1x128xi32, #tpu.memory_space<vmem>>
    %dma_start3A_44 = tpu.memref_squeeze %dma_start3A_43 : memref<1x128xi32, #tpu.memory_space<vmem>> -> memref<128xi32, #tpu.memory_space<vmem>>
    %dma_start3A_45 = arith.constant 0 : i32
    %dma_start3A_46 = arith.constant 0 : i32
    %dma_start3A_47 = tpu.memref_slice %arg13[%dma_start3A_45, %dma_start3A_46] : memref<10000x16xf32, #tpu.memory_space<vmem_shared>> -> memref<10000x16xf32, #tpu.memory_space<vmem_shared>>
    tpu.enqueue_indirect_dma source(%dma_start3A_47 : memref<10000x16xf32, #tpu.memory_space<vmem_shared>>) target(%dma_start3A_41 : memref<128x16xf32, #tpu.memory_space<vmem>>) offsets(%dma_start3A_44 : memref<128xi32, #tpu.memory_space<vmem>>) semaphore(%arg17 : memref<!tpu.dma_semaphore, #tpu.memory_space<semaphore_mem>>)
    %dma_start3A_48 = arith.constant 2 : i32
    %dma_start3A_49 = arith.constant 2 : i32
    %dma_start3A_50 = arith.constant 0 : i32
    %dma_start3A_51 = arith.constant 0 : i32
    %dma_start3A_52 = tpu.memref_slice %arg12[%dma_start3A_49, %dma_start3A_50, %dma_start3A_51] : memref<8x128x16xf32, #tpu.memory_space<vmem>> -> memref<1x128x16xf32, #tpu.memory_space<vmem>>
    %dma_start3A_53 = tpu.memref_squeeze %dma_start3A_52 : memref<1x128x16xf32, #tpu.memory_space<vmem>> -> memref<128x16xf32, #tpu.memory_space<vmem>>
    %dma_start3A_54 = arith.constant 0 : i32
    %dma_start3A_55 = tpu.memref_slice %arg8[%dma_start3A_48, %dma_start3A_54] : memref<80x128xi32, #tpu.memory_space<vmem>> -> memref<1x128xi32, #tpu.memory_space<vmem>>
    %dma_start3A_56 = tpu.memref_squeeze %dma_start3A_55 : memref<1x128xi32, #tpu.memory_space<vmem>> -> memref<128xi32, #tpu.memory_space<vmem>>
    %dma_start3A_57 = arith.constant 0 : i32
    %dma_start3A_58 = arith.constant 0 : i32
    %dma_start3A_59 = tpu.memref_slice %arg13[%dma_start3A_57, %dma_start3A_58] : memref<10000x16xf32, #tpu.memory_space<vmem_shared>> -> memref<10000x16xf32, #tpu.memory_space<vmem_shared>>
    tpu.enqueue_indirect_dma source(%dma_start3A_59 : memref<10000x16xf32, #tpu.memory_space<vmem_shared>>) target(%dma_start3A_53 : memref<128x16xf32, #tpu.memory_space<vmem>>) offsets(%dma_start3A_56 : memref<128xi32, #tpu.memory_space<vmem>>) semaphore(%arg18 : memref<!tpu.dma_semaphore, #tpu.memory_space<semaphore_mem>>)
    %dma_start3A_60 = arith.constant 3 : i32
    %dma_start3A_61 = arith.constant 3 : i32
    %dma_start3A_62 = arith.constant 0 : i32
    %dma_start3A_63 = arith.constant 0 : i32
    %dma_start3A_64 = tpu.memref_slice %arg12[%dma_start3A_61, %dma_start3A_62, %dma_start3A_63] : memref<8x128x16xf32, #tpu.memory_space<vmem>> -> memref<1x128x16xf32, #tpu.memory_space<vmem>>
    %dma_start3A_65 = tpu.memref_squeeze %dma_start3A_64 : memref<1x128x16xf32, #tpu.memory_space<vmem>> -> memref<128x16xf32, #tpu.memory_space<vmem>>
    %dma_start3A_66 = arith.constant 0 : i32
    %dma_start3A_67 = tpu.memref_slice %arg8[%dma_start3A_60, %dma_start3A_66] : memref<80x128xi32, #tpu.memory_space<vmem>> -> memref<1x128xi32, #tpu.memory_space<vmem>>
    %dma_start3A_68 = tpu.memref_squeeze %dma_start3A_67 : memref<1x128xi32, #tpu.memory_space<vmem>> -> memref<128xi32, #tpu.memory_space<vmem>>
    %dma_start3A_69 = arith.constant 0 : i32
    %dma_start3A_70 = arith.constant 0 : i32
    %dma_start3A_71 = tpu.memref_slice %arg13[%dma_start3A_69, %dma_start3A_70] : memref<10000x16xf32, #tpu.memory_space<vmem_shared>> -> memref<10000x16xf32, #tpu.memory_space<vmem_shared>>
    tpu.enqueue_indirect_dma source(%dma_start3A_71 : memref<10000x16xf32, #tpu.memory_space<vmem_shared>>) target(%dma_start3A_65 : memref<128x16xf32, #tpu.memory_space<vmem>>) offsets(%dma_start3A_68 : memref<128xi32, #tpu.memory_space<vmem>>) semaphore(%arg19 : memref<!tpu.dma_semaphore, #tpu.memory_space<semaphore_mem>>)
    %dma_start3A_72 = arith.constant 4 : i32
    %dma_start3A_73 = arith.constant 4 : i32
    %dma_start3A_74 = arith.constant 0 : i32
    %dma_start3A_75 = arith.constant 0 : i32
    %dma_start3A_76 = tpu.memref_slice %arg12[%dma_start3A_73, %dma_start3A_74, %dma_start3A_75] : memref<8x128x16xf32, #tpu.memory_space<vmem>> -> memref<1x128x16xf32, #tpu.memory_space<vmem>>
    %dma_start3A_77 = tpu.memref_squeeze %dma_start3A_76 : memref<1x128x16xf32, #tpu.memory_space<vmem>> -> memref<128x16xf32, #tpu.memory_space<vmem>>
    %dma_start3A_78 = arith.constant 0 : i32
    %dma_start3A_79 = tpu.memref_slice %arg8[%dma_start3A_72, %dma_start3A_78] : memref<80x128xi32, #tpu.memory_space<vmem>> -> memref<1x128xi32, #tpu.memory_space<vmem>>
    %dma_start3A_80 = tpu.memref_squeeze %dma_start3A_79 : memref<1x128xi32, #tpu.memory_space<vmem>> -> memref<128xi32, #tpu.memory_space<vmem>>
    %dma_start3A_81 = arith.constant 0 : i32
    %dma_start3A_82 = arith.constant 0 : i32
    %dma_start3A_83 = tpu.memref_slice %arg13[%dma_start3A_81, %dma_start3A_82] : memref<10000x16xf32, #tpu.memory_space<vmem_shared>> -> memref<10000x16xf32, #tpu.memory_space<vmem_shared>>
    tpu.enqueue_indirect_dma source(%dma_start3A_83 : memref<10000x16xf32, #tpu.memory_space<vmem_shared>>) target(%dma_start3A_77 : memref<128x16xf32, #tpu.memory_space<vmem>>) offsets(%dma_start3A_80 : memref<128xi32, #tpu.memory_space<vmem>>) semaphore(%arg20 : memref<!tpu.dma_semaphore, #tpu.memory_space<semaphore_mem>>)
    %dma_start3A_84 = arith.constant 5 : i32
    %dma_start3A_85 = arith.constant 5 : i32
    %dma_start3A_86 = arith.constant 0 : i32
    %dma_start3A_87 = arith.constant 0 : i32
    %dma_start3A_88 = tpu.memref_slice %arg12[%dma_start3A_85, %dma_start3A_86, %dma_start3A_87] : memref<8x128x16xf32, #tpu.memory_space<vmem>> -> memref<1x128x16xf32, #tpu.memory_space<vmem>>
    %dma_start3A_89 = tpu.memref_squeeze %dma_start3A_88 : memref<1x128x16xf32, #tpu.memory_space<vmem>> -> memref<128x16xf32, #tpu.memory_space<vmem>>
    %dma_start3A_90 = arith.constant 0 : i32
    %dma_start3A_91 = tpu.memref_slice %arg8[%dma_start3A_84, %dma_start3A_90] : memref<80x128xi32, #tpu.memory_space<vmem>> -> memref<1x128xi32, #tpu.memory_space<vmem>>
    %dma_start3A_92 = tpu.memref_squeeze %dma_start3A_91 : memref<1x128xi32, #tpu.memory_space<vmem>> -> memref<128xi32, #tpu.memory_space<vmem>>
    %dma_start3A_93 = arith.constant 0 : i32
    %dma_start3A_94 = arith.constant 0 : i32
    %dma_start3A_95 = tpu.memref_slice %arg13[%dma_start3A_93, %dma_start3A_94] : memref<10000x16xf32, #tpu.memory_space<vmem_shared>> -> memref<10000x16xf32, #tpu.memory_space<vmem_shared>>
    tpu.enqueue_indirect_dma source(%dma_start3A_95 : memref<10000x16xf32, #tpu.memory_space<vmem_shared>>) target(%dma_start3A_89 : memref<128x16xf32, #tpu.memory_space<vmem>>) offsets(%dma_start3A_92 : memref<128xi32, #tpu.memory_space<vmem>>) semaphore(%arg21 : memref<!tpu.dma_semaphore, #tpu.memory_space<semaphore_mem>>)
    %dma_start3A_96 = arith.constant 6 : i32
    %dma_start3A_97 = arith.constant 6 : i32
    %dma_start3A_98 = arith.constant 0 : i32
    %dma_start3A_99 = arith.constant 0 : i32
    %dma_start3A_100 = tpu.memref_slice %arg12[%dma_start3A_97, %dma_start3A_98, %dma_start3A_99] : memref<8x128x16xf32, #tpu.memory_space<vmem>> -> memref<1x128x16xf32, #tpu.memory_space<vmem>>
    %dma_start3A_101 = tpu.memref_squeeze %dma_start3A_100 : memref<1x128x16xf32, #tpu.memory_space<vmem>> -> memref<128x16xf32, #tpu.memory_space<vmem>>
    %dma_start3A_102 = arith.constant 0 : i32
    %dma_start3A_103 = tpu.memref_slice %arg8[%dma_start3A_96, %dma_start3A_102] : memref<80x128xi32, #tpu.memory_space<vmem>> -> memref<1x128xi32, #tpu.memory_space<vmem>>
    %dma_start3A_104 = tpu.memref_squeeze %dma_start3A_103 : memref<1x128xi32, #tpu.memory_space<vmem>> -> memref<128xi32, #tpu.memory_space<vmem>>
    %dma_start3A_105 = arith.constant 0 : i32
    %dma_start3A_106 = arith.constant 0 : i32
    %dma_start3A_107 = tpu.memref_slice %arg13[%dma_start3A_105, %dma_start3A_106] : memref<10000x16xf32, #tpu.memory_space<vmem_shared>> -> memref<10000x16xf32, #tpu.memory_space<vmem_shared>>
    tpu.enqueue_indirect_dma source(%dma_start3A_107 : memref<10000x16xf32, #tpu.memory_space<vmem_shared>>) target(%dma_start3A_101 : memref<128x16xf32, #tpu.memory_space<vmem>>) offsets(%dma_start3A_104 : memref<128xi32, #tpu.memory_space<vmem>>) semaphore(%arg22 : memref<!tpu.dma_semaphore, #tpu.memory_space<semaphore_mem>>)
    %dma_start3A_108 = arith.constant 7 : i32
    %dma_start3A_109 = arith.constant 7 : i32
    %dma_start3A_110 = arith.constant 0 : i32
    %dma_start3A_111 = arith.constant 0 : i32
    %dma_start3A_112 = tpu.memref_slice %arg12[%dma_start3A_109, %dma_start3A_110, %dma_start3A_111] : memref<8x128x16xf32, #tpu.memory_space<vmem>> -> memref<1x128x16xf32, #tpu.memory_space<vmem>>
    %dma_start3A_113 = tpu.memref_squeeze %dma_start3A_112 : memref<1x128x16xf32, #tpu.memory_space<vmem>> -> memref<128x16xf32, #tpu.memory_space<vmem>>
    %dma_start3A_114 = arith.constant 0 : i32
    %dma_start3A_115 = tpu.memref_slice %arg8[%dma_start3A_108, %dma_start3A_114] : memref<80x128xi32, #tpu.memory_space<vmem>> -> memref<1x128xi32, #tpu.memory_space<vmem>>
    %dma_start3A_116 = tpu.memref_squeeze %dma_start3A_115 : memref<1x128xi32, #tpu.memory_space<vmem>> -> memref<128xi32, #tpu.memory_space<vmem>>
    %dma_start3A_117 = arith.constant 0 : i32
    %dma_start3A_118 = arith.constant 0 : i32
    %dma_start3A_119 = tpu.memref_slice %arg13[%dma_start3A_117, %dma_start3A_118] : memref<10000x16xf32, #tpu.memory_space<vmem_shared>> -> memref<10000x16xf32, #tpu.memory_space<vmem_shared>>
    tpu.enqueue_indirect_dma source(%dma_start3A_119 : memref<10000x16xf32, #tpu.memory_space<vmem_shared>>) target(%dma_start3A_113 : memref<128x16xf32, #tpu.memory_space<vmem>>) offsets(%dma_start3A_116 : memref<128xi32, #tpu.memory_space<vmem>>) semaphore(%arg23 : memref<!tpu.dma_semaphore, #tpu.memory_space<semaphore_mem>>)
    %scan3A_120 = arith.constant 0 : i32
    %scan3A_121 = arith.constant 0 : i32
    %scan3A_122 = arith.constant 10 : i32
    %scan3A_123 = arith.addi %scan3A_121, %scan3A_122 : i32
    %scan3A_124 = arith.constant 1 : i32
    scf.for %scan3A_254 = %scan3A_121 to %scan3A_123 step %scan3A_124  : i32 {
      %mul3A_255 = arith.constant 8 : i32
      %mul3A_256 = arith.muli %scan3A_254, %mul3A_255 : i32
      %add3A_257 = arith.constant 0 : i32
      %add3A_258 = arith.addi %mul3A_256, %add3A_257 : i32
      %dma_wait3A_259 = arith.constant 0 : i32
      %dma_wait3A_260 = arith.constant 0 : i32
      %dma_wait3A_261 = arith.constant 0 : i32
      %dma_wait3A_262 = tpu.memref_slice %arg12[%dma_wait3A_259, %dma_wait3A_260, %dma_wait3A_261] : memref<8x128x16xf32, #tpu.memory_space<vmem>> -> memref<1x128x16xf32, #tpu.memory_space<vmem>>
      %dma_wait3A_263 = tpu.memref_squeeze %dma_wait3A_262 : memref<1x128x16xf32, #tpu.memory_space<vmem>> -> memref<128x16xf32, #tpu.memory_space<vmem>>
      %dma_wait3A_264 = arith.constant 0 : i32
      %dma_wait3A_265 = arith.constant 0 : i32
      %dma_wait3A_266 = tpu.memref_slice %arg2[%dma_wait3A_264, %dma_wait3A_265] : memref<10000x16xf32, #tpu.memory_space<hbm>> -> memref<128x16xf32, #tpu.memory_space<hbm>>
      %dma_wait3A_267 = arith.constant 0 : i32
      %dma_wait3A_268 = arith.constant 0 : i32
      %dma_wait3A_269 = tpu.memref_slice %arg12[%dma_wait3A_259, %dma_wait3A_267, %dma_wait3A_268] : memref<8x128x16xf32, #tpu.memory_space<vmem>> -> memref<1x128x16xf32, #tpu.memory_space<vmem>>
      %dma_wait3A_270 = tpu.memref_squeeze %dma_wait3A_269 : memref<1x128x16xf32, #tpu.memory_space<vmem>> -> memref<128x16xf32, #tpu.memory_space<vmem>>
      %dma_wait3A_271 = arith.constant 0 : i32
      %dma_wait3A_272 = arith.constant 0 : i32
      %dma_wait3A_273 = tpu.memref_slice %arg2[%dma_wait3A_271, %dma_wait3A_272] : memref<10000x16xf32, #tpu.memory_space<hbm>> -> memref<128x16xf32, #tpu.memory_space<hbm>>
      tpu.wait_dma2 semaphore(%arg16 : memref<!tpu.dma_semaphore, #tpu.memory_space<semaphore_mem>>) src(%dma_wait3A_273 : memref<128x16xf32, #tpu.memory_space<hbm>>) dst(%dma_wait3A_270 : memref<128x16xf32, #tpu.memory_space<vmem>>)
      %dma_start3A_274 = arith.constant 0 : i32
      %dma_start3A_275 = arith.constant 0 : i32
      %dma_start3A_276 = arith.constant 0 : i32
      %dma_start3A_277 = tpu.memref_slice %arg12[%dma_start3A_274, %dma_start3A_275, %dma_start3A_276] : memref<8x128x16xf32, #tpu.memory_space<vmem>> -> memref<1x128x16xf32, #tpu.memory_space<vmem>>
      %dma_start3A_278 = tpu.memref_squeeze %dma_start3A_277 : memref<1x128x16xf32, #tpu.memory_space<vmem>> -> memref<128x16xf32, #tpu.memory_space<vmem>>
      %dma_start3A_279 = arith.constant 0 : i32
      %dma_start3A_280 = tpu.memref_slice %arg9[%add3A_258, %dma_start3A_279] : memref<80x128xi32, #tpu.memory_space<vmem>> -> memref<1x128xi32, #tpu.memory_space<vmem>>
      %dma_start3A_281 = tpu.memref_squeeze %dma_start3A_280 : memref<1x128xi32, #tpu.memory_space<vmem>> -> memref<128xi32, #tpu.memory_space<vmem>>
      %dma_start3A_282 = arith.constant 0 : i32
      %dma_start3A_283 = arith.constant 0 : i32
      %dma_start3A_284 = tpu.memref_slice %arg14[%dma_start3A_282, %dma_start3A_283] : memref<10240x16xf32, #tpu.memory_space<vmem_shared>> -> memref<10240x16xf32, #tpu.memory_space<vmem_shared>>
      tpu.enqueue_indirect_dma source(%dma_start3A_278 : memref<128x16xf32, #tpu.memory_space<vmem>>) target(%dma_start3A_284 : memref<10240x16xf32, #tpu.memory_space<vmem_shared>>) offsets(%dma_start3A_281 : memref<128xi32, #tpu.memory_space<vmem>>) semaphore(%arg24 : memref<!tpu.dma_semaphore, #tpu.memory_space<semaphore_mem>>) {add = true}
      %dma_start3A_285 = arith.constant 0 : i32
      %dma_start3A_286 = tpu.memref_slice %arg9[%add3A_258, %dma_start3A_285] : memref<80x128xi32, #tpu.memory_space<vmem>> -> memref<1x128xi32, #tpu.memory_space<vmem>>
      %dma_start3A_287 = tpu.memref_squeeze %dma_start3A_286 : memref<1x128xi32, #tpu.memory_space<vmem>> -> memref<128xi32, #tpu.memory_space<vmem>>
      %dma_start3A_288 = arith.constant 0 : i32
      %dma_start3A_289 = tpu.memref_slice %arg15[%dma_start3A_288] : memref<10240xf32, #tpu.memory_space<vmem_shared>> -> memref<10240xf32, #tpu.memory_space<vmem_shared>>
      tpu.enqueue_indirect_dma source(%arg10 : memref<128xf32, #tpu.memory_space<vmem>>) target(%dma_start3A_289 : memref<10240xf32, #tpu.memory_space<vmem_shared>>) offsets(%dma_start3A_287 : memref<128xi32, #tpu.memory_space<vmem>>) semaphore(%arg32 : memref<!tpu.dma_semaphore, #tpu.memory_space<semaphore_mem>>) {add = true}
      %mul3A_290 = arith.constant 8 : i32
      %mul3A_291 = arith.muli %scan3A_254, %mul3A_290 : i32
      %add3A_292 = arith.constant 1 : i32
      %add3A_293 = arith.addi %mul3A_291, %add3A_292 : i32
      %dma_wait3A_294 = arith.constant 1 : i32
      %dma_wait3A_295 = arith.constant 0 : i32
      %dma_wait3A_296 = arith.constant 0 : i32
      %dma_wait3A_297 = tpu.memref_slice %arg12[%dma_wait3A_294, %dma_wait3A_295, %dma_wait3A_296] : memref<8x128x16xf32, #tpu.memory_space<vmem>> -> memref<1x128x16xf32, #tpu.memory_space<vmem>>
      %dma_wait3A_298 = tpu.memref_squeeze %dma_wait3A_297 : memref<1x128x16xf32, #tpu.memory_space<vmem>> -> memref<128x16xf32, #tpu.memory_space<vmem>>
      %dma_wait3A_299 = arith.constant 0 : i32
      %dma_wait3A_300 = arith.constant 0 : i32
      %dma_wait3A_301 = tpu.memref_slice %arg2[%dma_wait3A_299, %dma_wait3A_300] : memref<10000x16xf32, #tpu.memory_space<hbm>> -> memref<128x16xf32, #tpu.memory_space<hbm>>
      %dma_wait3A_302 = arith.constant 0 : i32
      %dma_wait3A_303 = arith.constant 0 : i32
      %dma_wait3A_304 = tpu.memref_slice %arg12[%dma_wait3A_294, %dma_wait3A_302, %dma_wait3A_303] : memref<8x128x16xf32, #tpu.memory_space<vmem>> -> memref<1x128x16xf32, #tpu.memory_space<vmem>>
      %dma_wait3A_305 = tpu.memref_squeeze %dma_wait3A_304 : memref<1x128x16xf32, #tpu.memory_space<vmem>> -> memref<128x16xf32, #tpu.memory_space<vmem>>
      %dma_wait3A_306 = arith.constant 0 : i32
      %dma_wait3A_307 = arith.constant 0 : i32
      %dma_wait3A_308 = tpu.memref_slice %arg2[%dma_wait3A_306, %dma_wait3A_307] : memref<10000x16xf32, #tpu.memory_space<hbm>> -> memref<128x16xf32, #tpu.memory_space<hbm>>
      tpu.wait_dma2 semaphore(%arg17 : memref<!tpu.dma_semaphore, #tpu.memory_space<semaphore_mem>>) src(%dma_wait3A_308 : memref<128x16xf32, #tpu.memory_space<hbm>>) dst(%dma_wait3A_305 : memref<128x16xf32, #tpu.memory_space<vmem>>)
      %dma_start3A_309 = arith.constant 1 : i32
      %dma_start3A_310 = arith.constant 0 : i32
      %dma_start3A_311 = arith.constant 0 : i32
      %dma_start3A_312 = tpu.memref_slice %arg12[%dma_start3A_309, %dma_start3A_310, %dma_start3A_311] : memref<8x128x16xf32, #tpu.memory_space<vmem>> -> memref<1x128x16xf32, #tpu.memory_space<vmem>>
      %dma_start3A_313 = tpu.memref_squeeze %dma_start3A_312 : memref<1x128x16xf32, #tpu.memory_space<vmem>> -> memref<128x16xf32, #tpu.memory_space<vmem>>
      %dma_start3A_314 = arith.constant 0 : i32
      %dma_start3A_315 = tpu.memref_slice %arg9[%add3A_293, %dma_start3A_314] : memref<80x128xi32, #tpu.memory_space<vmem>> -> memref<1x128xi32, #tpu.memory_space<vmem>>
      %dma_start3A_316 = tpu.memref_squeeze %dma_start3A_315 : memref<1x128xi32, #tpu.memory_space<vmem>> -> memref<128xi32, #tpu.memory_space<vmem>>
      %dma_start3A_317 = arith.constant 0 : i32
      %dma_start3A_318 = arith.constant 0 : i32
      %dma_start3A_319 = tpu.memref_slice %arg14[%dma_start3A_317, %dma_start3A_318] : memref<10240x16xf32, #tpu.memory_space<vmem_shared>> -> memref<10240x16xf32, #tpu.memory_space<vmem_shared>>
      tpu.enqueue_indirect_dma source(%dma_start3A_313 : memref<128x16xf32, #tpu.memory_space<vmem>>) target(%dma_start3A_319 : memref<10240x16xf32, #tpu.memory_space<vmem_shared>>) offsets(%dma_start3A_316 : memref<128xi32, #tpu.memory_space<vmem>>) semaphore(%arg25 : memref<!tpu.dma_semaphore, #tpu.memory_space<semaphore_mem>>) {add = true}
      %dma_start3A_320 = arith.constant 0 : i32
      %dma_start3A_321 = tpu.memref_slice %arg9[%add3A_293, %dma_start3A_320] : memref<80x128xi32, #tpu.memory_space<vmem>> -> memref<1x128xi32, #tpu.memory_space<vmem>>
      %dma_start3A_322 = tpu.memref_squeeze %dma_start3A_321 : memref<1x128xi32, #tpu.memory_space<vmem>> -> memref<128xi32, #tpu.memory_space<vmem>>
      %dma_start3A_323 = arith.constant 0 : i32
      %dma_start3A_324 = tpu.memref_slice %arg15[%dma_start3A_323] : memref<10240xf32, #tpu.memory_space<vmem_shared>> -> memref<10240xf32, #tpu.memory_space<vmem_shared>>
      tpu.enqueue_indirect_dma source(%arg10 : memref<128xf32, #tpu.memory_space<vmem>>) target(%dma_start3A_324 : memref<10240xf32, #tpu.memory_space<vmem_shared>>) offsets(%dma_start3A_322 : memref<128xi32, #tpu.memory_space<vmem>>) semaphore(%arg33 : memref<!tpu.dma_semaphore, #tpu.memory_space<semaphore_mem>>) {add = true}
      %mul3A_325 = arith.constant 8 : i32
      %mul3A_326 = arith.muli %scan3A_254, %mul3A_325 : i32
      %add3A_327 = arith.constant 2 : i32
      %add3A_328 = arith.addi %mul3A_326, %add3A_327 : i32
      %dma_wait3A_329 = arith.constant 2 : i32
      %dma_wait3A_330 = arith.constant 0 : i32
      %dma_wait3A_331 = arith.constant 0 : i32
      %dma_wait3A_332 = tpu.memref_slice %arg12[%dma_wait3A_329, %dma_wait3A_330, %dma_wait3A_331] : memref<8x128x16xf32, #tpu.memory_space<vmem>> -> memref<1x128x16xf32, #tpu.memory_space<vmem>>
      %dma_wait3A_333 = tpu.memref_squeeze %dma_wait3A_332 : memref<1x128x16xf32, #tpu.memory_space<vmem>> -> memref<128x16xf32, #tpu.memory_space<vmem>>
      %dma_wait3A_334 = arith.constant 0 : i32
      %dma_wait3A_335 = arith.constant 0 : i32
      %dma_wait3A_336 = tpu.memref_slice %arg2[%dma_wait3A_334, %dma_wait3A_335] : memref<10000x16xf32, #tpu.memory_space<hbm>> -> memref<128x16xf32, #tpu.memory_space<hbm>>
      %dma_wait3A_337 = arith.constant 0 : i32
      %dma_wait3A_338 = arith.constant 0 : i32
      %dma_wait3A_339 = tpu.memref_slice %arg12[%dma_wait3A_329, %dma_wait3A_337, %dma_wait3A_338] : memref<8x128x16xf32, #tpu.memory_space<vmem>> -> memref<1x128x16xf32, #tpu.memory_space<vmem>>
      %dma_wait3A_340 = tpu.memref_squeeze %dma_wait3A_339 : memref<1x128x16xf32, #tpu.memory_space<vmem>> -> memref<128x16xf32, #tpu.memory_space<vmem>>
      %dma_wait3A_341 = arith.constant 0 : i32
      %dma_wait3A_342 = arith.constant 0 : i32
      %dma_wait3A_343 = tpu.memref_slice %arg2[%dma_wait3A_341, %dma_wait3A_342] : memref<10000x16xf32, #tpu.memory_space<hbm>> -> memref<128x16xf32, #tpu.memory_space<hbm>>
      tpu.wait_dma2 semaphore(%arg18 : memref<!tpu.dma_semaphore, #tpu.memory_space<semaphore_mem>>) src(%dma_wait3A_343 : memref<128x16xf32, #tpu.memory_space<hbm>>) dst(%dma_wait3A_340 : memref<128x16xf32, #tpu.memory_space<vmem>>)
      %dma_start3A_344 = arith.constant 2 : i32
      %dma_start3A_345 = arith.constant 0 : i32
      %dma_start3A_346 = arith.constant 0 : i32
      %dma_start3A_347 = tpu.memref_slice %arg12[%dma_start3A_344, %dma_start3A_345, %dma_start3A_346] : memref<8x128x16xf32, #tpu.memory_space<vmem>> -> memref<1x128x16xf32, #tpu.memory_space<vmem>>
      %dma_start3A_348 = tpu.memref_squeeze %dma_start3A_347 : memref<1x128x16xf32, #tpu.memory_space<vmem>> -> memref<128x16xf32, #tpu.memory_space<vmem>>
      %dma_start3A_349 = arith.constant 0 : i32
      %dma_start3A_350 = tpu.memref_slice %arg9[%add3A_328, %dma_start3A_349] : memref<80x128xi32, #tpu.memory_space<vmem>> -> memref<1x128xi32, #tpu.memory_space<vmem>>
      %dma_start3A_351 = tpu.memref_squeeze %dma_start3A_350 : memref<1x128xi32, #tpu.memory_space<vmem>> -> memref<128xi32, #tpu.memory_space<vmem>>
      %dma_start3A_352 = arith.constant 0 : i32
      %dma_start3A_353 = arith.constant 0 : i32
      %dma_start3A_354 = tpu.memref_slice %arg14[%dma_start3A_352, %dma_start3A_353] : memref<10240x16xf32, #tpu.memory_space<vmem_shared>> -> memref<10240x16xf32, #tpu.memory_space<vmem_shared>>
      tpu.enqueue_indirect_dma source(%dma_start3A_348 : memref<128x16xf32, #tpu.memory_space<vmem>>) target(%dma_start3A_354 : memref<10240x16xf32, #tpu.memory_space<vmem_shared>>) offsets(%dma_start3A_351 : memref<128xi32, #tpu.memory_space<vmem>>) semaphore(%arg26 : memref<!tpu.dma_semaphore, #tpu.memory_space<semaphore_mem>>) {add = true}
      %dma_start3A_355 = arith.constant 0 : i32
      %dma_start3A_356 = tpu.memref_slice %arg9[%add3A_328, %dma_start3A_355] : memref<80x128xi32, #tpu.memory_space<vmem>> -> memref<1x128xi32, #tpu.memory_space<vmem>>
      %dma_start3A_357 = tpu.memref_squeeze %dma_start3A_356 : memref<1x128xi32, #tpu.memory_space<vmem>> -> memref<128xi32, #tpu.memory_space<vmem>>
      %dma_start3A_358 = arith.constant 0 : i32
      %dma_start3A_359 = tpu.memref_slice %arg15[%dma_start3A_358] : memref<10240xf32, #tpu.memory_space<vmem_shared>> -> memref<10240xf32, #tpu.memory_space<vmem_shared>>
      tpu.enqueue_indirect_dma source(%arg10 : memref<128xf32, #tpu.memory_space<vmem>>) target(%dma_start3A_359 : memref<10240xf32, #tpu.memory_space<vmem_shared>>) offsets(%dma_start3A_357 : memref<128xi32, #tpu.memory_space<vmem>>) semaphore(%arg34 : memref<!tpu.dma_semaphore, #tpu.memory_space<semaphore_mem>>) {add = true}
      %mul3A_360 = arith.constant 8 : i32
      %mul3A_361 = arith.muli %scan3A_254, %mul3A_360 : i32
      %add3A_362 = arith.constant 3 : i32
      %add3A_363 = arith.addi %mul3A_361, %add3A_362 : i32
      %dma_wait3A_364 = arith.constant 3 : i32
      %dma_wait3A_365 = arith.constant 0 : i32
      %dma_wait3A_366 = arith.constant 0 : i32
      %dma_wait3A_367 = tpu.memref_slice %arg12[%dma_wait3A_364, %dma_wait3A_365, %dma_wait3A_366] : memref<8x128x16xf32, #tpu.memory_space<vmem>> -> memref<1x128x16xf32, #tpu.memory_space<vmem>>
      %dma_wait3A_368 = tpu.memref_squeeze %dma_wait3A_367 : memref<1x128x16xf32, #tpu.memory_space<vmem>> -> memref<128x16xf32, #tpu.memory_space<vmem>>
      %dma_wait3A_369 = arith.constant 0 : i32
      %dma_wait3A_370 = arith.constant 0 : i32
      %dma_wait3A_371 = tpu.memref_slice %arg2[%dma_wait3A_369, %dma_wait3A_370] : memref<10000x16xf32, #tpu.memory_space<hbm>> -> memref<128x16xf32, #tpu.memory_space<hbm>>
      %dma_wait3A_372 = arith.constant 0 : i32
      %dma_wait3A_373 = arith.constant 0 : i32
      %dma_wait3A_374 = tpu.memref_slice %arg12[%dma_wait3A_364, %dma_wait3A_372, %dma_wait3A_373] : memref<8x128x16xf32, #tpu.memory_space<vmem>> -> memref<1x128x16xf32, #tpu.memory_space<vmem>>
      %dma_wait3A_375 = tpu.memref_squeeze %dma_wait3A_374 : memref<1x128x16xf32, #tpu.memory_space<vmem>> -> memref<128x16xf32, #tpu.memory_space<vmem>>
      %dma_wait3A_376 = arith.constant 0 : i32
      %dma_wait3A_377 = arith.constant 0 : i32
      %dma_wait3A_378 = tpu.memref_slice %arg2[%dma_wait3A_376, %dma_wait3A_377] : memref<10000x16xf32, #tpu.memory_space<hbm>> -> memref<128x16xf32, #tpu.memory_space<hbm>>
      tpu.wait_dma2 semaphore(%arg19 : memref<!tpu.dma_semaphore, #tpu.memory_space<semaphore_mem>>) src(%dma_wait3A_378 : memref<128x16xf32, #tpu.memory_space<hbm>>) dst(%dma_wait3A_375 : memref<128x16xf32, #tpu.memory_space<vmem>>)
      %dma_start3A_379 = arith.constant 3 : i32
      %dma_start3A_380 = arith.constant 0 : i32
      %dma_start3A_381 = arith.constant 0 : i32
      %dma_start3A_382 = tpu.memref_slice %arg12[%dma_start3A_379, %dma_start3A_380, %dma_start3A_381] : memref<8x128x16xf32, #tpu.memory_space<vmem>> -> memref<1x128x16xf32, #tpu.memory_space<vmem>>
      %dma_start3A_383 = tpu.memref_squeeze %dma_start3A_382 : memref<1x128x16xf32, #tpu.memory_space<vmem>> -> memref<128x16xf32, #tpu.memory_space<vmem>>
      %dma_start3A_384 = arith.constant 0 : i32
      %dma_start3A_385 = tpu.memref_slice %arg9[%add3A_363, %dma_start3A_384] : memref<80x128xi32, #tpu.memory_space<vmem>> -> memref<1x128xi32, #tpu.memory_space<vmem>>
      %dma_start3A_386 = tpu.memref_squeeze %dma_start3A_385 : memref<1x128xi32, #tpu.memory_space<vmem>> -> memref<128xi32, #tpu.memory_space<vmem>>
      %dma_start3A_387 = arith.constant 0 : i32
      %dma_start3A_388 = arith.constant 0 : i32
      %dma_start3A_389 = tpu.memref_slice %arg14[%dma_start3A_387, %dma_start3A_388] : memref<10240x16xf32, #tpu.memory_space<vmem_shared>> -> memref<10240x16xf32, #tpu.memory_space<vmem_shared>>
      tpu.enqueue_indirect_dma source(%dma_start3A_383 : memref<128x16xf32, #tpu.memory_space<vmem>>) target(%dma_start3A_389 : memref<10240x16xf32, #tpu.memory_space<vmem_shared>>) offsets(%dma_start3A_386 : memref<128xi32, #tpu.memory_space<vmem>>) semaphore(%arg27 : memref<!tpu.dma_semaphore, #tpu.memory_space<semaphore_mem>>) {add = true}
      %dma_start3A_390 = arith.constant 0 : i32
      %dma_start3A_391 = tpu.memref_slice %arg9[%add3A_363, %dma_start3A_390] : memref<80x128xi32, #tpu.memory_space<vmem>> -> memref<1x128xi32, #tpu.memory_space<vmem>>
      %dma_start3A_392 = tpu.memref_squeeze %dma_start3A_391 : memref<1x128xi32, #tpu.memory_space<vmem>> -> memref<128xi32, #tpu.memory_space<vmem>>
      %dma_start3A_393 = arith.constant 0 : i32
      %dma_start3A_394 = tpu.memref_slice %arg15[%dma_start3A_393] : memref<10240xf32, #tpu.memory_space<vmem_shared>> -> memref<10240xf32, #tpu.memory_space<vmem_shared>>
      tpu.enqueue_indirect_dma source(%arg10 : memref<128xf32, #tpu.memory_space<vmem>>) target(%dma_start3A_394 : memref<10240xf32, #tpu.memory_space<vmem_shared>>) offsets(%dma_start3A_392 : memref<128xi32, #tpu.memory_space<vmem>>) semaphore(%arg35 : memref<!tpu.dma_semaphore, #tpu.memory_space<semaphore_mem>>) {add = true}
      %mul3A_395 = arith.constant 8 : i32
      %mul3A_396 = arith.muli %scan3A_254, %mul3A_395 : i32
      %add3A_397 = arith.constant 4 : i32
      %add3A_398 = arith.addi %mul3A_396, %add3A_397 : i32
      %dma_wait3A_399 = arith.constant 4 : i32
      %dma_wait3A_400 = arith.constant 0 : i32
      %dma_wait3A_401 = arith.constant 0 : i32
      %dma_wait3A_402 = tpu.memref_slice %arg12[%dma_wait3A_399, %dma_wait3A_400, %dma_wait3A_401] : memref<8x128x16xf32, #tpu.memory_space<vmem>> -> memref<1x128x16xf32, #tpu.memory_space<vmem>>
      %dma_wait3A_403 = tpu.memref_squeeze %dma_wait3A_402 : memref<1x128x16xf32, #tpu.memory_space<vmem>> -> memref<128x16xf32, #tpu.memory_space<vmem>>
      %dma_wait3A_404 = arith.constant 0 : i32
      %dma_wait3A_405 = arith.constant 0 : i32
      %dma_wait3A_406 = tpu.memref_slice %arg2[%dma_wait3A_404, %dma_wait3A_405] : memref<10000x16xf32, #tpu.memory_space<hbm>> -> memref<128x16xf32, #tpu.memory_space<hbm>>
      %dma_wait3A_407 = arith.constant 0 : i32
      %dma_wait3A_408 = arith.constant 0 : i32
      %dma_wait3A_409 = tpu.memref_slice %arg12[%dma_wait3A_399, %dma_wait3A_407, %dma_wait3A_408] : memref<8x128x16xf32, #tpu.memory_space<vmem>> -> memref<1x128x16xf32, #tpu.memory_space<vmem>>
      %dma_wait3A_410 = tpu.memref_squeeze %dma_wait3A_409 : memref<1x128x16xf32, #tpu.memory_space<vmem>> -> memref<128x16xf32, #tpu.memory_space<vmem>>
      %dma_wait3A_411 = arith.constant 0 : i32
      %dma_wait3A_412 = arith.constant 0 : i32
      %dma_wait3A_413 = tpu.memref_slice %arg2[%dma_wait3A_411, %dma_wait3A_412] : memref<10000x16xf32, #tpu.memory_space<hbm>> -> memref<128x16xf32, #tpu.memory_space<hbm>>
      tpu.wait_dma2 semaphore(%arg20 : memref<!tpu.dma_semaphore, #tpu.memory_space<semaphore_mem>>) src(%dma_wait3A_413 : memref<128x16xf32, #tpu.memory_space<hbm>>) dst(%dma_wait3A_410 : memref<128x16xf32, #tpu.memory_space<vmem>>)
      %dma_start3A_414 = arith.constant 4 : i32
      %dma_start3A_415 = arith.constant 0 : i32
      %dma_start3A_416 = arith.constant 0 : i32
      %dma_start3A_417 = tpu.memref_slice %arg12[%dma_start3A_414, %dma_start3A_415, %dma_start3A_416] : memref<8x128x16xf32, #tpu.memory_space<vmem>> -> memref<1x128x16xf32, #tpu.memory_space<vmem>>
      %dma_start3A_418 = tpu.memref_squeeze %dma_start3A_417 : memref<1x128x16xf32, #tpu.memory_space<vmem>> -> memref<128x16xf32, #tpu.memory_space<vmem>>
      %dma_start3A_419 = arith.constant 0 : i32
      %dma_start3A_420 = tpu.memref_slice %arg9[%add3A_398, %dma_start3A_419] : memref<80x128xi32, #tpu.memory_space<vmem>> -> memref<1x128xi32, #tpu.memory_space<vmem>>
      %dma_start3A_421 = tpu.memref_squeeze %dma_start3A_420 : memref<1x128xi32, #tpu.memory_space<vmem>> -> memref<128xi32, #tpu.memory_space<vmem>>
      %dma_start3A_422 = arith.constant 0 : i32
      %dma_start3A_423 = arith.constant 0 : i32
      %dma_start3A_424 = tpu.memref_slice %arg14[%dma_start3A_422, %dma_start3A_423] : memref<10240x16xf32, #tpu.memory_space<vmem_shared>> -> memref<10240x16xf32, #tpu.memory_space<vmem_shared>>
      tpu.enqueue_indirect_dma source(%dma_start3A_418 : memref<128x16xf32, #tpu.memory_space<vmem>>) target(%dma_start3A_424 : memref<10240x16xf32, #tpu.memory_space<vmem_shared>>) offsets(%dma_start3A_421 : memref<128xi32, #tpu.memory_space<vmem>>) semaphore(%arg28 : memref<!tpu.dma_semaphore, #tpu.memory_space<semaphore_mem>>) {add = true}
      %dma_start3A_425 = arith.constant 0 : i32
      %dma_start3A_426 = tpu.memref_slice %arg9[%add3A_398, %dma_start3A_425] : memref<80x128xi32, #tpu.memory_space<vmem>> -> memref<1x128xi32, #tpu.memory_space<vmem>>
      %dma_start3A_427 = tpu.memref_squeeze %dma_start3A_426 : memref<1x128xi32, #tpu.memory_space<vmem>> -> memref<128xi32, #tpu.memory_space<vmem>>
      %dma_start3A_428 = arith.constant 0 : i32
      %dma_start3A_429 = tpu.memref_slice %arg15[%dma_start3A_428] : memref<10240xf32, #tpu.memory_space<vmem_shared>> -> memref<10240xf32, #tpu.memory_space<vmem_shared>>
      tpu.enqueue_indirect_dma source(%arg10 : memref<128xf32, #tpu.memory_space<vmem>>) target(%dma_start3A_429 : memref<10240xf32, #tpu.memory_space<vmem_shared>>) offsets(%dma_start3A_427 : memref<128xi32, #tpu.memory_space<vmem>>) semaphore(%arg36 : memref<!tpu.dma_semaphore, #tpu.memory_space<semaphore_mem>>) {add = true}
      %mul3A_430 = arith.constant 8 : i32
      %mul3A_431 = arith.muli %scan3A_254, %mul3A_430 : i32
      %add3A_432 = arith.constant 5 : i32
      %add3A_433 = arith.addi %mul3A_431, %add3A_432 : i32
      %dma_wait3A_434 = arith.constant 5 : i32
      %dma_wait3A_435 = arith.constant 0 : i32
      %dma_wait3A_436 = arith.constant 0 : i32
      %dma_wait3A_437 = tpu.memref_slice %arg12[%dma_wait3A_434, %dma_wait3A_435, %dma_wait3A_436] : memref<8x128x16xf32, #tpu.memory_space<vmem>> -> memref<1x128x16xf32, #tpu.memory_space<vmem>>
      %dma_wait3A_438 = tpu.memref_squeeze %dma_wait3A_437 : memref<1x128x16xf32, #tpu.memory_space<vmem>> -> memref<128x16xf32, #tpu.memory_space<vmem>>
      %dma_wait3A_439 = arith.constant 0 : i32
      %dma_wait3A_440 = arith.constant 0 : i32
      %dma_wait3A_441 = tpu.memref_slice %arg2[%dma_wait3A_439, %dma_wait3A_440] : memref<10000x16xf32, #tpu.memory_space<hbm>> -> memref<128x16xf32, #tpu.memory_space<hbm>>
      %dma_wait3A_442 = arith.constant 0 : i32
      %dma_wait3A_443 = arith.constant 0 : i32
      %dma_wait3A_444 = tpu.memref_slice %arg12[%dma_wait3A_434, %dma_wait3A_442, %dma_wait3A_443] : memref<8x128x16xf32, #tpu.memory_space<vmem>> -> memref<1x128x16xf32, #tpu.memory_space<vmem>>
      %dma_wait3A_445 = tpu.memref_squeeze %dma_wait3A_444 : memref<1x128x16xf32, #tpu.memory_space<vmem>> -> memref<128x16xf32, #tpu.memory_space<vmem>>
      %dma_wait3A_446 = arith.constant 0 : i32
      %dma_wait3A_447 = arith.constant 0 : i32
      %dma_wait3A_448 = tpu.memref_slice %arg2[%dma_wait3A_446, %dma_wait3A_447] : memref<10000x16xf32, #tpu.memory_space<hbm>> -> memref<128x16xf32, #tpu.memory_space<hbm>>
      tpu.wait_dma2 semaphore(%arg21 : memref<!tpu.dma_semaphore, #tpu.memory_space<semaphore_mem>>) src(%dma_wait3A_448 : memref<128x16xf32, #tpu.memory_space<hbm>>) dst(%dma_wait3A_445 : memref<128x16xf32, #tpu.memory_space<vmem>>)
      %dma_start3A_449 = arith.constant 5 : i32
      %dma_start3A_450 = arith.constant 0 : i32
      %dma_start3A_451 = arith.constant 0 : i32
      %dma_start3A_452 = tpu.memref_slice %arg12[%dma_start3A_449, %dma_start3A_450, %dma_start3A_451] : memref<8x128x16xf32, #tpu.memory_space<vmem>> -> memref<1x128x16xf32, #tpu.memory_space<vmem>>
      %dma_start3A_453 = tpu.memref_squeeze %dma_start3A_452 : memref<1x128x16xf32, #tpu.memory_space<vmem>> -> memref<128x16xf32, #tpu.memory_space<vmem>>
      %dma_start3A_454 = arith.constant 0 : i32
      %dma_start3A_455 = tpu.memref_slice %arg9[%add3A_433, %dma_start3A_454] : memref<80x128xi32, #tpu.memory_space<vmem>> -> memref<1x128xi32, #tpu.memory_space<vmem>>
      %dma_start3A_456 = tpu.memref_squeeze %dma_start3A_455 : memref<1x128xi32, #tpu.memory_space<vmem>> -> memref<128xi32, #tpu.memory_space<vmem>>
      %dma_start3A_457 = arith.constant 0 : i32
      %dma_start3A_458 = arith.constant 0 : i32
      %dma_start3A_459 = tpu.memref_slice %arg14[%dma_start3A_457, %dma_start3A_458] : memref<10240x16xf32, #tpu.memory_space<vmem_shared>> -> memref<10240x16xf32, #tpu.memory_space<vmem_shared>>
      tpu.enqueue_indirect_dma source(%dma_start3A_453 : memref<128x16xf32, #tpu.memory_space<vmem>>) target(%dma_start3A_459 : memref<10240x16xf32, #tpu.memory_space<vmem_shared>>) offsets(%dma_start3A_456 : memref<128xi32, #tpu.memory_space<vmem>>) semaphore(%arg29 : memref<!tpu.dma_semaphore, #tpu.memory_space<semaphore_mem>>) {add = true}
      %dma_start3A_460 = arith.constant 0 : i32
      %dma_start3A_461 = tpu.memref_slice %arg9[%add3A_433, %dma_start3A_460] : memref<80x128xi32, #tpu.memory_space<vmem>> -> memref<1x128xi32, #tpu.memory_space<vmem>>
      %dma_start3A_462 = tpu.memref_squeeze %dma_start3A_461 : memref<1x128xi32, #tpu.memory_space<vmem>> -> memref<128xi32, #tpu.memory_space<vmem>>
      %dma_start3A_463 = arith.constant 0 : i32
      %dma_start3A_464 = tpu.memref_slice %arg15[%dma_start3A_463] : memref<10240xf32, #tpu.memory_space<vmem_shared>> -> memref<10240xf32, #tpu.memory_space<vmem_shared>>
      tpu.enqueue_indirect_dma source(%arg10 : memref<128xf32, #tpu.memory_space<vmem>>) target(%dma_start3A_464 : memref<10240xf32, #tpu.memory_space<vmem_shared>>) offsets(%dma_start3A_462 : memref<128xi32, #tpu.memory_space<vmem>>) semaphore(%arg37 : memref<!tpu.dma_semaphore, #tpu.memory_space<semaphore_mem>>) {add = true}
      %mul3A_465 = arith.constant 8 : i32
      %mul3A_466 = arith.muli %scan3A_254, %mul3A_465 : i32
      %add3A_467 = arith.constant 6 : i32
      %add3A_468 = arith.addi %mul3A_466, %add3A_467 : i32
      %dma_wait3A_469 = arith.constant 6 : i32
      %dma_wait3A_470 = arith.constant 0 : i32
      %dma_wait3A_471 = arith.constant 0 : i32
      %dma_wait3A_472 = tpu.memref_slice %arg12[%dma_wait3A_469, %dma_wait3A_470, %dma_wait3A_471] : memref<8x128x16xf32, #tpu.memory_space<vmem>> -> memref<1x128x16xf32, #tpu.memory_space<vmem>>
      %dma_wait3A_473 = tpu.memref_squeeze %dma_wait3A_472 : memref<1x128x16xf32, #tpu.memory_space<vmem>> -> memref<128x16xf32, #tpu.memory_space<vmem>>
      %dma_wait3A_474 = arith.constant 0 : i32
      %dma_wait3A_475 = arith.constant 0 : i32
      %dma_wait3A_476 = tpu.memref_slice %arg2[%dma_wait3A_474, %dma_wait3A_475] : memref<10000x16xf32, #tpu.memory_space<hbm>> -> memref<128x16xf32, #tpu.memory_space<hbm>>
      %dma_wait3A_477 = arith.constant 0 : i32
      %dma_wait3A_478 = arith.constant 0 : i32
      %dma_wait3A_479 = tpu.memref_slice %arg12[%dma_wait3A_469, %dma_wait3A_477, %dma_wait3A_478] : memref<8x128x16xf32, #tpu.memory_space<vmem>> -> memref<1x128x16xf32, #tpu.memory_space<vmem>>
      %dma_wait3A_480 = tpu.memref_squeeze %dma_wait3A_479 : memref<1x128x16xf32, #tpu.memory_space<vmem>> -> memref<128x16xf32, #tpu.memory_space<vmem>>
      %dma_wait3A_481 = arith.constant 0 : i32
      %dma_wait3A_482 = arith.constant 0 : i32
      %dma_wait3A_483 = tpu.memref_slice %arg2[%dma_wait3A_481, %dma_wait3A_482] : memref<10000x16xf32, #tpu.memory_space<hbm>> -> memref<128x16xf32, #tpu.memory_space<hbm>>
      tpu.wait_dma2 semaphore(%arg22 : memref<!tpu.dma_semaphore, #tpu.memory_space<semaphore_mem>>) src(%dma_wait3A_483 : memref<128x16xf32, #tpu.memory_space<hbm>>) dst(%dma_wait3A_480 : memref<128x16xf32, #tpu.memory_space<vmem>>)
      %dma_start3A_484 = arith.constant 6 : i32
      %dma_start3A_485 = arith.constant 0 : i32
      %dma_start3A_486 = arith.constant 0 : i32
      %dma_start3A_487 = tpu.memref_slice %arg12[%dma_start3A_484, %dma_start3A_485, %dma_start3A_486] : memref<8x128x16xf32, #tpu.memory_space<vmem>> -> memref<1x128x16xf32, #tpu.memory_space<vmem>>
      %dma_start3A_488 = tpu.memref_squeeze %dma_start3A_487 : memref<1x128x16xf32, #tpu.memory_space<vmem>> -> memref<128x16xf32, #tpu.memory_space<vmem>>
      %dma_start3A_489 = arith.constant 0 : i32
      %dma_start3A_490 = tpu.memref_slice %arg9[%add3A_468, %dma_start3A_489] : memref<80x128xi32, #tpu.memory_space<vmem>> -> memref<1x128xi32, #tpu.memory_space<vmem>>
      %dma_start3A_491 = tpu.memref_squeeze %dma_start3A_490 : memref<1x128xi32, #tpu.memory_space<vmem>> -> memref<128xi32, #tpu.memory_space<vmem>>
      %dma_start3A_492 = arith.constant 0 : i32
      %dma_start3A_493 = arith.constant 0 : i32
      %dma_start3A_494 = tpu.memref_slice %arg14[%dma_start3A_492, %dma_start3A_493] : memref<10240x16xf32, #tpu.memory_space<vmem_shared>> -> memref<10240x16xf32, #tpu.memory_space<vmem_shared>>
      tpu.enqueue_indirect_dma source(%dma_start3A_488 : memref<128x16xf32, #tpu.memory_space<vmem>>) target(%dma_start3A_494 : memref<10240x16xf32, #tpu.memory_space<vmem_shared>>) offsets(%dma_start3A_491 : memref<128xi32, #tpu.memory_space<vmem>>) semaphore(%arg30 : memref<!tpu.dma_semaphore, #tpu.memory_space<semaphore_mem>>) {add = true}
      %dma_start3A_495 = arith.constant 0 : i32
      %dma_start3A_496 = tpu.memref_slice %arg9[%add3A_468, %dma_start3A_495] : memref<80x128xi32, #tpu.memory_space<vmem>> -> memref<1x128xi32, #tpu.memory_space<vmem>>
      %dma_start3A_497 = tpu.memref_squeeze %dma_start3A_496 : memref<1x128xi32, #tpu.memory_space<vmem>> -> memref<128xi32, #tpu.memory_space<vmem>>
      %dma_start3A_498 = arith.constant 0 : i32
      %dma_start3A_499 = tpu.memref_slice %arg15[%dma_start3A_498] : memref<10240xf32, #tpu.memory_space<vmem_shared>> -> memref<10240xf32, #tpu.memory_space<vmem_shared>>
      tpu.enqueue_indirect_dma source(%arg10 : memref<128xf32, #tpu.memory_space<vmem>>) target(%dma_start3A_499 : memref<10240xf32, #tpu.memory_space<vmem_shared>>) offsets(%dma_start3A_497 : memref<128xi32, #tpu.memory_space<vmem>>) semaphore(%arg38 : memref<!tpu.dma_semaphore, #tpu.memory_space<semaphore_mem>>) {add = true}
      %mul3A_500 = arith.constant 8 : i32
      %mul3A_501 = arith.muli %scan3A_254, %mul3A_500 : i32
      %add3A_502 = arith.constant 7 : i32
      %add3A_503 = arith.addi %mul3A_501, %add3A_502 : i32
      %dma_wait3A_504 = arith.constant 7 : i32
      %dma_wait3A_505 = arith.constant 0 : i32
      %dma_wait3A_506 = arith.constant 0 : i32
      %dma_wait3A_507 = tpu.memref_slice %arg12[%dma_wait3A_504, %dma_wait3A_505, %dma_wait3A_506] : memref<8x128x16xf32, #tpu.memory_space<vmem>> -> memref<1x128x16xf32, #tpu.memory_space<vmem>>
      %dma_wait3A_508 = tpu.memref_squeeze %dma_wait3A_507 : memref<1x128x16xf32, #tpu.memory_space<vmem>> -> memref<128x16xf32, #tpu.memory_space<vmem>>
      %dma_wait3A_509 = arith.constant 0 : i32
      %dma_wait3A_510 = arith.constant 0 : i32
      %dma_wait3A_511 = tpu.memref_slice %arg2[%dma_wait3A_509, %dma_wait3A_510] : memref<10000x16xf32, #tpu.memory_space<hbm>> -> memref<128x16xf32, #tpu.memory_space<hbm>>
      %dma_wait3A_512 = arith.constant 0 : i32
      %dma_wait3A_513 = arith.constant 0 : i32
      %dma_wait3A_514 = tpu.memref_slice %arg12[%dma_wait3A_504, %dma_wait3A_512, %dma_wait3A_513] : memref<8x128x16xf32, #tpu.memory_space<vmem>> -> memref<1x128x16xf32, #tpu.memory_space<vmem>>
      %dma_wait3A_515 = tpu.memref_squeeze %dma_wait3A_514 : memref<1x128x16xf32, #tpu.memory_space<vmem>> -> memref<128x16xf32, #tpu.memory_space<vmem>>
      %dma_wait3A_516 = arith.constant 0 : i32
      %dma_wait3A_517 = arith.constant 0 : i32
      %dma_wait3A_518 = tpu.memref_slice %arg2[%dma_wait3A_516, %dma_wait3A_517] : memref<10000x16xf32, #tpu.memory_space<hbm>> -> memref<128x16xf32, #tpu.memory_space<hbm>>
      tpu.wait_dma2 semaphore(%arg23 : memref<!tpu.dma_semaphore, #tpu.memory_space<semaphore_mem>>) src(%dma_wait3A_518 : memref<128x16xf32, #tpu.memory_space<hbm>>) dst(%dma_wait3A_515 : memref<128x16xf32, #tpu.memory_space<vmem>>)
      %dma_start3A_519 = arith.constant 7 : i32
      %dma_start3A_520 = arith.constant 0 : i32
      %dma_start3A_521 = arith.constant 0 : i32
      %dma_start3A_522 = tpu.memref_slice %arg12[%dma_start3A_519, %dma_start3A_520, %dma_start3A_521] : memref<8x128x16xf32, #tpu.memory_space<vmem>> -> memref<1x128x16xf32, #tpu.memory_space<vmem>>
      %dma_start3A_523 = tpu.memref_squeeze %dma_start3A_522 : memref<1x128x16xf32, #tpu.memory_space<vmem>> -> memref<128x16xf32, #tpu.memory_space<vmem>>
      %dma_start3A_524 = arith.constant 0 : i32
      %dma_start3A_525 = tpu.memref_slice %arg9[%add3A_503, %dma_start3A_524] : memref<80x128xi32, #tpu.memory_space<vmem>> -> memref<1x128xi32, #tpu.memory_space<vmem>>
      %dma_start3A_526 = tpu.memref_squeeze %dma_start3A_525 : memref<1x128xi32, #tpu.memory_space<vmem>> -> memref<128xi32, #tpu.memory_space<vmem>>
      %dma_start3A_527 = arith.constant 0 : i32
      %dma_start3A_528 = arith.constant 0 : i32
      %dma_start3A_529 = tpu.memref_slice %arg14[%dma_start3A_527, %dma_start3A_528] : memref<10240x16xf32, #tpu.memory_space<vmem_shared>> -> memref<10240x16xf32, #tpu.memory_space<vmem_shared>>
      tpu.enqueue_indirect_dma source(%dma_start3A_523 : memref<128x16xf32, #tpu.memory_space<vmem>>) target(%dma_start3A_529 : memref<10240x16xf32, #tpu.memory_space<vmem_shared>>) offsets(%dma_start3A_526 : memref<128xi32, #tpu.memory_space<vmem>>) semaphore(%arg31 : memref<!tpu.dma_semaphore, #tpu.memory_space<semaphore_mem>>) {add = true}
      %dma_start3A_530 = arith.constant 0 : i32
      %dma_start3A_531 = tpu.memref_slice %arg9[%add3A_503, %dma_start3A_530] : memref<80x128xi32, #tpu.memory_space<vmem>> -> memref<1x128xi32, #tpu.memory_space<vmem>>
      %dma_start3A_532 = tpu.memref_squeeze %dma_start3A_531 : memref<1x128xi32, #tpu.memory_space<vmem>> -> memref<128xi32, #tpu.memory_space<vmem>>
      %dma_start3A_533 = arith.constant 0 : i32
      %dma_start3A_534 = tpu.memref_slice %arg15[%dma_start3A_533] : memref<10240xf32, #tpu.memory_space<vmem_shared>> -> memref<10240xf32, #tpu.memory_space<vmem_shared>>
      tpu.enqueue_indirect_dma source(%arg10 : memref<128xf32, #tpu.memory_space<vmem>>) target(%dma_start3A_534 : memref<10240xf32, #tpu.memory_space<vmem_shared>>) offsets(%dma_start3A_532 : memref<128xi32, #tpu.memory_space<vmem>>) semaphore(%arg39 : memref<!tpu.dma_semaphore, #tpu.memory_space<semaphore_mem>>) {add = true}
      %mul3A_535 = arith.constant 8 : i32
      %mul3A_536 = arith.muli %scan3A_254, %mul3A_535 : i32
      %add3A_537 = arith.constant 0 : i32
      %add3A_538 = arith.addi %mul3A_536, %add3A_537 : i32
      %dma_wait3A_539 = arith.constant 0 : i32
      %dma_wait3A_540 = arith.constant 0 : i32
      %dma_wait3A_541 = arith.constant 0 : i32
      %dma_wait3A_542 = tpu.memref_slice %arg12[%dma_wait3A_539, %dma_wait3A_540, %dma_wait3A_541] : memref<8x128x16xf32, #tpu.memory_space<vmem>> -> memref<1x128x16xf32, #tpu.memory_space<vmem>>
      %dma_wait3A_543 = tpu.memref_squeeze %dma_wait3A_542 : memref<1x128x16xf32, #tpu.memory_space<vmem>> -> memref<128x16xf32, #tpu.memory_space<vmem>>
      %dma_wait3A_544 = arith.constant 0 : i32
      %dma_wait3A_545 = tpu.memref_slice %arg9[%add3A_538, %dma_wait3A_544] : memref<80x128xi32, #tpu.memory_space<vmem>> -> memref<1x128xi32, #tpu.memory_space<vmem>>
      %dma_wait3A_546 = tpu.memref_squeeze %dma_wait3A_545 : memref<1x128xi32, #tpu.memory_space<vmem>> -> memref<128xi32, #tpu.memory_space<vmem>>
      %dma_wait3A_547 = arith.constant 0 : i32
      %dma_wait3A_548 = arith.constant 0 : i32
      %dma_wait3A_549 = tpu.memref_slice %arg14[%dma_wait3A_547, %dma_wait3A_548] : memref<10240x16xf32, #tpu.memory_space<vmem_shared>> -> memref<10240x16xf32, #tpu.memory_space<vmem_shared>>
      tpu.wait_indirect_dma semaphore(%arg24 : memref<!tpu.dma_semaphore, #tpu.memory_space<semaphore_mem>>) src(%dma_wait3A_543 : memref<128x16xf32, #tpu.memory_space<vmem>>) dst(%dma_wait3A_549 : memref<10240x16xf32, #tpu.memory_space<vmem_shared>>)
      %dma_wait3A_550 = arith.constant 0 : i32
      %dma_wait3A_551 = tpu.memref_slice %arg9[%add3A_538, %dma_wait3A_550] : memref<80x128xi32, #tpu.memory_space<vmem>> -> memref<1x128xi32, #tpu.memory_space<vmem>>
      %dma_wait3A_552 = tpu.memref_squeeze %dma_wait3A_551 : memref<1x128xi32, #tpu.memory_space<vmem>> -> memref<128xi32, #tpu.memory_space<vmem>>
      %dma_wait3A_553 = arith.constant 0 : i32
      %dma_wait3A_554 = tpu.memref_slice %arg15[%dma_wait3A_553] : memref<10240xf32, #tpu.memory_space<vmem_shared>> -> memref<10240xf32, #tpu.memory_space<vmem_shared>>
      tpu.wait_indirect_dma semaphore(%arg32 : memref<!tpu.dma_semaphore, #tpu.memory_space<semaphore_mem>>) src(%arg10 : memref<128xf32, #tpu.memory_space<vmem>>) dst(%dma_wait3A_554 : memref<10240xf32, #tpu.memory_space<vmem_shared>>)
      %add3A_555 = arith.constant 8 : i32
      %add3A_556 = arith.addi %add3A_538, %add3A_555 : i32
      %min3A = arith.constant 79 : i32
      %min3A_557 = arith.minsi %add3A_556, %min3A : i32
      %dma_start3A_558 = arith.constant 0 : i32
      %dma_start3A_559 = arith.constant 0 : i32
      %dma_start3A_560 = arith.constant 0 : i32
      %dma_start3A_561 = tpu.memref_slice %arg12[%dma_start3A_558, %dma_start3A_559, %dma_start3A_560] : memref<8x128x16xf32, #tpu.memory_space<vmem>> -> memref<1x128x16xf32, #tpu.memory_space<vmem>>
      %dma_start3A_562 = tpu.memref_squeeze %dma_start3A_561 : memref<1x128x16xf32, #tpu.memory_space<vmem>> -> memref<128x16xf32, #tpu.memory_space<vmem>>
      %dma_start3A_563 = arith.constant 0 : i32
      %dma_start3A_564 = tpu.memref_slice %arg8[%min3A_557, %dma_start3A_563] : memref<80x128xi32, #tpu.memory_space<vmem>> -> memref<1x128xi32, #tpu.memory_space<vmem>>
      %dma_start3A_565 = tpu.memref_squeeze %dma_start3A_564 : memref<1x128xi32, #tpu.memory_space<vmem>> -> memref<128xi32, #tpu.memory_space<vmem>>
      %dma_start3A_566 = arith.constant 0 : i32
      %dma_start3A_567 = arith.constant 0 : i32
      %dma_start3A_568 = tpu.memref_slice %arg13[%dma_start3A_566, %dma_start3A_567] : memref<10000x16xf32, #tpu.memory_space<vmem_shared>> -> memref<10000x16xf32, #tpu.memory_space<vmem_shared>>
      tpu.enqueue_indirect_dma source(%dma_start3A_568 : memref<10000x16xf32, #tpu.memory_space<vmem_shared>>) target(%dma_start3A_562 : memref<128x16xf32, #tpu.memory_space<vmem>>) offsets(%dma_start3A_565 : memref<128xi32, #tpu.memory_space<vmem>>) semaphore(%arg16 : memref<!tpu.dma_semaphore, #tpu.memory_space<semaphore_mem>>)
      %mul3A_569 = arith.constant 8 : i32
      %mul3A_570 = arith.muli %scan3A_254, %mul3A_569 : i32
      %add3A_571 = arith.constant 1 : i32
      %add3A_572 = arith.addi %mul3A_570, %add3A_571 : i32
      %dma_wait3A_573 = arith.constant 1 : i32
      %dma_wait3A_574 = arith.constant 0 : i32
      %dma_wait3A_575 = arith.constant 0 : i32
      %dma_wait3A_576 = tpu.memref_slice %arg12[%dma_wait3A_573, %dma_wait3A_574, %dma_wait3A_575] : memref<8x128x16xf32, #tpu.memory_space<vmem>> -> memref<1x128x16xf32, #tpu.memory_space<vmem>>
      %dma_wait3A_577 = tpu.memref_squeeze %dma_wait3A_576 : memref<1x128x16xf32, #tpu.memory_space<vmem>> -> memref<128x16xf32, #tpu.memory_space<vmem>>
      %dma_wait3A_578 = arith.constant 0 : i32
      %dma_wait3A_579 = tpu.memref_slice %arg9[%add3A_572, %dma_wait3A_578] : memref<80x128xi32, #tpu.memory_space<vmem>> -> memref<1x128xi32, #tpu.memory_space<vmem>>
      %dma_wait3A_580 = tpu.memref_squeeze %dma_wait3A_579 : memref<1x128xi32, #tpu.memory_space<vmem>> -> memref<128xi32, #tpu.memory_space<vmem>>
      %dma_wait3A_581 = arith.constant 0 : i32
      %dma_wait3A_582 = arith.constant 0 : i32
      %dma_wait3A_583 = tpu.memref_slice %arg14[%dma_wait3A_581, %dma_wait3A_582] : memref<10240x16xf32, #tpu.memory_space<vmem_shared>> -> memref<10240x16xf32, #tpu.memory_space<vmem_shared>>
      tpu.wait_indirect_dma semaphore(%arg25 : memref<!tpu.dma_semaphore, #tpu.memory_space<semaphore_mem>>) src(%dma_wait3A_577 : memref<128x16xf32, #tpu.memory_space<vmem>>) dst(%dma_wait3A_583 : memref<10240x16xf32, #tpu.memory_space<vmem_shared>>)
      %dma_wait3A_584 = arith.constant 0 : i32
      %dma_wait3A_585 = tpu.memref_slice %arg9[%add3A_572, %dma_wait3A_584] : memref<80x128xi32, #tpu.memory_space<vmem>> -> memref<1x128xi32, #tpu.memory_space<vmem>>
      %dma_wait3A_586 = tpu.memref_squeeze %dma_wait3A_585 : memref<1x128xi32, #tpu.memory_space<vmem>> -> memref<128xi32, #tpu.memory_space<vmem>>
      %dma_wait3A_587 = arith.constant 0 : i32
      %dma_wait3A_588 = tpu.memref_slice %arg15[%dma_wait3A_587] : memref<10240xf32, #tpu.memory_space<vmem_shared>> -> memref<10240xf32, #tpu.memory_space<vmem_shared>>
      tpu.wait_indirect_dma semaphore(%arg33 : memref<!tpu.dma_semaphore, #tpu.memory_space<semaphore_mem>>) src(%arg10 : memref<128xf32, #tpu.memory_space<vmem>>) dst(%dma_wait3A_588 : memref<10240xf32, #tpu.memory_space<vmem_shared>>)
      %add3A_589 = arith.constant 8 : i32
      %add3A_590 = arith.addi %add3A_572, %add3A_589 : i32
      %min3A_591 = arith.constant 79 : i32
      %min3A_592 = arith.minsi %add3A_590, %min3A_591 : i32
      %dma_start3A_593 = arith.constant 1 : i32
      %dma_start3A_594 = arith.constant 0 : i32
      %dma_start3A_595 = arith.constant 0 : i32
      %dma_start3A_596 = tpu.memref_slice %arg12[%dma_start3A_593, %dma_start3A_594, %dma_start3A_595] : memref<8x128x16xf32, #tpu.memory_space<vmem>> -> memref<1x128x16xf32, #tpu.memory_space<vmem>>
      %dma_start3A_597 = tpu.memref_squeeze %dma_start3A_596 : memref<1x128x16xf32, #tpu.memory_space<vmem>> -> memref<128x16xf32, #tpu.memory_space<vmem>>
      %dma_start3A_598 = arith.constant 0 : i32
      %dma_start3A_599 = tpu.memref_slice %arg8[%min3A_592, %dma_start3A_598] : memref<80x128xi32, #tpu.memory_space<vmem>> -> memref<1x128xi32, #tpu.memory_space<vmem>>
      %dma_start3A_600 = tpu.memref_squeeze %dma_start3A_599 : memref<1x128xi32, #tpu.memory_space<vmem>> -> memref<128xi32, #tpu.memory_space<vmem>>
      %dma_start3A_601 = arith.constant 0 : i32
      %dma_start3A_602 = arith.constant 0 : i32
      %dma_start3A_603 = tpu.memref_slice %arg13[%dma_start3A_601, %dma_start3A_602] : memref<10000x16xf32, #tpu.memory_space<vmem_shared>> -> memref<10000x16xf32, #tpu.memory_space<vmem_shared>>
      tpu.enqueue_indirect_dma source(%dma_start3A_603 : memref<10000x16xf32, #tpu.memory_space<vmem_shared>>) target(%dma_start3A_597 : memref<128x16xf32, #tpu.memory_space<vmem>>) offsets(%dma_start3A_600 : memref<128xi32, #tpu.memory_space<vmem>>) semaphore(%arg17 : memref<!tpu.dma_semaphore, #tpu.memory_space<semaphore_mem>>)
      %mul3A_604 = arith.constant 8 : i32
      %mul3A_605 = arith.muli %scan3A_254, %mul3A_604 : i32
      %add3A_606 = arith.constant 2 : i32
      %add3A_607 = arith.addi %mul3A_605, %add3A_606 : i32
      %dma_wait3A_608 = arith.constant 2 : i32
      %dma_wait3A_609 = arith.constant 0 : i32
      %dma_wait3A_610 = arith.constant 0 : i32
      %dma_wait3A_611 = tpu.memref_slice %arg12[%dma_wait3A_608, %dma_wait3A_609, %dma_wait3A_610] : memref<8x128x16xf32, #tpu.memory_space<vmem>> -> memref<1x128x16xf32, #tpu.memory_space<vmem>>
      %dma_wait3A_612 = tpu.memref_squeeze %dma_wait3A_611 : memref<1x128x16xf32, #tpu.memory_space<vmem>> -> memref<128x16xf32, #tpu.memory_space<vmem>>
      %dma_wait3A_613 = arith.constant 0 : i32
      %dma_wait3A_614 = tpu.memref_slice %arg9[%add3A_607, %dma_wait3A_613] : memref<80x128xi32, #tpu.memory_space<vmem>> -> memref<1x128xi32, #tpu.memory_space<vmem>>
      %dma_wait3A_615 = tpu.memref_squeeze %dma_wait3A_614 : memref<1x128xi32, #tpu.memory_space<vmem>> -> memref<128xi32, #tpu.memory_space<vmem>>
      %dma_wait3A_616 = arith.constant 0 : i32
      %dma_wait3A_617 = arith.constant 0 : i32
      %dma_wait3A_618 = tpu.memref_slice %arg14[%dma_wait3A_616, %dma_wait3A_617] : memref<10240x16xf32, #tpu.memory_space<vmem_shared>> -> memref<10240x16xf32, #tpu.memory_space<vmem_shared>>
      tpu.wait_indirect_dma semaphore(%arg26 : memref<!tpu.dma_semaphore, #tpu.memory_space<semaphore_mem>>) src(%dma_wait3A_612 : memref<128x16xf32, #tpu.memory_space<vmem>>) dst(%dma_wait3A_618 : memref<10240x16xf32, #tpu.memory_space<vmem_shared>>)
      %dma_wait3A_619 = arith.constant 0 : i32
      %dma_wait3A_620 = tpu.memref_slice %arg9[%add3A_607, %dma_wait3A_619] : memref<80x128xi32, #tpu.memory_space<vmem>> -> memref<1x128xi32, #tpu.memory_space<vmem>>
      %dma_wait3A_621 = tpu.memref_squeeze %dma_wait3A_620 : memref<1x128xi32, #tpu.memory_space<vmem>> -> memref<128xi32, #tpu.memory_space<vmem>>
      %dma_wait3A_622 = arith.constant 0 : i32
      %dma_wait3A_623 = tpu.memref_slice %arg15[%dma_wait3A_622] : memref<10240xf32, #tpu.memory_space<vmem_shared>> -> memref<10240xf32, #tpu.memory_space<vmem_shared>>
      tpu.wait_indirect_dma semaphore(%arg34 : memref<!tpu.dma_semaphore, #tpu.memory_space<semaphore_mem>>) src(%arg10 : memref<128xf32, #tpu.memory_space<vmem>>) dst(%dma_wait3A_623 : memref<10240xf32, #tpu.memory_space<vmem_shared>>)
      %add3A_624 = arith.constant 8 : i32
      %add3A_625 = arith.addi %add3A_607, %add3A_624 : i32
      %min3A_626 = arith.constant 79 : i32
      %min3A_627 = arith.minsi %add3A_625, %min3A_626 : i32
      %dma_start3A_628 = arith.constant 2 : i32
      %dma_start3A_629 = arith.constant 0 : i32
      %dma_start3A_630 = arith.constant 0 : i32
      %dma_start3A_631 = tpu.memref_slice %arg12[%dma_start3A_628, %dma_start3A_629, %dma_start3A_630] : memref<8x128x16xf32, #tpu.memory_space<vmem>> -> memref<1x128x16xf32, #tpu.memory_space<vmem>>
      %dma_start3A_632 = tpu.memref_squeeze %dma_start3A_631 : memref<1x128x16xf32, #tpu.memory_space<vmem>> -> memref<128x16xf32, #tpu.memory_space<vmem>>
      %dma_start3A_633 = arith.constant 0 : i32
      %dma_start3A_634 = tpu.memref_slice %arg8[%min3A_627, %dma_start3A_633] : memref<80x128xi32, #tpu.memory_space<vmem>> -> memref<1x128xi32, #tpu.memory_space<vmem>>
      %dma_start3A_635 = tpu.memref_squeeze %dma_start3A_634 : memref<1x128xi32, #tpu.memory_space<vmem>> -> memref<128xi32, #tpu.memory_space<vmem>>
      %dma_start3A_636 = arith.constant 0 : i32
      %dma_start3A_637 = arith.constant 0 : i32
      %dma_start3A_638 = tpu.memref_slice %arg13[%dma_start3A_636, %dma_start3A_637] : memref<10000x16xf32, #tpu.memory_space<vmem_shared>> -> memref<10000x16xf32, #tpu.memory_space<vmem_shared>>
      tpu.enqueue_indirect_dma source(%dma_start3A_638 : memref<10000x16xf32, #tpu.memory_space<vmem_shared>>) target(%dma_start3A_632 : memref<128x16xf32, #tpu.memory_space<vmem>>) offsets(%dma_start3A_635 : memref<128xi32, #tpu.memory_space<vmem>>) semaphore(%arg18 : memref<!tpu.dma_semaphore, #tpu.memory_space<semaphore_mem>>)
      %mul3A_639 = arith.constant 8 : i32
      %mul3A_640 = arith.muli %scan3A_254, %mul3A_639 : i32
      %add3A_641 = arith.constant 3 : i32
      %add3A_642 = arith.addi %mul3A_640, %add3A_641 : i32
      %dma_wait3A_643 = arith.constant 3 : i32
      %dma_wait3A_644 = arith.constant 0 : i32
      %dma_wait3A_645 = arith.constant 0 : i32
      %dma_wait3A_646 = tpu.memref_slice %arg12[%dma_wait3A_643, %dma_wait3A_644, %dma_wait3A_645] : memref<8x128x16xf32, #tpu.memory_space<vmem>> -> memref<1x128x16xf32, #tpu.memory_space<vmem>>
      %dma_wait3A_647 = tpu.memref_squeeze %dma_wait3A_646 : memref<1x128x16xf32, #tpu.memory_space<vmem>> -> memref<128x16xf32, #tpu.memory_space<vmem>>
      %dma_wait3A_648 = arith.constant 0 : i32
      %dma_wait3A_649 = tpu.memref_slice %arg9[%add3A_642, %dma_wait3A_648] : memref<80x128xi32, #tpu.memory_space<vmem>> -> memref<1x128xi32, #tpu.memory_space<vmem>>
      %dma_wait3A_650 = tpu.memref_squeeze %dma_wait3A_649 : memref<1x128xi32, #tpu.memory_space<vmem>> -> memref<128xi32, #tpu.memory_space<vmem>>
      %dma_wait3A_651 = arith.constant 0 : i32
      %dma_wait3A_652 = arith.constant 0 : i32
      %dma_wait3A_653 = tpu.memref_slice %arg14[%dma_wait3A_651, %dma_wait3A_652] : memref<10240x16xf32, #tpu.memory_space<vmem_shared>> -> memref<10240x16xf32, #tpu.memory_space<vmem_shared>>
      tpu.wait_indirect_dma semaphore(%arg27 : memref<!tpu.dma_semaphore, #tpu.memory_space<semaphore_mem>>) src(%dma_wait3A_647 : memref<128x16xf32, #tpu.memory_space<vmem>>) dst(%dma_wait3A_653 : memref<10240x16xf32, #tpu.memory_space<vmem_shared>>)
      %dma_wait3A_654 = arith.constant 0 : i32
      %dma_wait3A_655 = tpu.memref_slice %arg9[%add3A_642, %dma_wait3A_654] : memref<80x128xi32, #tpu.memory_space<vmem>> -> memref<1x128xi32, #tpu.memory_space<vmem>>
      %dma_wait3A_656 = tpu.memref_squeeze %dma_wait3A_655 : memref<1x128xi32, #tpu.memory_space<vmem>> -> memref<128xi32, #tpu.memory_space<vmem>>
      %dma_wait3A_657 = arith.constant 0 : i32
      %dma_wait3A_658 = tpu.memref_slice %arg15[%dma_wait3A_657] : memref<10240xf32, #tpu.memory_space<vmem_shared>> -> memref<10240xf32, #tpu.memory_space<vmem_shared>>
      tpu.wait_indirect_dma semaphore(%arg35 : memref<!tpu.dma_semaphore, #tpu.memory_space<semaphore_mem>>) src(%arg10 : memref<128xf32, #tpu.memory_space<vmem>>) dst(%dma_wait3A_658 : memref<10240xf32, #tpu.memory_space<vmem_shared>>)
      %add3A_659 = arith.constant 8 : i32
      %add3A_660 = arith.addi %add3A_642, %add3A_659 : i32
      %min3A_661 = arith.constant 79 : i32
      %min3A_662 = arith.minsi %add3A_660, %min3A_661 : i32
      %dma_start3A_663 = arith.constant 3 : i32
      %dma_start3A_664 = arith.constant 0 : i32
      %dma_start3A_665 = arith.constant 0 : i32
      %dma_start3A_666 = tpu.memref_slice %arg12[%dma_start3A_663, %dma_start3A_664, %dma_start3A_665] : memref<8x128x16xf32, #tpu.memory_space<vmem>> -> memref<1x128x16xf32, #tpu.memory_space<vmem>>
      %dma_start3A_667 = tpu.memref_squeeze %dma_start3A_666 : memref<1x128x16xf32, #tpu.memory_space<vmem>> -> memref<128x16xf32, #tpu.memory_space<vmem>>
      %dma_start3A_668 = arith.constant 0 : i32
      %dma_start3A_669 = tpu.memref_slice %arg8[%min3A_662, %dma_start3A_668] : memref<80x128xi32, #tpu.memory_space<vmem>> -> memref<1x128xi32, #tpu.memory_space<vmem>>
      %dma_start3A_670 = tpu.memref_squeeze %dma_start3A_669 : memref<1x128xi32, #tpu.memory_space<vmem>> -> memref<128xi32, #tpu.memory_space<vmem>>
      %dma_start3A_671 = arith.constant 0 : i32
      %dma_start3A_672 = arith.constant 0 : i32
      %dma_start3A_673 = tpu.memref_slice %arg13[%dma_start3A_671, %dma_start3A_672] : memref<10000x16xf32, #tpu.memory_space<vmem_shared>> -> memref<10000x16xf32, #tpu.memory_space<vmem_shared>>
      tpu.enqueue_indirect_dma source(%dma_start3A_673 : memref<10000x16xf32, #tpu.memory_space<vmem_shared>>) target(%dma_start3A_667 : memref<128x16xf32, #tpu.memory_space<vmem>>) offsets(%dma_start3A_670 : memref<128xi32, #tpu.memory_space<vmem>>) semaphore(%arg19 : memref<!tpu.dma_semaphore, #tpu.memory_space<semaphore_mem>>)
      %mul3A_674 = arith.constant 8 : i32
      %mul3A_675 = arith.muli %scan3A_254, %mul3A_674 : i32
      %add3A_676 = arith.constant 4 : i32
      %add3A_677 = arith.addi %mul3A_675, %add3A_676 : i32
      %dma_wait3A_678 = arith.constant 4 : i32
      %dma_wait3A_679 = arith.constant 0 : i32
      %dma_wait3A_680 = arith.constant 0 : i32
      %dma_wait3A_681 = tpu.memref_slice %arg12[%dma_wait3A_678, %dma_wait3A_679, %dma_wait3A_680] : memref<8x128x16xf32, #tpu.memory_space<vmem>> -> memref<1x128x16xf32, #tpu.memory_space<vmem>>
      %dma_wait3A_682 = tpu.memref_squeeze %dma_wait3A_681 : memref<1x128x16xf32, #tpu.memory_space<vmem>> -> memref<128x16xf32, #tpu.memory_space<vmem>>
      %dma_wait3A_683 = arith.constant 0 : i32
      %dma_wait3A_684 = tpu.memref_slice %arg9[%add3A_677, %dma_wait3A_683] : memref<80x128xi32, #tpu.memory_space<vmem>> -> memref<1x128xi32, #tpu.memory_space<vmem>>
      %dma_wait3A_685 = tpu.memref_squeeze %dma_wait3A_684 : memref<1x128xi32, #tpu.memory_space<vmem>> -> memref<128xi32, #tpu.memory_space<vmem>>
      %dma_wait3A_686 = arith.constant 0 : i32
      %dma_wait3A_687 = arith.constant 0 : i32
      %dma_wait3A_688 = tpu.memref_slice %arg14[%dma_wait3A_686, %dma_wait3A_687] : memref<10240x16xf32, #tpu.memory_space<vmem_shared>> -> memref<10240x16xf32, #tpu.memory_space<vmem_shared>>
      tpu.wait_indirect_dma semaphore(%arg28 : memref<!tpu.dma_semaphore, #tpu.memory_space<semaphore_mem>>) src(%dma_wait3A_682 : memref<128x16xf32, #tpu.memory_space<vmem>>) dst(%dma_wait3A_688 : memref<10240x16xf32, #tpu.memory_space<vmem_shared>>)
      %dma_wait3A_689 = arith.constant 0 : i32
      %dma_wait3A_690 = tpu.memref_slice %arg9[%add3A_677, %dma_wait3A_689] : memref<80x128xi32, #tpu.memory_space<vmem>> -> memref<1x128xi32, #tpu.memory_space<vmem>>
      %dma_wait3A_691 = tpu.memref_squeeze %dma_wait3A_690 : memref<1x128xi32, #tpu.memory_space<vmem>> -> memref<128xi32, #tpu.memory_space<vmem>>
      %dma_wait3A_692 = arith.constant 0 : i32
      %dma_wait3A_693 = tpu.memref_slice %arg15[%dma_wait3A_692] : memref<10240xf32, #tpu.memory_space<vmem_shared>> -> memref<10240xf32, #tpu.memory_space<vmem_shared>>
      tpu.wait_indirect_dma semaphore(%arg36 : memref<!tpu.dma_semaphore, #tpu.memory_space<semaphore_mem>>) src(%arg10 : memref<128xf32, #tpu.memory_space<vmem>>) dst(%dma_wait3A_693 : memref<10240xf32, #tpu.memory_space<vmem_shared>>)
      %add3A_694 = arith.constant 8 : i32
      %add3A_695 = arith.addi %add3A_677, %add3A_694 : i32
      %min3A_696 = arith.constant 79 : i32
      %min3A_697 = arith.minsi %add3A_695, %min3A_696 : i32
      %dma_start3A_698 = arith.constant 4 : i32
      %dma_start3A_699 = arith.constant 0 : i32
      %dma_start3A_700 = arith.constant 0 : i32
      %dma_start3A_701 = tpu.memref_slice %arg12[%dma_start3A_698, %dma_start3A_699, %dma_start3A_700] : memref<8x128x16xf32, #tpu.memory_space<vmem>> -> memref<1x128x16xf32, #tpu.memory_space<vmem>>
      %dma_start3A_702 = tpu.memref_squeeze %dma_start3A_701 : memref<1x128x16xf32, #tpu.memory_space<vmem>> -> memref<128x16xf32, #tpu.memory_space<vmem>>
      %dma_start3A_703 = arith.constant 0 : i32
      %dma_start3A_704 = tpu.memref_slice %arg8[%min3A_697, %dma_start3A_703] : memref<80x128xi32, #tpu.memory_space<vmem>> -> memref<1x128xi32, #tpu.memory_space<vmem>>
      %dma_start3A_705 = tpu.memref_squeeze %dma_start3A_704 : memref<1x128xi32, #tpu.memory_space<vmem>> -> memref<128xi32, #tpu.memory_space<vmem>>
      %dma_start3A_706 = arith.constant 0 : i32
      %dma_start3A_707 = arith.constant 0 : i32
      %dma_start3A_708 = tpu.memref_slice %arg13[%dma_start3A_706, %dma_start3A_707] : memref<10000x16xf32, #tpu.memory_space<vmem_shared>> -> memref<10000x16xf32, #tpu.memory_space<vmem_shared>>
      tpu.enqueue_indirect_dma source(%dma_start3A_708 : memref<10000x16xf32, #tpu.memory_space<vmem_shared>>) target(%dma_start3A_702 : memref<128x16xf32, #tpu.memory_space<vmem>>) offsets(%dma_start3A_705 : memref<128xi32, #tpu.memory_space<vmem>>) semaphore(%arg20 : memref<!tpu.dma_semaphore, #tpu.memory_space<semaphore_mem>>)
      %mul3A_709 = arith.constant 8 : i32
      %mul3A_710 = arith.muli %scan3A_254, %mul3A_709 : i32
      %add3A_711 = arith.constant 5 : i32
      %add3A_712 = arith.addi %mul3A_710, %add3A_711 : i32
      %dma_wait3A_713 = arith.constant 5 : i32
      %dma_wait3A_714 = arith.constant 0 : i32
      %dma_wait3A_715 = arith.constant 0 : i32
      %dma_wait3A_716 = tpu.memref_slice %arg12[%dma_wait3A_713, %dma_wait3A_714, %dma_wait3A_715] : memref<8x128x16xf32, #tpu.memory_space<vmem>> -> memref<1x128x16xf32, #tpu.memory_space<vmem>>
      %dma_wait3A_717 = tpu.memref_squeeze %dma_wait3A_716 : memref<1x128x16xf32, #tpu.memory_space<vmem>> -> memref<128x16xf32, #tpu.memory_space<vmem>>
      %dma_wait3A_718 = arith.constant 0 : i32
      %dma_wait3A_719 = tpu.memref_slice %arg9[%add3A_712, %dma_wait3A_718] : memref<80x128xi32, #tpu.memory_space<vmem>> -> memref<1x128xi32, #tpu.memory_space<vmem>>
      %dma_wait3A_720 = tpu.memref_squeeze %dma_wait3A_719 : memref<1x128xi32, #tpu.memory_space<vmem>> -> memref<128xi32, #tpu.memory_space<vmem>>
      %dma_wait3A_721 = arith.constant 0 : i32
      %dma_wait3A_722 = arith.constant 0 : i32
      %dma_wait3A_723 = tpu.memref_slice %arg14[%dma_wait3A_721, %dma_wait3A_722] : memref<10240x16xf32, #tpu.memory_space<vmem_shared>> -> memref<10240x16xf32, #tpu.memory_space<vmem_shared>>
      tpu.wait_indirect_dma semaphore(%arg29 : memref<!tpu.dma_semaphore, #tpu.memory_space<semaphore_mem>>) src(%dma_wait3A_717 : memref<128x16xf32, #tpu.memory_space<vmem>>) dst(%dma_wait3A_723 : memref<10240x16xf32, #tpu.memory_space<vmem_shared>>)
      %dma_wait3A_724 = arith.constant 0 : i32
      %dma_wait3A_725 = tpu.memref_slice %arg9[%add3A_712, %dma_wait3A_724] : memref<80x128xi32, #tpu.memory_space<vmem>> -> memref<1x128xi32, #tpu.memory_space<vmem>>
      %dma_wait3A_726 = tpu.memref_squeeze %dma_wait3A_725 : memref<1x128xi32, #tpu.memory_space<vmem>> -> memref<128xi32, #tpu.memory_space<vmem>>
      %dma_wait3A_727 = arith.constant 0 : i32
      %dma_wait3A_728 = tpu.memref_slice %arg15[%dma_wait3A_727] : memref<10240xf32, #tpu.memory_space<vmem_shared>> -> memref<10240xf32, #tpu.memory_space<vmem_shared>>
      tpu.wait_indirect_dma semaphore(%arg37 : memref<!tpu.dma_semaphore, #tpu.memory_space<semaphore_mem>>) src(%arg10 : memref<128xf32, #tpu.memory_space<vmem>>) dst(%dma_wait3A_728 : memref<10240xf32, #tpu.memory_space<vmem_shared>>)
      %add3A_729 = arith.constant 8 : i32
      %add3A_730 = arith.addi %add3A_712, %add3A_729 : i32
      %min3A_731 = arith.constant 79 : i32
      %min3A_732 = arith.minsi %add3A_730, %min3A_731 : i32
      %dma_start3A_733 = arith.constant 5 : i32
      %dma_start3A_734 = arith.constant 0 : i32
      %dma_start3A_735 = arith.constant 0 : i32
      %dma_start3A_736 = tpu.memref_slice %arg12[%dma_start3A_733, %dma_start3A_734, %dma_start3A_735] : memref<8x128x16xf32, #tpu.memory_space<vmem>> -> memref<1x128x16xf32, #tpu.memory_space<vmem>>
      %dma_start3A_737 = tpu.memref_squeeze %dma_start3A_736 : memref<1x128x16xf32, #tpu.memory_space<vmem>> -> memref<128x16xf32, #tpu.memory_space<vmem>>
      %dma_start3A_738 = arith.constant 0 : i32
      %dma_start3A_739 = tpu.memref_slice %arg8[%min3A_732, %dma_start3A_738] : memref<80x128xi32, #tpu.memory_space<vmem>> -> memref<1x128xi32, #tpu.memory_space<vmem>>
      %dma_start3A_740 = tpu.memref_squeeze %dma_start3A_739 : memref<1x128xi32, #tpu.memory_space<vmem>> -> memref<128xi32, #tpu.memory_space<vmem>>
      %dma_start3A_741 = arith.constant 0 : i32
      %dma_start3A_742 = arith.constant 0 : i32
      %dma_start3A_743 = tpu.memref_slice %arg13[%dma_start3A_741, %dma_start3A_742] : memref<10000x16xf32, #tpu.memory_space<vmem_shared>> -> memref<10000x16xf32, #tpu.memory_space<vmem_shared>>
      tpu.enqueue_indirect_dma source(%dma_start3A_743 : memref<10000x16xf32, #tpu.memory_space<vmem_shared>>) target(%dma_start3A_737 : memref<128x16xf32, #tpu.memory_space<vmem>>) offsets(%dma_start3A_740 : memref<128xi32, #tpu.memory_space<vmem>>) semaphore(%arg21 : memref<!tpu.dma_semaphore, #tpu.memory_space<semaphore_mem>>)
      %mul3A_744 = arith.constant 8 : i32
      %mul3A_745 = arith.muli %scan3A_254, %mul3A_744 : i32
      %add3A_746 = arith.constant 6 : i32
      %add3A_747 = arith.addi %mul3A_745, %add3A_746 : i32
      %dma_wait3A_748 = arith.constant 6 : i32
      %dma_wait3A_749 = arith.constant 0 : i32
      %dma_wait3A_750 = arith.constant 0 : i32
      %dma_wait3A_751 = tpu.memref_slice %arg12[%dma_wait3A_748, %dma_wait3A_749, %dma_wait3A_750] : memref<8x128x16xf32, #tpu.memory_space<vmem>> -> memref<1x128x16xf32, #tpu.memory_space<vmem>>
      %dma_wait3A_752 = tpu.memref_squeeze %dma_wait3A_751 : memref<1x128x16xf32, #tpu.memory_space<vmem>> -> memref<128x16xf32, #tpu.memory_space<vmem>>
      %dma_wait3A_753 = arith.constant 0 : i32
      %dma_wait3A_754 = tpu.memref_slice %arg9[%add3A_747, %dma_wait3A_753] : memref<80x128xi32, #tpu.memory_space<vmem>> -> memref<1x128xi32, #tpu.memory_space<vmem>>
      %dma_wait3A_755 = tpu.memref_squeeze %dma_wait3A_754 : memref<1x128xi32, #tpu.memory_space<vmem>> -> memref<128xi32, #tpu.memory_space<vmem>>
      %dma_wait3A_756 = arith.constant 0 : i32
      %dma_wait3A_757 = arith.constant 0 : i32
      %dma_wait3A_758 = tpu.memref_slice %arg14[%dma_wait3A_756, %dma_wait3A_757] : memref<10240x16xf32, #tpu.memory_space<vmem_shared>> -> memref<10240x16xf32, #tpu.memory_space<vmem_shared>>
      tpu.wait_indirect_dma semaphore(%arg30 : memref<!tpu.dma_semaphore, #tpu.memory_space<semaphore_mem>>) src(%dma_wait3A_752 : memref<128x16xf32, #tpu.memory_space<vmem>>) dst(%dma_wait3A_758 : memref<10240x16xf32, #tpu.memory_space<vmem_shared>>)
      %dma_wait3A_759 = arith.constant 0 : i32
      %dma_wait3A_760 = tpu.memref_slice %arg9[%add3A_747, %dma_wait3A_759] : memref<80x128xi32, #tpu.memory_space<vmem>> -> memref<1x128xi32, #tpu.memory_space<vmem>>
      %dma_wait3A_761 = tpu.memref_squeeze %dma_wait3A_760 : memref<1x128xi32, #tpu.memory_space<vmem>> -> memref<128xi32, #tpu.memory_space<vmem>>
      %dma_wait3A_762 = arith.constant 0 : i32
      %dma_wait3A_763 = tpu.memref_slice %arg15[%dma_wait3A_762] : memref<10240xf32, #tpu.memory_space<vmem_shared>> -> memref<10240xf32, #tpu.memory_space<vmem_shared>>
      tpu.wait_indirect_dma semaphore(%arg38 : memref<!tpu.dma_semaphore, #tpu.memory_space<semaphore_mem>>) src(%arg10 : memref<128xf32, #tpu.memory_space<vmem>>) dst(%dma_wait3A_763 : memref<10240xf32, #tpu.memory_space<vmem_shared>>)
      %add3A_764 = arith.constant 8 : i32
      %add3A_765 = arith.addi %add3A_747, %add3A_764 : i32
      %min3A_766 = arith.constant 79 : i32
      %min3A_767 = arith.minsi %add3A_765, %min3A_766 : i32
      %dma_start3A_768 = arith.constant 6 : i32
      %dma_start3A_769 = arith.constant 0 : i32
      %dma_start3A_770 = arith.constant 0 : i32
      %dma_start3A_771 = tpu.memref_slice %arg12[%dma_start3A_768, %dma_start3A_769, %dma_start3A_770] : memref<8x128x16xf32, #tpu.memory_space<vmem>> -> memref<1x128x16xf32, #tpu.memory_space<vmem>>
      %dma_start3A_772 = tpu.memref_squeeze %dma_start3A_771 : memref<1x128x16xf32, #tpu.memory_space<vmem>> -> memref<128x16xf32, #tpu.memory_space<vmem>>
      %dma_start3A_773 = arith.constant 0 : i32
      %dma_start3A_774 = tpu.memref_slice %arg8[%min3A_767, %dma_start3A_773] : memref<80x128xi32, #tpu.memory_space<vmem>> -> memref<1x128xi32, #tpu.memory_space<vmem>>
      %dma_start3A_775 = tpu.memref_squeeze %dma_start3A_774 : memref<1x128xi32, #tpu.memory_space<vmem>> -> memref<128xi32, #tpu.memory_space<vmem>>
      %dma_start3A_776 = arith.constant 0 : i32
      %dma_start3A_777 = arith.constant 0 : i32
      %dma_start3A_778 = tpu.memref_slice %arg13[%dma_start3A_776, %dma_start3A_777] : memref<10000x16xf32, #tpu.memory_space<vmem_shared>> -> memref<10000x16xf32, #tpu.memory_space<vmem_shared>>
      tpu.enqueue_indirect_dma source(%dma_start3A_778 : memref<10000x16xf32, #tpu.memory_space<vmem_shared>>) target(%dma_start3A_772 : memref<128x16xf32, #tpu.memory_space<vmem>>) offsets(%dma_start3A_775 : memref<128xi32, #tpu.memory_space<vmem>>) semaphore(%arg22 : memref<!tpu.dma_semaphore, #tpu.memory_space<semaphore_mem>>)
      %mul3A_779 = arith.constant 8 : i32
      %mul3A_780 = arith.muli %scan3A_254, %mul3A_779 : i32
      %add3A_781 = arith.constant 7 : i32
      %add3A_782 = arith.addi %mul3A_780, %add3A_781 : i32
      %dma_wait3A_783 = arith.constant 7 : i32
      %dma_wait3A_784 = arith.constant 0 : i32
      %dma_wait3A_785 = arith.constant 0 : i32
      %dma_wait3A_786 = tpu.memref_slice %arg12[%dma_wait3A_783, %dma_wait3A_784, %dma_wait3A_785] : memref<8x128x16xf32, #tpu.memory_space<vmem>> -> memref<1x128x16xf32, #tpu.memory_space<vmem>>
      %dma_wait3A_787 = tpu.memref_squeeze %dma_wait3A_786 : memref<1x128x16xf32, #tpu.memory_space<vmem>> -> memref<128x16xf32, #tpu.memory_space<vmem>>
      %dma_wait3A_788 = arith.constant 0 : i32
      %dma_wait3A_789 = tpu.memref_slice %arg9[%add3A_782, %dma_wait3A_788] : memref<80x128xi32, #tpu.memory_space<vmem>> -> memref<1x128xi32, #tpu.memory_space<vmem>>
      %dma_wait3A_790 = tpu.memref_squeeze %dma_wait3A_789 : memref<1x128xi32, #tpu.memory_space<vmem>> -> memref<128xi32, #tpu.memory_space<vmem>>
      %dma_wait3A_791 = arith.constant 0 : i32
      %dma_wait3A_792 = arith.constant 0 : i32
      %dma_wait3A_793 = tpu.memref_slice %arg14[%dma_wait3A_791, %dma_wait3A_792] : memref<10240x16xf32, #tpu.memory_space<vmem_shared>> -> memref<10240x16xf32, #tpu.memory_space<vmem_shared>>
      tpu.wait_indirect_dma semaphore(%arg31 : memref<!tpu.dma_semaphore, #tpu.memory_space<semaphore_mem>>) src(%dma_wait3A_787 : memref<128x16xf32, #tpu.memory_space<vmem>>) dst(%dma_wait3A_793 : memref<10240x16xf32, #tpu.memory_space<vmem_shared>>)
      %dma_wait3A_794 = arith.constant 0 : i32
      %dma_wait3A_795 = tpu.memref_slice %arg9[%add3A_782, %dma_wait3A_794] : memref<80x128xi32, #tpu.memory_space<vmem>> -> memref<1x128xi32, #tpu.memory_space<vmem>>
      %dma_wait3A_796 = tpu.memref_squeeze %dma_wait3A_795 : memref<1x128xi32, #tpu.memory_space<vmem>> -> memref<128xi32, #tpu.memory_space<vmem>>
      %dma_wait3A_797 = arith.constant 0 : i32
      %dma_wait3A_798 = tpu.memref_slice %arg15[%dma_wait3A_797] : memref<10240xf32, #tpu.memory_space<vmem_shared>> -> memref<10240xf32, #tpu.memory_space<vmem_shared>>
      tpu.wait_indirect_dma semaphore(%arg39 : memref<!tpu.dma_semaphore, #tpu.memory_space<semaphore_mem>>) src(%arg10 : memref<128xf32, #tpu.memory_space<vmem>>) dst(%dma_wait3A_798 : memref<10240xf32, #tpu.memory_space<vmem_shared>>)
      %add3A_799 = arith.constant 8 : i32
      %add3A_800 = arith.addi %add3A_782, %add3A_799 : i32
      %min3A_801 = arith.constant 79 : i32
      %min3A_802 = arith.minsi %add3A_800, %min3A_801 : i32
      %dma_start3A_803 = arith.constant 7 : i32
      %dma_start3A_804 = arith.constant 0 : i32
      %dma_start3A_805 = arith.constant 0 : i32
      %dma_start3A_806 = tpu.memref_slice %arg12[%dma_start3A_803, %dma_start3A_804, %dma_start3A_805] : memref<8x128x16xf32, #tpu.memory_space<vmem>> -> memref<1x128x16xf32, #tpu.memory_space<vmem>>
      %dma_start3A_807 = tpu.memref_squeeze %dma_start3A_806 : memref<1x128x16xf32, #tpu.memory_space<vmem>> -> memref<128x16xf32, #tpu.memory_space<vmem>>
      %dma_start3A_808 = arith.constant 0 : i32
      %dma_start3A_809 = tpu.memref_slice %arg8[%min3A_802, %dma_start3A_808] : memref<80x128xi32, #tpu.memory_space<vmem>> -> memref<1x128xi32, #tpu.memory_space<vmem>>
      %dma_start3A_810 = tpu.memref_squeeze %dma_start3A_809 : memref<1x128xi32, #tpu.memory_space<vmem>> -> memref<128xi32, #tpu.memory_space<vmem>>
      %dma_start3A_811 = arith.constant 0 : i32
      %dma_start3A_812 = arith.constant 0 : i32
      %dma_start3A_813 = tpu.memref_slice %arg13[%dma_start3A_811, %dma_start3A_812] : memref<10000x16xf32, #tpu.memory_space<vmem_shared>> -> memref<10000x16xf32, #tpu.memory_space<vmem_shared>>
      tpu.enqueue_indirect_dma source(%dma_start3A_813 : memref<10000x16xf32, #tpu.memory_space<vmem_shared>>) target(%dma_start3A_807 : memref<128x16xf32, #tpu.memory_space<vmem>>) offsets(%dma_start3A_810 : memref<128xi32, #tpu.memory_space<vmem>>) semaphore(%arg23 : memref<!tpu.dma_semaphore, #tpu.memory_space<semaphore_mem>>)
    }
    %scan3A_125 = arith.constant 10 : i32
    %dma_wait3A = arith.constant 0 : i32
    %dma_wait3A_126 = arith.constant 0 : i32
    %dma_wait3A_127 = arith.constant 0 : i32
    %dma_wait3A_128 = tpu.memref_slice %arg12[%dma_wait3A, %dma_wait3A_126, %dma_wait3A_127] : memref<8x128x16xf32, #tpu.memory_space<vmem>> -> memref<1x128x16xf32, #tpu.memory_space<vmem>>
    %dma_wait3A_129 = tpu.memref_squeeze %dma_wait3A_128 : memref<1x128x16xf32, #tpu.memory_space<vmem>> -> memref<128x16xf32, #tpu.memory_space<vmem>>
    %dma_wait3A_130 = arith.constant 0 : i32
    %dma_wait3A_131 = arith.constant 0 : i32
    %dma_wait3A_132 = tpu.memref_slice %arg2[%dma_wait3A_130, %dma_wait3A_131] : memref<10000x16xf32, #tpu.memory_space<hbm>> -> memref<128x16xf32, #tpu.memory_space<hbm>>
    %dma_wait3A_133 = arith.constant 0 : i32
    %dma_wait3A_134 = arith.constant 0 : i32
    %dma_wait3A_135 = tpu.memref_slice %arg12[%dma_wait3A, %dma_wait3A_133, %dma_wait3A_134] : memref<8x128x16xf32, #tpu.memory_space<vmem>> -> memref<1x128x16xf32, #tpu.memory_space<vmem>>
    %dma_wait3A_136 = tpu.memref_squeeze %dma_wait3A_135 : memref<1x128x16xf32, #tpu.memory_space<vmem>> -> memref<128x16xf32, #tpu.memory_space<vmem>>
    %dma_wait3A_137 = arith.constant 0 : i32
    %dma_wait3A_138 = arith.constant 0 : i32
    %dma_wait3A_139 = tpu.memref_slice %arg2[%dma_wait3A_137, %dma_wait3A_138] : memref<10000x16xf32, #tpu.memory_space<hbm>> -> memref<128x16xf32, #tpu.memory_space<hbm>>
    tpu.wait_dma2 semaphore(%arg16 : memref<!tpu.dma_semaphore, #tpu.memory_space<semaphore_mem>>) src(%dma_wait3A_139 : memref<128x16xf32, #tpu.memory_space<hbm>>) dst(%dma_wait3A_136 : memref<128x16xf32, #tpu.memory_space<vmem>>)
    %dma_wait3A_140 = arith.constant 1 : i32
    %dma_wait3A_141 = arith.constant 0 : i32
    %dma_wait3A_142 = arith.constant 0 : i32
    %dma_wait3A_143 = tpu.memref_slice %arg12[%dma_wait3A_140, %dma_wait3A_141, %dma_wait3A_142] : memref<8x128x16xf32, #tpu.memory_space<vmem>> -> memref<1x128x16xf32, #tpu.memory_space<vmem>>
    %dma_wait3A_144 = tpu.memref_squeeze %dma_wait3A_143 : memref<1x128x16xf32, #tpu.memory_space<vmem>> -> memref<128x16xf32, #tpu.memory_space<vmem>>
    %dma_wait3A_145 = arith.constant 0 : i32
    %dma_wait3A_146 = arith.constant 0 : i32
    %dma_wait3A_147 = tpu.memref_slice %arg2[%dma_wait3A_145, %dma_wait3A_146] : memref<10000x16xf32, #tpu.memory_space<hbm>> -> memref<128x16xf32, #tpu.memory_space<hbm>>
    %dma_wait3A_148 = arith.constant 0 : i32
    %dma_wait3A_149 = arith.constant 0 : i32
    %dma_wait3A_150 = tpu.memref_slice %arg12[%dma_wait3A_140, %dma_wait3A_148, %dma_wait3A_149] : memref<8x128x16xf32, #tpu.memory_space<vmem>> -> memref<1x128x16xf32, #tpu.memory_space<vmem>>
    %dma_wait3A_151 = tpu.memref_squeeze %dma_wait3A_150 : memref<1x128x16xf32, #tpu.memory_space<vmem>> -> memref<128x16xf32, #tpu.memory_space<vmem>>
    %dma_wait3A_152 = arith.constant 0 : i32
    %dma_wait3A_153 = arith.constant 0 : i32
    %dma_wait3A_154 = tpu.memref_slice %arg2[%dma_wait3A_152, %dma_wait3A_153] : memref<10000x16xf32, #tpu.memory_space<hbm>> -> memref<128x16xf32, #tpu.memory_space<hbm>>
    tpu.wait_dma2 semaphore(%arg17 : memref<!tpu.dma_semaphore, #tpu.memory_space<semaphore_mem>>) src(%dma_wait3A_154 : memref<128x16xf32, #tpu.memory_space<hbm>>) dst(%dma_wait3A_151 : memref<128x16xf32, #tpu.memory_space<vmem>>)
    %dma_wait3A_155 = arith.constant 2 : i32
    %dma_wait3A_156 = arith.constant 0 : i32
    %dma_wait3A_157 = arith.constant 0 : i32
    %dma_wait3A_158 = tpu.memref_slice %arg12[%dma_wait3A_155, %dma_wait3A_156, %dma_wait3A_157] : memref<8x128x16xf32, #tpu.memory_space<vmem>> -> memref<1x128x16xf32, #tpu.memory_space<vmem>>
    %dma_wait3A_159 = tpu.memref_squeeze %dma_wait3A_158 : memref<1x128x16xf32, #tpu.memory_space<vmem>> -> memref<128x16xf32, #tpu.memory_space<vmem>>
    %dma_wait3A_160 = arith.constant 0 : i32
    %dma_wait3A_161 = arith.constant 0 : i32
    %dma_wait3A_162 = tpu.memref_slice %arg2[%dma_wait3A_160, %dma_wait3A_161] : memref<10000x16xf32, #tpu.memory_space<hbm>> -> memref<128x16xf32, #tpu.memory_space<hbm>>
    %dma_wait3A_163 = arith.constant 0 : i32
    %dma_wait3A_164 = arith.constant 0 : i32
    %dma_wait3A_165 = tpu.memref_slice %arg12[%dma_wait3A_155, %dma_wait3A_163, %dma_wait3A_164] : memref<8x128x16xf32, #tpu.memory_space<vmem>> -> memref<1x128x16xf32, #tpu.memory_space<vmem>>
    %dma_wait3A_166 = tpu.memref_squeeze %dma_wait3A_165 : memref<1x128x16xf32, #tpu.memory_space<vmem>> -> memref<128x16xf32, #tpu.memory_space<vmem>>
    %dma_wait3A_167 = arith.constant 0 : i32
    %dma_wait3A_168 = arith.constant 0 : i32
    %dma_wait3A_169 = tpu.memref_slice %arg2[%dma_wait3A_167, %dma_wait3A_168] : memref<10000x16xf32, #tpu.memory_space<hbm>> -> memref<128x16xf32, #tpu.memory_space<hbm>>
    tpu.wait_dma2 semaphore(%arg18 : memref<!tpu.dma_semaphore, #tpu.memory_space<semaphore_mem>>) src(%dma_wait3A_169 : memref<128x16xf32, #tpu.memory_space<hbm>>) dst(%dma_wait3A_166 : memref<128x16xf32, #tpu.memory_space<vmem>>)
    %dma_wait3A_170 = arith.constant 3 : i32
    %dma_wait3A_171 = arith.constant 0 : i32
    %dma_wait3A_172 = arith.constant 0 : i32
    %dma_wait3A_173 = tpu.memref_slice %arg12[%dma_wait3A_170, %dma_wait3A_171, %dma_wait3A_172] : memref<8x128x16xf32, #tpu.memory_space<vmem>> -> memref<1x128x16xf32, #tpu.memory_space<vmem>>
    %dma_wait3A_174 = tpu.memref_squeeze %dma_wait3A_173 : memref<1x128x16xf32, #tpu.memory_space<vmem>> -> memref<128x16xf32, #tpu.memory_space<vmem>>
    %dma_wait3A_175 = arith.constant 0 : i32
    %dma_wait3A_176 = arith.constant 0 : i32
    %dma_wait3A_177 = tpu.memref_slice %arg2[%dma_wait3A_175, %dma_wait3A_176] : memref<10000x16xf32, #tpu.memory_space<hbm>> -> memref<128x16xf32, #tpu.memory_space<hbm>>
    %dma_wait3A_178 = arith.constant 0 : i32
    %dma_wait3A_179 = arith.constant 0 : i32
    %dma_wait3A_180 = tpu.memref_slice %arg12[%dma_wait3A_170, %dma_wait3A_178, %dma_wait3A_179] : memref<8x128x16xf32, #tpu.memory_space<vmem>> -> memref<1x128x16xf32, #tpu.memory_space<vmem>>
    %dma_wait3A_181 = tpu.memref_squeeze %dma_wait3A_180 : memref<1x128x16xf32, #tpu.memory_space<vmem>> -> memref<128x16xf32, #tpu.memory_space<vmem>>
    %dma_wait3A_182 = arith.constant 0 : i32
    %dma_wait3A_183 = arith.constant 0 : i32
    %dma_wait3A_184 = tpu.memref_slice %arg2[%dma_wait3A_182, %dma_wait3A_183] : memref<10000x16xf32, #tpu.memory_space<hbm>> -> memref<128x16xf32, #tpu.memory_space<hbm>>
    tpu.wait_dma2 semaphore(%arg19 : memref<!tpu.dma_semaphore, #tpu.memory_space<semaphore_mem>>) src(%dma_wait3A_184 : memref<128x16xf32, #tpu.memory_space<hbm>>) dst(%dma_wait3A_181 : memref<128x16xf32, #tpu.memory_space<vmem>>)
    %dma_wait3A_185 = arith.constant 4 : i32
    %dma_wait3A_186 = arith.constant 0 : i32
    %dma_wait3A_187 = arith.constant 0 : i32
    %dma_wait3A_188 = tpu.memref_slice %arg12[%dma_wait3A_185, %dma_wait3A_186, %dma_wait3A_187] : memref<8x128x16xf32, #tpu.memory_space<vmem>> -> memref<1x128x16xf32, #tpu.memory_space<vmem>>
    %dma_wait3A_189 = tpu.memref_squeeze %dma_wait3A_188 : memref<1x128x16xf32, #tpu.memory_space<vmem>> -> memref<128x16xf32, #tpu.memory_space<vmem>>
    %dma_wait3A_190 = arith.constant 0 : i32
    %dma_wait3A_191 = arith.constant 0 : i32
    %dma_wait3A_192 = tpu.memref_slice %arg2[%dma_wait3A_190, %dma_wait3A_191] : memref<10000x16xf32, #tpu.memory_space<hbm>> -> memref<128x16xf32, #tpu.memory_space<hbm>>
    %dma_wait3A_193 = arith.constant 0 : i32
    %dma_wait3A_194 = arith.constant 0 : i32
    %dma_wait3A_195 = tpu.memref_slice %arg12[%dma_wait3A_185, %dma_wait3A_193, %dma_wait3A_194] : memref<8x128x16xf32, #tpu.memory_space<vmem>> -> memref<1x128x16xf32, #tpu.memory_space<vmem>>
    %dma_wait3A_196 = tpu.memref_squeeze %dma_wait3A_195 : memref<1x128x16xf32, #tpu.memory_space<vmem>> -> memref<128x16xf32, #tpu.memory_space<vmem>>
    %dma_wait3A_197 = arith.constant 0 : i32
    %dma_wait3A_198 = arith.constant 0 : i32
    %dma_wait3A_199 = tpu.memref_slice %arg2[%dma_wait3A_197, %dma_wait3A_198] : memref<10000x16xf32, #tpu.memory_space<hbm>> -> memref<128x16xf32, #tpu.memory_space<hbm>>
    tpu.wait_dma2 semaphore(%arg20 : memref<!tpu.dma_semaphore, #tpu.memory_space<semaphore_mem>>) src(%dma_wait3A_199 : memref<128x16xf32, #tpu.memory_space<hbm>>) dst(%dma_wait3A_196 : memref<128x16xf32, #tpu.memory_space<vmem>>)
    %dma_wait3A_200 = arith.constant 5 : i32
    %dma_wait3A_201 = arith.constant 0 : i32
    %dma_wait3A_202 = arith.constant 0 : i32
    %dma_wait3A_203 = tpu.memref_slice %arg12[%dma_wait3A_200, %dma_wait3A_201, %dma_wait3A_202] : memref<8x128x16xf32, #tpu.memory_space<vmem>> -> memref<1x128x16xf32, #tpu.memory_space<vmem>>
    %dma_wait3A_204 = tpu.memref_squeeze %dma_wait3A_203 : memref<1x128x16xf32, #tpu.memory_space<vmem>> -> memref<128x16xf32, #tpu.memory_space<vmem>>
    %dma_wait3A_205 = arith.constant 0 : i32
    %dma_wait3A_206 = arith.constant 0 : i32
    %dma_wait3A_207 = tpu.memref_slice %arg2[%dma_wait3A_205, %dma_wait3A_206] : memref<10000x16xf32, #tpu.memory_space<hbm>> -> memref<128x16xf32, #tpu.memory_space<hbm>>
    %dma_wait3A_208 = arith.constant 0 : i32
    %dma_wait3A_209 = arith.constant 0 : i32
    %dma_wait3A_210 = tpu.memref_slice %arg12[%dma_wait3A_200, %dma_wait3A_208, %dma_wait3A_209] : memref<8x128x16xf32, #tpu.memory_space<vmem>> -> memref<1x128x16xf32, #tpu.memory_space<vmem>>
    %dma_wait3A_211 = tpu.memref_squeeze %dma_wait3A_210 : memref<1x128x16xf32, #tpu.memory_space<vmem>> -> memref<128x16xf32, #tpu.memory_space<vmem>>
    %dma_wait3A_212 = arith.constant 0 : i32
    %dma_wait3A_213 = arith.constant 0 : i32
    %dma_wait3A_214 = tpu.memref_slice %arg2[%dma_wait3A_212, %dma_wait3A_213] : memref<10000x16xf32, #tpu.memory_space<hbm>> -> memref<128x16xf32, #tpu.memory_space<hbm>>
    tpu.wait_dma2 semaphore(%arg21 : memref<!tpu.dma_semaphore, #tpu.memory_space<semaphore_mem>>) src(%dma_wait3A_214 : memref<128x16xf32, #tpu.memory_space<hbm>>) dst(%dma_wait3A_211 : memref<128x16xf32, #tpu.memory_space<vmem>>)
    %dma_wait3A_215 = arith.constant 6 : i32
    %dma_wait3A_216 = arith.constant 0 : i32
    %dma_wait3A_217 = arith.constant 0 : i32
    %dma_wait3A_218 = tpu.memref_slice %arg12[%dma_wait3A_215, %dma_wait3A_216, %dma_wait3A_217] : memref<8x128x16xf32, #tpu.memory_space<vmem>> -> memref<1x128x16xf32, #tpu.memory_space<vmem>>
    %dma_wait3A_219 = tpu.memref_squeeze %dma_wait3A_218 : memref<1x128x16xf32, #tpu.memory_space<vmem>> -> memref<128x16xf32, #tpu.memory_space<vmem>>
    %dma_wait3A_220 = arith.constant 0 : i32
    %dma_wait3A_221 = arith.constant 0 : i32
    %dma_wait3A_222 = tpu.memref_slice %arg2[%dma_wait3A_220, %dma_wait3A_221] : memref<10000x16xf32, #tpu.memory_space<hbm>> -> memref<128x16xf32, #tpu.memory_space<hbm>>
    %dma_wait3A_223 = arith.constant 0 : i32
    %dma_wait3A_224 = arith.constant 0 : i32
    %dma_wait3A_225 = tpu.memref_slice %arg12[%dma_wait3A_215, %dma_wait3A_223, %dma_wait3A_224] : memref<8x128x16xf32, #tpu.memory_space<vmem>> -> memref<1x128x16xf32, #tpu.memory_space<vmem>>
    %dma_wait3A_226 = tpu.memref_squeeze %dma_wait3A_225 : memref<1x128x16xf32, #tpu.memory_space<vmem>> -> memref<128x16xf32, #tpu.memory_space<vmem>>
    %dma_wait3A_227 = arith.constant 0 : i32
    %dma_wait3A_228 = arith.constant 0 : i32
    %dma_wait3A_229 = tpu.memref_slice %arg2[%dma_wait3A_227, %dma_wait3A_228] : memref<10000x16xf32, #tpu.memory_space<hbm>> -> memref<128x16xf32, #tpu.memory_space<hbm>>
    tpu.wait_dma2 semaphore(%arg22 : memref<!tpu.dma_semaphore, #tpu.memory_space<semaphore_mem>>) src(%dma_wait3A_229 : memref<128x16xf32, #tpu.memory_space<hbm>>) dst(%dma_wait3A_226 : memref<128x16xf32, #tpu.memory_space<vmem>>)
    %dma_wait3A_230 = arith.constant 7 : i32
    %dma_wait3A_231 = arith.constant 0 : i32
    %dma_wait3A_232 = arith.constant 0 : i32
    %dma_wait3A_233 = tpu.memref_slice %arg12[%dma_wait3A_230, %dma_wait3A_231, %dma_wait3A_232] : memref<8x128x16xf32, #tpu.memory_space<vmem>> -> memref<1x128x16xf32, #tpu.memory_space<vmem>>
    %dma_wait3A_234 = tpu.memref_squeeze %dma_wait3A_233 : memref<1x128x16xf32, #tpu.memory_space<vmem>> -> memref<128x16xf32, #tpu.memory_space<vmem>>
    %dma_wait3A_235 = arith.constant 0 : i32
    %dma_wait3A_236 = arith.constant 0 : i32
    %dma_wait3A_237 = tpu.memref_slice %arg2[%dma_wait3A_235, %dma_wait3A_236] : memref<10000x16xf32, #tpu.memory_space<hbm>> -> memref<128x16xf32, #tpu.memory_space<hbm>>
    %dma_wait3A_238 = arith.constant 0 : i32
    %dma_wait3A_239 = arith.constant 0 : i32
    %dma_wait3A_240 = tpu.memref_slice %arg12[%dma_wait3A_230, %dma_wait3A_238, %dma_wait3A_239] : memref<8x128x16xf32, #tpu.memory_space<vmem>> -> memref<1x128x16xf32, #tpu.memory_space<vmem>>
    %dma_wait3A_241 = tpu.memref_squeeze %dma_wait3A_240 : memref<1x128x16xf32, #tpu.memory_space<vmem>> -> memref<128x16xf32, #tpu.memory_space<vmem>>
    %dma_wait3A_242 = arith.constant 0 : i32
    %dma_wait3A_243 = arith.constant 0 : i32
    %dma_wait3A_244 = tpu.memref_slice %arg2[%dma_wait3A_242, %dma_wait3A_243] : memref<10000x16xf32, #tpu.memory_space<hbm>> -> memref<128x16xf32, #tpu.memory_space<hbm>>
    tpu.wait_dma2 semaphore(%arg23 : memref<!tpu.dma_semaphore, #tpu.memory_space<semaphore_mem>>) src(%dma_wait3A_244 : memref<128x16xf32, #tpu.memory_space<hbm>>) dst(%dma_wait3A_241 : memref<128x16xf32, #tpu.memory_space<vmem>>)
    %barrier3A_245 = arith.constant 0 : index
    tpu.barrier barrier_id(%barrier3A_245)
    %mul3A_246 = arith.constant 640 : i32
    %mul3A_247 = arith.muli %arg1, %mul3A_246 : i32
    %mul3A_248 = arith.constant 10240 : i32
    %mul3A_249 = arith.muli %arg0, %mul3A_248 : i32
    %add3A_250 = arith.addi %mul3A_249, %mul3A_247 : i32
    "tpu.region"() ({
      %run_scoped3A = tpu.sem_alloc : memref<!tpu.dma_semaphore, #tpu.memory_space<semaphore_mem>>
      %dma_start3A_254 = arith.constant 0 : i32
      %dma_start3A_255 = tpu.memref_slice %arg6[%add3A_250, %dma_start3A_254] : memref<20480x16xf32, #tpu.memory_space<hbm>> -> memref<640x16xf32, #tpu.memory_space<hbm>>
      %dma_start3A_256 = arith.constant 0 : i32
      %dma_start3A_257 = tpu.memref_slice %arg14[%mul3A_247, %dma_start3A_256] : memref<10240x16xf32, #tpu.memory_space<vmem_shared>> -> memref<640x16xf32, #tpu.memory_space<vmem_shared>>
      tpu.enqueue_dma source(%dma_start3A_257 : memref<640x16xf32, #tpu.memory_space<vmem_shared>>) target(%dma_start3A_255 : memref<640x16xf32, #tpu.memory_space<hbm>>) target_semaphore(%run_scoped3A : memref<!tpu.dma_semaphore, #tpu.memory_space<semaphore_mem>>)
      %dma_wait3A_258 = arith.constant 0 : i32
      %dma_wait3A_259 = tpu.memref_slice %arg6[%add3A_250, %dma_wait3A_258] : memref<20480x16xf32, #tpu.memory_space<hbm>> -> memref<640x16xf32, #tpu.memory_space<hbm>>
      %dma_wait3A_260 = arith.constant 0 : i32
      %dma_wait3A_261 = tpu.memref_slice %arg14[%mul3A_247, %dma_wait3A_260] : memref<10240x16xf32, #tpu.memory_space<vmem_shared>> -> memref<640x16xf32, #tpu.memory_space<vmem_shared>>
      tpu.wait_dma2 semaphore(%run_scoped3A : memref<!tpu.dma_semaphore, #tpu.memory_space<semaphore_mem>>) src(%dma_wait3A_261 : memref<640x16xf32, #tpu.memory_space<vmem_shared>>) dst(%dma_wait3A_259 : memref<640x16xf32, #tpu.memory_space<hbm>>)
      tpu.yield
    }) : () -> ()
    %mul3A_251 = arith.constant 10240 : i32
    %mul3A_252 = arith.muli %arg0, %mul3A_251 : i32
    %add3A_253 = arith.addi %mul3A_252, %mul3A_247 : i32
    "tpu.region"() ({
      %run_scoped3A = tpu.sem_alloc : memref<!tpu.dma_semaphore, #tpu.memory_space<semaphore_mem>>
      %dma_start3A_254 = tpu.memref_slice %arg7[%add3A_253] : memref<20480xf32, #tpu.memory_space<hbm>> -> memref<640xf32, #tpu.memory_space<hbm>>
      %dma_start3A_255 = tpu.memref_slice %arg15[%mul3A_247] : memref<10240xf32, #tpu.memory_space<vmem_shared>> -> memref<640xf32, #tpu.memory_space<vmem_shared>>
      tpu.enqueue_dma source(%dma_start3A_255 : memref<640xf32, #tpu.memory_space<vmem_shared>>) target(%dma_start3A_254 : memref<640xf32, #tpu.memory_space<hbm>>) target_semaphore(%run_scoped3A : memref<!tpu.dma_semaphore, #tpu.memory_space<semaphore_mem>>)
      %dma_wait3A_256 = tpu.memref_slice %arg7[%add3A_253] : memref<20480xf32, #tpu.memory_space<hbm>> -> memref<640xf32, #tpu.memory_space<hbm>>
      %dma_wait3A_257 = tpu.memref_slice %arg15[%mul3A_247] : memref<10240xf32, #tpu.memory_space<vmem_shared>> -> memref<640xf32, #tpu.memory_space<vmem_shared>>
      tpu.wait_dma2 semaphore(%run_scoped3A : memref<!tpu.dma_semaphore, #tpu.memory_space<semaphore_mem>>) src(%dma_wait3A_257 : memref<640xf32, #tpu.memory_space<vmem_shared>>) dst(%dma_wait3A_256 : memref<640xf32, #tpu.memory_space<hbm>>)
      tpu.yield
    }) : () -> ()
    return
  }
}

module attributes {stable_mosaic.version = 14 : i64} {
  func.func @_proj1_body(%arg0: i32, %arg1: memref<1000x128xf32, #tpu.memory_space<vmem>>, %arg2: memref<32x128xf32, #tpu.memory_space<vmem>>, %arg3: memref<1000x16xf32, #tpu.memory_space<vmem>>, %arg4: memref<1000x16xf32, #tpu.memory_space<vmem>>) attributes {dimension_semantics = [#tpu.dimension_semantics<arbitrary>], iteration_bounds = array<i64: 10>, scalar_prefetch = 0 : i64, scratch_operands = 0 : i64, tpu.core_type = #tpu.core_type<tc>, window_params = [{transform_indices = @transform_0, window_bounds = array<i64: 1000, 128>}, {pipeline_mode = #tpu.pipeline_mode<synchronous>, transform_indices = @transform_1, window_bounds = array<i64: 32, 128>}, {transform_indices = @transform_2, window_bounds = array<i64: 1000, 16>}, {transform_indices = @transform_3, window_bounds = array<i64: 1000, 16>}]} {
    %get3A = arith.constant 0 : index
    %get3A_0 = arith.constant 0 : index
    %get3A_1 = vector.load %arg1[%get3A, %get3A_0] : memref<1000x128xf32, #tpu.memory_space<vmem>>, vector<1000x128xf32>
    %get3A_2 = arith.constant 0 : index
    %get3A_3 = arith.constant 0 : index
    %get3A_4 = vector.load %arg2[%get3A_2, %get3A_3] : memref<32x128xf32, #tpu.memory_space<vmem>>, vector<32x128xf32>
    %dot_general3A = arith.constant dense<0.000000e+00> : vector<1000x32xf32>
    %dot_general3A_5 = tpu.matmul %get3A_1, %get3A_4, %dot_general3A {dimension_numbers = #tpu.dot_dimension_numbers<[1], [1], [0], [0], [0, 0, 1, 0], [], []>, transpose_lhs_hint = false} : vector<1000x128xf32>, vector<32x128xf32>, vector<1000x32xf32> -> vector<1000x32xf32>
    %slice3A = vector.extract_strided_slice %dot_general3A_5 {offsets = [0, 0], sizes = [1000, 16], strides = [1, 1]} : vector<1000x32xf32> to vector<1000x16xf32>
    %swap3A = arith.constant 0 : index
    %swap3A_6 = arith.constant 0 : index
    %swap3A_7 = vector.load %arg3[%swap3A, %swap3A_6] : memref<1000x16xf32, #tpu.memory_space<vmem>>, vector<1000x16xf32>
    tpu.vector_store %arg3[%swap3A, %swap3A_6], %slice3A {strides = array<i32>} : memref<1000x16xf32, #tpu.memory_space<vmem>>, vector<1000x16xf32>,
    %slice3A_8 = vector.extract_strided_slice %dot_general3A_5 {offsets = [0, 16], sizes = [1000, 16], strides = [1, 1]} : vector<1000x32xf32> to vector<1000x16xf32>
    %swap3A_9 = arith.constant 0 : index
    %swap3A_10 = arith.constant 0 : index
    %swap3A_11 = vector.load %arg4[%swap3A_9, %swap3A_10] : memref<1000x16xf32, #tpu.memory_space<vmem>>, vector<1000x16xf32>
    tpu.vector_store %arg4[%swap3A_9, %swap3A_10], %slice3A_8 {strides = array<i32>} : memref<1000x16xf32, #tpu.memory_space<vmem>>, vector<1000x16xf32>,
    return
  }
  func.func @transform_0(%arg0: i32) -> (i32, i32) {
    %c0_i32 = arith.constant 0 : i32
    %c0_i32_0 = arith.constant 0 : i32
    return %arg0, %c0_i32 : i32, i32
  }
  func.func @transform_1(%arg0: i32) -> (i32, i32) {
    %c0_i32 = arith.constant 0 : i32
    %c0_i32_0 = arith.constant 0 : i32
    %c0_i32_1 = arith.constant 0 : i32
    return %c0_i32, %c0_i32_0 : i32, i32
  }
  func.func @transform_2(%arg0: i32) -> (i32, i32) {
    %c0_i32 = arith.constant 0 : i32
    %c0_i32_0 = arith.constant 0 : i32
    return %arg0, %c0_i32 : i32, i32
  }
  func.func @transform_3(%arg0: i32) -> (i32, i32) {
    %c0_i32 = arith.constant 0 : i32
    %c0_i32_0 = arith.constant 0 : i32
    return %arg0, %c0_i32 : i32, i32
  }
}

module attributes {stable_mosaic.version = 14 : i64} {
  func.func @_final_body(%arg0: memref<2x10240x16xf32, #tpu.memory_space<vmem>>, %arg1: memref<2x10240xf32, #tpu.memory_space<vmem>>, %arg2: memref<10240x16xf32, #tpu.memory_space<vmem>>, %arg3: memref<1x10000xi32, #tpu.memory_space<vmem>>, %arg4: memref<32x16xf32, #tpu.memory_space<vmem>>, %arg5: memref<10x16xf32, #tpu.memory_space<vmem>>, %arg6: memref<64x10xf32, #tpu.memory_space<vmem>>) attributes {dimension_semantics = [], scalar_prefetch = 0 : i64, scratch_operands = 0 : i64, tpu.core_type = #tpu.core_type<tc>} {
    %get3A = arith.constant 0 : index
    %get3A_0 = arith.constant 0 : index
    %get3A_1 = vector.load %arg1[%get3A, %get3A_0] : memref<2x10240xf32, #tpu.memory_space<vmem>>, vector<1x10240xf32>
    %get3A_2 = vector.shape_cast %get3A_1 : vector<1x10240xf32> to vector<10240xf32>
    %get3A_3 = arith.constant 1 : index
    %get3A_4 = arith.constant 0 : index
    %get3A_5 = vector.load %arg1[%get3A_3, %get3A_4] : memref<2x10240xf32, #tpu.memory_space<vmem>>, vector<1x10240xf32>
    %get3A_6 = vector.shape_cast %get3A_5 : vector<1x10240xf32> to vector<10240xf32>
    %add3A = arith.addf %get3A_2, %get3A_6 : vector<10240xf32>
    %max3A = arith.constant 1.000000e+00 : f32
    %max3A_7 = vector.broadcast %max3A : f32 to vector<10240xf32>
    %max3A_8 = arith.maximumf %add3A, %max3A_7 : vector<10240xf32>
    %div3A = arith.constant 1.000000e+00 : f32
    %div3A_9 = vector.broadcast %div3A : f32 to vector<10240xf32>
    %div3A_10 = arith.divf %div3A_9, %max3A_8 : vector<10240xf32>
    %slice3A = vector.extract_strided_slice %div3A_10 {offsets = [0], sizes = [10000], strides = [1]} : vector<10240xf32> to vector<10000xf32>
    %broadcast_in_dim3A = vector.shape_cast %slice3A : vector<10000xf32> to vector<10000x1xf32>
    %get3A_11 = arith.constant 0 : index
    %get3A_12 = arith.constant 0 : index
    %get3A_13 = arith.constant 0 : index
    %get3A_14 = vector.load %arg0[%get3A_11, %get3A_12, %get3A_13] : memref<2x10240x16xf32, #tpu.memory_space<vmem>>, vector<1x10240x16xf32>
    %get3A_15 = vector.shape_cast %get3A_14 : vector<1x10240x16xf32> to vector<10240x16xf32>
    %get3A_16 = arith.constant 1 : index
    %get3A_17 = arith.constant 0 : index
    %get3A_18 = arith.constant 0 : index
    %get3A_19 = vector.load %arg0[%get3A_16, %get3A_17, %get3A_18] : memref<2x10240x16xf32, #tpu.memory_space<vmem>>, vector<1x10240x16xf32>
    %get3A_20 = vector.shape_cast %get3A_19 : vector<1x10240x16xf32> to vector<10240x16xf32>
    %add3A_21 = arith.addf %get3A_15, %get3A_20 : vector<10240x16xf32>
    %slice3A_22 = vector.extract_strided_slice %add3A_21 {offsets = [0, 0], sizes = [10000, 16], strides = [1, 1]} : vector<10240x16xf32> to vector<10000x16xf32>
    %mul3A = vector.broadcast %broadcast_in_dim3A : vector<10000x1xf32> to vector<10000x16xf32>
    %mul3A_23 = arith.mulf %slice3A_22, %mul3A : vector<10000x16xf32>
    %get3A_24 = arith.constant 0 : index
    %get3A_25 = arith.constant 0 : index
    %get3A_26 = vector.load %arg2[%get3A_24, %get3A_25] : memref<10240x16xf32, #tpu.memory_space<vmem>>, vector<10000x16xf32>
    %concatenate3A = tpu.concatenate %mul3A_23, %get3A_26 in 1 : vector<10000x16xf32>, vector<10000x16xf32> -> vector<10000x32xf32>
    %get3A_27 = arith.constant 0 : index
    %get3A_28 = arith.constant 0 : index
    %get3A_29 = vector.load %arg4[%get3A_27, %get3A_28] : memref<32x16xf32, #tpu.memory_space<vmem>>, vector<32x16xf32>
    %dot_general3A = arith.constant dense<0.000000e+00> : vector<10000x16xf32>
    %dot_general3A_30 = tpu.matmul %concatenate3A, %get3A_29, %dot_general3A {dimension_numbers = #tpu.dot_dimension_numbers<[1], [0], [0], [1], [0, 0, 1, 1], [], []>, transpose_lhs_hint = false} : vector<10000x32xf32>, vector<32x16xf32>, vector<10000x16xf32> -> vector<10000x16xf32>
    %iota3A = tpu.iota {dimensions = array<i32: 0>} : vector<64x10000xi32>
    %get3A_31 = arith.constant 0 : index
    %get3A_32 = arith.constant 0 : index
    %get3A_33 = vector.load %arg3[%get3A_31, %get3A_32] : memref<1x10000xi32, #tpu.memory_space<vmem>>, vector<1x10000xi32>
    %eq3A = vector.broadcast %get3A_33 : vector<1x10000xi32> to vector<64x10000xi32>
    %eq3A_34 = arith.cmpi eq, %iota3A, %eq3A : vector<64x10000xi32>
    %convert_element_type3A = arith.extui %eq3A_34 : vector<64x10000xi1> to vector<64x10000xi32>
    %convert_element_type3A_35 = arith.sitofp %convert_element_type3A : vector<64x10000xi32> to vector<64x10000xf32>
    %dot_general3A_36 = arith.constant dense<0.000000e+00> : vector<64x16xf32>
    %dot_general3A_37 = tpu.matmul %convert_element_type3A_35, %dot_general3A_30, %dot_general3A_36 {dimension_numbers = #tpu.dot_dimension_numbers<[1], [0], [0], [1], [0, 0, 1, 1], [], []>, transpose_lhs_hint = false} : vector<64x10000xf32>, vector<10000x16xf32>, vector<64x16xf32> -> vector<64x16xf32>
    %reduce_sum3A = arith.constant dense<0.000000e+00> : vector<64xf32>
    %reduce_sum3A_38 = vector.multi_reduction <add>, %convert_element_type3A_35, %reduce_sum3A [1] : vector<64x10000xf32> to vector<64xf32>
    %max3A_39 = arith.constant 1.000000e+00 : f32
    %max3A_40 = vector.broadcast %max3A_39 : f32 to vector<64xf32>
    %max3A_41 = arith.maximumf %reduce_sum3A_38, %max3A_40 : vector<64xf32>
    %div3A_42 = arith.constant 1.000000e+00 : f32
    %div3A_43 = vector.broadcast %div3A_42 : f32 to vector<64xf32>
    %div3A_44 = arith.divf %div3A_43, %max3A_41 : vector<64xf32>
    %broadcast_in_dim3A_45 = vector.shape_cast %div3A_44 : vector<64xf32> to vector<64x1xf32>
    %mul3A_46 = vector.broadcast %broadcast_in_dim3A_45 : vector<64x1xf32> to vector<64x16xf32>
    %mul3A_47 = arith.mulf %dot_general3A_37, %mul3A_46 : vector<64x16xf32>
    %get3A_48 = arith.constant 0 : index
    %get3A_49 = arith.constant 0 : index
    %get3A_50 = vector.load %arg5[%get3A_48, %get3A_49] : memref<10x16xf32, #tpu.memory_space<vmem>>, vector<10x16xf32>
    %dot_general3A_51 = arith.constant dense<0.000000e+00> : vector<64x10xf32>
    %dot_general3A_52 = tpu.matmul %mul3A_47, %get3A_50, %dot_general3A_51 {dimension_numbers = #tpu.dot_dimension_numbers<[1], [1], [0], [0], [0, 0, 1, 0], [], []>, transpose_lhs_hint = false} : vector<64x16xf32>, vector<10x16xf32>, vector<64x10xf32> -> vector<64x10xf32>
    %logistic3A = arith.negf %dot_general3A_52 : vector<64x10xf32>
    %logistic3A_53 = math.exp %logistic3A : vector<64x10xf32>
    %logistic3A_54 = arith.constant 1.000000e+00 : f32
    %logistic3A_55 = vector.broadcast %logistic3A_54 : f32 to vector<64x10xf32>
    %logistic3A_56 = arith.addf %logistic3A_55, %logistic3A_53 : vector<64x10xf32>
    %logistic3A_57 = arith.divf %logistic3A_55, %logistic3A_56 : vector<64x10xf32>
    %swap3A = arith.constant 0 : index
    %swap3A_58 = arith.constant 0 : index
    %swap3A_59 = vector.load %arg6[%swap3A, %swap3A_58] : memref<64x10xf32, #tpu.memory_space<vmem>>, vector<64x10xf32>
    tpu.vector_store %arg6[%swap3A, %swap3A_58], %logistic3A_57 {strides = array<i32>} : memref<64x10xf32, #tpu.memory_space<vmem>>, vector<64x10xf32>,
    return
  }
}

</mosaic_0001>

<sc_bundles>
// kernel: kernel.6.cloned.1.call-start
scs
__scs_entry_jumppad:
0x0: {  	(pc) =	sbr.rel $0x88, $3  }
0x1: {  	(tag) =	ssettag $0x0;
	lr =	simm.s32 $0x1  }
0x2: {  	[smem:$0x3F99] =	sst lr;
	_ =	strace $0xD0000000  }
0x3: {  	_ = 	snop  }
0x4: {  	_ = 	snop  }
0x5: {  	_ = 	snop  }
0x6: {  	_ = 	snop  }
0x7: {  	_ = 	snop  }
__scs_overlays_trampoline_lowered:
0x8: {  	[smem:$0x3FA8] =	sst s0  }
0x9: {  	[smem:$0x3FA9] =	sst s1  }
0xa: {  	[smem:$0x3FAA] =	sst s2  }
0xb: {  	[smem:$0x3FAB] =	sst s3  }
0xc: {  	[smem:$0x3FAC] =	sst s4  }
0xd: {  	[smem:$0x3FAD] =	sst s5  }
0xe: {  	[smem:$0x3FAE] =	sst s6  }
0xf: {  	[smem:$0x3FAF] =	sst s7  }
0x10: {  	[smem:$0x3FB0] =	sst s8  }
0x11: {  	[smem:$0x3FB1] =	sst s9;
	s0 =	simm.s32 @!p0 $0x0  }
0x12: {  	s1 =	sld [smem:$0x3F97];
	s0 =	simm.s32 @p0 $0x1  }
0x13: {  	[smem:$0x3FB2] =	sst s0;
	s0 =	simm.s32 @!p1 $0x0  }
0x14: {  	s2 =	sld [smem:$0x3F96];
	s0 =	simm.s32 @p1 $0x1  }
0x15: {  	[smem:$0x3FB3] =	sst s0;
	s0 =	simm.s32 @!p2 $0x0  }
0x16: {  	s3 =	sld [smem:$0x3FDB];
	s0 =	simm.s32 @p2 $0x1  }
0x17: {  	s4 =	simm.s32 $0x1BF5;
	[smem:$0x3FB5] =	sst s0  }
0x18: {  	s0 =	sld [smem:$0x3F98];
	_ =	swait.ge [sflag:s4], $0x0  }
0x19: {  	s7 =	sld [smem:$0x3F99]  }
0x1a: {  	s8 =	sadd.s32 $0xFFFFE003, lr  }
0x1b: {  	s9 =	sadd.s32 $0xFFFFFEF7, lr;
	s5 =	simm.s32 $0xFFFFFFFF;
	p2 =	slt.u32 s8, $0xFFFFF086  }
0x1c: {  	p1 =	slt.u32 s9, $0xF7A;
	s5 =	simm.s32 @!p2 $0x0  }
0x1d: {  	s5 =	simm.s32 @p1 $0x1;
	p0 =	seq.s32 s7, s2  }
0x1e: {  	s7 =	smul.u32 @!p0 $0xF7A, s2;
	p2 =	seq.s32 @!p0 s5, $0x0  }
0x1f: {  	s9 =	smul.u32 $0xF7A, s1;
	s8 =	simm.s32 @!p0 $0x1BF5;
	p2 =	por !p2, p0  }
0x20: {  	[sflag:s8] =	ssyncset.s32 @!p0 $0xFFFFF086;
	s6 =	sadd.s32 @!p0 s3, s7;
	s7 =	simm.s32 @!p0 $0x108  }
0x21: {  	s3 =	sadd.s32 s3, s9;
	s6 =	sadd.s32 @!p0 $0x88, s6;
	s7 =	simm.s32 @p2 $0x1082  }
0x22: {  	[simem:s7], [sflag:s8] =	dma.local @!p0 [hbm:s6], $0xF7A  }
0x23: {  	s9 =	sor.u32 $0xD0000000, s2;
	s6 =	simm.s32 $0x108;
	_ =	swait.ge @!p0 [sflag:s8], $0x0  }
0x24: {  	s3 =	sadd.s32 $0x88, s3;
	s6 =	simm.s32 @!p1 $0x1082;
	[sflag:s4] =	ssyncset.s32 $0xFFFFF086  }
0x25: {  	[simem:s6], [sflag:s4] =	dma.local [hbm:s3], $0xF7A  }
0x26: {  	[smem:$0x3F99] =	sst s1;
	(tag) =	ssettag s2;
	_ =	strace s9  }
0x27: {  	s1 =	sld [smem:$0x3FA9]  }
0x28: {  	s2 =	sld [smem:$0x3FAA]  }
0x29: {  	s4 =	sld [smem:$0x3FAC]  }
0x2a: {  	p0 =	seq.s32 s5, $0x0;
	s5 =	sld [smem:$0x3FAD]  }
0x2b: {  	s6 =	sld [smem:$0x3FAE]  }
0x2c: {  	s7 =	sld [smem:$0x3FAF]  }
0x2d: {  	s3 =	simm.s32 $0x108;
	s8 =	sld [smem:$0x3FB0]  }
0x2e: {  	s3 =	simm.s32 @!p0 $0x1082;
	s9 =	sld [smem:$0x3FB1]  }
0x2f: {  	lr =	sadd.s32 s0, s3;
	s0 =	sld [smem:$0x3FA8]  }
0x30: {  	s3 =	sld [smem:$0x3FAB]  }
0x31: {  	[smem:$0x3FB4] =	sst s10  }
0x32: {  	s10 =	sld [smem:$0x3FB2];
	_ =	sdelay $0x3  }
0x33: {  	p0 =	seq.s32 s10, $0x1;
	s10 =	sld [smem:$0x3FB4];
	_ =	sdelay $0x3  }
0x34: {  	[smem:$0x3FB4] =	sst s10  }
0x35: {  	s10 =	sld [smem:$0x3FB3];
	_ =	sdelay $0x3  }
0x36: {  	p1 =	seq.s32 s10, $0x1;
	s10 =	sld [smem:$0x3FB4];
	_ =	sdelay $0x3  }
0x37: {  	[smem:$0x3FB4] =	sst s10  }
0x38: {  	s10 =	sld [smem:$0x3FB5]  }
0x39: {  	_ = 	snop;
	(pc) =	sbr.ind lr, $3  }
0x3a: {  	_ = 	snop  }
0x3b: {  	_ = 	snop  }
0x3c: {  	p2 =	seq.s32 s10, $0x1;
	s10 =	sld [smem:$0x3FB4]  }
0x3d: {  	_ =	shalt  }
0x3e: {  	_ =	shalt  }
0x3f: {  	_ =	shalt  }
0x40: {  	_ =	shalt  }
0x41: {  	_ =	shalt  }
0x42: {  	_ =	shalt  }
0x43: {  	_ =	shalt  }
0x44: {  	_ =	shalt  }
0x45: {  	_ =	shalt  }
0x46: {  	_ =	shalt  }
0x47: {  	_ =	shalt  }
0x48: {  	_ =	shalt  }
0x49: {  	_ =	shalt  }
0x4a: {  	_ =	shalt  }
0x4b: {  	_ =	shalt  }
0x4c: {  	_ =	shalt  }
0x4d: {  	_ =	shalt  }
0x4e: {  	_ =	shalt  }
0x4f: {  	_ =	shalt  }
0x50: {  	_ =	shalt  }
0x51: {  	_ =	shalt  }
0x52: {  	_ =	shalt  }
0x53: {  	_ =	shalt  }
0x54: {  	_ =	shalt  }
0x55: {  	_ =	shalt  }
0x56: {  	_ =	shalt  }
0x57: {  	_ =	shalt  }
0x58: {  	_ =	shalt  }
0x59: {  	_ =	shalt  }
0x5a: {  	_ =	shalt  }
0x5b: {  	_ =	shalt  }
0x5c: {  	_ =	shalt  }
0x5d: {  	_ =	shalt  }
0x5e: {  	_ =	shalt  }
0x5f: {  	_ =	shalt  }
0x60: {  	_ =	shalt  }
0x61: {  	_ =	shalt  }
0x62: {  	_ =	shalt  }
0x63: {  	_ =	shalt  }
0x64: {  	_ =	shalt  }
0x65: {  	_ =	shalt  }
0x66: {  	_ =	shalt  }
0x67: {  	_ =	shalt  }
0x68: {  	_ =	shalt  }
0x69: {  	_ =	shalt  }
0x6a: {  	_ =	shalt  }
0x6b: {  	_ =	shalt  }
0x6c: {  	_ =	shalt  }
0x6d: {  	_ =	shalt  }
0x6e: {  	_ =	shalt  }
0x6f: {  	_ =	shalt  }
0x70: {  	_ =	shalt  }
0x71: {  	_ =	shalt  }
0x72: {  	_ =	shalt  }
0x73: {  	_ =	shalt  }
0x74: {  	_ =	shalt  }
0x75: {  	_ =	shalt  }
0x76: {  	_ =	shalt  }
0x77: {  	_ =	shalt  }
0x78: {  	_ =	shalt  }
0x79: {  	_ =	shalt  }
0x7a: {  	_ =	shalt  }
0x7b: {  	_ =	shalt  }
0x7c: {  	_ =	shalt  }
0x7d: {  	_ =	shalt  }
0x7e: {  	_ =	shalt  }
0x7f: {  	_ =	shalt  }
0x80: {  	_ =	shalt  }
0x81: {  	_ =	shalt  }
0x82: {  	_ =	shalt  }
0x83: {  	_ =	shalt  }
0x84: {  	_ =	shalt  }
0x85: {  	_ =	shalt  }
0x86: {  	_ =	shalt  }
0x87: {  	_ =	shalt  }
.Lfunc_end0:
.L_simem_size_0:
called_computation_lowered:
.L_overlay_start_0:
0x88: {  	s2 =	sld [smem:$0x3FD9]  }
0x89: {  	s3 =	sld [smem:$0x3FFE];
	_ =	sdelay $0x1  }
0x8a: {  	s1 =	srdreg.scid  }
0x8b: {  	s0 =	sand.u32 $0x1, s1  }
0x8c: {  	s16 =	sshll.u32 s0, $0xA;
	s2 =	sadd.s32 s3, s2  }
0x8d: {  	s2 =	sadd.s32 s2, s16  }
0x8e: {  	[smem:$0x3FC0] =	sst s2  }
0x8f: {  	_ = 	snop  }
0x90: {  	(tm) =	ssettm $0x1  }
0x91: {  	s17 =	sld [smem:$0x3FFB];
	_ =	sdelay $0x3  }
0x92: {  	_ =	strace s17  }
0x93: {  	s2 =	sld [smem:$0x3FFC];
	_ =	sdelay $0x3  }
0x94: {  	_ =	strace s2  }
0x95: {  	s2 =	sld [smem:$0x3FFD];
	_ =	sdelay $0x3  }
0x96: {  	_ =	strace s2  }
0x97: {  	_ =	strace $0x8FFFFFFF  }
0x98: {  	s18 =	sld [smem:$0x3FDB];
	_ =	sdelay $0x1  }
0x99: {  	s19 =	simm.s32 $_scs_section_size  }
0x9a: {  	s4 =	simm.s32 $_size__tile_overlayer_lowered;
	s5 =	simm.s32 $_tile_overlayer_lowered  }
0x9b: {  	s22 =	simm.s32 $0x1BFF;
	s21 =	sshll.u32 s5, $0x1;
	s2 =	sadd.s32 s19, s18  }
0x9c: {  	s6 =	simm.s32 $0x0;
	s20 =	sshll.u32 s4, $0x1;
	s4 =	sadd.s32 s21, s2  }
0x9d: {  	[timem:s6], [sflag:s22] =	dma.local [hbm:s4], s20  }
0x9e: {  	_ =	swait.ge [sflag:s22], s20  }
0x9f: {  	s3 =	ssub.s32 $0x0, s20;
	[sflag:s22] =	ssyncset.done $0x0  }
0xa0: {  	[sflag:s22] =	ssyncadd.s32 s3;
	_ =	sdelay $0x1  }
0xa1: {  	s23 =	simm.s32 $0x1B8B  }
0xa2: {  	_ =	swait.ge [sflag:s23], $0x1  }
0xa3: {  	[sflag:s23] =	ssyncset.done $0x0  }
0xa4: {  	s25 =	simm.s32 $0x1B8E;
	s24 =	sld [smem:$0x3FFE];
	[sflag:s23] =	ssyncadd.s32 $0xFFFFFFFF  }
0xa5: {  	s26 =	simm.s32 $execute0_lowered;
	[smem:$0x3FD2] =	sst s25  }
0xa6: {  	s4 =	sshll.u32 s26, $0x1;
	_ =	strace $0x80000046;
	[dreg:$0x1] =	wrdreg $0xFFFFFFFF  }
0xa7: {  	s28 =	simm.s32 $_size_execute0_lowered;
	s2 =	sadd.s32 s2, s4;
	[dreg:$0x0] =	wrdreg $0x0  }
0xa8: {  	s4 =	sshll.u32 s28, $0x1;
	[dreg:$0x2] =	wrdreg s2  }
0xa9: {  	[dreg:$0x3] =	wrdreg s4  }
0xaa: {  	[dreg:$0x4] =	wrdreg $0xC0  }
0xab: {  	_ =	task [dreg:s6], $0x5FFFF  }
0xac: {  	[dreg:$0x1] =	wrdreg $0xFFFFFFFF  }
0xad: {  	[dreg:$0x0] =	wrdreg $0x60  }
0xae: {  	[dreg:$0x2] =	wrdreg s24  }
0xaf: {  	[dreg:$0x3] =	wrdreg $0x93000  }
0xb0: {  	[dreg:$0x4] =	wrdreg $0xBA100  }
0xb1: {  	[dreg:$0x5] =	wrdreg $0xE2100  }
0xb2: {  	[dreg:$0x6] =	wrdreg $0x9  }
0xb3: {  	_ =	task.clear_ibuf [dreg:s6], $0x7FFFF;
	_ =	strace $0x90000046  }
0xb4: {  	s29 =	simm.s32 $0x9;
	_ =	strace $0x80000048  }
0xb5: {  	_ =	swait.ge [sflag:s29], $0x1  }
0xb6: {  	[sflag:s29] =	ssyncadd.s32 $0xFFFFFFFF  }
0xb7: {  	_ =	strace $0x90000048  }
0xb8: {  	_ =	sfence  }
0xb9: {  	s30 =	sld [smem:$0x0];
	_ =	sdelay $0x2  }
0xba: {  	s31 =	sshll.u32 s1, $0xD;
	s1 =	sshrl.u32 s1, $0x2  }
0xbb: {  	s3 =	sand.u32 $0x4000, s31;
	s1 =	sadd.s32 s1, s30  }
0xbc: {  	s0 =	sor.u32 s3, s0;
	s1 =	sshll.u32 s1, $0x11  }
0xbd: {  	s0 =	sor.u32 s1, s0  }
0xbe: {  	s0 =	sadd.s32 $0x8F2B, s0  }
0xbf: {  	[sflag:s0] =	ssyncadd.remote.s32 $0x1  }
0xc0: {  	_ =	sfence.sel $0xFFFF  }
0xc1: {  	[dreg:$0x0] =	wrdreg $0xFFFFFFFF;
	(pc) =	sbr.abs _section_cstart, $3  }
0xc2: {  	[dreg:$0x1] =	wrdreg $0xFFFFFFFF  }
0xc3: {  	_ =	task.clear_ibuf [dreg:s6], $0x2FFFF;
	_ =	strace $0x9FFFFFFF  }
0xc4: {  	(tm) =	ssettm $0x7FFFFFFF  }
0xc5: {  	_ =	shalt  }
tec
execute0_lowered:
.L_overlay_start_1:
0x0: {  	(tag) =	ssettag $0x1  }
0x1: {  	s0 =	srdreg.scid  }
0x2: {  	s2 =	rddreg [dreg:$0x0];
	s14 =	stileid.u32  }
0x3: {  	s1 =	rddreg [dreg:$0x1];
	s9 =	simm.s32 $0x0;
	s28 =	simm.s32 $0x19  }
0x4: {  	s30 =	simm.s32 $0x9;
	s17 =	simm.s32 $0x12;
	s18 =	simm.s32 $0x13  }
0x5: {  	s16 =	simm.s32 $0xC;
	s29 =	simm.s32 $0x17;
	s5 =	smul.u32 $0x2710, s14  }
0x6: {  	s31 =	simm.s32 $0x10;
	s0 =	sand.u32 $0x1, s0;
	s7 =	smul.u32 $0x2800, s14  }
0x7: {  	s8 =	smul.u32 $0x280, s14;
	[smem:$0x7FF] =	sst s9;
	s25 =	sshll.u32 s14, $0x6  }
0x8: {  	s3 =	sshll.u32 s0, $0x4;
	s10 =	smul.u32 $0x2800, s0;
	s0 =	ssub.s32 $0x2, s0  }
0x9: {  	s4 =	sor.u32 s14, s3;
	s3 =	rddreg [dreg:$0x2];
	s19 =	sshrl.u32 s5, $0x3  }
0xa: {  	s11 =	sshrl.u32 s7, $0x3;
	s13 =	sshrl.u32 s0, $0x1;
	s5 =	sadd.s32 s5, s1  }
0xb: {  	s14 =	simm.s32 $0xD;
	s6 =	smul.u32 $0x500, s4;
	s4 =	rddreg [dreg:$0x3]  }
0xc: {  	_ =	strace $0x80000047;
	s9 =	sadd.s32 s19, s2;
	s10 =	sadd.s32 s8, s10  }
0xd: {  	s11 =	sadd.s32 s11, s2;
	s0 =	ssub.s32 s0, s13;
	s22 =	sadd.s32 s7, s3  }
0xe: {  	s19 =	sor.u32 $0x1C19, s25;
	s26 =	sshrl.u32 s5, $0x3;
	s25 =	simm.s32 $0x5000  }
0xf: {  	s12 =	sshll.u32 s10, $0x1;
	s10 =	sshrl.u32 s10, $0x3;
	[dreg:$0xe] =	wrdreg s26  }
0x10: {  	s21 =	sadd.s32 $0x1800, s9;
	s23 =	sadd.s32 $0x1A800, s11;
	[dreg:$0xd] =	wrdreg s19  }
0x11: {  	s8 =	sadd.s32 s8, s4;
	s0 =	smax.u32 s0, $0x1;
	[dreg:$0x7] =	wrdreg s21  }
0x12: {  	s26 =	simm.s32 $0xF;
	s6 =	sadd.s32 s6, s2;
	[dreg:$0x8] =	wrdreg s23  }
0x13: {  	s12 =	sadd.s32 s12, s2;
	s2 =	sadd.s32 s10, s2;
	[dreg:$0xc] =	wrdreg s0  }
0x14: {  	s23 =	simm.s32 $0x0;
	[dreg:$0x9] =	wrdreg s8;
	s20 =	sadd.s32 $0x6800, s6  }
0x15: {  	s10 =	simm.s32 $0xB;
	s6 =	sadd.s32 $0x10800, s6;
	[dreg:$0x5] =	wrdreg s20  }
0x16: {  	s21 =	simm.s32 $0x15;
	s24 =	sadd.s32 $0x1F800, s12;
	[dreg:$0x6] =	wrdreg s6  }
0x17: {  	s2 =	sadd.s32 $0x29800, s2;
	s12 =	simm.s32 $0x18;
	[dreg:$0xa] =	wrdreg s24  }
0x18: {  	[dreg:$0xb] =	wrdreg s2;
	s2 =	sshrl.u32 s22, $0x3;
	s20 =	simm.s32 $0x80  }
0x19: {  	v0 =	vimm.f32 $0.0e+00;
	v1 =	vimm.f32 $1.000000000e+00;
	s22 =	simm.s32 $0xE;
	s24 =	simm.s32 $0x16;
	[dreg:$0xf] =	wrdreg s2  }
.LBB2_1:
0x1a: {  	[dreg:$0x10] =	wrdreg s23  }
0x1b: {  	s13 =	simm.s32 $0x0;
	s0 =	rddreg [dreg:$0x5]  }
0x1c: {  	[tilespmem:s13], [sflag:$0x19] =	stream.linear.gather [hbm4b:s0+s13], $0x2800, $0x38;
	[tilespmem:$0xE490] =	vst v63  }
0x1d: {  	_ =	swait.ge [sflag:s28], $0x2800  }
0x1e: {  	[sflag:s28] =	ssyncset.done $0x0  }
0x1f: {  	s15 =	simm.s32 $0x2800;
	s9 =	rddreg [dreg:$0x6];
	[sflag:s28] =	ssyncadd.s32 $0xFFFFD800  }
0x20: {  	[tilespmem:s15], [sflag:$0x19] =	stream.linear.gather [hbm4b:s9+s13], $0x2800, $0x38;
	[tilespmem:$0xE490] =	vst v63  }
0x21: {  	_ =	swait.ge [sflag:s28], $0x2800  }
0x22: {  	s11 =	smov.u32 s19;
	[sflag:s28] =	ssyncset.done $0x0;
	s19 =	rddreg [dreg:$0x7]  }
0x23: {  	s5 =	rddreg [dreg:$0xe];
	[sflag:s28] =	ssyncadd.s32 $0xFFFFD800  }
0x24: {  	[spmem:s5], [sflag:s11] =	dma.local [hbm:s19], $0x4E2  }
0x25: {  	_ =	swait.ge [sflag:s28], $0x4E2  }
0x26: {  	[sflag:s28] =	ssyncset.done $0x0  }
0x27: {  	s6 =	rddreg [dreg:$0x8];
	[sflag:s28] =	ssyncadd.s32 $0xFFFFFB1E  }
0x28: {  	[spmem:s2], [sflag:s11] =	dma.local [hbm:s6], $0x500  }
0x29: {  	_ =	swait.ge [sflag:s28], $0x500  }
0x2a: {  	[sflag:s28] =	ssyncset.done $0x0  }
0x2b: {  	[sflag:s28] =	ssyncadd.s32 $0xFFFFFB00  }
0x2c: {  	[tilespmem:$0x5080] =	vst v0  }
0x2d: {  	[tilespmem:$0x5090] =	vst v0  }
0x2e: {  	[tilespmem:$0x50A0] =	vst v0  }
0x2f: {  	[tilespmem:$0x50B0] =	vst v0  }
0x30: {  	[tilespmem:$0x50C0] =	vst v0  }
0x31: {  	[tilespmem:$0x50D0] =	vst v0  }
0x32: {  	[tilespmem:$0x50E0] =	vst v0  }
0x33: {  	[tilespmem:$0x50F0] =	vst v0  }
0x34: {  	[tilespmem:$0x5100] =	vst v0  }
0x35: {  	[tilespmem:$0x5110] =	vst v0  }
0x36: {  	[tilespmem:$0x5120] =	vst v0  }
0x37: {  	[tilespmem:$0x5130] =	vst v0  }
0x38: {  	[tilespmem:$0x5140] =	vst v0  }
0x39: {  	[tilespmem:$0x5150] =	vst v0  }
0x3a: {  	[tilespmem:$0x5160] =	vst v0  }
0x3b: {  	[tilespmem:$0x5170] =	vst v0  }
0x3c: {  	[tilespmem:$0x5180] =	vst v0  }
0x3d: {  	[tilespmem:$0x5190] =	vst v0  }
0x3e: {  	[tilespmem:$0x51A0] =	vst v0  }
0x3f: {  	[tilespmem:$0x51B0] =	vst v0  }
0x40: {  	[tilespmem:$0x51C0] =	vst v0  }
0x41: {  	[tilespmem:$0x51D0] =	vst v0  }
0x42: {  	[tilespmem:$0x51E0] =	vst v0  }
0x43: {  	[tilespmem:$0x51F0] =	vst v0  }
0x44: {  	[tilespmem:$0x5200] =	vst v0  }
0x45: {  	[tilespmem:$0x5210] =	vst v0  }
0x46: {  	[tilespmem:$0x5220] =	vst v0  }
0x47: {  	[tilespmem:$0x5230] =	vst v0  }
0x48: {  	[tilespmem:$0x5240] =	vst v0  }
0x49: {  	[tilespmem:$0x5250] =	vst v0  }
0x4a: {  	[tilespmem:$0x5260] =	vst v0  }
0x4b: {  	[tilespmem:$0x5270] =	vst v0  }
0x4c: {  	[tilespmem:$0x5280] =	vst v0  }
0x4d: {  	[tilespmem:$0x5290] =	vst v0  }
0x4e: {  	[tilespmem:$0x52A0] =	vst v0  }
0x4f: {  	[tilespmem:$0x52B0] =	vst v0  }
0x50: {  	[tilespmem:$0x52C0] =	vst v0  }
0x51: {  	[tilespmem:$0x52D0] =	vst v0  }
0x52: {  	[tilespmem:$0x52E0] =	vst v0  }
0x53: {  	[tilespmem:$0x52F0] =	vst v0  }
0x54: {  	[tilespmem:$0x5000] =	vst v1  }
0x55: {  	[tilespmem:$0x5010] =	vst v1  }
0x56: {  	[tilespmem:$0x5020] =	vst v1  }
0x57: {  	[tilespmem:$0x5030] =	vst v1  }
0x58: {  	[tilespmem:$0x5040] =	vst v1  }
0x59: {  	[tilespmem:$0x5050] =	vst v1  }
0x5a: {  	[tilespmem:$0x5060] =	vst v1  }
0x5b: {  	s7 =	simm.s32 $0x5080;
	[tilespmem:$0x5070] =	vst v1  }
0x5c: {  	[spmem:s8] =	stream.linear.scatter [tilespmem:s7], [sflag:$0x19], $0x280, $0x38;
	[tilespmem:$0xE490] =	vst v63  }
0x5d: {  	_ =	swait.ge [sflag:s28], $0x280  }
0x5e: {  	[sflag:s28] =	ssyncset.done $0x0  }
0x5f: {  	[sflag:s28] =	ssyncadd.s32 $0xFFFFFD80  }
0x60: {  	s2 =	simm.s32 $0x5300;
	[bflag:$0x0] =	sbarrier.arrive $0xFFFF  }
0x61: {  	[tilespmem:s2], [sflag:$0x1] =	stream.indirect.gather [spmem:s1], $0x10, s13, s20, $0xb8;
	[tilespmem:$0xE490] =	vst v63  }
0x62: {  	s15 =	simm.s32 $0x5B00  }
0x63: {  	[tilespmem:s15], [sflag:$0x2] =	stream.indirect.gather [spmem:s1], $0x10, s20, s20, $0xb8;
	[tilespmem:$0xE490] =	vst v63  }
0x64: {  	s9 =	simm.s32 $0x100;
	s6 =	simm.s32 $0x6300  }
0x65: {  	[tilespmem:s6], [sflag:$0x3] =	stream.indirect.gather [spmem:s1], $0x10, s9, s20, $0xb8;
	[tilespmem:$0xE490] =	vst v63  }
0x66: {  	s11 =	simm.s32 $0x180;
	s7 =	simm.s32 $0x6B00  }
0x67: {  	[tilespmem:s7], [sflag:$0x4] =	stream.indirect.gather [spmem:s1], $0x10, s11, s20, $0xb8;
	[tilespmem:$0xE490] =	vst v63  }
0x68: {  	s19 =	simm.s32 $0x200;
	s8 =	simm.s32 $0x7300  }
0x69: {  	[tilespmem:s8], [sflag:$0x5] =	stream.indirect.gather [spmem:s1], $0x10, s19, s20, $0xb8;
	[tilespmem:$0xE490] =	vst v63  }
0x6a: {  	s23 =	simm.s32 $0x280;
	s9 =	simm.s32 $0x7B00  }
0x6b: {  	[tilespmem:s9], [sflag:$0x6] =	stream.indirect.gather [spmem:s1], $0x10, s23, s20, $0xb8;
	[tilespmem:$0xE490] =	vst v63  }
0x6c: {  	s28 =	simm.s32 $0x300;
	s11 =	simm.s32 $0x8300  }
0x6d: {  	[tilespmem:s11], [sflag:$0x7] =	stream.indirect.gather [spmem:s1], $0x10, s28, s20, $0xb8;
	[tilespmem:$0xE490] =	vst v63  }
0x6e: {  	s5 =	simm.s32 $0x380;
	s19 =	simm.s32 $0x8B00;
	s23 =	simm.s32 $0x1  }
0x6f: {  	[tilespmem:s19], [sflag:$0x8] =	stream.indirect.gather [spmem:s1], $0x10, s5, s20, $0xb8;
	[tilespmem:$0xE490] =	vst v63  }
0x70: {  	_ =	swait.ge [sflag:s23], $0x800  }
0x71: {  	[sflag:s23] =	ssyncset.done $0x0  }
0x72: {  	s28 =	simm.s32 $0x2800;
	[sflag:s23] =	ssyncadd.s32 $0xFFFFF800  }
0x73: {  	[spmem:s3] =	stream.indirect.scatter.add.f32 [tilespmem:s2], [sflag:$0x9], $0x10, s28, s20, $0xb8;
	[tilespmem:$0xE490] =	vst v63  }
0x74: {  	s5 =	simm.s32 $0x2  }
0x75: {  	[spmem:s4] =	stream.indirect.scatter.add.f32 [tilespmem:s25], [sflag:$0x11], $0x1, s28, s20, $0xb8;
	[tilespmem:$0xE490] =	vst v63  }
0x76: {  	_ =	swait.ge [sflag:s5], $0x800  }
0x77: {  	[sflag:s5] =	ssyncset.done $0x0  }
0x78: {  	s23 =	simm.s32 $0x2880;
	[sflag:s5] =	ssyncadd.s32 $0xFFFFF800  }
0x79: {  	[spmem:s3] =	stream.indirect.scatter.add.f32 [tilespmem:s15], [sflag:$0xA], $0x10, s23, s20, $0xb8;
	[tilespmem:$0xE490] =	vst v63  }
0x7a: {  	s28 =	simm.s32 $0x3  }
0x7b: {  	[spmem:s4] =	stream.indirect.scatter.add.f32 [tilespmem:s25], [sflag:$0x12], $0x1, s23, s20, $0xb8;
	[tilespmem:$0xE490] =	vst v63  }
0x7c: {  	_ =	swait.ge [sflag:s28], $0x800  }
0x7d: {  	[sflag:s28] =	ssyncset.done $0x0  }
0x7e: {  	s5 =	simm.s32 $0x2900;
	[sflag:s28] =	ssyncadd.s32 $0xFFFFF800  }
0x7f: {  	[spmem:s3] =	stream.indirect.scatter.add.f32 [tilespmem:s6], [sflag:$0xB], $0x10, s5, s20, $0xb8;
	[tilespmem:$0xE490] =	vst v63  }
0x80: {  	s23 =	simm.s32 $0x4  }
0x81: {  	[spmem:s4] =	stream.indirect.scatter.add.f32 [tilespmem:s25], [sflag:$0x13], $0x1, s5, s20, $0xb8;
	[tilespmem:$0xE490] =	vst v63  }
0x82: {  	_ =	swait.ge [sflag:s23], $0x800  }
0x83: {  	[sflag:s23] =	ssyncset.done $0x0  }
0x84: {  	s28 =	simm.s32 $0x2980;
	[sflag:s23] =	ssyncadd.s32 $0xFFFFF800  }
0x85: {  	[spmem:s3] =	stream.indirect.scatter.add.f32 [tilespmem:s7], [sflag:$0xC], $0x10, s28, s20, $0xb8;
	[tilespmem:$0xE490] =	vst v63  }
0x86: {  	s5 =	simm.s32 $0x5  }
0x87: {  	[spmem:s4] =	stream.indirect.scatter.add.f32 [tilespmem:s25], [sflag:$0x14], $0x1, s28, s20, $0xb8;
	[tilespmem:$0xE490] =	vst v63  }
0x88: {  	_ =	swait.ge [sflag:s5], $0x800  }
0x89: {  	[sflag:s5] =	ssyncset.done $0x0  }
0x8a: {  	s23 =	simm.s32 $0x2A00;
	[sflag:s5] =	ssyncadd.s32 $0xFFFFF800  }
0x8b: {  	[spmem:s3] =	stream.indirect.scatter.add.f32 [tilespmem:s8], [sflag:$0xD], $0x10, s23, s20, $0xb8;
	[tilespmem:$0xE490] =	vst v63  }
0x8c: {  	s28 =	simm.s32 $0x6  }
0x8d: {  	[spmem:s4] =	stream.indirect.scatter.add.f32 [tilespmem:s25], [sflag:$0x15], $0x1, s23, s20, $0xb8;
	[tilespmem:$0xE490] =	vst v63  }
0x8e: {  	_ =	swait.ge [sflag:s28], $0x800  }
0x8f: {  	[sflag:s28] =	ssyncset.done $0x0  }
0x90: {  	s5 =	simm.s32 $0x2A80;
	[sflag:s28] =	ssyncadd.s32 $0xFFFFF800  }
0x91: {  	[spmem:s3] =	stream.indirect.scatter.add.f32 [tilespmem:s9], [sflag:$0xE], $0x10, s5, s20, $0xb8;
	[tilespmem:$0xE490] =	vst v63  }
0x92: {  	s23 =	simm.s32 $0x7  }
0x93: {  	[spmem:s4] =	stream.indirect.scatter.add.f32 [tilespmem:s25], [sflag:$0x16], $0x1, s5, s20, $0xb8;
	[tilespmem:$0xE490] =	vst v63  }
0x94: {  	_ =	swait.ge [sflag:s23], $0x800  }
0x95: {  	[sflag:s23] =	ssyncset.done $0x0  }
0x96: {  	s28 =	simm.s32 $0x2B00;
	[sflag:s23] =	ssyncadd.s32 $0xFFFFF800  }
0x97: {  	[spmem:s3] =	stream.indirect.scatter.add.f32 [tilespmem:s11], [sflag:$0xF], $0x10, s28, s20, $0xb8;
	[tilespmem:$0xE490] =	vst v63  }
0x98: {  	s5 =	simm.s32 $0x8  }
0x99: {  	[spmem:s4] =	stream.indirect.scatter.add.f32 [tilespmem:s25], [sflag:$0x17], $0x1, s28, s20, $0xb8;
	[tilespmem:$0xE490] =	vst v63  }
0x9a: {  	_ =	swait.ge [sflag:s5], $0x800  }
0x9b: {  	[sflag:s5] =	ssyncset.done $0x0  }
0x9c: {  	s23 =	simm.s32 $0x2B80;
	[sflag:s5] =	ssyncadd.s32 $0xFFFFF800  }
0x9d: {  	[spmem:s3] =	stream.indirect.scatter.add.f32 [tilespmem:s19], [sflag:$0x10], $0x10, s23, s20, $0xb8;
	[tilespmem:$0xE490] =	vst v63  }
0x9e: {  	_ = 	snop  }
0x9f: {  	[spmem:s4] =	stream.indirect.scatter.add.f32 [tilespmem:s25], [sflag:$0x18], $0x1, s23, s20, $0xb8;
	[tilespmem:$0xE490] =	vst v63  }
0xa0: {  	_ =	swait.ge [sflag:s30], $0x800  }
0xa1: {  	[sflag:s30] =	ssyncset.done $0x0  }
0xa2: {  	s5 =	simm.s32 $0x11;
	[sflag:s30] =	ssyncadd.s32 $0xFFFFF800  }
0xa3: {  	s28 =	smin.u32 s13, $0x47;
	_ =	swait.ge [sflag:s5], $0x80  }
0xa4: {  	s0 =	sshll.u32 s28, $0x7;
	[sflag:s5] =	ssyncset.done $0x0  }
0xa5: {  	s0 =	sadd.s32 $0x400, s0;
	s30 =	simm.s32 $0xA;
	[sflag:s5] =	ssyncadd.s32 $0xFFFFFF80  }
0xa6: {  	[tilespmem:s2], [sflag:$0x1] =	stream.indirect.gather [spmem:s1], $0x10, s0, s20, $0xb8;
	[tilespmem:$0xE490] =	vst v63  }
0xa7: {  	_ =	swait.ge [sflag:s30], $0x800  }
0xa8: {  	[sflag:s30] =	ssyncset.done $0x0  }
0xa9: {  	[sflag:s30] =	ssyncadd.s32 $0xFFFFF800  }
0xaa: {  	s2 =	smin.u32 s13, $0x46;
	_ =	swait.ge [sflag:s17], $0x80  }
0xab: {  	s0 =	sshll.u32 s2, $0x7;
	[sflag:s17] =	ssyncset.done $0x0  }
0xac: {  	s0 =	sadd.s32 $0x480, s0;
	[sflag:s17] =	ssyncadd.s32 $0xFFFFFF80  }
0xad: {  	[tilespmem:s15], [sflag:$0x2] =	stream.indirect.gather [spmem:s1], $0x10, s0, s20, $0xb8;
	[tilespmem:$0xE490] =	vst v63  }
0xae: {  	_ =	swait.ge [sflag:s10], $0x800  }
0xaf: {  	[sflag:s10] =	ssyncset.done $0x0  }
0xb0: {  	[sflag:s10] =	ssyncadd.s32 $0xFFFFF800  }
0xb1: {  	s5 =	smin.u32 s13, $0x45;
	_ =	swait.ge [sflag:s18], $0x80  }
0xb2: {  	s0 =	sshll.u32 s5, $0x7;
	[sflag:s18] =	ssyncset.done $0x0  }
0xb3: {  	s0 =	sadd.s32 $0x500, s0;
	[sflag:s18] =	ssyncadd.s32 $0xFFFFFF80  }
0xb4: {  	[tilespmem:s6], [sflag:$0x3] =	stream.indirect.gather [spmem:s1], $0x10, s0, s20, $0xb8;
	[tilespmem:$0xE490] =	vst v63  }
0xb5: {  	_ =	swait.ge [sflag:s16], $0x800  }
0xb6: {  	[sflag:s16] =	ssyncset.done $0x0  }
0xb7: {  	s5 =	simm.s32 $0x14;
	[sflag:s16] =	ssyncadd.s32 $0xFFFFF800  }
0xb8: {  	s15 =	smin.u32 s13, $0x44;
	_ =	swait.ge [sflag:s5], $0x80  }
0xb9: {  	s0 =	sshll.u32 s15, $0x7;
	[sflag:s5] =	ssyncset.done $0x0  }
0xba: {  	s0 =	sadd.s32 $0x580, s0;
	[sflag:s5] =	ssyncadd.s32 $0xFFFFFF80  }
0xbb: {  	[tilespmem:s7], [sflag:$0x4] =	stream.indirect.gather [spmem:s1], $0x10, s0, s20, $0xb8;
	[tilespmem:$0xE490] =	vst v63  }
0xbc: {  	_ =	swait.ge [sflag:s14], $0x800  }
0xbd: {  	[sflag:s14] =	ssyncset.done $0x0  }
0xbe: {  	[sflag:s14] =	ssyncadd.s32 $0xFFFFF800  }
0xbf: {  	s19 =	smin.u32 s13, $0x43;
	_ =	swait.ge [sflag:s21], $0x80  }
0xc0: {  	s0 =	sshll.u32 s19, $0x7;
	[sflag:s21] =	ssyncset.done $0x0  }
0xc1: {  	s0 =	sadd.s32 $0x600, s0;
	[sflag:s21] =	ssyncadd.s32 $0xFFFFFF80  }
0xc2: {  	[tilespmem:s8], [sflag:$0x5] =	stream.indirect.gather [spmem:s1], $0x10, s0, s20, $0xb8;
	[tilespmem:$0xE490] =	vst v63  }
0xc3: {  	_ =	swait.ge [sflag:s22], $0x800  }
0xc4: {  	[sflag:s22] =	ssyncset.done $0x0  }
0xc5: {  	[sflag:s22] =	ssyncadd.s32 $0xFFFFF800  }
0xc6: {  	s23 =	smin.u32 s13, $0x42;
	_ =	swait.ge [sflag:s24], $0x80  }
0xc7: {  	s0 =	sshll.u32 s23, $0x7;
	[sflag:s24] =	ssyncset.done $0x0  }
0xc8: {  	s0 =	sadd.s32 $0x680, s0;
	[sflag:s24] =	ssyncadd.s32 $0xFFFFFF80  }
0xc9: {  	[tilespmem:s9], [sflag:$0x6] =	stream.indirect.gather [spmem:s1], $0x10, s0, s20, $0xb8;
	[tilespmem:$0xE490] =	vst v63  }
0xca: {  	_ =	swait.ge [sflag:s26], $0x800  }
0xcb: {  	[sflag:s26] =	ssyncset.done $0x0  }
0xcc: {  	[sflag:s26] =	ssyncadd.s32 $0xFFFFF800  }
0xcd: {  	s28 =	smin.u32 s13, $0x41;
	_ =	swait.ge [sflag:s29], $0x80  }
0xce: {  	s0 =	sshll.u32 s28, $0x7;
	[sflag:s29] =	ssyncset.done $0x0  }
0xcf: {  	s0 =	sadd.s32 $0x700, s0;
	[sflag:s29] =	ssyncadd.s32 $0xFFFFFF80  }
0xd0: {  	[tilespmem:s11], [sflag:$0x7] =	stream.indirect.gather [spmem:s1], $0x10, s0, s20, $0xb8;
	[tilespmem:$0xE490] =	vst v63  }
0xd1: {  	_ =	swait.ge [sflag:s31], $0x800  }
0xd2: {  	[sflag:s31] =	ssyncset.done $0x0  }
0xd3: {  	s30 =	smin.u32 s13, $0x40;
	[sflag:s31] =	ssyncadd.s32 $0xFFFFF800  }
0xd4: {  	s19 =	sshll.u32 s30, $0x7;
	_ =	swait.ge [sflag:s12], $0x80  }
0xd5: {  	s23 =	sadd.s32 $0x780, s19;
	[sflag:s12] =	ssyncset.done $0x0  }
0xd6: {  	s19 =	simm.s32 $0x8;
	s0 =	simm.s32 $0x1000;
	[sflag:s12] =	ssyncadd.s32 $0xFFFFFF80  }
.LBB2_2:
0xd7: {  	s30 =	simm.s32 $0x8B00  }
0xd8: {  	[tilespmem:s30], [sflag:$0x8] =	stream.indirect.gather [spmem:s1], $0x10, s23, s20, $0xb8;
	[tilespmem:$0xE490] =	vst v63  }
0xd9: {  	s28 =	simm.s32 $0x1;
	s23 =	smov.u32 s0  }
0xda: {  	p0 =	sne.s32 s0, $0x9000;
	s0 =	sadd.s32 $0x1000, s0;
	_ =	swait.ge [sflag:s28], $0x800  }
0xdb: {  	s23 =	sshra.s32 s23, $0x2;
	[sflag:s28] =	ssyncset.done $0x0  }
0xdc: {  	s2 =	simm.s32 $0x5300;
	[sflag:s28] =	ssyncadd.s32 $0xFFFFF800;
	s28 =	sadd.s32 $0x2800, s23  }
0xdd: {  	[spmem:s3] =	stream.indirect.scatter.add.f32 [tilespmem:s2], [sflag:$0x9], $0x10, s28, s20, $0xb8;
	[tilespmem:$0xE490] =	vst v63  }
0xde: {  	_ = 	snop  }
0xdf: {  	[spmem:s4] =	stream.indirect.scatter.add.f32 [tilespmem:s25], [sflag:$0x11], $0x1, s28, s20, $0xb8;
	[tilespmem:$0xE490] =	vst v63  }
0xe0: {  	s28 =	simm.s32 $0x2  }
0xe1: {  	_ =	swait.ge [sflag:s28], $0x800  }
0xe2: {  	[sflag:s28] =	ssyncset.done $0x0  }
0xe3: {  	s15 =	simm.s32 $0x5B00;
	[sflag:s28] =	ssyncadd.s32 $0xFFFFF800;
	s28 =	sadd.s32 $0x2880, s23  }
0xe4: {  	[spmem:s3] =	stream.indirect.scatter.add.f32 [tilespmem:s15], [sflag:$0xA], $0x10, s28, s20, $0xb8;
	[tilespmem:$0xE490] =	vst v63  }
0xe5: {  	_ = 	snop  }
0xe6: {  	[spmem:s4] =	stream.indirect.scatter.add.f32 [tilespmem:s25], [sflag:$0x12], $0x1, s28, s20, $0xb8;
	[tilespmem:$0xE490] =	vst v63  }
0xe7: {  	s28 =	simm.s32 $0x3  }
0xe8: {  	_ =	swait.ge [sflag:s28], $0x800  }
0xe9: {  	[sflag:s28] =	ssyncset.done $0x0  }
0xea: {  	s6 =	simm.s32 $0x6300;
	[sflag:s28] =	ssyncadd.s32 $0xFFFFF800;
	s28 =	sadd.s32 $0x2900, s23  }
0xeb: {  	[spmem:s3] =	stream.indirect.scatter.add.f32 [tilespmem:s6], [sflag:$0xB], $0x10, s28, s20, $0xb8;
	[tilespmem:$0xE490] =	vst v63  }
0xec: {  	_ = 	snop  }
0xed: {  	[spmem:s4] =	stream.indirect.scatter.add.f32 [tilespmem:s25], [sflag:$0x13], $0x1, s28, s20, $0xb8;
	[tilespmem:$0xE490] =	vst v63  }
0xee: {  	s28 =	simm.s32 $0x4  }
0xef: {  	_ =	swait.ge [sflag:s28], $0x800  }
0xf0: {  	[sflag:s28] =	ssyncset.done $0x0  }
0xf1: {  	s7 =	simm.s32 $0x6B00;
	[sflag:s28] =	ssyncadd.s32 $0xFFFFF800;
	s28 =	sadd.s32 $0x2980, s23  }
0xf2: {  	[spmem:s3] =	stream.indirect.scatter.add.f32 [tilespmem:s7], [sflag:$0xC], $0x10, s28, s20, $0xb8;
	[tilespmem:$0xE490] =	vst v63  }
0xf3: {  	_ = 	snop  }
0xf4: {  	[spmem:s4] =	stream.indirect.scatter.add.f32 [tilespmem:s25], [sflag:$0x14], $0x1, s28, s20, $0xb8;
	[tilespmem:$0xE490] =	vst v63  }
0xf5: {  	s28 =	simm.s32 $0x5  }
0xf6: {  	_ =	swait.ge [sflag:s28], $0x800  }
0xf7: {  	[sflag:s28] =	ssyncset.done $0x0  }
0xf8: {  	s8 =	simm.s32 $0x7300;
	[sflag:s28] =	ssyncadd.s32 $0xFFFFF800;
	s28 =	sadd.s32 $0x2A00, s23  }
0xf9: {  	[spmem:s3] =	stream.indirect.scatter.add.f32 [tilespmem:s8], [sflag:$0xD], $0x10, s28, s20, $0xb8;
	[tilespmem:$0xE490] =	vst v63  }
0xfa: {  	_ = 	snop  }
0xfb: {  	[spmem:s4] =	stream.indirect.scatter.add.f32 [tilespmem:s25], [sflag:$0x15], $0x1, s28, s20, $0xb8;
	[tilespmem:$0xE490] =	vst v63  }
0xfc: {  	s28 =	simm.s32 $0x6  }
0xfd: {  	_ =	swait.ge [sflag:s28], $0x800  }
0xfe: {  	[sflag:s28] =	ssyncset.done $0x0  }
0xff: {  	s9 =	simm.s32 $0x7B00;
	[sflag:s28] =	ssyncadd.s32 $0xFFFFF800;
	s28 =	sadd.s32 $0x2A80, s23  }
0x100: {  	[spmem:s3] =	stream.indirect.scatter.add.f32 [tilespmem:s9], [sflag:$0xE], $0x10, s28, s20, $0xb8;
	[tilespmem:$0xE490] =	vst v63  }
0x101: {  	_ = 	snop  }
0x102: {  	[spmem:s4] =	stream.indirect.scatter.add.f32 [tilespmem:s25], [sflag:$0x16], $0x1, s28, s20, $0xb8;
	[tilespmem:$0xE490] =	vst v63  }
0x103: {  	s28 =	simm.s32 $0x7  }
0x104: {  	_ =	swait.ge [sflag:s28], $0x800  }
0x105: {  	[sflag:s28] =	ssyncset.done $0x0  }
0x106: {  	s11 =	simm.s32 $0x8300;
	[sflag:s28] =	ssyncadd.s32 $0xFFFFF800;
	s28 =	sadd.s32 $0x2B00, s23  }
0x107: {  	[spmem:s3] =	stream.indirect.scatter.add.f32 [tilespmem:s11], [sflag:$0xF], $0x10, s28, s20, $0xb8;
	[tilespmem:$0xE490] =	vst v63  }
0x108: {  	_ = 	snop  }
0x109: {  	[spmem:s4] =	stream.indirect.scatter.add.f32 [tilespmem:s25], [sflag:$0x17], $0x1, s28, s20, $0xb8;
	[tilespmem:$0xE490] =	vst v63  }
0x10a: {  	s28 =	simm.s32 $0x8  }
0x10b: {  	_ =	swait.ge [sflag:s28], $0x800  }
0x10c: {  	[sflag:s28] =	ssyncset.done $0x0  }
0x10d: {  	s23 =	sadd.s32 $0x2B80, s23;
	[sflag:s28] =	ssyncadd.s32 $0xFFFFF800  }
0x10e: {  	[spmem:s3] =	stream.indirect.scatter.add.f32 [tilespmem:s30], [sflag:$0x10], $0x10, s23, s20, $0xb8;
	[tilespmem:$0xE490] =	vst v63  }
0x10f: {  	s28 =	simm.s32 $0x8B00;
	s30 =	simm.s32 $0x9;
	_ =	sdelay $0x1  }
0x110: {  	[spmem:s4] =	stream.indirect.scatter.add.f32 [tilespmem:s25], [sflag:$0x18], $0x1, s23, s20, $0xb8;
	[tilespmem:$0xE490] =	vst v63  }
0x111: {  	_ =	swait.ge [sflag:s30], $0x800  }
0x112: {  	[sflag:s30] =	ssyncset.done $0x0  }
0x113: {  	s13 =	simm.s32 $0x11;
	[sflag:s30] =	ssyncadd.s32 $0xFFFFF800  }
0x114: {  	s23 =	smin.u32 s19, $0x47;
	_ =	swait.ge [sflag:s13], $0x80  }
0x115: {  	s23 =	sshll.u32 s23, $0x7;
	[sflag:s13] =	ssyncset.done $0x0  }
0x116: {  	s23 =	sadd.s32 $0x400, s23;
	[sflag:s13] =	ssyncadd.s32 $0xFFFFFF80  }
0x117: {  	[tilespmem:s2], [sflag:$0x1] =	stream.indirect.gather [spmem:s1], $0x10, s23, s20, $0xb8;
	[tilespmem:$0xE490] =	vst v63  }
0x118: {  	s2 =	simm.s32 $0xA  }
0x119: {  	_ =	swait.ge [sflag:s2], $0x800  }
0x11a: {  	[sflag:s2] =	ssyncset.done $0x0  }
0x11b: {  	[sflag:s2] =	ssyncadd.s32 $0xFFFFF800  }
0x11c: {  	s23 =	smin.u32 s19, $0x46;
	_ =	swait.ge [sflag:s17], $0x80  }
0x11d: {  	s23 =	sshll.u32 s23, $0x7;
	[sflag:s17] =	ssyncset.done $0x0  }
0x11e: {  	s23 =	sadd.s32 $0x480, s23;
	[sflag:s17] =	ssyncadd.s32 $0xFFFFFF80  }
0x11f: {  	[tilespmem:s15], [sflag:$0x2] =	stream.indirect.gather [spmem:s1], $0x10, s23, s20, $0xb8;
	[tilespmem:$0xE490] =	vst v63  }
0x120: {  	_ =	swait.ge [sflag:s10], $0x800  }
0x121: {  	[sflag:s10] =	ssyncset.done $0x0  }
0x122: {  	[sflag:s10] =	ssyncadd.s32 $0xFFFFF800  }
0x123: {  	s23 =	smin.u32 s19, $0x45;
	_ =	swait.ge [sflag:s18], $0x80  }
0x124: {  	s23 =	sshll.u32 s23, $0x7;
	[sflag:s18] =	ssyncset.done $0x0  }
0x125: {  	s23 =	sadd.s32 $0x500, s23;
	[sflag:s18] =	ssyncadd.s32 $0xFFFFFF80  }
0x126: {  	[tilespmem:s6], [sflag:$0x3] =	stream.indirect.gather [spmem:s1], $0x10, s23, s20, $0xb8;
	[tilespmem:$0xE490] =	vst v63  }
0x127: {  	_ =	swait.ge [sflag:s16], $0x800  }
0x128: {  	[sflag:s16] =	ssyncset.done $0x0  }
0x129: {  	[sflag:s16] =	ssyncadd.s32 $0xFFFFF800  }
0x12a: {  	s23 =	smin.u32 s19, $0x44;
	_ =	swait.ge [sflag:s5], $0x80  }
0x12b: {  	s23 =	sshll.u32 s23, $0x7;
	[sflag:s5] =	ssyncset.done $0x0  }
0x12c: {  	s23 =	sadd.s32 $0x580, s23;
	[sflag:s5] =	ssyncadd.s32 $0xFFFFFF80  }
0x12d: {  	[tilespmem:s7], [sflag:$0x4] =	stream.indirect.gather [spmem:s1], $0x10, s23, s20, $0xb8;
	[tilespmem:$0xE490] =	vst v63  }
0x12e: {  	_ =	swait.ge [sflag:s14], $0x800  }
0x12f: {  	[sflag:s14] =	ssyncset.done $0x0  }
0x130: {  	[sflag:s14] =	ssyncadd.s32 $0xFFFFF800  }
0x131: {  	s23 =	smin.u32 s19, $0x43;
	_ =	swait.ge [sflag:s21], $0x80  }
0x132: {  	s23 =	sshll.u32 s23, $0x7;
	[sflag:s21] =	ssyncset.done $0x0  }
0x133: {  	s23 =	sadd.s32 $0x600, s23;
	[sflag:s21] =	ssyncadd.s32 $0xFFFFFF80  }
0x134: {  	[tilespmem:s8], [sflag:$0x5] =	stream.indirect.gather [spmem:s1], $0x10, s23, s20, $0xb8;
	[tilespmem:$0xE490] =	vst v63  }
0x135: {  	_ =	swait.ge [sflag:s22], $0x800  }
0x136: {  	[sflag:s22] =	ssyncset.done $0x0  }
0x137: {  	[sflag:s22] =	ssyncadd.s32 $0xFFFFF800  }
0x138: {  	s23 =	smin.u32 s19, $0x42;
	_ =	swait.ge [sflag:s24], $0x80  }
0x139: {  	s23 =	sshll.u32 s23, $0x7;
	[sflag:s24] =	ssyncset.done $0x0  }
0x13a: {  	s23 =	sadd.s32 $0x680, s23;
	[sflag:s24] =	ssyncadd.s32 $0xFFFFFF80  }
0x13b: {  	[tilespmem:s9], [sflag:$0x6] =	stream.indirect.gather [spmem:s1], $0x10, s23, s20, $0xb8;
	[tilespmem:$0xE490] =	vst v63  }
0x13c: {  	_ =	swait.ge [sflag:s26], $0x800  }
0x13d: {  	[sflag:s26] =	ssyncset.done $0x0  }
0x13e: {  	[sflag:s26] =	ssyncadd.s32 $0xFFFFF800  }
0x13f: {  	s23 =	smin.u32 s19, $0x41;
	_ =	swait.ge [sflag:s29], $0x80  }
0x140: {  	s23 =	sshll.u32 s23, $0x7;
	[sflag:s29] =	ssyncset.done $0x0  }
0x141: {  	s23 =	sadd.s32 $0x700, s23;
	[sflag:s29] =	ssyncadd.s32 $0xFFFFFF80  }
0x142: {  	[tilespmem:s11], [sflag:$0x7] =	stream.indirect.gather [spmem:s1], $0x10, s23, s20, $0xb8;
	[tilespmem:$0xE490] =	vst v63  }
0x143: {  	_ =	swait.ge [sflag:s31], $0x800  }
.Ltmp0:
0x144: {  	[sflag:s31] =	ssyncset.done $0x0;
	(pc) =	sbr.rel @p0 .LBB2_2-.Ltmp0, $4  }
0x145: {  	[sflag:s31] =	ssyncadd.s32 $0xFFFFF800  }
0x146: {  	s23 =	smin.u32 s19, $0x40;
	_ =	swait.ge [sflag:s12], $0x80  }
0x147: {  	s23 =	sshll.u32 s23, $0x7;
	[sflag:s12] =	ssyncset.done $0x0  }
0x148: {  	s19 =	sadd.s32 $0x8, s19;
	s23 =	sadd.s32 $0x780, s23;
	[sflag:s12] =	ssyncadd.s32 $0xFFFFFF80  }
0x149: {  	[tilespmem:s28], [sflag:$0x8] =	stream.indirect.gather [spmem:s1], $0x10, s23, s20, $0xb8;
	[tilespmem:$0xE490] =	vst v63  }
0x14a: {  	s0 =	simm.s32 $0x1  }
0x14b: {  	_ =	swait.ge [sflag:s0], $0x800  }
0x14c: {  	[sflag:s0] =	ssyncset.done $0x0  }
0x14d: {  	s15 =	simm.s32 $0x2;
	[sflag:s0] =	ssyncadd.s32 $0xFFFFF800  }
0x14e: {  	_ =	swait.ge [sflag:s15], $0x800  }
0x14f: {  	[sflag:s15] =	ssyncset.done $0x0  }
0x150: {  	s19 =	simm.s32 $0x3;
	[sflag:s15] =	ssyncadd.s32 $0xFFFFF800  }
0x151: {  	_ =	swait.ge [sflag:s19], $0x800  }
0x152: {  	[sflag:s19] =	ssyncset.done $0x0  }
0x153: {  	s23 =	simm.s32 $0x4;
	[sflag:s19] =	ssyncadd.s32 $0xFFFFF800  }
0x154: {  	_ =	swait.ge [sflag:s23], $0x800  }
0x155: {  	[sflag:s23] =	ssyncset.done $0x0  }
0x156: {  	s2 =	simm.s32 $0x5;
	[sflag:s23] =	ssyncadd.s32 $0xFFFFF800  }
0x157: {  	_ =	swait.ge [sflag:s2], $0x800  }
0x158: {  	[sflag:s2] =	ssyncset.done $0x0  }
0x159: {  	s5 =	simm.s32 $0x6;
	[sflag:s2] =	ssyncadd.s32 $0xFFFFF800  }
0x15a: {  	_ =	swait.ge [sflag:s5], $0x800  }
0x15b: {  	[sflag:s5] =	ssyncset.done $0x0  }
0x15c: {  	s6 =	simm.s32 $0x7;
	[sflag:s5] =	ssyncadd.s32 $0xFFFFF800  }
0x15d: {  	_ =	swait.ge [sflag:s6], $0x800  }
0x15e: {  	[sflag:s6] =	ssyncset.done $0x0  }
0x15f: {  	s7 =	simm.s32 $0x8;
	[sflag:s6] =	ssyncadd.s32 $0xFFFFF800  }
0x160: {  	_ =	swait.ge [sflag:s7], $0x800  }
0x161: {  	[sflag:s7] =	ssyncset.done $0x0  }
0x162: {  	[sflag:s7] =	ssyncadd.s32 $0xFFFFF800  }
0x163: {  	[bflag:$0x0] =	sbarrier.arrive $0xFFFF  }
0x164: {  	s8 =	rddreg [dreg:$0xa]  }
0x165: {  	s9 =	rddreg [dreg:$0xd]  }
0x166: {  	s28 =	simm.s32 $0x19;
	s2 =	rddreg [dreg:$0xf]  }
0x167: {  	[hbm:s8], [sflag:s9] =	dma.local [spmem:s2], $0x500  }
0x168: {  	_ =	swait.ge [sflag:s28], $0x500  }
0x169: {  	[sflag:s28] =	ssyncset.done $0x0;
	s8 =	rddreg [dreg:$0x9]  }
0x16a: {  	s19 =	rddreg [dreg:$0xb];
	[sflag:s28] =	ssyncadd.s32 $0xFFFFFB00;
	s11 =	sshrl.u32 s8, $0x3  }
0x16b: {  	[hbm:s19], [sflag:s9] =	dma.local [spmem:s11], $0x50  }
0x16c: {  	_ =	swait.ge [sflag:s28], $0x50  }
0x16d: {  	s13 =	rddreg [dreg:$0x10]  }
0x16e: {  	s15 =	rddreg [dreg:$0xc];
	s23 =	sadd.s32 $0x1, s13  }
0x16f: {  	p0 =	sne.s32 s23, s15  }
.Ltmp1:
0x170: {  	_ = 	snop;
	(pc) =	sbr.rel @p0 .LBB2_1-.Ltmp1, $3  }
0x171: {  	_ =	sdelay $0x1  }
0x172: {  	[sflag:s28] =	ssyncset.done $0x0  }
0x173: {  	s19 =	smov.u32 s9;
	[sflag:s28] =	ssyncadd.s32 $0xFFFFFFB0  }
0x174: {  	_ =	sfence.sel $0x180000  }
0x175: {  	[bflag:$0x0] =	sbarrier.arrive $0xFFFF  }
0x176: {  	_ =	strace $0x90000047  }
0x177: {  	s0 =	stileid.u32;
	[bflag:$0x2] =	sbarrier.arrive $0xFFFF  }
0x178: {  	p0 =	sne.s32 s0, $0x0;
	s0 =	rddreg [dreg:$0x4]  }
0x179: {  	s0 =	sadd.s32 @!p0 $0x100000, s0  }
0x17a: {  	[sflag:s0] =	ssyncadd.tile.s32 @!p0 $0x1;
	_ =	shalt  }
.Lfunc_end2:
_tile_overlayer_lowered:
.L_overlay_start_2:
0x17b: {  	(tag) =	ssettag $0x2  }
0x17c: {  	s0 =	rddreg [dreg:$0x0];
	s2 =	stileid.u32  }
0x17d: {  	s1 =	rddreg [dreg:$0x1];
	p0 =	sne.s32 s2, $0x0  }
0x17e: {  	s3 =	rddreg [dreg:$0x2];
	[bflag:$0x3] =	sbarrier.arrive $0xFFFF;
	s2 =	simm.s32 @!p0 $0x1C19  }
0x17f: {  	[timem:s3], [sflag:s2] =	dma.local @!p0 [hbm:s0], s1  }
0x180: {  	s0 =	simm.s32 @!p0 $0x19  }
0x181: {  	_ =	swait.ge @!p0 [sflag:s0], s1  }
0x182: {  	s1 =	ssub.s32 @!p0 $0x0, s1;
	[sflag:s0] =	ssyncset.done @!p0 $0x0  }
0x183: {  	[sflag:s0] =	ssyncadd.s32 @!p0 s1  }
0x184: {  	[bflag:$0x3] =	sbarrier.arrive $0xFFFF  }
0x185: {  	_ =	shalt  }

// kernel: kernel.9.cloned.1.call-start
scs
__scs_entry_jumppad:
0x0: {  	(pc) =	sbr.rel $0x88, $3  }
0x1: {  	(tag) =	ssettag $0x0;
	lr =	simm.s32 $0x1  }
0x2: {  	[smem:$0x3F99] =	sst lr;
	_ =	strace $0xD0000000  }
0x3: {  	_ = 	snop  }
0x4: {  	_ = 	snop  }
0x5: {  	_ = 	snop  }
0x6: {  	_ = 	snop  }
0x7: {  	_ = 	snop  }
__scs_overlays_trampoline_lowered:
0x8: {  	[smem:$0x3FA8] =	sst s0  }
0x9: {  	[smem:$0x3FA9] =	sst s1  }
0xa: {  	[smem:$0x3FAA] =	sst s2  }
0xb: {  	[smem:$0x3FAB] =	sst s3  }
0xc: {  	[smem:$0x3FAC] =	sst s4  }
0xd: {  	[smem:$0x3FAD] =	sst s5  }
0xe: {  	[smem:$0x3FAE] =	sst s6  }
0xf: {  	[smem:$0x3FAF] =	sst s7  }
0x10: {  	[smem:$0x3FB0] =	sst s8  }
0x11: {  	[smem:$0x3FB1] =	sst s9;
	s0 =	simm.s32 @!p0 $0x0  }
0x12: {  	s1 =	sld [smem:$0x3F97];
	s0 =	simm.s32 @p0 $0x1  }
0x13: {  	[smem:$0x3FB2] =	sst s0;
	s0 =	simm.s32 @!p1 $0x0  }
0x14: {  	s2 =	sld [smem:$0x3F96];
	s0 =	simm.s32 @p1 $0x1  }
0x15: {  	[smem:$0x3FB3] =	sst s0;
	s0 =	simm.s32 @!p2 $0x0  }
0x16: {  	s3 =	sld [smem:$0x3FDB];
	s0 =	simm.s32 @p2 $0x1  }
0x17: {  	s4 =	simm.s32 $0x1BF5;
	[smem:$0x3FB5] =	sst s0  }
0x18: {  	s0 =	sld [smem:$0x3F98];
	_ =	swait.ge [sflag:s4], $0x0  }
0x19: {  	s7 =	sld [smem:$0x3F99]  }
0x1a: {  	s8 =	sadd.s32 $0xFFFFE003, lr  }
0x1b: {  	s9 =	sadd.s32 $0xFFFFFEF7, lr;
	s5 =	simm.s32 $0xFFFFFFFF;
	p2 =	slt.u32 s8, $0xFFFFF086  }
0x1c: {  	p1 =	slt.u32 s9, $0xF7A;
	s5 =	simm.s32 @!p2 $0x0  }
0x1d: {  	s5 =	simm.s32 @p1 $0x1;
	p0 =	seq.s32 s7, s2  }
0x1e: {  	s7 =	smul.u32 @!p0 $0xF7A, s2;
	p2 =	seq.s32 @!p0 s5, $0x0  }
0x1f: {  	s9 =	smul.u32 $0xF7A, s1;
	s8 =	simm.s32 @!p0 $0x1BF5;
	p2 =	por !p2, p0  }
0x20: {  	[sflag:s8] =	ssyncset.s32 @!p0 $0xFFFFF086;
	s6 =	sadd.s32 @!p0 s3, s7;
	s7 =	simm.s32 @!p0 $0x108  }
0x21: {  	s3 =	sadd.s32 s3, s9;
	s6 =	sadd.s32 @!p0 $0x88, s6;
	s7 =	simm.s32 @p2 $0x1082  }
0x22: {  	[simem:s7], [sflag:s8] =	dma.local @!p0 [hbm:s6], $0xF7A  }
0x23: {  	s9 =	sor.u32 $0xD0000000, s2;
	s6 =	simm.s32 $0x108;
	_ =	swait.ge @!p0 [sflag:s8], $0x0  }
0x24: {  	s3 =	sadd.s32 $0x88, s3;
	s6 =	simm.s32 @!p1 $0x1082;
	[sflag:s4] =	ssyncset.s32 $0xFFFFF086  }
0x25: {  	[simem:s6], [sflag:s4] =	dma.local [hbm:s3], $0xF7A  }
0x26: {  	[smem:$0x3F99] =	sst s1;
	(tag) =	ssettag s2;
	_ =	strace s9  }
0x27: {  	s1 =	sld [smem:$0x3FA9]  }
0x28: {  	s2 =	sld [smem:$0x3FAA]  }
0x29: {  	s4 =	sld [smem:$0x3FAC]  }
0x2a: {  	p0 =	seq.s32 s5, $0x0;
	s5 =	sld [smem:$0x3FAD]  }
0x2b: {  	s6 =	sld [smem:$0x3FAE]  }
0x2c: {  	s7 =	sld [smem:$0x3FAF]  }
0x2d: {  	s3 =	simm.s32 $0x108;
	s8 =	sld [smem:$0x3FB0]  }
0x2e: {  	s3 =	simm.s32 @!p0 $0x1082;
	s9 =	sld [smem:$0x3FB1]  }
0x2f: {  	lr =	sadd.s32 s0, s3;
	s0 =	sld [smem:$0x3FA8]  }
0x30: {  	s3 =	sld [smem:$0x3FAB]  }
0x31: {  	[smem:$0x3FB4] =	sst s10  }
0x32: {  	s10 =	sld [smem:$0x3FB2];
	_ =	sdelay $0x3  }
0x33: {  	p0 =	seq.s32 s10, $0x1;
	s10 =	sld [smem:$0x3FB4];
	_ =	sdelay $0x3  }
0x34: {  	[smem:$0x3FB4] =	sst s10  }
0x35: {  	s10 =	sld [smem:$0x3FB3];
	_ =	sdelay $0x3  }
0x36: {  	p1 =	seq.s32 s10, $0x1;
	s10 =	sld [smem:$0x3FB4];
	_ =	sdelay $0x3  }
0x37: {  	[smem:$0x3FB4] =	sst s10  }
0x38: {  	s10 =	sld [smem:$0x3FB5]  }
0x39: {  	_ = 	snop;
	(pc) =	sbr.ind lr, $3  }
0x3a: {  	_ = 	snop  }
0x3b: {  	_ = 	snop  }
0x3c: {  	p2 =	seq.s32 s10, $0x1;
	s10 =	sld [smem:$0x3FB4]  }
0x3d: {  	_ =	shalt  }
0x3e: {  	_ =	shalt  }
0x3f: {  	_ =	shalt  }
0x40: {  	_ =	shalt  }
0x41: {  	_ =	shalt  }
0x42: {  	_ =	shalt  }
0x43: {  	_ =	shalt  }
0x44: {  	_ =	shalt  }
0x45: {  	_ =	shalt  }
0x46: {  	_ =	shalt  }
0x47: {  	_ =	shalt  }
0x48: {  	_ =	shalt  }
0x49: {  	_ =	shalt  }
0x4a: {  	_ =	shalt  }
0x4b: {  	_ =	shalt  }
0x4c: {  	_ =	shalt  }
0x4d: {  	_ =	shalt  }
0x4e: {  	_ =	shalt  }
0x4f: {  	_ =	shalt  }
0x50: {  	_ =	shalt  }
0x51: {  	_ =	shalt  }
0x52: {  	_ =	shalt  }
0x53: {  	_ =	shalt  }
0x54: {  	_ =	shalt  }
0x55: {  	_ =	shalt  }
0x56: {  	_ =	shalt  }
0x57: {  	_ =	shalt  }
0x58: {  	_ =	shalt  }
0x59: {  	_ =	shalt  }
0x5a: {  	_ =	shalt  }
0x5b: {  	_ =	shalt  }
0x5c: {  	_ =	shalt  }
0x5d: {  	_ =	shalt  }
0x5e: {  	_ =	shalt  }
0x5f: {  	_ =	shalt  }
0x60: {  	_ =	shalt  }
0x61: {  	_ =	shalt  }
0x62: {  	_ =	shalt  }
0x63: {  	_ =	shalt  }
0x64: {  	_ =	shalt  }
0x65: {  	_ =	shalt  }
0x66: {  	_ =	shalt  }
0x67: {  	_ =	shalt  }
0x68: {  	_ =	shalt  }
0x69: {  	_ =	shalt  }
0x6a: {  	_ =	shalt  }
0x6b: {  	_ =	shalt  }
0x6c: {  	_ =	shalt  }
0x6d: {  	_ =	shalt  }
0x6e: {  	_ =	shalt  }
0x6f: {  	_ =	shalt  }
0x70: {  	_ =	shalt  }
0x71: {  	_ =	shalt  }
0x72: {  	_ =	shalt  }
0x73: {  	_ =	shalt  }
0x74: {  	_ =	shalt  }
0x75: {  	_ =	shalt  }
0x76: {  	_ =	shalt  }
0x77: {  	_ =	shalt  }
0x78: {  	_ =	shalt  }
0x79: {  	_ =	shalt  }
0x7a: {  	_ =	shalt  }
0x7b: {  	_ =	shalt  }
0x7c: {  	_ =	shalt  }
0x7d: {  	_ =	shalt  }
0x7e: {  	_ =	shalt  }
0x7f: {  	_ =	shalt  }
0x80: {  	_ =	shalt  }
0x81: {  	_ =	shalt  }
0x82: {  	_ =	shalt  }
0x83: {  	_ =	shalt  }
0x84: {  	_ =	shalt  }
0x85: {  	_ =	shalt  }
0x86: {  	_ =	shalt  }
0x87: {  	_ =	shalt  }
.Lfunc_end0:
.L_simem_size_0:
called_computation.1_lowered:
.L_overlay_start_0:
0x88: {  	s2 =	sld [smem:$0x3FD9]  }
0x89: {  	s3 =	sld [smem:$0x3FFE];
	_ =	sdelay $0x1  }
0x8a: {  	s1 =	srdreg.scid  }
0x8b: {  	s0 =	sand.u32 $0x1, s1  }
0x8c: {  	s16 =	sshll.u32 s0, $0xA;
	s2 =	sadd.s32 s3, s2  }
0x8d: {  	s2 =	sadd.s32 s2, s16  }
0x8e: {  	[smem:$0x3FC0] =	sst s2  }
0x8f: {  	_ = 	snop  }
0x90: {  	(tm) =	ssettm $0x1  }
0x91: {  	s17 =	sld [smem:$0x3FFB];
	_ =	sdelay $0x3  }
0x92: {  	_ =	strace s17  }
0x93: {  	s2 =	sld [smem:$0x3FFC];
	_ =	sdelay $0x3  }
0x94: {  	_ =	strace s2  }
0x95: {  	s2 =	sld [smem:$0x3FFD];
	_ =	sdelay $0x3  }
0x96: {  	_ =	strace s2  }
0x97: {  	_ =	strace $0x8FFFFFFF  }
0x98: {  	s18 =	sld [smem:$0x3FDB];
	_ =	sdelay $0x1  }
0x99: {  	s19 =	simm.s32 $_scs_section_size  }
0x9a: {  	s4 =	simm.s32 $_size__tile_overlayer_lowered;
	s5 =	simm.s32 $_tile_overlayer_lowered  }
0x9b: {  	s22 =	simm.s32 $0x1BFF;
	s21 =	sshll.u32 s5, $0x1;
	s2 =	sadd.s32 s19, s18  }
0x9c: {  	s6 =	simm.s32 $0x0;
	s20 =	sshll.u32 s4, $0x1;
	s4 =	sadd.s32 s21, s2  }
0x9d: {  	[timem:s6], [sflag:s22] =	dma.local [hbm:s4], s20  }
0x9e: {  	_ =	swait.ge [sflag:s22], s20  }
0x9f: {  	s3 =	ssub.s32 $0x0, s20;
	[sflag:s22] =	ssyncset.done $0x0  }
0xa0: {  	[sflag:s22] =	ssyncadd.s32 s3;
	_ =	sdelay $0x1  }
0xa1: {  	s23 =	simm.s32 $0x1B8B  }
0xa2: {  	_ =	swait.ge [sflag:s23], $0x1  }
0xa3: {  	[sflag:s23] =	ssyncset.done $0x0  }
0xa4: {  	s25 =	simm.s32 $0x1B8E;
	s24 =	sld [smem:$0x3FFE];
	[sflag:s23] =	ssyncadd.s32 $0xFFFFFFFF  }
0xa5: {  	s26 =	simm.s32 $execute0_lowered;
	[smem:$0x3FD2] =	sst s25  }
0xa6: {  	s4 =	sshll.u32 s26, $0x1;
	_ =	strace $0x80000049;
	[dreg:$0x1] =	wrdreg $0xFFFFFFFF  }
0xa7: {  	s28 =	simm.s32 $_size_execute0_lowered;
	s2 =	sadd.s32 s2, s4;
	[dreg:$0x0] =	wrdreg $0x0  }
0xa8: {  	s4 =	sshll.u32 s28, $0x1;
	[dreg:$0x2] =	wrdreg s2  }
0xa9: {  	[dreg:$0x3] =	wrdreg s4  }
0xaa: {  	[dreg:$0x4] =	wrdreg $0xC0  }
0xab: {  	_ =	task [dreg:s6], $0x5FFFF  }
0xac: {  	[dreg:$0x1] =	wrdreg $0xFFFFFFFF  }
0xad: {  	[dreg:$0x0] =	wrdreg $0x60  }
0xae: {  	[dreg:$0x2] =	wrdreg s24  }
0xaf: {  	[dreg:$0x3] =	wrdreg $0x135000  }
0xb0: {  	[dreg:$0x4] =	wrdreg $0x10D000  }
0xb1: {  	[dreg:$0x5] =	wrdreg $0x9  }
0xb2: {  	_ =	task.clear_ibuf [dreg:s6], $0x6FFFF;
	_ =	strace $0x90000049  }
0xb3: {  	s29 =	simm.s32 $0x9;
	_ =	strace $0x8000004B  }
0xb4: {  	_ =	swait.ge [sflag:s29], $0x1  }
0xb5: {  	[sflag:s29] =	ssyncadd.s32 $0xFFFFFFFF  }
0xb6: {  	_ =	strace $0x9000004B  }
0xb7: {  	_ =	sfence  }
0xb8: {  	s30 =	sld [smem:$0x0];
	_ =	sdelay $0x2  }
0xb9: {  	s31 =	sshll.u32 s1, $0xD;
	s1 =	sshrl.u32 s1, $0x2  }
0xba: {  	s3 =	sand.u32 $0x4000, s31;
	s1 =	sadd.s32 s1, s30  }
0xbb: {  	s0 =	sor.u32 s3, s0;
	s1 =	sshll.u32 s1, $0x11  }
0xbc: {  	s0 =	sor.u32 s1, s0  }
0xbd: {  	s0 =	sadd.s32 $0x8F2B, s0  }
0xbe: {  	[sflag:s0] =	ssyncadd.remote.s32 $0x1  }
0xbf: {  	_ =	sfence.sel $0xFFFF  }
0xc0: {  	[dreg:$0x0] =	wrdreg $0xFFFFFFFF;
	(pc) =	sbr.abs _section_cstart, $3  }
0xc1: {  	[dreg:$0x1] =	wrdreg $0xFFFFFFFF  }
0xc2: {  	_ =	task.clear_ibuf [dreg:s6], $0x2FFFF;
	_ =	strace $0x9FFFFFFF  }
0xc3: {  	(tm) =	ssettm $0x7FFFFFFF  }
tec
execute0_lowered:
.L_overlay_start_1:
0x0: {  	(tag) =	ssettag $0x1  }
0x1: {  	s0 =	rddreg [dreg:$0x0]  }
0x2: {  	s2 =	rddreg [dreg:$0x1]  }
0x3: {  	s3 =	rddreg [dreg:$0x2]  }
0x4: {  	s1 =	srdreg.scid;
	s9 =	stileid.u32  }
0x5: {  	s6 =	simm.s32 $0x0;
	s28 =	simm.s32 $0x6000;
	s30 =	simm.s32 $0x6800  }
0x6: {  	s31 =	simm.s32 $0x8800;
	s29 =	simm.s32 $0x3;
	s13 =	simm.s32 $0xE  }
0x7: {  	s14 =	simm.s32 $0xF;
	s15 =	simm.s32 $0x10;
	s1 =	sand.u32 $0x1, s1  }
0x8: {  	s5 =	smul.u32 $0x280, s9;
	[smem:$0x7FF] =	sst s6;
	s7 =	sadd.s32 $0x1F800, s0  }
0x9: {  	s8 =	sadd.s32 $0x29800, s0;
	s4 =	sshll.u32 s1, $0x4;
	s16 =	smul.u32 $0x2800, s1  }
0xa: {  	_ =	strace $0x8000004A;
	s10 =	ssub.s32 $0x2, s1;
	p0 =	sne.s32 s1, $0x0  }
0xb: {  	s1 =	simm.s32 $0x4;
	s4 =	sor.u32 s9, s4;
	s9 =	smul.u32 $0x2800, s9  }
0xc: {  	s12 =	sshrl.u32 s10, $0x1;
	s19 =	sadd.s32 $0x2800, s5;
	s4 =	smul.u32 $0x500, s4  }
0xd: {  	s6 =	sadd.s32 s5, s16;
	s10 =	ssub.s32 s10, s12;
	s20 =	sshll.u32 s19, $0x1  }
0xe: {  	s5 =	sshrl.u32 s5, $0x3;
	s12 =	simm.s32 $0xD;
	s16 =	simm.s32 $0x0  }
0xf: {  	s6 =	sshll.u32 s6, $0x1;
	s11 =	sshrl.u32 s9, $0x3;
	s5 =	sadd.s32 s8, s5  }
0x10: {  	s22 =	sadd.s32 s9, s2;
	s24 =	sadd.s32 s9, s3;
	s26 =	smax.u32 s10, $0x1  }
0x11: {  	s9 =	simm.s32 $0xA;
	s10 =	simm.s32 $0xB;
	[dreg:$0x8] =	wrdreg s5  }
0x12: {  	s4 =	sadd.s32 s4, s0;
	s6 =	sadd.s32 s6, s0;
	[dreg:$0xb] =	wrdreg s22  }
0x13: {  	s0 =	sadd.s32 s11, s0;
	s18 =	sadd.s32 s7, s11;
	[dreg:$0xd] =	wrdreg s24  }
0x14: {  	s7 =	sadd.s32 s7, s20;
	[dreg:$0x10] =	wrdreg s26;
	s26 =	simm.s32 $0x8000  }
0x15: {  	s22 =	simm.s32 $0x2;
	s5 =	simm.s32 $0x5;
	[dreg:$0x6] =	wrdreg s18  }
0x16: {  	s20 =	simm.s32 $0x8;
	s17 =	sadd.s32 $0x6800, s4;
	[dreg:$0x7] =	wrdreg s7  }
0x17: {  	s11 =	simm.s32 $0xC;
	s4 =	sadd.s32 $0x10800, s4;
	[dreg:$0x4] =	wrdreg s17  }
0x18: {  	s21 =	sadd.s32 $0x2A200, s0;
	s23 =	sadd.s32 $0x1A800, s0;
	[dreg:$0x5] =	wrdreg s4  }
0x19: {  	s0 =	sadd.s32 $0x39200, s0;
	s25 =	sadd.s32 $0x2F200, s6;
	[dreg:$0xa] =	wrdreg s21  }
0x1a: {  	s18 =	simm.s32 $0x11;
	s6 =	simm.s32 $0x6;
	[dreg:$0xc] =	wrdreg s23  }
0x1b: {  	s7 =	simm.s32 $0x7;
	s4 =	sshrl.u32 s19, $0x3;
	[dreg:$0xe] =	wrdreg s0  }
0x1c: {  	[dreg:$0xf] =	wrdreg s25;
	s23 =	simm.s32 $0x80;
	s25 =	simm.s32 $0x5800  }
0x1d: {  	s0 =	simm.s32 $0x7000;
	s21 =	simm.s32 $0x7800;
	s4 =	sadd.s32 s8, s4  }
0x1e: {  	s19 =	simm.s32 $0x1;
	s8 =	simm.s32 $0x9;
	[dreg:$0x9] =	wrdreg s4  }
.LBB2_1:
0x1f: {  	[dreg:$0x11] =	wrdreg s16  }
0x20: {  	s17 =	simm.s32 $0x0;
	s4 =	rddreg [dreg:$0x4]  }
0x21: {  	[tilespmem:s17], [sflag:$0x11] =	stream.linear.gather [hbm4b:s4+s17], $0x2800, $0x38;
	[tilespmem:$0x15D00] =	vst v63  }
0x22: {  	_ =	swait.ge [sflag:s18], $0x2800  }
0x23: {  	[sflag:s18] =	ssyncset.done $0x0  }
0x24: {  	s24 =	simm.s32 $0x2800;
	s16 =	rddreg [dreg:$0x5];
	[sflag:s18] =	ssyncadd.s32 $0xFFFFD800  }
0x25: {  	[tilespmem:s24], [sflag:$0x11] =	stream.linear.gather [hbm4b:s16+s17], $0x2800, $0x38;
	[tilespmem:$0x15D00] =	vst v63  }
0x26: {  	_ =	swait.ge [sflag:s18], $0x2800  }
0x27: {  	[sflag:s18] =	ssyncset.done $0x0  }
0x28: {  	s24 =	simm.s32 $0x9000;
	s16 =	rddreg [dreg:$0x6];
	[sflag:s18] =	ssyncadd.s32 $0xFFFFD800  }
0x29: {  	[tilespmem:s24], [sflag:$0x11] =	stream.linear.gather [hbm4b:s16+s17], $0x2800, $0x38;
	[tilespmem:$0x15D00] =	vst v63  }
0x2a: {  	_ =	swait.ge [sflag:s18], $0x2800  }
0x2b: {  	[sflag:s18] =	ssyncset.done $0x0  }
0x2c: {  	s24 =	simm.s32 $0xB800;
	s16 =	rddreg [dreg:$0x7];
	[sflag:s18] =	ssyncadd.s32 $0xFFFFD800  }
0x2d: {  	[tilespmem:s24], [sflag:$0x11] =	stream.linear.gather [hbm4b:s16+s17], $0x2800, $0x38;
	[tilespmem:$0x15D00] =	vst v63  }
0x2e: {  	_ =	swait.ge [sflag:s18], $0x2800  }
0x2f: {  	[sflag:s18] =	ssyncset.done $0x0  }
0x30: {  	s4 =	simm.s32 $0x10800;
	s24 =	rddreg [dreg:$0x8];
	[sflag:s18] =	ssyncadd.s32 $0xFFFFD800  }
0x31: {  	[tilespmem:s4], [sflag:$0x11] =	stream.linear.gather [hbm4b:s24+s17], $0x280, $0x38;
	[tilespmem:$0x15D00] =	vst v63  }
0x32: {  	_ =	swait.ge [sflag:s18], $0x280  }
0x33: {  	[sflag:s18] =	ssyncset.done $0x0  }
0x34: {  	s16 =	simm.s32 $0x10A80;
	s24 =	rddreg [dreg:$0x9];
	[sflag:s18] =	ssyncadd.s32 $0xFFFFFD80  }
0x35: {  	[tilespmem:s16], [sflag:$0x11] =	stream.linear.gather [hbm4b:s24+s17], $0x280, $0x38;
	[tilespmem:$0x15D00] =	vst v63  }
0x36: {  	s24 =	simm.s32 $0x11  }
0x37: {  	_ =	swait.ge [sflag:s24], $0x280  }
0x38: {  	[sflag:s24] =	ssyncset.done $0x0  }
0x39: {  	s18 =	rddreg [dreg:$0xa];
	[sflag:s24] =	ssyncadd.s32 $0xFFFFFD80;
	s24 =	simm.s32 $0xE000  }
0x3a: {  	[tilespmem:s24], [sflag:$0x11] =	stream.linear.gather [hbm4b:s18+s17], $0x2800, $0x38;
	[tilespmem:$0x15D00] =	vst v63  }
0x3b: {  	s18 =	simm.s32 $0x11  }
0x3c: {  	s24 =	stileid.u32;
	_ =	swait.ge [sflag:s18], $0x2800  }
0x3d: {  	s17 =	sshll.u32 s24, $0x6;
	[sflag:s18] =	ssyncset.done $0x0;
	s24 =	rddreg [dreg:$0xb]  }
0x3e: {  	[sflag:s18] =	ssyncadd.s32 $0xFFFFD800;
	s18 =	sor.u32 $0x1C11, s17;
	s17 =	rddreg [dreg:$0xc]  }
0x3f: {  	s24 =	sshrl.u32 s24, $0x3;
	[dreg:$0x12] =	wrdreg s18  }
0x40: {  	[dreg:$0x13] =	wrdreg s24  }
0x41: {  	[spmem:s24], [sflag:s18] =	dma.local [hbm:s17], $0x500  }
0x42: {  	s24 =	simm.s32 $0x11  }
0x43: {  	_ =	swait.ge [sflag:s24], $0x500  }
0x44: {  	[sflag:s24] =	ssyncset.done $0x0  }
0x45: {  	s17 =	simm.s32 $0x0;
	[sflag:s24] =	ssyncadd.s32 $0xFFFFFB00  }
0x46: {  	v0 =	vld [tilespmem:s17+$0xE000]  }
0x47: {  	v1 =	vld [tilespmem:s17+$0xE010]  }
0x48: {  	v11 =	vld [tilespmem:s17+$0xB800]  }
0x49: {  	v6 =	vld [tilespmem:s17+$0xB810]  }
0x4a: {  	v4 =	vld [tilespmem:s17+$0xB820]  }
0x4b: {  	v7 =	vld [tilespmem:s17+$0xB830]  }
0x4c: {  	v2 =	vld [tilespmem:s17+$0xB840]  }
0x4d: {  	v3 =	vld [tilespmem:s17+$0xB850]  }
0x4e: {  	v5 =	vld [tilespmem:s17+$0xB860]  }
0x4f: {  	v8 =	vld [tilespmem:s17+$0xB870]  }
0x50: {  	v10 =	vld [tilespmem:s17+$0xB880]  }
0x51: {  	v14 =	vld [tilespmem:s17+$0xB890]  }
0x52: {  	v9 =	vld [tilespmem:s17+$0xB8A0]  }
0x53: {  	v16 =	vld [tilespmem:s17+$0xB8B0]  }
0x54: {  	v15 =	vld [tilespmem:s17+$0xB8C0]  }
0x55: {  	v17 =	vld [tilespmem:s17+$0xB8D0]  }
0x56: {  	v13 =	vld [tilespmem:s17+$0xB8E0]  }
0x57: {  	v12 =	vld [tilespmem:s17+$0xB8F0]  }
0x58: {  	v18 =	vld [tilespmem:s16+$0x0]  }
0x59: {  	s18 =	simm.s32 $0x400;
	v19 =	vld [tilespmem:s4+$0x0]  }
.LBB2_2:
0x5a: {  	p1 =	sne.s32 s18, $0x9C00;
	v20 =	vld [tilespmem:s17+$0x9000]  }
0x5b: {  	v21 =	vld [tilespmem:s17+$0x90F0]  }
0x5c: {  	v22 =	vld [tilespmem:s17+$0x90E0]  }
0x5d: {  	v23 =	vld [tilespmem:s17+$0x90D0]  }
0x5e: {  	v18 =	vadd.f32 v18, v19;
	v19 =	vld [tilespmem:s17+$0x90C0]  }
0x5f: {  	v24 =	vld [tilespmem:s17+$0x90B0]  }
0x60: {  	v18 =	vmax.f32 v18, $1.000000000e+00;
	v25 =	vld [tilespmem:s17+$0x90A0]  }
0x61: {  	v26 =	vld [tilespmem:s17+$0x9090];
	(erf) = vrcp.f32 v18  }
0x62: {  	v18 =	vld [tilespmem:s17+$0x9080]  }
0x63: {  	v27 =	vld [tilespmem:s17+$0x9070]  }
0x64: {  	v28 =	vld [tilespmem:s17+$0x9060]  }
0x65: {  	v11 =	vadd.f32 v11, v20;
	v12 =	vadd.f32 v12, v21;
	v20 =	vld [tilespmem:s17+$0x9030]  }
0x66: {  	v13 =	vadd.f32 v13, v22;
	v17 =	vadd.f32 v17, v23;
	v21 =	vld [tilespmem:s17+$0x9010]  }
0x67: {  	v15 =	vadd.f32 v15, v19;
	v16 =	vadd.f32 v16, v24;
	v22 =	vld [tilespmem:s17+$0x9020]  }
0x68: {  	v9 =	vadd.f32 v9, v25;
	v14 =	vadd.f32 v14, v26;
	v19 =	vld [tilespmem:s17+$0x9050]  }
0x69: {  	v10 =	vadd.f32 v10, v18;
	v8 =	vadd.f32 v8, v27;
	v23 =	vld [tilespmem:s17+$0x9040]  }
0x6a: {  	v5 =	vadd.f32 v5, v28;
	v18 =	vld [tilespmem:s17+$0xE020];
	v7 =	vadd.f32 v7, v20;
	v20 =	vpop (erf)  }
0x6b: {  	s24 =	sshra.s32 s18, $0x2;
	v24 =	vbroadcast v20, $0x0;
	v6 =	vadd.f32 v6, v21;
	v21 =	vbroadcast v20, $0x1;
	v25 =	vld [tilespmem:s17+$0xE030]  }
0x6c: {  	v27 =	vbroadcast v20, $0x3;
	v26 =	vld [tilespmem:s24+$0xE000];
	v4 =	vadd.f32 v4, v22;
	v22 =	vbroadcast v20, $0x2  }
0x6d: {  	v28 =	vld [tilespmem:s24+$0xE010];
	v11 =	vmul.f32 v24, v11;
	v6 =	vmul.f32 v6, v21;
	v3 =	vadd.f32 v3, v19  }
0x6e: {  	v7 =	vmul.f32 v7, v27;
	v4 =	vmul.f32 v4, v22;
	v2 =	vadd.f32 v2, v23;
	v19 =	vld [tilespmem:s17+$0xE040]  }
0x6f: {  	v24 =	vadd.f32 v11, v0;
	v27 =	vadd.f32 v6, v1;
	v6 =	vbroadcast v20, $0x4;
	v11 =	vld [tilespmem:s17+$0xE050]  }
0x70: {  	v4 =	vadd.f32 v4, v18;
	v7 =	vadd.f32 v7, v25;
	v18 =	vbroadcast v20, $0x5;
	v21 =	vld [tilespmem:s17+$0xE060]  }
0x71: {  	v22 =	vmax.f32 v24, $0.0e+00;
	v23 =	vmax.f32 v27, $0.0e+00;
	v2 =	vmul.f32 v2, v6;
	v6 =	vld [tilespmem:s17+$0xE070];
	v0 =	vmovc v26  }
0x72: {  	[tilespmem:s17+$0x9000] =	vst v22;
	v4 =	vmax.f32 v4, $0.0e+00;
	v7 =	vmax.f32 v7, $0.0e+00;
	v3 =	vmul.f32 v3, v18;
	v18 =	vld [tilespmem:s17+$0xE080];
	v1 =	vmovc v28  }
0x73: {  	v22 =	vbroadcast v20, $0x7;
	[tilespmem:s17+$0x9010] =	vst v23;
	v2 =	vadd.f32 v2, v19;
	v19 =	vbroadcast v20, $0x6;
	v23 =	vld [tilespmem:s17+$0xE090]  }
0x74: {  	[tilespmem:s17+$0x9020] =	vst v4;
	v3 =	vadd.f32 v3, v11;
	v4 =	vbroadcast v20, $0x8;
	v11 =	vbroadcast v20, $0x9;
	v24 =	vld [tilespmem:s17+$0xE0A0]  }
0x75: {  	[tilespmem:s17+$0x9030] =	vst v7;
	v2 =	vmax.f32 v2, $0.0e+00;
	v5 =	vmul.f32 v5, v19;
	v7 =	vmul.f32 v8, v22;
	v8 =	vld [tilespmem:s17+$0xE0B0]  }
0x76: {  	[tilespmem:s17+$0x9040] =	vst v2;
	v2 =	vmax.f32 v3, $0.0e+00;
	v3 =	vmul.f32 v10, v4;
	v4 =	vmul.f32 v14, v11;
	v10 =	vld [tilespmem:s17+$0xE0C0]  }
0x77: {  	[tilespmem:s17+$0x9050] =	vst v2;
	v2 =	vadd.f32 v5, v21;
	v5 =	vadd.f32 v7, v6;
	v6 =	vbroadcast v20, $0xA;
	v14 =	vld [tilespmem:s17+$0xE0D0]  }
0x78: {  	v7 =	vbroadcast v20, $0xB;
	v3 =	vadd.f32 v3, v18;
	v4 =	vadd.f32 v4, v23;
	v18 =	vld [tilespmem:s17+$0xE0E0]  }
0x79: {  	v2 =	vmax.f32 v2, $0.0e+00;
	v5 =	vmax.f32 v5, $0.0e+00;
	v9 =	vmul.f32 v9, v6;
	v19 =	vld [tilespmem:s17+$0xE0F0]  }
0x7a: {  	v7 =	vmul.f32 v16, v7;
	v11 =	vld [tilespmem:s24+$0xB800];
	[tilespmem:s17+$0x9060] =	vst v2;
	v2 =	vmax.f32 v3, $0.0e+00;
	v3 =	vmax.f32 v4, $0.0e+00  }
0x7b: {  	v16 =	vbroadcast v20, $0xD;
	v6 =	vld [tilespmem:s24+$0xB810];
	[tilespmem:s17+$0x9070] =	vst v5;
	v5 =	vadd.f32 v9, v24;
	v9 =	vbroadcast v20, $0xC  }
0x7c: {  	v21 =	vbroadcast v20, $0xE;
	v8 =	vadd.f32 v7, v8;
	v20 =	vbroadcast v20, $0xF;
	v4 =	vld [tilespmem:s24+$0xB820];
	[tilespmem:s17+$0x9080] =	vst v2  }
0x7d: {  	v7 =	vld [tilespmem:s24+$0xB830];
	[tilespmem:s17+$0x9090] =	vst v3;
	v3 =	vmax.f32 v5, $0.0e+00;
	v5 =	vmul.f32 v15, v9;
	v9 =	vmul.f32 v17, v16  }
0x7e: {  	v13 =	vmul.f32 v13, v21;
	v8 =	vmax.f32 v8, $0.0e+00;
	v12 =	vmul.f32 v12, v20;
	v2 =	vld [tilespmem:s24+$0xB840];
	[tilespmem:s17+$0x90A0] =	vst v3  }
0x7f: {  	v3 =	vld [tilespmem:s24+$0xB850];
	[tilespmem:s17+$0x90B0] =	vst v8;
	v10 =	vadd.f32 v5, v10;
	v9 =	vadd.f32 v9, v14  }
0x80: {  	v13 =	vadd.f32 v13, v18;
	v12 =	vadd.f32 v12, v19;
	v5 =	vld [tilespmem:s24+$0xB860]  }
0x81: {  	v8 =	vld [tilespmem:s24+$0xB870];
	v14 =	vmax.f32 v10, $0.0e+00;
	v9 =	vmax.f32 v9, $0.0e+00  }
0x82: {  	v13 =	vmax.f32 v13, $0.0e+00;
	v12 =	vmax.f32 v12, $0.0e+00;
	v10 =	vld [tilespmem:s24+$0xB880];
	[tilespmem:s17+$0x90C0] =	vst v14  }
0x83: {  	v14 =	vld [tilespmem:s24+$0xB890];
	[tilespmem:s17+$0x90D0] =	vst v9  }
0x84: {  	v9 =	vld [tilespmem:s24+$0xB8A0];
	[tilespmem:s17+$0x90E0] =	vst v13  }
0x85: {  	v16 =	vld [tilespmem:s24+$0xB8B0];
	[tilespmem:s17+$0x90F0] =	vst v12;
	s17 =	smov.u32 s24  }
0x86: {  	v15 =	vld [tilespmem:s17+$0xB8C0]  }
.Ltmp0:
0x87: {  	v17 =	vld [tilespmem:s17+$0xB8D0];
	(pc) =	sbr.rel @p1 .LBB2_2-.Ltmp0, $4  }
0x88: {  	v13 =	vld [tilespmem:s17+$0xB8E0]  }
0x89: {  	s16 =	sadd.s32 $0x10, s16;
	v12 =	vld [tilespmem:s17+$0xB8F0]  }
0x8a: {  	s4 =	sadd.s32 $0x10, s4;
	v18 =	vld [tilespmem:s16+$0x0]  }
0x8b: {  	s18 =	sadd.s32 $0x400, s18;
	v19 =	vld [tilespmem:s4+$0x0]  }
0x8c: {  	_ =	sdelay $0x3  }
0x8d: {  	v18 =	vadd.f32 v18, v19  }
0x8e: {  	v20 =	vld [tilespmem:s17+$0x9000]  }
0x8f: {  	v21 =	vld [tilespmem:s17+$0x90F0];
	v18 =	vmax.f32 v18, $1.000000000e+00  }
0x90: {  	v22 =	vld [tilespmem:s17+$0x90E0];
	(erf) = vrcp.f32 v18  }
0x91: {  	v49 =	vld [tilespmem:s17+$0x90D0]  }
0x92: {  	v24 =	vld [tilespmem:s17+$0x90B0]  }
0x93: {  	v30 =	vld [tilespmem:s17+$0x9010]  }
0x94: {  	v31 =	vld [tilespmem:s17+$0x9020]  }
0x95: {  	v29 =	vld [tilespmem:s17+$0x9030]  }
0x96: {  	v23 =	vld [tilespmem:s17+$0x90C0]  }
0x97: {  	v51 =	vld [tilespmem:s17+$0x9040];
	v11 =	vadd.f32 v11, v20;
	v12 =	vadd.f32 v12, v21  }
0x98: {  	v25 =	vld [tilespmem:s17+$0x9090];
	v17 =	vadd.f32 v17, v49;
	v6 =	vadd.f32 v6, v30  }
0x99: {  	v32 =	vld [tilespmem:s17+$0x9050];
	v13 =	vadd.f32 v13, v22;
	v4 =	vadd.f32 v4, v31;
	v33 =	vpop (erf)  }
0x9a: {  	v27 =	vld [tilespmem:s17+$0x9070];
	v16 =	vadd.f32 v16, v24;
	v7 =	vadd.f32 v7, v29;
	v34 =	vbroadcast v33, $0x0  }
0x9b: {  	v50 =	vld [tilespmem:s17+$0x90A0];
	v15 =	vadd.f32 v15, v23;
	v53 =	vbroadcast v33, $0x1;
	v56 =	vbroadcast v33, $0x2  }
0x9c: {  	v26 =	vld [tilespmem:s17+$0x9080];
	v2 =	vadd.f32 v2, v51;
	v58 =	vbroadcast v33, $0x3;
	v61 =	vbroadcast v33, $0x4  }
0x9d: {  	v28 =	vld [tilespmem:s17+$0x9060];
	v14 =	vadd.f32 v14, v25;
	v63 =	vbroadcast v33, $0x5;
	v31 =	vbroadcast v33, $0x6  }
0x9e: {  	v3 =	vadd.f32 v3, v32;
	v32 =	vbroadcast v33, $0x7;
	v35 =	vbroadcast v33, $0x9  }
0x9f: {  	v52 =	vld [tilespmem:s17+$0xE020];
	v25 =	vadd.f32 v8, v27;
	v42 =	vbroadcast v33, $0xA;
	v44 =	vbroadcast v33, $0xB  }
0xa0: {  	v54 =	vld [tilespmem:s17+$0xE030];
	v9 =	vadd.f32 v9, v50;
	v47 =	vbroadcast v33, $0xC;
	v50 =	vbroadcast v33, $0xD  }
0xa1: {  	v57 =	vld [tilespmem:s17+$0xE050];
	v27 =	vadd.f32 v10, v26;
	v11 =	vmul.f32 v34, v11;
	v6 =	vmul.f32 v6, v53  }
0xa2: {  	v39 =	vld [tilespmem:s17+$0xE0C0];
	v28 =	vadd.f32 v5, v28;
	v4 =	vmul.f32 v4, v56;
	v7 =	vmul.f32 v7, v58  }
0xa3: {  	v60 =	vld [tilespmem:s17+$0xE070];
	v3 =	vmul.f32 v3, v63;
	v34 =	vbroadcast v33, $0x8;
	v0 =	vadd.f32 v11, v0  }
0xa4: {  	v24 =	vld [tilespmem:s17+$0xE090];
	v38 =	vmul.f32 v14, v35;
	v49 =	vmul.f32 v16, v44;
	v1 =	vadd.f32 v6, v1  }
0xa5: {  	v30 =	vld [tilespmem:s17+$0xE0A0];
	v53 =	vmul.f32 v15, v47;
	v4 =	vadd.f32 v4, v52;
	v0 =	vmax.f32 v0, $0.0e+00  }
0xa6: {  	v59 =	vld [tilespmem:s17+$0xE060];
	v21 =	vadd.f32 v7, v54;
	v3 =	vadd.f32 v3, v57;
	v1 =	vmax.f32 v1, $0.0e+00;
	[tilespmem:s17+$0x9000] =	vst v0  }
0xa7: {  	v36 =	vld [tilespmem:s17+$0xE0B0];
	v7 =	vmul.f32 v25, v32;
	v58 =	vadd.f32 v53, v39;
	v23 =	vmax.f32 v4, $0.0e+00;
	[tilespmem:s17+$0x9010] =	vst v1  }
0xa8: {  	v43 =	vld [tilespmem:s17+$0xE0D0];
	v6 =	vmul.f32 v9, v42;
	v52 =	vbroadcast v33, $0xE;
	v37 =	vmax.f32 v3, $0.0e+00;
	[tilespmem:s17+$0x9020] =	vst v23  }
0xa9: {  	v55 =	vld [tilespmem:s17+$0xE040];
	v41 =	vadd.f32 v7, v60;
	v3 =	vadd.f32 v38, v24;
	v63 =	vmax.f32 v58, $0.0e+00;
	[tilespmem:s17+$0x9050] =	vst v37  }
0xaa: {  	v62 =	vld [tilespmem:s17+$0xE080];
	v51 =	vadd.f32 v6, v30;
	v4 =	vmul.f32 v17, v50;
	v1 =	vmax.f32 v21, $0.0e+00;
	[tilespmem:s17+$0x90C0] =	vst v63  }
0xab: {  	v0 =	vmul.f32 v2, v61;
	v2 =	vmul.f32 v28, v31;
	[tilespmem:s17+$0x9030] =	vst v1;
	v48 =	vmax.f32 v3, $0.0e+00  }
0xac: {  	v45 =	vld [tilespmem:s17+$0xE0E0];
	v54 =	vadd.f32 v49, v36;
	v1 =	vmul.f32 v27, v34;
	v56 =	vmax.f32 v51, $0.0e+00;
	[tilespmem:s17+$0x9090] =	vst v48  }
0xad: {  	v46 =	vld [tilespmem:s17+$0xE0F0];
	v61 =	vadd.f32 v4, v43;
	v40 =	vadd.f32 v2, v59;
	v2 =	vmax.f32 v41, $0.0e+00;
	[tilespmem:s17+$0x90A0] =	vst v56  }
0xae: {  	v0 =	vadd.f32 v0, v55;
	v55 =	vbroadcast v33, $0xF;
	v59 =	vmax.f32 v54, $0.0e+00;
	[tilespmem:s17+$0x9070] =	vst v2  }
0xaf: {  	v57 =	vmul.f32 v13, v52;
	v1 =	vadd.f32 v1, v62;
	[tilespmem:s17+$0x90B0] =	vst v59;
	v3 =	vmax.f32 v61, $0.0e+00  }
0xb0: {  	v0 =	vmax.f32 v0, $0.0e+00;
	v60 =	vmul.f32 v12, v55;
	[tilespmem:s17+$0x90D0] =	vst v3  }
0xb1: {  	v62 =	vadd.f32 v57, v45;
	[tilespmem:s17+$0x9040] =	vst v0;
	v1 =	vmax.f32 v1, $0.0e+00  }
0xb2: {  	v0 =	vmax.f32 v40, $0.0e+00;
	[tilespmem:s17+$0x9080] =	vst v1;
	v1 =	vadd.f32 v60, v46  }
0xb3: {  	[tilespmem:s17+$0x9060] =	vst v0;
	v0 =	vmax.f32 v62, $0.0e+00  }
0xb4: {  	[tilespmem:s17+$0x90E0] =	vst v0;
	v1 =	vmax.f32 v1, $0.0e+00  }
0xb5: {  	s4 =	rddreg [dreg:$0xd];
	s16 =	simm.s32 $0x9000;
	[tilespmem:s17+$0x90F0] =	vst v1  }
0xb6: {  	[spmem:s4] =	stream.linear.scatter [tilespmem:s16], [sflag:$0x11], $0x2800, $0x38;
	[tilespmem:$0x15D00] =	vst v63  }
0xb7: {  	s16 =	simm.s32 $0x11  }
0xb8: {  	_ =	swait.ge [sflag:s16], $0x2800  }
0xb9: {  	s4 =	simm.s32 @!p0 $0x0;
	[sflag:s16] =	ssyncset.done $0x0  }
0xba: {  	s17 =	rddreg [dreg:$0xe];
	[sflag:s16] =	ssyncadd.s32 $0xFFFFD800;
	s16 =	simm.s32 @!p0 $0x9000  }
0xbb: {  	[hbm4b:s17+s4] =	stream.linear.scatter @!p0 [tilespmem:s16], [sflag:$0x11], $0x2800, $0x38;
	[tilespmem:$0x15D00] =	vst v63  }
0xbc: {  	s4 =	simm.s32 @!p0 $0x11  }
0xbd: {  	_ =	swait.ge @!p0 [sflag:s4], $0x2800  }
0xbe: {  	[sflag:s4] =	ssyncset.done @!p0 $0x0  }
0xbf: {  	[sflag:s4] =	ssyncadd.s32 @!p0 $0xFFFFD800  }
0xc0: {  	s24 =	simm.s32 $0x5000;
	s4 =	simm.s32 $0x0;
	[bflag:$0x0] =	sbarrier.arrive $0xFFFF  }
0xc1: {  	[tilespmem:s24], [sflag:$0x1] =	stream.indirect.gather [spmem:s3], $0x10, s4, s23, $0xb8;
	[tilespmem:$0x15D00] =	vst v63  }
0xc2: {  	_ = 	snop  }
0xc3: {  	[tilespmem:s25], [sflag:$0x2] =	stream.indirect.gather [spmem:s3], $0x10, s23, s23, $0xb8;
	[tilespmem:$0x15D00] =	vst v63  }
0xc4: {  	s17 =	simm.s32 $0x100  }
0xc5: {  	[tilespmem:s28], [sflag:$0x3] =	stream.indirect.gather [spmem:s3], $0x10, s17, s23, $0xb8;
	[tilespmem:$0x15D00] =	vst v63  }
0xc6: {  	s18 =	simm.s32 $0x180  }
0xc7: {  	[tilespmem:s30], [sflag:$0x4] =	stream.indirect.gather [spmem:s3], $0x10, s18, s23, $0xb8;
	[tilespmem:$0x15D00] =	vst v63  }
0xc8: {  	s17 =	simm.s32 $0x200  }
0xc9: {  	[tilespmem:s0], [sflag:$0x5] =	stream.indirect.gather [spmem:s3], $0x10, s17, s23, $0xb8;
	[tilespmem:$0x15D00] =	vst v63  }
0xca: {  	s18 =	simm.s32 $0x280  }
0xcb: {  	[tilespmem:s21], [sflag:$0x6] =	stream.indirect.gather [spmem:s3], $0x10, s18, s23, $0xb8;
	[tilespmem:$0x15D00] =	vst v63  }
0xcc: {  	s17 =	simm.s32 $0x300  }
0xcd: {  	[tilespmem:s26], [sflag:$0x7] =	stream.indirect.gather [spmem:s3], $0x10, s17, s23, $0xb8;
	[tilespmem:$0x15D00] =	vst v63  }
0xce: {  	s18 =	simm.s32 $0x380  }
0xcf: {  	[tilespmem:s31], [sflag:$0x8] =	stream.indirect.gather [spmem:s3], $0x10, s18, s23, $0xb8;
	[tilespmem:$0x15D00] =	vst v63  }
0xd0: {  	_ =	swait.ge [sflag:s19], $0x800  }
0xd1: {  	[sflag:s19] =	ssyncset.done $0x0  }
0xd2: {  	s17 =	simm.s32 $0x2800;
	[sflag:s19] =	ssyncadd.s32 $0xFFFFF800  }
0xd3: {  	[spmem:s2] =	stream.indirect.scatter.add.f32 [tilespmem:s24], [sflag:$0x9], $0x10, s17, s23, $0xb8;
	[tilespmem:$0x15D00] =	vst v63  }
0xd4: {  	_ =	swait.ge [sflag:s22], $0x800  }
0xd5: {  	[sflag:s22] =	ssyncset.done $0x0  }
0xd6: {  	s18 =	simm.s32 $0x2880;
	[sflag:s22] =	ssyncadd.s32 $0xFFFFF800  }
0xd7: {  	[spmem:s2] =	stream.indirect.scatter.add.f32 [tilespmem:s25], [sflag:$0xA], $0x10, s18, s23, $0xb8;
	[tilespmem:$0x15D00] =	vst v63  }
0xd8: {  	_ =	swait.ge [sflag:s29], $0x800  }
0xd9: {  	[sflag:s29] =	ssyncset.done $0x0  }
0xda: {  	s17 =	simm.s32 $0x2900;
	[sflag:s29] =	ssyncadd.s32 $0xFFFFF800  }
0xdb: {  	[spmem:s2] =	stream.indirect.scatter.add.f32 [tilespmem:s28], [sflag:$0xB], $0x10, s17, s23, $0xb8;
	[tilespmem:$0x15D00] =	vst v63  }
0xdc: {  	_ =	swait.ge [sflag:s1], $0x800  }
0xdd: {  	[sflag:s1] =	ssyncset.done $0x0  }
0xde: {  	s18 =	simm.s32 $0x2980;
	[sflag:s1] =	ssyncadd.s32 $0xFFFFF800  }
0xdf: {  	[spmem:s2] =	stream.indirect.scatter.add.f32 [tilespmem:s30], [sflag:$0xC], $0x10, s18, s23, $0xb8;
	[tilespmem:$0x15D00] =	vst v63  }
0xe0: {  	_ =	swait.ge [sflag:s5], $0x800  }
0xe1: {  	[sflag:s5] =	ssyncset.done $0x0  }
0xe2: {  	s17 =	simm.s32 $0x2A00;
	[sflag:s5] =	ssyncadd.s32 $0xFFFFF800  }
0xe3: {  	[spmem:s2] =	stream.indirect.scatter.add.f32 [tilespmem:s0], [sflag:$0xD], $0x10, s17, s23, $0xb8;
	[tilespmem:$0x15D00] =	vst v63  }
0xe4: {  	_ =	swait.ge [sflag:s6], $0x800  }
0xe5: {  	[sflag:s6] =	ssyncset.done $0x0  }
0xe6: {  	s18 =	simm.s32 $0x2A80;
	[sflag:s6] =	ssyncadd.s32 $0xFFFFF800  }
0xe7: {  	[spmem:s2] =	stream.indirect.scatter.add.f32 [tilespmem:s21], [sflag:$0xE], $0x10, s18, s23, $0xb8;
	[tilespmem:$0x15D00] =	vst v63  }
0xe8: {  	_ =	swait.ge [sflag:s7], $0x800  }
0xe9: {  	[sflag:s7] =	ssyncset.done $0x0  }
0xea: {  	s17 =	simm.s32 $0x2B00;
	[sflag:s7] =	ssyncadd.s32 $0xFFFFF800  }
0xeb: {  	[spmem:s2] =	stream.indirect.scatter.add.f32 [tilespmem:s26], [sflag:$0xF], $0x10, s17, s23, $0xb8;
	[tilespmem:$0x15D00] =	vst v63  }
0xec: {  	_ =	swait.ge [sflag:s20], $0x800  }
0xed: {  	[sflag:s20] =	ssyncset.done $0x0  }
0xee: {  	s18 =	simm.s32 $0x2B80;
	[sflag:s20] =	ssyncadd.s32 $0xFFFFF800  }
0xef: {  	[spmem:s2] =	stream.indirect.scatter.add.f32 [tilespmem:s31], [sflag:$0x10], $0x10, s18, s23, $0xb8;
	[tilespmem:$0x15D00] =	vst v63  }
0xf0: {  	s17 =	smin.u32 s4, $0x47;
	_ =	swait.ge [sflag:s8], $0x800  }
0xf1: {  	s16 =	sshll.u32 s17, $0x7;
	[sflag:s8] =	ssyncset.done $0x0  }
0xf2: {  	s16 =	sadd.s32 $0x400, s16;
	[sflag:s8] =	ssyncadd.s32 $0xFFFFF800  }
0xf3: {  	[tilespmem:s24], [sflag:$0x1] =	stream.indirect.gather [spmem:s3], $0x10, s16, s23, $0xb8;
	[tilespmem:$0x15D00] =	vst v63  }
0xf4: {  	s18 =	smin.u32 s4, $0x46;
	_ =	swait.ge [sflag:s9], $0x800  }
0xf5: {  	s16 =	sshll.u32 s18, $0x7;
	[sflag:s9] =	ssyncset.done $0x0  }
0xf6: {  	s16 =	sadd.s32 $0x480, s16;
	[sflag:s9] =	ssyncadd.s32 $0xFFFFF800  }
0xf7: {  	[tilespmem:s25], [sflag:$0x2] =	stream.indirect.gather [spmem:s3], $0x10, s16, s23, $0xb8;
	[tilespmem:$0x15D00] =	vst v63  }
0xf8: {  	s17 =	smin.u32 s4, $0x45;
	_ =	swait.ge [sflag:s10], $0x800  }
0xf9: {  	s16 =	sshll.u32 s17, $0x7;
	[sflag:s10] =	ssyncset.done $0x0  }
0xfa: {  	s16 =	sadd.s32 $0x500, s16;
	[sflag:s10] =	ssyncadd.s32 $0xFFFFF800  }
0xfb: {  	[tilespmem:s28], [sflag:$0x3] =	stream.indirect.gather [spmem:s3], $0x10, s16, s23, $0xb8;
	[tilespmem:$0x15D00] =	vst v63  }
0xfc: {  	s18 =	smin.u32 s4, $0x44;
	_ =	swait.ge [sflag:s11], $0x800  }
0xfd: {  	s16 =	sshll.u32 s18, $0x7;
	[sflag:s11] =	ssyncset.done $0x0  }
0xfe: {  	s16 =	sadd.s32 $0x580, s16;
	[sflag:s11] =	ssyncadd.s32 $0xFFFFF800  }
0xff: {  	[tilespmem:s30], [sflag:$0x4] =	stream.indirect.gather [spmem:s3], $0x10, s16, s23, $0xb8;
	[tilespmem:$0x15D00] =	vst v63  }
0x100: {  	s17 =	smin.u32 s4, $0x43;
	_ =	swait.ge [sflag:s12], $0x800  }
0x101: {  	s16 =	sshll.u32 s17, $0x7;
	[sflag:s12] =	ssyncset.done $0x0  }
0x102: {  	s16 =	sadd.s32 $0x600, s16;
	[sflag:s12] =	ssyncadd.s32 $0xFFFFF800  }
0x103: {  	[tilespmem:s0], [sflag:$0x5] =	stream.indirect.gather [spmem:s3], $0x10, s16, s23, $0xb8;
	[tilespmem:$0x15D00] =	vst v63  }
0x104: {  	s18 =	smin.u32 s4, $0x42;
	_ =	swait.ge [sflag:s13], $0x800  }
0x105: {  	s16 =	sshll.u32 s18, $0x7;
	[sflag:s13] =	ssyncset.done $0x0  }
0x106: {  	s16 =	sadd.s32 $0x680, s16;
	[sflag:s13] =	ssyncadd.s32 $0xFFFFF800  }
0x107: {  	[tilespmem:s21], [sflag:$0x6] =	stream.indirect.gather [spmem:s3], $0x10, s16, s23, $0xb8;
	[tilespmem:$0x15D00] =	vst v63  }
0x108: {  	s17 =	smin.u32 s4, $0x41;
	_ =	swait.ge [sflag:s14], $0x800  }
0x109: {  	s16 =	sshll.u32 s17, $0x7;
	[sflag:s14] =	ssyncset.done $0x0  }
0x10a: {  	s16 =	sadd.s32 $0x700, s16;
	[sflag:s14] =	ssyncadd.s32 $0xFFFFF800  }
0x10b: {  	[tilespmem:s26], [sflag:$0x7] =	stream.indirect.gather [spmem:s3], $0x10, s16, s23, $0xb8;
	[tilespmem:$0x15D00] =	vst v63  }
0x10c: {  	s18 =	smin.u32 s4, $0x40;
	_ =	swait.ge [sflag:s15], $0x800  }
0x10d: {  	s4 =	simm.s32 $0x1000;
	s16 =	sshll.u32 s18, $0x7;
	[sflag:s15] =	ssyncset.done $0x0  }
0x10e: {  	s17 =	sadd.s32 $0x780, s16;
	s16 =	simm.s32 $0x8;
	[sflag:s15] =	ssyncadd.s32 $0xFFFFF800  }
.LBB2_4:
0x10f: {  	[tilespmem:s31], [sflag:$0x8] =	stream.indirect.gather [spmem:s3], $0x10, s17, s23, $0xb8;
	[tilespmem:$0x15D00] =	vst v63  }
0x110: {  	s17 =	smov.u32 s4  }
0x111: {  	p1 =	sne.s32 s4, $0x9000;
	s4 =	sadd.s32 $0x1000, s4;
	_ =	swait.ge [sflag:s19], $0x800  }
0x112: {  	s17 =	sshra.s32 s17, $0x2;
	[sflag:s19] =	ssyncset.done $0x0  }
0x113: {  	s18 =	sadd.s32 $0x2800, s17;
	[sflag:s19] =	ssyncadd.s32 $0xFFFFF800  }
0x114: {  	[spmem:s2] =	stream.indirect.scatter.add.f32 [tilespmem:s24], [sflag:$0x9], $0x10, s18, s23, $0xb8;
	[tilespmem:$0x15D00] =	vst v63  }
0x115: {  	_ =	swait.ge [sflag:s22], $0x800  }
0x116: {  	[sflag:s22] =	ssyncset.done $0x0  }
0x117: {  	s18 =	sadd.s32 $0x2880, s17;
	[sflag:s22] =	ssyncadd.s32 $0xFFFFF800  }
0x118: {  	[spmem:s2] =	stream.indirect.scatter.add.f32 [tilespmem:s25], [sflag:$0xA], $0x10, s18, s23, $0xb8;
	[tilespmem:$0x15D00] =	vst v63  }
0x119: {  	_ =	swait.ge [sflag:s29], $0x800  }
0x11a: {  	[sflag:s29] =	ssyncset.done $0x0  }
0x11b: {  	s18 =	sadd.s32 $0x2900, s17;
	[sflag:s29] =	ssyncadd.s32 $0xFFFFF800  }
0x11c: {  	[spmem:s2] =	stream.indirect.scatter.add.f32 [tilespmem:s28], [sflag:$0xB], $0x10, s18, s23, $0xb8;
	[tilespmem:$0x15D00] =	vst v63  }
0x11d: {  	_ =	swait.ge [sflag:s1], $0x800  }
0x11e: {  	[sflag:s1] =	ssyncset.done $0x0  }
0x11f: {  	s18 =	sadd.s32 $0x2980, s17;
	[sflag:s1] =	ssyncadd.s32 $0xFFFFF800  }
0x120: {  	[spmem:s2] =	stream.indirect.scatter.add.f32 [tilespmem:s30], [sflag:$0xC], $0x10, s18, s23, $0xb8;
	[tilespmem:$0x15D00] =	vst v63  }
0x121: {  	_ =	swait.ge [sflag:s5], $0x800  }
0x122: {  	[sflag:s5] =	ssyncset.done $0x0  }
0x123: {  	s18 =	sadd.s32 $0x2A00, s17;
	[sflag:s5] =	ssyncadd.s32 $0xFFFFF800  }
0x124: {  	[spmem:s2] =	stream.indirect.scatter.add.f32 [tilespmem:s0], [sflag:$0xD], $0x10, s18, s23, $0xb8;
	[tilespmem:$0x15D00] =	vst v63  }
0x125: {  	_ =	swait.ge [sflag:s6], $0x800  }
0x126: {  	[sflag:s6] =	ssyncset.done $0x0  }
0x127: {  	s18 =	sadd.s32 $0x2A80, s17;
	[sflag:s6] =	ssyncadd.s32 $0xFFFFF800  }
0x128: {  	[spmem:s2] =	stream.indirect.scatter.add.f32 [tilespmem:s21], [sflag:$0xE], $0x10, s18, s23, $0xb8;
	[tilespmem:$0x15D00] =	vst v63  }
0x129: {  	_ =	swait.ge [sflag:s7], $0x800  }
0x12a: {  	[sflag:s7] =	ssyncset.done $0x0  }
0x12b: {  	s18 =	sadd.s32 $0x2B00, s17;
	[sflag:s7] =	ssyncadd.s32 $0xFFFFF800  }
0x12c: {  	[spmem:s2] =	stream.indirect.scatter.add.f32 [tilespmem:s26], [sflag:$0xF], $0x10, s18, s23, $0xb8;
	[tilespmem:$0x15D00] =	vst v63  }
0x12d: {  	_ =	swait.ge [sflag:s20], $0x800  }
0x12e: {  	[sflag:s20] =	ssyncset.done $0x0  }
0x12f: {  	s17 =	sadd.s32 $0x2B80, s17;
	[sflag:s20] =	ssyncadd.s32 $0xFFFFF800  }
0x130: {  	[spmem:s2] =	stream.indirect.scatter.add.f32 [tilespmem:s31], [sflag:$0x10], $0x10, s17, s23, $0xb8;
	[tilespmem:$0x15D00] =	vst v63  }
0x131: {  	s17 =	smin.u32 s16, $0x47;
	_ =	swait.ge [sflag:s8], $0x800  }
0x132: {  	s17 =	sshll.u32 s17, $0x7;
	[sflag:s8] =	ssyncset.done $0x0  }
0x133: {  	s17 =	sadd.s32 $0x400, s17;
	[sflag:s8] =	ssyncadd.s32 $0xFFFFF800  }
0x134: {  	[tilespmem:s24], [sflag:$0x1] =	stream.indirect.gather [spmem:s3], $0x10, s17, s23, $0xb8;
	[tilespmem:$0x15D00] =	vst v63  }
0x135: {  	s17 =	smin.u32 s16, $0x46;
	_ =	swait.ge [sflag:s9], $0x800  }
0x136: {  	s17 =	sshll.u32 s17, $0x7;
	[sflag:s9] =	ssyncset.done $0x0  }
0x137: {  	s17 =	sadd.s32 $0x480, s17;
	[sflag:s9] =	ssyncadd.s32 $0xFFFFF800  }
0x138: {  	[tilespmem:s25], [sflag:$0x2] =	stream.indirect.gather [spmem:s3], $0x10, s17, s23, $0xb8;
	[tilespmem:$0x15D00] =	vst v63  }
0x139: {  	s17 =	smin.u32 s16, $0x45;
	_ =	swait.ge [sflag:s10], $0x800  }
0x13a: {  	s17 =	sshll.u32 s17, $0x7;
	[sflag:s10] =	ssyncset.done $0x0  }
0x13b: {  	s17 =	sadd.s32 $0x500, s17;
	[sflag:s10] =	ssyncadd.s32 $0xFFFFF800  }
0x13c: {  	[tilespmem:s28], [sflag:$0x3] =	stream.indirect.gather [spmem:s3], $0x10, s17, s23, $0xb8;
	[tilespmem:$0x15D00] =	vst v63  }
0x13d: {  	s17 =	smin.u32 s16, $0x44;
	_ =	swait.ge [sflag:s11], $0x800  }
0x13e: {  	s17 =	sshll.u32 s17, $0x7;
	[sflag:s11] =	ssyncset.done $0x0  }
0x13f: {  	s17 =	sadd.s32 $0x580, s17;
	[sflag:s11] =	ssyncadd.s32 $0xFFFFF800  }
0x140: {  	[tilespmem:s30], [sflag:$0x4] =	stream.indirect.gather [spmem:s3], $0x10, s17, s23, $0xb8;
	[tilespmem:$0x15D00] =	vst v63  }
0x141: {  	s17 =	smin.u32 s16, $0x43;
	_ =	swait.ge [sflag:s12], $0x800  }
0x142: {  	s17 =	sshll.u32 s17, $0x7;
	[sflag:s12] =	ssyncset.done $0x0  }
0x143: {  	s17 =	sadd.s32 $0x600, s17;
	[sflag:s12] =	ssyncadd.s32 $0xFFFFF800  }
0x144: {  	[tilespmem:s0], [sflag:$0x5] =	stream.indirect.gather [spmem:s3], $0x10, s17, s23, $0xb8;
	[tilespmem:$0x15D00] =	vst v63  }
0x145: {  	s17 =	smin.u32 s16, $0x42;
	_ =	swait.ge [sflag:s13], $0x800  }
0x146: {  	s17 =	sshll.u32 s17, $0x7;
	[sflag:s13] =	ssyncset.done $0x0  }
0x147: {  	s17 =	sadd.s32 $0x680, s17;
	[sflag:s13] =	ssyncadd.s32 $0xFFFFF800  }
0x148: {  	[tilespmem:s21], [sflag:$0x6] =	stream.indirect.gather [spmem:s3], $0x10, s17, s23, $0xb8;
	[tilespmem:$0x15D00] =	vst v63  }
0x149: {  	s17 =	smin.u32 s16, $0x41;
	_ =	swait.ge [sflag:s14], $0x800  }
0x14a: {  	s17 =	sshll.u32 s17, $0x7;
	[sflag:s14] =	ssyncset.done $0x0  }
.Ltmp1:
0x14b: {  	s17 =	sadd.s32 $0x700, s17;
	[sflag:s14] =	ssyncadd.s32 $0xFFFFF800;
	(pc) =	sbr.rel @p1 .LBB2_4-.Ltmp1, $4  }
0x14c: {  	[tilespmem:s26], [sflag:$0x7] =	stream.indirect.gather [spmem:s3], $0x10, s17, s23, $0xb8;
	[tilespmem:$0x15D00] =	vst v63  }
0x14d: {  	s17 =	smin.u32 s16, $0x40;
	_ =	swait.ge [sflag:s15], $0x800  }
0x14e: {  	s17 =	sshll.u32 s17, $0x7;
	[sflag:s15] =	ssyncset.done $0x0  }
0x14f: {  	s16 =	sadd.s32 $0x8, s16;
	s17 =	sadd.s32 $0x780, s17;
	[sflag:s15] =	ssyncadd.s32 $0xFFFFF800  }
0x150: {  	[tilespmem:s31], [sflag:$0x8] =	stream.indirect.gather [spmem:s3], $0x10, s17, s23, $0xb8;
	[tilespmem:$0x15D00] =	vst v63  }
0x151: {  	_ =	swait.ge [sflag:s19], $0x800  }
0x152: {  	[sflag:s19] =	ssyncset.done $0x0  }
0x153: {  	[sflag:s19] =	ssyncadd.s32 $0xFFFFF800  }
0x154: {  	_ =	swait.ge [sflag:s22], $0x800  }
0x155: {  	[sflag:s22] =	ssyncset.done $0x0  }
0x156: {  	[sflag:s22] =	ssyncadd.s32 $0xFFFFF800  }
0x157: {  	_ =	swait.ge [sflag:s29], $0x800  }
0x158: {  	[sflag:s29] =	ssyncset.done $0x0  }
0x159: {  	[sflag:s29] =	ssyncadd.s32 $0xFFFFF800  }
0x15a: {  	_ =	swait.ge [sflag:s1], $0x800  }
0x15b: {  	[sflag:s1] =	ssyncset.done $0x0  }
0x15c: {  	[sflag:s1] =	ssyncadd.s32 $0xFFFFF800  }
0x15d: {  	_ =	swait.ge [sflag:s5], $0x800  }
0x15e: {  	[sflag:s5] =	ssyncset.done $0x0  }
0x15f: {  	[sflag:s5] =	ssyncadd.s32 $0xFFFFF800  }
0x160: {  	_ =	swait.ge [sflag:s6], $0x800  }
0x161: {  	[sflag:s6] =	ssyncset.done $0x0  }
0x162: {  	[sflag:s6] =	ssyncadd.s32 $0xFFFFF800  }
0x163: {  	_ =	swait.ge [sflag:s7], $0x800  }
0x164: {  	[sflag:s7] =	ssyncset.done $0x0  }
0x165: {  	[sflag:s7] =	ssyncadd.s32 $0xFFFFF800  }
0x166: {  	_ =	swait.ge [sflag:s20], $0x800  }
0x167: {  	[sflag:s20] =	ssyncset.done $0x0  }
0x168: {  	[sflag:s20] =	ssyncadd.s32 $0xFFFFF800  }
0x169: {  	[bflag:$0x0] =	sbarrier.arrive $0xFFFF  }
0x16a: {  	s4 =	rddreg [dreg:$0xf]  }
0x16b: {  	s16 =	rddreg [dreg:$0x12]  }
0x16c: {  	s18 =	simm.s32 $0x11;
	s24 =	rddreg [dreg:$0x13]  }
0x16d: {  	[hbm:s4], [sflag:s16] =	dma.local [spmem:s24], $0x500  }
0x16e: {  	_ =	swait.ge [sflag:s18], $0x500  }
0x16f: {  	s17 =	rddreg [dreg:$0x11]  }
0x170: {  	s24 =	rddreg [dreg:$0x10];
	s16 =	sadd.s32 $0x1, s17  }
0x171: {  	p1 =	sne.s32 s16, s24  }
.Ltmp2:
0x172: {  	_ = 	snop;
	(pc) =	sbr.rel @p1 .LBB2_1-.Ltmp2, $3  }
0x173: {  	_ =	sdelay $0x1  }
0x174: {  	[sflag:s18] =	ssyncset.done $0x0  }
0x175: {  	[sflag:s18] =	ssyncadd.s32 $0xFFFFFB00  }
0x176: {  	_ =	sfence.sel $0x180000  }
0x177: {  	[bflag:$0x0] =	sbarrier.arrive $0xFFFF  }
0x178: {  	_ =	strace $0x9000004A  }
0x179: {  	s0 =	stileid.u32;
	[bflag:$0x2] =	sbarrier.arrive $0xFFFF  }
0x17a: {  	p0 =	sne.s32 s0, $0x0;
	s0 =	rddreg [dreg:$0x3]  }
0x17b: {  	s0 =	sadd.s32 @!p0 $0x100000, s0  }
0x17c: {  	[sflag:s0] =	ssyncadd.tile.s32 @!p0 $0x1;
	_ =	shalt  }
.Lfunc_end2:
_tile_overlayer_lowered:
.L_overlay_start_2:
0x17d: {  	(tag) =	ssettag $0x2  }
0x17e: {  	s0 =	rddreg [dreg:$0x0];
	s2 =	stileid.u32  }
0x17f: {  	s1 =	rddreg [dreg:$0x1];
	p0 =	sne.s32 s2, $0x0  }
0x180: {  	s3 =	rddreg [dreg:$0x2];
	[bflag:$0x3] =	sbarrier.arrive $0xFFFF;
	s2 =	simm.s32 @!p0 $0x1C11  }
0x181: {  	[timem:s3], [sflag:s2] =	dma.local @!p0 [hbm:s0], s1  }
0x182: {  	s0 =	simm.s32 @!p0 $0x11  }
0x183: {  	_ =	swait.ge @!p0 [sflag:s0], s1  }
0x184: {  	s1 =	ssub.s32 @!p0 $0x0, s1;
	[sflag:s0] =	ssyncset.done @!p0 $0x0  }
0x185: {  	[sflag:s0] =	ssyncadd.s32 @!p0 s1  }
0x186: {  	[bflag:$0x3] =	sbarrier.arrive $0xFFFF  }
0x187: {  	_ =	shalt  }

</sc_bundles>
